<compile_context>
chip_gen: v7x
topology: tpu7x:2x2x1
jax: 0.10.2.dev20260603
libtpu: 0.0.44.dev20260713+nightly
codegen_flags: <defaults>
</compile_context>

<pallas_src>
import functools

import jax
import jax.numpy as jnp
import numpy as np
from jax import lax
from jax.experimental import pallas as pl
from jax.experimental.pallas import tpu as pltpu
from jax.experimental.pallas import tpu_sc as plsc

B = 16384
C = 1000
K = 1638
ROWS = 2048
GRID = B // ROWS

NT = 16
CHUNK = B // NT
NV = CHUNK // 16
IMIN = np.int32(-2147483648)



def _tc_body(xt_ref, yt_ref, p0_ref, palt_ref, diff_ref, m2_ref, key_ref):
    x = xt_ref[...]
    yt = yt_ref[...].reshape(1, ROWS)
    e = jnp.exp(x)
    s = jnp.sum(e, axis=0, keepdims=True)
    cls = lax.broadcasted_iota(jnp.int32, (C, ROWS), 0)
    is0 = yt == 0
    myt = cls == yt
    e_yt = jnp.sum(jnp.where(myt, e, 0.0), axis=0, keepdims=True)
    val = 2.0 * e - jnp.where(myt, s, 0.0)
    val = jnp.where(cls == 0, jnp.float32(-3.0e38), val)
    m2 = jnp.max(val, axis=0, keepdims=True) / s
    p0 = e[0:1, :] / s
    e_alt = jnp.where(is0, e[1:2, :], e_yt)
    diff = m2 - 2.0 * p0 + is0.astype(jnp.float32)
    p0_ref[...] = p0.reshape(ROWS)
    palt_ref[...] = (e_alt / s).reshape(ROWS)
    diff_ref[...] = diff.reshape(ROWS)
    m2_ref[...] = m2.reshape(ROWS)
    u = lax.bitcast_convert_type(diff, jnp.int32)
    key = jnp.where(u >= 0, u, IMIN - u)
    key_ref[...] = (key ^ IMIN).reshape(ROWS)


def _tc_stage(y_pred, y_true):
    out = jax.ShapeDtypeStruct((B,), jnp.float32)
    out_i = jax.ShapeDtypeStruct((B,), jnp.int32)
    row_spec = pl.BlockSpec((ROWS,), lambda i: (i,))
    xt = y_pred.T
    return pl.pallas_call(
        _tc_body,
        grid=(GRID,),
        in_specs=[
            pl.BlockSpec((C, ROWS), lambda i: (0, i)),
            row_spec,
        ],
        out_specs=[row_spec, row_spec, row_spec, row_spec, row_spec],
        out_shape=[out, out, out, out, out_i],
        compiler_params=pltpu.CompilerParams(
            dimension_semantics=("arbitrary",),
        ),
    )(xt, y_true)



def _sc_finale_body(yt_h, p0_h, palt_h, diff_h, m2_h, key_h, out_h,
                    yt_v, p0_v, palt_v, diff_v, m2_v, key_v,
                    hist_v, ghist_v, loc256_v, stage_i_v, stage_f_v,
                    gi_v, gf_v,
                    hist_sh, n0_sh, m2s_sh, less_sh, pctr_sh, tval_sh, dsem):
    wid = lax.axis_index("s")
    base = wid * CHUNK
    cps = [
        pltpu.async_copy(yt_h.at[pl.ds(base, CHUNK)], yt_v, dsem),
        pltpu.async_copy(key_h.at[pl.ds(base, CHUNK)], key_v, dsem),
        pltpu.async_copy(m2_h.at[pl.ds(base, CHUNK)], m2_v, dsem),
        pltpu.async_copy(p0_h.at[pl.ds(base, CHUNK)], p0_v, dsem),
        pltpu.async_copy(palt_h.at[pl.ds(base, CHUNK)], palt_v, dsem),
        pltpu.async_copy(diff_h.at[pl.ds(base, CHUNK)], diff_v, dsem),
    ]
    for cp in cps:
        cp.wait()

    lanes = lax.iota(jnp.int32, 16)
    zeros_i = jnp.zeros((16,), jnp.int32)
    ones_i = jnp.ones((16,), jnp.int32)

    def zh(i, _):
        for j in range(8):
            hist_v[pl.ds(i * 128 + j * 16, 16)] = zeros_i
        return 0
    lax.fori_loop(0, 32, zh, 0)

    def sweep1(i, carry):
        n0_acc, m2_acc = carry
        for j in range(4):
            o = i * 64 + j * 16
            yt = yt_v[pl.ds(o, 16)]
            n0_acc = n0_acc + jnp.where(yt == 0, 1, 0).astype(jnp.int32)
            m2_acc = m2_acc + m2_v[pl.ds(o, 16)]
            kv = key_v[pl.ds(o, 16)]
            bucket = lax.shift_right_logical(kv, 24)
            plsc.addupdate_scatter(hist_v, [lanes * 256 + bucket], ones_i)
        return n0_acc, m2_acc

    n0_acc, m2_acc = lax.fori_loop(0, NV // 4, sweep1,
                                   (zeros_i, jnp.zeros((16,), jnp.float32)))
    n0_w = jnp.sum(n0_acc)
    m2s_w = jnp.sum(m2_acc)

    stage_i_v[...] = jnp.full((16,), n0_w, jnp.int32)
    pltpu.sync_copy(stage_i_v, n0_sh.at[pl.ds(wid * 16, 16)])
    stage_f_v[...] = jnp.full((16,), m2s_w, jnp.float32)
    pltpu.sync_copy(stage_f_v, m2s_sh.at[pl.ds(wid * 16, 16)])

    k_rem = jnp.int32(K)
    pref = jnp.int32(0)

    for p in range(4):
        shift = 24 - 8 * p

        if p > 0:
            def zh2(i, _):
                for j in range(8):
                    hist_v[pl.ds(i * 128 + j * 16, 16)] = zeros_i
                return 0
            lax.fori_loop(0, 32, zh2, 0)

            def hsweep(i, pref_c):
                for j in range(4):
                    kv = key_v[pl.ds(i * 64 + j * 16, 16)]
                    hi = lax.shift_right_logical(kv, shift + 8)
                    msk = hi == pref_c
                    bucket = lax.shift_right_logical(kv, shift) & 255
                    idx = lanes * 256 + bucket
                    plsc.addupdate_scatter(hist_v, [idx], ones_i, mask=msk)
                return pref_c
            lax.fori_loop(0, NV // 4, hsweep, pref)

        def lred(c, _):
            acc = hist_v[pl.ds(c * 16, 16)]
            for r in range(1, 16):
                acc = acc + hist_v[pl.ds(r * 256 + c * 16, 16)]
            loc256_v[pl.ds(c * 16, 16)] = acc
            return 0
        lax.fori_loop(0, 16, lred, 0)

        pltpu.sync_copy(loc256_v, hist_sh.at[p, pl.ds(wid * 256, 256)])
        plsc.subcore_barrier()
        pltpu.sync_copy(hist_sh.at[p], ghist_v)

        def gscan(c, carry):
            cum, nb, cb = carry
            g = ghist_v[pl.ds(c * 16, 16)]
            for w in range(1, NT):
                g = g + ghist_v[pl.ds(w * 256 + c * 16, 16)]
            incl = plsc.cumsum(g) + cum
            ind = incl < k_rem
            nb = nb + jnp.sum(jnp.where(ind, 1, 0).astype(jnp.int32))
            cb = cb + jnp.sum(jnp.where(ind, g, 0))
            cum = cum + jnp.sum(g)
            return cum, nb, cb
        _, b_p, cb_p = lax.fori_loop(0, 16, gscan,
                                     (jnp.int32(0), jnp.int32(0), jnp.int32(0)))
        k_rem = k_rem - cb_p
        pref = pref * 256 + b_p

    t_bkey = pref
    t_signed = pref ^ IMIN

    pltpu.sync_copy(n0_sh, gi_v)
    n0_tot = jnp.zeros((16,), jnp.int32)
    n0_before = jnp.zeros((16,), jnp.int32)
    for w in range(NT):
        row = gi_v[pl.ds(w * 16, 16)]
        n0_tot = n0_tot + row
        n0_before = n0_before + jnp.where(jnp.int32(w) < wid, row, 0)
    n0_total = jnp.max(n0_tot)
    zb = jnp.max(n0_before)

    kcap1 = jnp.int32(K)
    kcap2 = jnp.int32(K) - n0_total

    def sweep2(i, carry):
        run0, less_acc, pctr_acc, tv_acc = carry
        for j in range(2):
            o = i * 32 + j * 16
            kb = key_v[pl.ds(o, 16)]
            kv = kb ^ IMIN
            d = diff_v[pl.ds(o, 16)]
            mless = kv < t_signed
            less_acc = less_acc + jnp.where(mless, d, 0.0)
            tv_acc = jnp.maximum(tv_acc, jnp.where(kb == t_bkey, d,
                                                   jnp.float32(-3.0e38)))
            yt = yt_v[pl.ds(o, 16)]
            ind0 = jnp.where(yt == 0, 1, 0).astype(jnp.int32)
            incl = plsc.cumsum(ind0)
            rank0 = zb + run0 + incl - ind0
            gidx = base + o + lanes
            rank1 = gidx - rank0
            chosen = jnp.where(yt == 0, rank0 < kcap1, rank1 < kcap2)
            p0 = p0_v[pl.ds(o, 16)]
            pa = palt_v[pl.ds(o, 16)]
            pctr_acc = pctr_acc + jnp.where(chosen, p0, pa)
            run0 = run0 + jnp.sum(ind0)
        return run0, less_acc, pctr_acc, tv_acc

    _, less_acc, pctr_acc, tv_acc = lax.fori_loop(
        0, NV // 2, sweep2,
        (jnp.int32(0), jnp.zeros((16,), jnp.float32),
         jnp.zeros((16,), jnp.float32),
         jnp.full((16,), -3.0e38, jnp.float32)))

    stage_f_v[...] = jnp.full((16,), jnp.sum(less_acc), jnp.float32)
    pltpu.sync_copy(stage_f_v, less_sh.at[pl.ds(wid * 16, 16)])
    stage_f_v[...] = jnp.full((16,), jnp.sum(pctr_acc), jnp.float32)
    pltpu.sync_copy(stage_f_v, pctr_sh.at[pl.ds(wid * 16, 16)])
    stage_f_v[...] = jnp.full((16,), jnp.max(tv_acc), jnp.float32)
    pltpu.sync_copy(stage_f_v, tval_sh.at[pl.ds(wid * 16, 16)])
    plsc.subcore_barrier()

    @pl.when(wid == 0)
    def _():
        pltpu.sync_copy(less_sh, gf_v)
        tot_less = jnp.zeros((16,), jnp.float32)
        for w in range(NT):
            tot_less = tot_less + gf_v[pl.ds(w * 16, 16)]
        pltpu.sync_copy(pctr_sh, gf_v)
        tot_pctr = jnp.zeros((16,), jnp.float32)
        for w in range(NT):
            tot_pctr = tot_pctr + gf_v[pl.ds(w * 16, 16)]
        pltpu.sync_copy(m2s_sh, gf_v)
        tot_m2 = jnp.zeros((16,), jnp.float32)
        for w in range(NT):
            tot_m2 = tot_m2 + gf_v[pl.ds(w * 16, 16)]
        pltpu.sync_copy(tval_sh, gf_v)
        tf = jnp.full((16,), -3.0e38, jnp.float32)
        for w in range(NT):
            tf = jnp.maximum(tf, gf_v[pl.ds(w * 16, 16)])
        kremf = k_rem.astype(jnp.float32)
        loss = (tot_pctr - tot_m2 + tot_less + kremf * tf) / jnp.float32(B)
        stage_f_v[...] = loss
        pltpu.sync_copy(stage_f_v, out_h)


def _sc_finale(yt, p0, palt, diff, m2, key):
    mesh = plsc.VectorSubcoreMesh(core_axis_name="c", subcore_axis_name="s",
                                  num_cores=1)
    f = functools.partial(
        pl.kernel, mesh=mesh,
        out_type=jax.ShapeDtypeStruct((16,), jnp.float32),
        compiler_params=pltpu.CompilerParams(needs_layout_passes=False),
        scratch_types=[
            pltpu.VMEM((CHUNK,), jnp.int32),
            pltpu.VMEM((CHUNK,), jnp.float32),
            pltpu.VMEM((CHUNK,), jnp.float32),
            pltpu.VMEM((CHUNK,), jnp.float32),
            pltpu.VMEM((CHUNK,), jnp.float32),
            pltpu.VMEM((CHUNK,), jnp.int32),
            pltpu.VMEM((4096,), jnp.int32),
            pltpu.VMEM((4096,), jnp.int32),
            pltpu.VMEM((256,), jnp.int32),
            pltpu.VMEM((16,), jnp.int32),
            pltpu.VMEM((16,), jnp.float32),
            pltpu.VMEM((NT * 16,), jnp.int32),
            pltpu.VMEM((NT * 16,), jnp.float32),
            pltpu.VMEM_SHARED((4, NT * 256), jnp.int32),
            pltpu.VMEM_SHARED((NT * 16,), jnp.int32),
            pltpu.VMEM_SHARED((NT * 16,), jnp.float32),
            pltpu.VMEM_SHARED((NT * 16,), jnp.float32),
            pltpu.VMEM_SHARED((NT * 16,), jnp.float32),
            pltpu.VMEM_SHARED((NT * 16,), jnp.float32),
            pltpu.SemaphoreType.DMA,
        ],
    )(_sc_finale_body)
    return f(yt, p0, palt, diff, m2, key)


def kernel(y_pred, y_true):
    p0, palt, diff, m2, key = _tc_stage(y_pred, y_true)
    out16 = _sc_finale(y_true, p0, palt, diff, m2, key)
    return out16[0]

# --- scband reference (transcript-rebuilt; emitter-appended) ---
"""Pipeline reference for scband-spo-plus-loss-43301860278391 (READ-ONLY COPY).

The authoritative reference and input builder live on the scoring server;
editing this copy changes nothing except your own understanding.
"""

import jax, jax.numpy as jnp
import numpy as np

CIDX = 0
RATIO = 0.1
NUM_CLASSES = 1000
BATCH = 16384


def _solve_exact_k(costs, cidx, k):
    B, C = costs.shape
    cost_k = costs[:, cidx]
    costs_other = costs.at[:, cidx].set(jnp.inf)
    best_other_cost = jnp.min(costs_other, axis=1)
    best_other_class = jnp.argmin(costs_other, axis=1)
    k = max(0, min(int(k), B))
    if k <= 0:
        chosen = jnp.zeros((B,), dtype=bool)
    elif k >= B:
        chosen = jnp.ones((B,), dtype=bool)
    else:
        diff = cost_k - best_other_cost
        _, idx = jax.lax.top_k(-diff, k)  # k smallest diffs
        chosen = jnp.zeros((B,), dtype=bool).at[idx].set(True)
    onehot_k = jax.nn.one_hot(jnp.full((B,), cidx, dtype=jnp.int32), C, dtype=costs.dtype)
    onehot_other = jax.nn.one_hot(best_other_class, C, dtype=costs.dtype)
    decisions = jnp.where(chosen[:, None], onehot_k, onehot_other)
    return jax.lax.stop_gradient(decisions)


def setup_inputs(seed: int = 0):
    key = jax.random.key(seed)
    k1, k2 = jax.random.split(key)
    y_pred = jax.random.normal(k1, (BATCH, NUM_CLASSES), dtype=jnp.float32)
    y_true = jax.random.randint(k2, (BATCH,), 0, NUM_CLASSES, dtype=jnp.int32)
    return {"y_pred": y_pred, "y_true": y_true}


def reference(y_pred, y_true):
    y_pred = jax.nn.softmax(y_pred, axis=1)
    y_true_oh = jax.nn.one_hot(y_true, y_pred.shape[1], dtype=jnp.float32)
    true_cost = 1.0 - y_true_oh
    pred_cost = 1.0 - y_pred
    B = y_pred.shape[0]
    k = int(round(RATIO * B))
    z_true = _solve_exact_k(true_cost, CIDX, k)
    z_spo = _solve_exact_k(2.0 * pred_cost - true_cost, CIDX, k)
    loss = ((2.0 * pred_cost - true_cost) * z_spo - pred_cost * z_true).sum(axis=1).mean()
    return loss

if __name__ == "__main__":
    import jax
    _d = setup_inputs()
    print(jax.jit(kernel)(*tuple(_d.values())))

</pallas_src>

<mosaic_0001>
#map = affine_map<(d0, d1) -> (0)>
module attributes {stable_mosaic.version = 14 : i64} {
  func.func @_sc_finale_body(%arg0: i32, %arg1: i32, %arg2: memref<16384xi32, #tpu.memory_space<hbm>>, %arg3: memref<16384xf32, #tpu.memory_space<hbm>>, %arg4: memref<16384xf32, #tpu.memory_space<hbm>>, %arg5: memref<16384xf32, #tpu.memory_space<hbm>>, %arg6: memref<16384xf32, #tpu.memory_space<hbm>>, %arg7: memref<16384xi32, #tpu.memory_space<hbm>>, %arg8: memref<16xf32, #tpu.memory_space<hbm>>, %arg9: memref<1024xi32, #tpu.memory_space<vmem>>, %arg10: memref<1024xf32, #tpu.memory_space<vmem>>, %arg11: memref<1024xf32, #tpu.memory_space<vmem>>, %arg12: memref<1024xf32, #tpu.memory_space<vmem>>, %arg13: memref<1024xf32, #tpu.memory_space<vmem>>, %arg14: memref<1024xi32, #tpu.memory_space<vmem>>, %arg15: memref<4096xi32, #tpu.memory_space<vmem>>, %arg16: memref<4096xi32, #tpu.memory_space<vmem>>, %arg17: memref<256xi32, #tpu.memory_space<vmem>>, %arg18: memref<16xi32, #tpu.memory_space<vmem>>, %arg19: memref<16xf32, #tpu.memory_space<vmem>>, %arg20: memref<256xi32, #tpu.memory_space<vmem>>, %arg21: memref<256xf32, #tpu.memory_space<vmem>>, %arg22: memref<4x4096xi32, #tpu.memory_space<vmem_shared>>, %arg23: memref<256xi32, #tpu.memory_space<vmem_shared>>, %arg24: memref<256xf32, #tpu.memory_space<vmem_shared>>, %arg25: memref<256xf32, #tpu.memory_space<vmem_shared>>, %arg26: memref<256xf32, #tpu.memory_space<vmem_shared>>, %arg27: memref<256xf32, #tpu.memory_space<vmem_shared>>, %arg28: memref<!tpu.dma_semaphore, #tpu.memory_space<semaphore_mem>>) attributes {dimension_semantics = [#tpu.dimension_semantics<core_parallel>, #tpu.dimension_semantics<subcore_parallel>], iteration_bounds = array<i64: 1, 16>, scalar_prefetch = 0 : i64, scratch_operands = 20 : i64, tpu.core_type = #tpu.core_type<sc_vector_subcore>, window_params = [{transform_indices = #map}, {transform_indices = #map}, {transform_indices = #map}, {transform_indices = #map}, {transform_indices = #map}, {transform_indices = #map}, {transform_indices = #map}]} {
    %mul3A = arith.constant 1024 : i32
    %mul3A_0 = arith.muli %arg1, %mul3A : i32
    %dma_start3A = tpu.memref_slice %arg2[%mul3A_0] : memref<16384xi32, #tpu.memory_space<hbm>> -> memref<1024xi32, #tpu.memory_space<hbm>>
    %dma_start3A_1 = tpu.memref_slice %arg2[%mul3A_0] : memref<16384xi32, #tpu.memory_space<hbm>> -> memref<1024xi32, #tpu.memory_space<hbm>>
    tpu.enqueue_dma source(%dma_start3A_1 : memref<1024xi32, #tpu.memory_space<hbm>>) target(%arg9 : memref<1024xi32, #tpu.memory_space<vmem>>) target_semaphore(%arg28 : memref<!tpu.dma_semaphore, #tpu.memory_space<semaphore_mem>>)
    %dma_start3A_2 = tpu.memref_slice %arg7[%mul3A_0] : memref<16384xi32, #tpu.memory_space<hbm>> -> memref<1024xi32, #tpu.memory_space<hbm>>
    %dma_start3A_3 = tpu.memref_slice %arg7[%mul3A_0] : memref<16384xi32, #tpu.memory_space<hbm>> -> memref<1024xi32, #tpu.memory_space<hbm>>
    tpu.enqueue_dma source(%dma_start3A_3 : memref<1024xi32, #tpu.memory_space<hbm>>) target(%arg14 : memref<1024xi32, #tpu.memory_space<vmem>>) target_semaphore(%arg28 : memref<!tpu.dma_semaphore, #tpu.memory_space<semaphore_mem>>)
    %dma_start3A_4 = tpu.memref_slice %arg6[%mul3A_0] : memref<16384xf32, #tpu.memory_space<hbm>> -> memref<1024xf32, #tpu.memory_space<hbm>>
    %dma_start3A_5 = tpu.memref_slice %arg6[%mul3A_0] : memref<16384xf32, #tpu.memory_space<hbm>> -> memref<1024xf32, #tpu.memory_space<hbm>>
    tpu.enqueue_dma source(%dma_start3A_5 : memref<1024xf32, #tpu.memory_space<hbm>>) target(%arg13 : memref<1024xf32, #tpu.memory_space<vmem>>) target_semaphore(%arg28 : memref<!tpu.dma_semaphore, #tpu.memory_space<semaphore_mem>>)
    %dma_start3A_6 = tpu.memref_slice %arg3[%mul3A_0] : memref<16384xf32, #tpu.memory_space<hbm>> -> memref<1024xf32, #tpu.memory_space<hbm>>
    %dma_start3A_7 = tpu.memref_slice %arg3[%mul3A_0] : memref<16384xf32, #tpu.memory_space<hbm>> -> memref<1024xf32, #tpu.memory_space<hbm>>
    tpu.enqueue_dma source(%dma_start3A_7 : memref<1024xf32, #tpu.memory_space<hbm>>) target(%arg10 : memref<1024xf32, #tpu.memory_space<vmem>>) target_semaphore(%arg28 : memref<!tpu.dma_semaphore, #tpu.memory_space<semaphore_mem>>)
    %dma_start3A_8 = tpu.memref_slice %arg4[%mul3A_0] : memref<16384xf32, #tpu.memory_space<hbm>> -> memref<1024xf32, #tpu.memory_space<hbm>>
    %dma_start3A_9 = tpu.memref_slice %arg4[%mul3A_0] : memref<16384xf32, #tpu.memory_space<hbm>> -> memref<1024xf32, #tpu.memory_space<hbm>>
    tpu.enqueue_dma source(%dma_start3A_9 : memref<1024xf32, #tpu.memory_space<hbm>>) target(%arg11 : memref<1024xf32, #tpu.memory_space<vmem>>) target_semaphore(%arg28 : memref<!tpu.dma_semaphore, #tpu.memory_space<semaphore_mem>>)
    %dma_start3A_10 = tpu.memref_slice %arg5[%mul3A_0] : memref<16384xf32, #tpu.memory_space<hbm>> -> memref<1024xf32, #tpu.memory_space<hbm>>
    %dma_start3A_11 = tpu.memref_slice %arg5[%mul3A_0] : memref<16384xf32, #tpu.memory_space<hbm>> -> memref<1024xf32, #tpu.memory_space<hbm>>
    tpu.enqueue_dma source(%dma_start3A_11 : memref<1024xf32, #tpu.memory_space<hbm>>) target(%arg12 : memref<1024xf32, #tpu.memory_space<vmem>>) target_semaphore(%arg28 : memref<!tpu.dma_semaphore, #tpu.memory_space<semaphore_mem>>)
    %dma_wait3A = tpu.memref_slice %arg2[%mul3A_0] : memref<16384xi32, #tpu.memory_space<hbm>> -> memref<1024xi32, #tpu.memory_space<hbm>>
    %dma_wait3A_12 = tpu.memref_slice %arg2[%mul3A_0] : memref<16384xi32, #tpu.memory_space<hbm>> -> memref<1024xi32, #tpu.memory_space<hbm>>
    tpu.wait_dma2 semaphore(%arg28 : memref<!tpu.dma_semaphore, #tpu.memory_space<semaphore_mem>>) src(%dma_wait3A_12 : memref<1024xi32, #tpu.memory_space<hbm>>) dst(%arg9 : memref<1024xi32, #tpu.memory_space<vmem>>)
    %dma_wait3A_13 = tpu.memref_slice %arg7[%mul3A_0] : memref<16384xi32, #tpu.memory_space<hbm>> -> memref<1024xi32, #tpu.memory_space<hbm>>
    %dma_wait3A_14 = tpu.memref_slice %arg7[%mul3A_0] : memref<16384xi32, #tpu.memory_space<hbm>> -> memref<1024xi32, #tpu.memory_space<hbm>>
    tpu.wait_dma2 semaphore(%arg28 : memref<!tpu.dma_semaphore, #tpu.memory_space<semaphore_mem>>) src(%dma_wait3A_14 : memref<1024xi32, #tpu.memory_space<hbm>>) dst(%arg14 : memref<1024xi32, #tpu.memory_space<vmem>>)
    %dma_wait3A_15 = tpu.memref_slice %arg6[%mul3A_0] : memref<16384xf32, #tpu.memory_space<hbm>> -> memref<1024xf32, #tpu.memory_space<hbm>>
    %dma_wait3A_16 = tpu.memref_slice %arg6[%mul3A_0] : memref<16384xf32, #tpu.memory_space<hbm>> -> memref<1024xf32, #tpu.memory_space<hbm>>
    tpu.wait_dma2 semaphore(%arg28 : memref<!tpu.dma_semaphore, #tpu.memory_space<semaphore_mem>>) src(%dma_wait3A_16 : memref<1024xf32, #tpu.memory_space<hbm>>) dst(%arg13 : memref<1024xf32, #tpu.memory_space<vmem>>)
    %dma_wait3A_17 = tpu.memref_slice %arg3[%mul3A_0] : memref<16384xf32, #tpu.memory_space<hbm>> -> memref<1024xf32, #tpu.memory_space<hbm>>
    %dma_wait3A_18 = tpu.memref_slice %arg3[%mul3A_0] : memref<16384xf32, #tpu.memory_space<hbm>> -> memref<1024xf32, #tpu.memory_space<hbm>>
    tpu.wait_dma2 semaphore(%arg28 : memref<!tpu.dma_semaphore, #tpu.memory_space<semaphore_mem>>) src(%dma_wait3A_18 : memref<1024xf32, #tpu.memory_space<hbm>>) dst(%arg10 : memref<1024xf32, #tpu.memory_space<vmem>>)
    %dma_wait3A_19 = tpu.memref_slice %arg4[%mul3A_0] : memref<16384xf32, #tpu.memory_space<hbm>> -> memref<1024xf32, #tpu.memory_space<hbm>>
    %dma_wait3A_20 = tpu.memref_slice %arg4[%mul3A_0] : memref<16384xf32, #tpu.memory_space<hbm>> -> memref<1024xf32, #tpu.memory_space<hbm>>
    tpu.wait_dma2 semaphore(%arg28 : memref<!tpu.dma_semaphore, #tpu.memory_space<semaphore_mem>>) src(%dma_wait3A_20 : memref<1024xf32, #tpu.memory_space<hbm>>) dst(%arg11 : memref<1024xf32, #tpu.memory_space<vmem>>)
    %dma_wait3A_21 = tpu.memref_slice %arg5[%mul3A_0] : memref<16384xf32, #tpu.memory_space<hbm>> -> memref<1024xf32, #tpu.memory_space<hbm>>
    %dma_wait3A_22 = tpu.memref_slice %arg5[%mul3A_0] : memref<16384xf32, #tpu.memory_space<hbm>> -> memref<1024xf32, #tpu.memory_space<hbm>>
    tpu.wait_dma2 semaphore(%arg28 : memref<!tpu.dma_semaphore, #tpu.memory_space<semaphore_mem>>) src(%dma_wait3A_22 : memref<1024xf32, #tpu.memory_space<hbm>>) dst(%arg12 : memref<1024xf32, #tpu.memory_space<vmem>>)
    %iota3A = tpu.iota {dimensions = array<i32: 0>} : vector<16xi32>
    %broadcast_in_dim3A = arith.constant 0 : i32
    %broadcast_in_dim3A_23 = vector.broadcast %broadcast_in_dim3A : i32 to vector<16xi32>
    %broadcast_in_dim3A_24 = arith.constant 1 : i32
    %broadcast_in_dim3A_25 = vector.broadcast %broadcast_in_dim3A_24 : i32 to vector<16xi32>
    %scan3A = arith.constant 0 : i32
    %scan3A_26 = arith.constant 0 : i32
    %scan3A_27 = arith.constant 32 : i32
    %scan3A_28 = arith.addi %scan3A_26, %scan3A_27 : i32
    %scan3A_29 = arith.constant 1 : i32
    %scan3A_30 = scf.for %scan3A_397 = %scan3A_26 to %scan3A_28 step %scan3A_29 iter_args(%scan3A_398 = %scan3A) -> (i32)  : i32 {
      %mul3A_399 = arith.constant 128 : i32
      %mul3A_400 = arith.muli %scan3A_397, %mul3A_399 : i32
      %add3A_401 = arith.constant 0 : i32
      %add3A_402 = arith.addi %mul3A_400, %add3A_401 : i32
      %swap3A_403 = arith.index_cast %add3A_402 : i32 to index
      %swap3A_404 = tpu.vector_load %arg15[%swap3A_403] {strides = array<i32>} : memref<4096xi32, #tpu.memory_space<vmem>>, vector<16xi32>,
      tpu.vector_store %arg15[%swap3A_403], %broadcast_in_dim3A_23 {strides = array<i32>} : memref<4096xi32, #tpu.memory_space<vmem>>, vector<16xi32>,
      %mul3A_405 = arith.constant 128 : i32
      %mul3A_406 = arith.muli %scan3A_397, %mul3A_405 : i32
      %add3A_407 = arith.constant 16 : i32
      %add3A_408 = arith.addi %mul3A_406, %add3A_407 : i32
      %swap3A_409 = arith.index_cast %add3A_408 : i32 to index
      %swap3A_410 = tpu.vector_load %arg15[%swap3A_409] {strides = array<i32>} : memref<4096xi32, #tpu.memory_space<vmem>>, vector<16xi32>,
      tpu.vector_store %arg15[%swap3A_409], %broadcast_in_dim3A_23 {strides = array<i32>} : memref<4096xi32, #tpu.memory_space<vmem>>, vector<16xi32>,
      %mul3A_411 = arith.constant 128 : i32
      %mul3A_412 = arith.muli %scan3A_397, %mul3A_411 : i32
      %add3A_413 = arith.constant 32 : i32
      %add3A_414 = arith.addi %mul3A_412, %add3A_413 : i32
      %swap3A_415 = arith.index_cast %add3A_414 : i32 to index
      %swap3A_416 = tpu.vector_load %arg15[%swap3A_415] {strides = array<i32>} : memref<4096xi32, #tpu.memory_space<vmem>>, vector<16xi32>,
      tpu.vector_store %arg15[%swap3A_415], %broadcast_in_dim3A_23 {strides = array<i32>} : memref<4096xi32, #tpu.memory_space<vmem>>, vector<16xi32>,
      %mul3A_417 = arith.constant 128 : i32
      %mul3A_418 = arith.muli %scan3A_397, %mul3A_417 : i32
      %add3A_419 = arith.constant 48 : i32
      %add3A_420 = arith.addi %mul3A_418, %add3A_419 : i32
      %swap3A_421 = arith.index_cast %add3A_420 : i32 to index
      %swap3A_422 = tpu.vector_load %arg15[%swap3A_421] {strides = array<i32>} : memref<4096xi32, #tpu.memory_space<vmem>>, vector<16xi32>,
      tpu.vector_store %arg15[%swap3A_421], %broadcast_in_dim3A_23 {strides = array<i32>} : memref<4096xi32, #tpu.memory_space<vmem>>, vector<16xi32>,
      %mul3A_423 = arith.constant 128 : i32
      %mul3A_424 = arith.muli %scan3A_397, %mul3A_423 : i32
      %add3A_425 = arith.constant 64 : i32
      %add3A_426 = arith.addi %mul3A_424, %add3A_425 : i32
      %swap3A_427 = arith.index_cast %add3A_426 : i32 to index
      %swap3A_428 = tpu.vector_load %arg15[%swap3A_427] {strides = array<i32>} : memref<4096xi32, #tpu.memory_space<vmem>>, vector<16xi32>,
      tpu.vector_store %arg15[%swap3A_427], %broadcast_in_dim3A_23 {strides = array<i32>} : memref<4096xi32, #tpu.memory_space<vmem>>, vector<16xi32>,
      %mul3A_429 = arith.constant 128 : i32
      %mul3A_430 = arith.muli %scan3A_397, %mul3A_429 : i32
      %add3A_431 = arith.constant 80 : i32
      %add3A_432 = arith.addi %mul3A_430, %add3A_431 : i32
      %swap3A_433 = arith.index_cast %add3A_432 : i32 to index
      %swap3A_434 = tpu.vector_load %arg15[%swap3A_433] {strides = array<i32>} : memref<4096xi32, #tpu.memory_space<vmem>>, vector<16xi32>,
      tpu.vector_store %arg15[%swap3A_433], %broadcast_in_dim3A_23 {strides = array<i32>} : memref<4096xi32, #tpu.memory_space<vmem>>, vector<16xi32>,
      %mul3A_435 = arith.constant 128 : i32
      %mul3A_436 = arith.muli %scan3A_397, %mul3A_435 : i32
      %add3A_437 = arith.constant 96 : i32
      %add3A_438 = arith.addi %mul3A_436, %add3A_437 : i32
      %swap3A_439 = arith.index_cast %add3A_438 : i32 to index
      %swap3A_440 = tpu.vector_load %arg15[%swap3A_439] {strides = array<i32>} : memref<4096xi32, #tpu.memory_space<vmem>>, vector<16xi32>,
      tpu.vector_store %arg15[%swap3A_439], %broadcast_in_dim3A_23 {strides = array<i32>} : memref<4096xi32, #tpu.memory_space<vmem>>, vector<16xi32>,
      %mul3A_441 = arith.constant 128 : i32
      %mul3A_442 = arith.muli %scan3A_397, %mul3A_441 : i32
      %add3A_443 = arith.constant 112 : i32
      %add3A_444 = arith.addi %mul3A_442, %add3A_443 : i32
      %swap3A_445 = arith.index_cast %add3A_444 : i32 to index
      %swap3A_446 = tpu.vector_load %arg15[%swap3A_445] {strides = array<i32>} : memref<4096xi32, #tpu.memory_space<vmem>>, vector<16xi32>,
      tpu.vector_store %arg15[%swap3A_445], %broadcast_in_dim3A_23 {strides = array<i32>} : memref<4096xi32, #tpu.memory_space<vmem>>, vector<16xi32>,
      %scan3A_447 = arith.constant 0 : i32
      scf.yield %scan3A_447 : i32
    }
    %scan3A_31 = arith.constant 32 : i32
    %broadcast_in_dim3A_32 = arith.constant 0.000000e+00 : f32
    %broadcast_in_dim3A_33 = vector.broadcast %broadcast_in_dim3A_32 : f32 to vector<16xf32>
    %scan3A_34 = arith.constant 0 : i32
    %scan3A_35 = arith.constant 16 : i32
    %scan3A_36 = arith.addi %scan3A_34, %scan3A_35 : i32
    %scan3A_37 = arith.constant 1 : i32
    %scan3A_38:2 = scf.for %scan3A_397 = %scan3A_34 to %scan3A_36 step %scan3A_37 iter_args(%scan3A_398 = %broadcast_in_dim3A_23, %scan3A_399 = %broadcast_in_dim3A_33) -> (vector<16xi32>, vector<16xf32>)  : i32 {
      %mul3A_400 = arith.constant 64 : i32
      %mul3A_401 = arith.muli %scan3A_397, %mul3A_400 : i32
      %add3A_402 = arith.constant 0 : i32
      %add3A_403 = arith.addi %mul3A_401, %add3A_402 : i32
      %get3A_404 = arith.index_cast %add3A_403 : i32 to index
      %get3A_405 = tpu.vector_load %arg9[%get3A_404] {strides = array<i32>} : memref<1024xi32, #tpu.memory_space<vmem>>, vector<16xi32>,
      %eq3A_406 = arith.constant 0 : i32
      %eq3A_407 = vector.broadcast %eq3A_406 : i32 to vector<16xi32>
      %eq3A_408 = arith.cmpi eq, %get3A_405, %eq3A_407 : vector<16xi32>
      %jit3A_409 = arith.constant 1 : i32
      %jit3A_410 = arith.constant 0 : i32
      %broadcast_in_dim3A_411 = vector.broadcast %jit3A_409 : i32 to vector<16xi32>
      %broadcast_in_dim3A_412 = vector.broadcast %jit3A_410 : i32 to vector<16xi32>
      %select_n3A_413 = arith.select %eq3A_408, %broadcast_in_dim3A_411, %broadcast_in_dim3A_412 : vector<16xi1>, vector<16xi32>
      %add3A_414 = arith.addi %scan3A_398, %select_n3A_413 : vector<16xi32>
      %get3A_415 = arith.index_cast %add3A_403 : i32 to index
      %get3A_416 = tpu.vector_load %arg13[%get3A_415] {strides = array<i32>} : memref<1024xf32, #tpu.memory_space<vmem>>, vector<16xf32>,
      %add3A_417 = arith.addf %scan3A_399, %get3A_416 : vector<16xf32>
      %get3A_418 = arith.index_cast %add3A_403 : i32 to index
      %get3A_419 = tpu.vector_load %arg14[%get3A_418] {strides = array<i32>} : memref<1024xi32, #tpu.memory_space<vmem>>, vector<16xi32>,
      %shift_right_logical3A = arith.constant 24 : i32
      %shift_right_logical3A_420 = vector.broadcast %shift_right_logical3A : i32 to vector<16xi32>
      %shift_right_logical3A_421 = arith.shrui %get3A_419, %shift_right_logical3A_420 : vector<16xi32>
      %mul3A_422 = arith.constant 256 : i32
      %mul3A_423 = vector.broadcast %mul3A_422 : i32 to vector<16xi32>
      %mul3A_424 = arith.muli %iota3A, %mul3A_423 : vector<16xi32>
      %add3A_425 = arith.addi %mul3A_424, %shift_right_logical3A_421 : vector<16xi32>
      tpu.vector_store_idx %arg15[%add3A_425], %broadcast_in_dim3A_25 {add = true} : memref<4096xi32, #tpu.memory_space<vmem>>[vector<16xi32>], vector<16xi32>,
      %mul3A_426 = arith.constant 64 : i32
      %mul3A_427 = arith.muli %scan3A_397, %mul3A_426 : i32
      %add3A_428 = arith.constant 16 : i32
      %add3A_429 = arith.addi %mul3A_427, %add3A_428 : i32
      %get3A_430 = arith.index_cast %add3A_429 : i32 to index
      %get3A_431 = tpu.vector_load %arg9[%get3A_430] {strides = array<i32>} : memref<1024xi32, #tpu.memory_space<vmem>>, vector<16xi32>,
      %eq3A_432 = arith.constant 0 : i32
      %eq3A_433 = vector.broadcast %eq3A_432 : i32 to vector<16xi32>
      %eq3A_434 = arith.cmpi eq, %get3A_431, %eq3A_433 : vector<16xi32>
      %jit3A_435 = arith.constant 1 : i32
      %jit3A_436 = arith.constant 0 : i32
      %broadcast_in_dim3A_437 = vector.broadcast %jit3A_435 : i32 to vector<16xi32>
      %broadcast_in_dim3A_438 = vector.broadcast %jit3A_436 : i32 to vector<16xi32>
      %select_n3A_439 = arith.select %eq3A_434, %broadcast_in_dim3A_437, %broadcast_in_dim3A_438 : vector<16xi1>, vector<16xi32>
      %add3A_440 = arith.addi %add3A_414, %select_n3A_439 : vector<16xi32>
      %get3A_441 = arith.index_cast %add3A_429 : i32 to index
      %get3A_442 = tpu.vector_load %arg13[%get3A_441] {strides = array<i32>} : memref<1024xf32, #tpu.memory_space<vmem>>, vector<16xf32>,
      %add3A_443 = arith.addf %add3A_417, %get3A_442 : vector<16xf32>
      %get3A_444 = arith.index_cast %add3A_429 : i32 to index
      %get3A_445 = tpu.vector_load %arg14[%get3A_444] {strides = array<i32>} : memref<1024xi32, #tpu.memory_space<vmem>>, vector<16xi32>,
      %shift_right_logical3A_446 = arith.constant 24 : i32
      %shift_right_logical3A_447 = vector.broadcast %shift_right_logical3A_446 : i32 to vector<16xi32>
      %shift_right_logical3A_448 = arith.shrui %get3A_445, %shift_right_logical3A_447 : vector<16xi32>
      %mul3A_449 = arith.constant 256 : i32
      %mul3A_450 = vector.broadcast %mul3A_449 : i32 to vector<16xi32>
      %mul3A_451 = arith.muli %iota3A, %mul3A_450 : vector<16xi32>
      %add3A_452 = arith.addi %mul3A_451, %shift_right_logical3A_448 : vector<16xi32>
      tpu.vector_store_idx %arg15[%add3A_452], %broadcast_in_dim3A_25 {add = true} : memref<4096xi32, #tpu.memory_space<vmem>>[vector<16xi32>], vector<16xi32>,
      %mul3A_453 = arith.constant 64 : i32
      %mul3A_454 = arith.muli %scan3A_397, %mul3A_453 : i32
      %add3A_455 = arith.constant 32 : i32
      %add3A_456 = arith.addi %mul3A_454, %add3A_455 : i32
      %get3A_457 = arith.index_cast %add3A_456 : i32 to index
      %get3A_458 = tpu.vector_load %arg9[%get3A_457] {strides = array<i32>} : memref<1024xi32, #tpu.memory_space<vmem>>, vector<16xi32>,
      %eq3A_459 = arith.constant 0 : i32
      %eq3A_460 = vector.broadcast %eq3A_459 : i32 to vector<16xi32>
      %eq3A_461 = arith.cmpi eq, %get3A_458, %eq3A_460 : vector<16xi32>
      %jit3A_462 = arith.constant 1 : i32
      %jit3A_463 = arith.constant 0 : i32
      %broadcast_in_dim3A_464 = vector.broadcast %jit3A_462 : i32 to vector<16xi32>
      %broadcast_in_dim3A_465 = vector.broadcast %jit3A_463 : i32 to vector<16xi32>
      %select_n3A_466 = arith.select %eq3A_461, %broadcast_in_dim3A_464, %broadcast_in_dim3A_465 : vector<16xi1>, vector<16xi32>
      %add3A_467 = arith.addi %add3A_440, %select_n3A_466 : vector<16xi32>
      %get3A_468 = arith.index_cast %add3A_456 : i32 to index
      %get3A_469 = tpu.vector_load %arg13[%get3A_468] {strides = array<i32>} : memref<1024xf32, #tpu.memory_space<vmem>>, vector<16xf32>,
      %add3A_470 = arith.addf %add3A_443, %get3A_469 : vector<16xf32>
      %get3A_471 = arith.index_cast %add3A_456 : i32 to index
      %get3A_472 = tpu.vector_load %arg14[%get3A_471] {strides = array<i32>} : memref<1024xi32, #tpu.memory_space<vmem>>, vector<16xi32>,
      %shift_right_logical3A_473 = arith.constant 24 : i32
      %shift_right_logical3A_474 = vector.broadcast %shift_right_logical3A_473 : i32 to vector<16xi32>
      %shift_right_logical3A_475 = arith.shrui %get3A_472, %shift_right_logical3A_474 : vector<16xi32>
      %mul3A_476 = arith.constant 256 : i32
      %mul3A_477 = vector.broadcast %mul3A_476 : i32 to vector<16xi32>
      %mul3A_478 = arith.muli %iota3A, %mul3A_477 : vector<16xi32>
      %add3A_479 = arith.addi %mul3A_478, %shift_right_logical3A_475 : vector<16xi32>
      tpu.vector_store_idx %arg15[%add3A_479], %broadcast_in_dim3A_25 {add = true} : memref<4096xi32, #tpu.memory_space<vmem>>[vector<16xi32>], vector<16xi32>,
      %mul3A_480 = arith.constant 64 : i32
      %mul3A_481 = arith.muli %scan3A_397, %mul3A_480 : i32
      %add3A_482 = arith.constant 48 : i32
      %add3A_483 = arith.addi %mul3A_481, %add3A_482 : i32
      %get3A_484 = arith.index_cast %add3A_483 : i32 to index
      %get3A_485 = tpu.vector_load %arg9[%get3A_484] {strides = array<i32>} : memref<1024xi32, #tpu.memory_space<vmem>>, vector<16xi32>,
      %eq3A_486 = arith.constant 0 : i32
      %eq3A_487 = vector.broadcast %eq3A_486 : i32 to vector<16xi32>
      %eq3A_488 = arith.cmpi eq, %get3A_485, %eq3A_487 : vector<16xi32>
      %jit3A_489 = arith.constant 1 : i32
      %jit3A_490 = arith.constant 0 : i32
      %broadcast_in_dim3A_491 = vector.broadcast %jit3A_489 : i32 to vector<16xi32>
      %broadcast_in_dim3A_492 = vector.broadcast %jit3A_490 : i32 to vector<16xi32>
      %select_n3A_493 = arith.select %eq3A_488, %broadcast_in_dim3A_491, %broadcast_in_dim3A_492 : vector<16xi1>, vector<16xi32>
      %add3A_494 = arith.addi %add3A_467, %select_n3A_493 : vector<16xi32>
      %get3A_495 = arith.index_cast %add3A_483 : i32 to index
      %get3A_496 = tpu.vector_load %arg13[%get3A_495] {strides = array<i32>} : memref<1024xf32, #tpu.memory_space<vmem>>, vector<16xf32>,
      %add3A_497 = arith.addf %add3A_470, %get3A_496 : vector<16xf32>
      %get3A_498 = arith.index_cast %add3A_483 : i32 to index
      %get3A_499 = tpu.vector_load %arg14[%get3A_498] {strides = array<i32>} : memref<1024xi32, #tpu.memory_space<vmem>>, vector<16xi32>,
      %shift_right_logical3A_500 = arith.constant 24 : i32
      %shift_right_logical3A_501 = vector.broadcast %shift_right_logical3A_500 : i32 to vector<16xi32>
      %shift_right_logical3A_502 = arith.shrui %get3A_499, %shift_right_logical3A_501 : vector<16xi32>
      %mul3A_503 = arith.constant 256 : i32
      %mul3A_504 = vector.broadcast %mul3A_503 : i32 to vector<16xi32>
      %mul3A_505 = arith.muli %iota3A, %mul3A_504 : vector<16xi32>
      %add3A_506 = arith.addi %mul3A_505, %shift_right_logical3A_502 : vector<16xi32>
      tpu.vector_store_idx %arg15[%add3A_506], %broadcast_in_dim3A_25 {add = true} : memref<4096xi32, #tpu.memory_space<vmem>>[vector<16xi32>], vector<16xi32>,
      scf.yield %add3A_494, %add3A_497 : vector<16xi32>, vector<16xf32>
    }
    %scan3A_39 = arith.constant 16 : i32
    %reduce_sum3A = arith.constant true
    %reduce_sum3A_40 = vector.broadcast %reduce_sum3A : i1 to vector<16xi1>
    %reduce_sum3A_41 = tpu.scan <sum>, %scan3A_38#0 masked %reduce_sum3A_40 : vector<16xi32>, vector<16xi1> -> vector<16xi32>
    %reduce_sum3A_42 = vector.extract %reduce_sum3A_41[15] : i32 from vector<16xi32>
    %reduce_sum3A_43 = arith.constant true
    %reduce_sum3A_44 = vector.broadcast %reduce_sum3A_43 : i1 to vector<16xi1>
    %reduce_sum3A_45 = tpu.scan <sum>, %scan3A_38#1 masked %reduce_sum3A_44 : vector<16xf32>, vector<16xi1> -> vector<16xf32>
    %reduce_sum3A_46 = vector.extract %reduce_sum3A_45[15] : f32 from vector<16xf32>
    %broadcast_in_dim3A_47 = vector.broadcast %reduce_sum3A_42 : i32 to vector<16xi32>
    %swap3A = arith.constant 0 : index
    %swap3A_48 = tpu.vector_load %arg18[%swap3A] {strides = array<i32>} : memref<16xi32, #tpu.memory_space<vmem>>, vector<16xi32>,
    tpu.vector_store %arg18[%swap3A], %broadcast_in_dim3A_47 {strides = array<i32>} : memref<16xi32, #tpu.memory_space<vmem>>, vector<16xi32>,
    %mul3A_49 = arith.constant 16 : i32
    %mul3A_50 = arith.muli %arg1, %mul3A_49 : i32
    "tpu.region"() ({
      %run_scoped3A_397 = tpu.sem_alloc : memref<!tpu.dma_semaphore, #tpu.memory_space<semaphore_mem>>
      %dma_start3A_398 = tpu.memref_slice %arg23[%mul3A_50] : memref<256xi32, #tpu.memory_space<vmem_shared>> -> memref<16xi32, #tpu.memory_space<vmem_shared>>
      %dma_start3A_399 = tpu.memref_slice %arg23[%mul3A_50] : memref<256xi32, #tpu.memory_space<vmem_shared>> -> memref<16xi32, #tpu.memory_space<vmem_shared>>
      tpu.enqueue_dma source(%arg18 : memref<16xi32, #tpu.memory_space<vmem>>) target(%dma_start3A_399 : memref<16xi32, #tpu.memory_space<vmem_shared>>) target_semaphore(%run_scoped3A_397 : memref<!tpu.dma_semaphore, #tpu.memory_space<semaphore_mem>>)
      %dma_wait3A_400 = tpu.memref_slice %arg23[%mul3A_50] : memref<256xi32, #tpu.memory_space<vmem_shared>> -> memref<16xi32, #tpu.memory_space<vmem_shared>>
      %dma_wait3A_401 = tpu.memref_slice %arg23[%mul3A_50] : memref<256xi32, #tpu.memory_space<vmem_shared>> -> memref<16xi32, #tpu.memory_space<vmem_shared>>
      tpu.wait_dma2 semaphore(%run_scoped3A_397 : memref<!tpu.dma_semaphore, #tpu.memory_space<semaphore_mem>>) src(%arg18 : memref<16xi32, #tpu.memory_space<vmem>>) dst(%dma_wait3A_401 : memref<16xi32, #tpu.memory_space<vmem_shared>>)
      tpu.yield
    }) : () -> ()
    %broadcast_in_dim3A_51 = vector.broadcast %reduce_sum3A_46 : f32 to vector<16xf32>
    %swap3A_52 = arith.constant 0 : index
    %swap3A_53 = tpu.vector_load %arg19[%swap3A_52] {strides = array<i32>} : memref<16xf32, #tpu.memory_space<vmem>>, vector<16xf32>,
    tpu.vector_store %arg19[%swap3A_52], %broadcast_in_dim3A_51 {strides = array<i32>} : memref<16xf32, #tpu.memory_space<vmem>>, vector<16xf32>,
    %mul3A_54 = arith.constant 16 : i32
    %mul3A_55 = arith.muli %arg1, %mul3A_54 : i32
    "tpu.region"() ({
      %run_scoped3A_397 = tpu.sem_alloc : memref<!tpu.dma_semaphore, #tpu.memory_space<semaphore_mem>>
      %dma_start3A_398 = tpu.memref_slice %arg24[%mul3A_55] : memref<256xf32, #tpu.memory_space<vmem_shared>> -> memref<16xf32, #tpu.memory_space<vmem_shared>>
      %dma_start3A_399 = tpu.memref_slice %arg24[%mul3A_55] : memref<256xf32, #tpu.memory_space<vmem_shared>> -> memref<16xf32, #tpu.memory_space<vmem_shared>>
      tpu.enqueue_dma source(%arg19 : memref<16xf32, #tpu.memory_space<vmem>>) target(%dma_start3A_399 : memref<16xf32, #tpu.memory_space<vmem_shared>>) target_semaphore(%run_scoped3A_397 : memref<!tpu.dma_semaphore, #tpu.memory_space<semaphore_mem>>)
      %dma_wait3A_400 = tpu.memref_slice %arg24[%mul3A_55] : memref<256xf32, #tpu.memory_space<vmem_shared>> -> memref<16xf32, #tpu.memory_space<vmem_shared>>
      %dma_wait3A_401 = tpu.memref_slice %arg24[%mul3A_55] : memref<256xf32, #tpu.memory_space<vmem_shared>> -> memref<16xf32, #tpu.memory_space<vmem_shared>>
      tpu.wait_dma2 semaphore(%run_scoped3A_397 : memref<!tpu.dma_semaphore, #tpu.memory_space<semaphore_mem>>) src(%arg19 : memref<16xf32, #tpu.memory_space<vmem>>) dst(%dma_wait3A_401 : memref<16xf32, #tpu.memory_space<vmem_shared>>)
      tpu.yield
    }) : () -> ()
    %scan3A_56 = arith.constant 0 : i32
    %scan3A_57 = arith.constant 0 : i32
    %scan3A_58 = arith.constant 16 : i32
    %scan3A_59 = arith.addi %scan3A_57, %scan3A_58 : i32
    %scan3A_60 = arith.constant 1 : i32
    %scan3A_61 = scf.for %scan3A_397 = %scan3A_57 to %scan3A_59 step %scan3A_60 iter_args(%scan3A_398 = %scan3A_56) -> (i32)  : i32 {
      %mul3A_399 = arith.constant 16 : i32
      %mul3A_400 = arith.muli %scan3A_397, %mul3A_399 : i32
      %get3A_401 = arith.index_cast %mul3A_400 : i32 to index
      %get3A_402 = tpu.vector_load %arg15[%get3A_401] {strides = array<i32>} : memref<4096xi32, #tpu.memory_space<vmem>>, vector<16xi32>,
      %mul3A_403 = arith.constant 16 : i32
      %mul3A_404 = arith.muli %scan3A_397, %mul3A_403 : i32
      %add3A_405 = arith.constant 256 : i32
      %add3A_406 = arith.addi %add3A_405, %mul3A_404 : i32
      %get3A_407 = arith.index_cast %add3A_406 : i32 to index
      %get3A_408 = tpu.vector_load %arg15[%get3A_407] {strides = array<i32>} : memref<4096xi32, #tpu.memory_space<vmem>>, vector<16xi32>,
      %add3A_409 = arith.addi %get3A_402, %get3A_408 : vector<16xi32>
      %mul3A_410 = arith.constant 16 : i32
      %mul3A_411 = arith.muli %scan3A_397, %mul3A_410 : i32
      %add3A_412 = arith.constant 512 : i32
      %add3A_413 = arith.addi %add3A_412, %mul3A_411 : i32
      %get3A_414 = arith.index_cast %add3A_413 : i32 to index
      %get3A_415 = tpu.vector_load %arg15[%get3A_414] {strides = array<i32>} : memref<4096xi32, #tpu.memory_space<vmem>>, vector<16xi32>,
      %add3A_416 = arith.addi %add3A_409, %get3A_415 : vector<16xi32>
      %mul3A_417 = arith.constant 16 : i32
      %mul3A_418 = arith.muli %scan3A_397, %mul3A_417 : i32
      %add3A_419 = arith.constant 768 : i32
      %add3A_420 = arith.addi %add3A_419, %mul3A_418 : i32
      %get3A_421 = arith.index_cast %add3A_420 : i32 to index
      %get3A_422 = tpu.vector_load %arg15[%get3A_421] {strides = array<i32>} : memref<4096xi32, #tpu.memory_space<vmem>>, vector<16xi32>,
      %add3A_423 = arith.addi %add3A_416, %get3A_422 : vector<16xi32>
      %mul3A_424 = arith.constant 16 : i32
      %mul3A_425 = arith.muli %scan3A_397, %mul3A_424 : i32
      %add3A_426 = arith.constant 1024 : i32
      %add3A_427 = arith.addi %add3A_426, %mul3A_425 : i32
      %get3A_428 = arith.index_cast %add3A_427 : i32 to index
      %get3A_429 = tpu.vector_load %arg15[%get3A_428] {strides = array<i32>} : memref<4096xi32, #tpu.memory_space<vmem>>, vector<16xi32>,
      %add3A_430 = arith.addi %add3A_423, %get3A_429 : vector<16xi32>
      %mul3A_431 = arith.constant 16 : i32
      %mul3A_432 = arith.muli %scan3A_397, %mul3A_431 : i32
      %add3A_433 = arith.constant 1280 : i32
      %add3A_434 = arith.addi %add3A_433, %mul3A_432 : i32
      %get3A_435 = arith.index_cast %add3A_434 : i32 to index
      %get3A_436 = tpu.vector_load %arg15[%get3A_435] {strides = array<i32>} : memref<4096xi32, #tpu.memory_space<vmem>>, vector<16xi32>,
      %add3A_437 = arith.addi %add3A_430, %get3A_436 : vector<16xi32>
      %mul3A_438 = arith.constant 16 : i32
      %mul3A_439 = arith.muli %scan3A_397, %mul3A_438 : i32
      %add3A_440 = arith.constant 1536 : i32
      %add3A_441 = arith.addi %add3A_440, %mul3A_439 : i32
      %get3A_442 = arith.index_cast %add3A_441 : i32 to index
      %get3A_443 = tpu.vector_load %arg15[%get3A_442] {strides = array<i32>} : memref<4096xi32, #tpu.memory_space<vmem>>, vector<16xi32>,
      %add3A_444 = arith.addi %add3A_437, %get3A_443 : vector<16xi32>
      %mul3A_445 = arith.constant 16 : i32
      %mul3A_446 = arith.muli %scan3A_397, %mul3A_445 : i32
      %add3A_447 = arith.constant 1792 : i32
      %add3A_448 = arith.addi %add3A_447, %mul3A_446 : i32
      %get3A_449 = arith.index_cast %add3A_448 : i32 to index
      %get3A_450 = tpu.vector_load %arg15[%get3A_449] {strides = array<i32>} : memref<4096xi32, #tpu.memory_space<vmem>>, vector<16xi32>,
      %add3A_451 = arith.addi %add3A_444, %get3A_450 : vector<16xi32>
      %mul3A_452 = arith.constant 16 : i32
      %mul3A_453 = arith.muli %scan3A_397, %mul3A_452 : i32
      %add3A_454 = arith.constant 2048 : i32
      %add3A_455 = arith.addi %add3A_454, %mul3A_453 : i32
      %get3A_456 = arith.index_cast %add3A_455 : i32 to index
      %get3A_457 = tpu.vector_load %arg15[%get3A_456] {strides = array<i32>} : memref<4096xi32, #tpu.memory_space<vmem>>, vector<16xi32>,
      %add3A_458 = arith.addi %add3A_451, %get3A_457 : vector<16xi32>
      %mul3A_459 = arith.constant 16 : i32
      %mul3A_460 = arith.muli %scan3A_397, %mul3A_459 : i32
      %add3A_461 = arith.constant 2304 : i32
      %add3A_462 = arith.addi %add3A_461, %mul3A_460 : i32
      %get3A_463 = arith.index_cast %add3A_462 : i32 to index
      %get3A_464 = tpu.vector_load %arg15[%get3A_463] {strides = array<i32>} : memref<4096xi32, #tpu.memory_space<vmem>>, vector<16xi32>,
      %add3A_465 = arith.addi %add3A_458, %get3A_464 : vector<16xi32>
      %mul3A_466 = arith.constant 16 : i32
      %mul3A_467 = arith.muli %scan3A_397, %mul3A_466 : i32
      %add3A_468 = arith.constant 2560 : i32
      %add3A_469 = arith.addi %add3A_468, %mul3A_467 : i32
      %get3A_470 = arith.index_cast %add3A_469 : i32 to index
      %get3A_471 = tpu.vector_load %arg15[%get3A_470] {strides = array<i32>} : memref<4096xi32, #tpu.memory_space<vmem>>, vector<16xi32>,
      %add3A_472 = arith.addi %add3A_465, %get3A_471 : vector<16xi32>
      %mul3A_473 = arith.constant 16 : i32
      %mul3A_474 = arith.muli %scan3A_397, %mul3A_473 : i32
      %add3A_475 = arith.constant 2816 : i32
      %add3A_476 = arith.addi %add3A_475, %mul3A_474 : i32
      %get3A_477 = arith.index_cast %add3A_476 : i32 to index
      %get3A_478 = tpu.vector_load %arg15[%get3A_477] {strides = array<i32>} : memref<4096xi32, #tpu.memory_space<vmem>>, vector<16xi32>,
      %add3A_479 = arith.addi %add3A_472, %get3A_478 : vector<16xi32>
      %mul3A_480 = arith.constant 16 : i32
      %mul3A_481 = arith.muli %scan3A_397, %mul3A_480 : i32
      %add3A_482 = arith.constant 3072 : i32
      %add3A_483 = arith.addi %add3A_482, %mul3A_481 : i32
      %get3A_484 = arith.index_cast %add3A_483 : i32 to index
      %get3A_485 = tpu.vector_load %arg15[%get3A_484] {strides = array<i32>} : memref<4096xi32, #tpu.memory_space<vmem>>, vector<16xi32>,
      %add3A_486 = arith.addi %add3A_479, %get3A_485 : vector<16xi32>
      %mul3A_487 = arith.constant 16 : i32
      %mul3A_488 = arith.muli %scan3A_397, %mul3A_487 : i32
      %add3A_489 = arith.constant 3328 : i32
      %add3A_490 = arith.addi %add3A_489, %mul3A_488 : i32
      %get3A_491 = arith.index_cast %add3A_490 : i32 to index
      %get3A_492 = tpu.vector_load %arg15[%get3A_491] {strides = array<i32>} : memref<4096xi32, #tpu.memory_space<vmem>>, vector<16xi32>,
      %add3A_493 = arith.addi %add3A_486, %get3A_492 : vector<16xi32>
      %mul3A_494 = arith.constant 16 : i32
      %mul3A_495 = arith.muli %scan3A_397, %mul3A_494 : i32
      %add3A_496 = arith.constant 3584 : i32
      %add3A_497 = arith.addi %add3A_496, %mul3A_495 : i32
      %get3A_498 = arith.index_cast %add3A_497 : i32 to index
      %get3A_499 = tpu.vector_load %arg15[%get3A_498] {strides = array<i32>} : memref<4096xi32, #tpu.memory_space<vmem>>, vector<16xi32>,
      %add3A_500 = arith.addi %add3A_493, %get3A_499 : vector<16xi32>
      %mul3A_501 = arith.constant 16 : i32
      %mul3A_502 = arith.muli %scan3A_397, %mul3A_501 : i32
      %add3A_503 = arith.constant 3840 : i32
      %add3A_504 = arith.addi %add3A_503, %mul3A_502 : i32
      %get3A_505 = arith.index_cast %add3A_504 : i32 to index
      %get3A_506 = tpu.vector_load %arg15[%get3A_505] {strides = array<i32>} : memref<4096xi32, #tpu.memory_space<vmem>>, vector<16xi32>,
      %add3A_507 = arith.addi %add3A_500, %get3A_506 : vector<16xi32>
      %mul3A_508 = arith.constant 16 : i32
      %mul3A_509 = arith.muli %scan3A_397, %mul3A_508 : i32
      %swap3A_510 = arith.index_cast %mul3A_509 : i32 to index
      %swap3A_511 = tpu.vector_load %arg17[%swap3A_510] {strides = array<i32>} : memref<256xi32, #tpu.memory_space<vmem>>, vector<16xi32>,
      tpu.vector_store %arg17[%swap3A_510], %add3A_507 {strides = array<i32>} : memref<256xi32, #tpu.memory_space<vmem>>, vector<16xi32>,
      %scan3A_512 = arith.constant 0 : i32
      scf.yield %scan3A_512 : i32
    }
    %scan3A_62 = arith.constant 16 : i32
    %mul3A_63 = arith.constant 256 : i32
    %mul3A_64 = arith.muli %arg1, %mul3A_63 : i32
    %run_scoped3A = arith.constant 0 : i32
    "tpu.region"() ({
      %run_scoped3A_397 = tpu.sem_alloc : memref<!tpu.dma_semaphore, #tpu.memory_space<semaphore_mem>>
      %dma_start3A_398 = tpu.memref_slice %arg22[%run_scoped3A, %mul3A_64] : memref<4x4096xi32, #tpu.memory_space<vmem_shared>> -> memref<1x256xi32, #tpu.memory_space<vmem_shared>>
      %dma_start3A_399 = tpu.memref_squeeze %dma_start3A_398 : memref<1x256xi32, #tpu.memory_space<vmem_shared>> -> memref<256xi32, #tpu.memory_space<vmem_shared>>
      %dma_start3A_400 = tpu.memref_slice %arg22[%run_scoped3A, %mul3A_64] : memref<4x4096xi32, #tpu.memory_space<vmem_shared>> -> memref<1x256xi32, #tpu.memory_space<vmem_shared>>
      %dma_start3A_401 = tpu.memref_squeeze %dma_start3A_400 : memref<1x256xi32, #tpu.memory_space<vmem_shared>> -> memref<256xi32, #tpu.memory_space<vmem_shared>>
      tpu.enqueue_dma source(%arg17 : memref<256xi32, #tpu.memory_space<vmem>>) target(%dma_start3A_401 : memref<256xi32, #tpu.memory_space<vmem_shared>>) target_semaphore(%run_scoped3A_397 : memref<!tpu.dma_semaphore, #tpu.memory_space<semaphore_mem>>)
      %dma_wait3A_402 = tpu.memref_slice %arg22[%run_scoped3A, %mul3A_64] : memref<4x4096xi32, #tpu.memory_space<vmem_shared>> -> memref<1x256xi32, #tpu.memory_space<vmem_shared>>
      %dma_wait3A_403 = tpu.memref_squeeze %dma_wait3A_402 : memref<1x256xi32, #tpu.memory_space<vmem_shared>> -> memref<256xi32, #tpu.memory_space<vmem_shared>>
      %dma_wait3A_404 = tpu.memref_slice %arg22[%run_scoped3A, %mul3A_64] : memref<4x4096xi32, #tpu.memory_space<vmem_shared>> -> memref<1x256xi32, #tpu.memory_space<vmem_shared>>
      %dma_wait3A_405 = tpu.memref_squeeze %dma_wait3A_404 : memref<1x256xi32, #tpu.memory_space<vmem_shared>> -> memref<256xi32, #tpu.memory_space<vmem_shared>>
      tpu.wait_dma2 semaphore(%run_scoped3A_397 : memref<!tpu.dma_semaphore, #tpu.memory_space<semaphore_mem>>) src(%arg17 : memref<256xi32, #tpu.memory_space<vmem>>) dst(%dma_wait3A_405 : memref<256xi32, #tpu.memory_space<vmem_shared>>)
      tpu.yield
    }) : () -> ()
    %barrier3A = arith.constant 0 : index
    tpu.barrier barrier_id(%barrier3A)
    %run_scoped3A_65 = arith.constant 0 : i32
    "tpu.region"() ({
      %run_scoped3A_397 = tpu.sem_alloc : memref<!tpu.dma_semaphore, #tpu.memory_space<semaphore_mem>>
      %dma_start3A_398 = arith.constant 0 : i32
      %dma_start3A_399 = tpu.memref_slice %arg22[%run_scoped3A_65, %dma_start3A_398] : memref<4x4096xi32, #tpu.memory_space<vmem_shared>> -> memref<1x4096xi32, #tpu.memory_space<vmem_shared>>
      %dma_start3A_400 = tpu.memref_squeeze %dma_start3A_399 : memref<1x4096xi32, #tpu.memory_space<vmem_shared>> -> memref<4096xi32, #tpu.memory_space<vmem_shared>>
      %dma_start3A_401 = arith.constant 0 : i32
      %dma_start3A_402 = tpu.memref_slice %arg22[%run_scoped3A_65, %dma_start3A_401] : memref<4x4096xi32, #tpu.memory_space<vmem_shared>> -> memref<1x4096xi32, #tpu.memory_space<vmem_shared>>
      %dma_start3A_403 = tpu.memref_squeeze %dma_start3A_402 : memref<1x4096xi32, #tpu.memory_space<vmem_shared>> -> memref<4096xi32, #tpu.memory_space<vmem_shared>>
      tpu.enqueue_dma source(%dma_start3A_403 : memref<4096xi32, #tpu.memory_space<vmem_shared>>) target(%arg16 : memref<4096xi32, #tpu.memory_space<vmem>>) target_semaphore(%run_scoped3A_397 : memref<!tpu.dma_semaphore, #tpu.memory_space<semaphore_mem>>)
      %dma_wait3A_404 = arith.constant 0 : i32
      %dma_wait3A_405 = tpu.memref_slice %arg22[%run_scoped3A_65, %dma_wait3A_404] : memref<4x4096xi32, #tpu.memory_space<vmem_shared>> -> memref<1x4096xi32, #tpu.memory_space<vmem_shared>>
      %dma_wait3A_406 = tpu.memref_squeeze %dma_wait3A_405 : memref<1x4096xi32, #tpu.memory_space<vmem_shared>> -> memref<4096xi32, #tpu.memory_space<vmem_shared>>
      %dma_wait3A_407 = arith.constant 0 : i32
      %dma_wait3A_408 = tpu.memref_slice %arg22[%run_scoped3A_65, %dma_wait3A_407] : memref<4x4096xi32, #tpu.memory_space<vmem_shared>> -> memref<1x4096xi32, #tpu.memory_space<vmem_shared>>
      %dma_wait3A_409 = tpu.memref_squeeze %dma_wait3A_408 : memref<1x4096xi32, #tpu.memory_space<vmem_shared>> -> memref<4096xi32, #tpu.memory_space<vmem_shared>>
      tpu.wait_dma2 semaphore(%run_scoped3A_397 : memref<!tpu.dma_semaphore, #tpu.memory_space<semaphore_mem>>) src(%dma_wait3A_409 : memref<4096xi32, #tpu.memory_space<vmem_shared>>) dst(%arg16 : memref<4096xi32, #tpu.memory_space<vmem>>)
      tpu.yield
    }) : () -> ()
    %scan3A_66 = arith.constant 1638 : i32
    %scan3A_67 = arith.constant 0 : i32
    %scan3A_68 = arith.constant 0 : i32
    %scan3A_69 = arith.constant 0 : i32
    %scan3A_70 = arith.constant 0 : i32
    %scan3A_71 = arith.constant 16 : i32
    %scan3A_72 = arith.addi %scan3A_70, %scan3A_71 : i32
    %scan3A_73 = arith.constant 1 : i32
    %scan3A_74:3 = scf.for %scan3A_397 = %scan3A_70 to %scan3A_72 step %scan3A_73 iter_args(%scan3A_398 = %scan3A_67, %scan3A_399 = %scan3A_68, %scan3A_400 = %scan3A_69) -> (i32, i32, i32)  : i32 {
      %mul3A_401 = arith.constant 16 : i32
      %mul3A_402 = arith.muli %scan3A_397, %mul3A_401 : i32
      %get3A_403 = arith.index_cast %mul3A_402 : i32 to index
      %get3A_404 = tpu.vector_load %arg16[%get3A_403] {strides = array<i32>} : memref<4096xi32, #tpu.memory_space<vmem>>, vector<16xi32>,
      %mul3A_405 = arith.constant 16 : i32
      %mul3A_406 = arith.muli %scan3A_397, %mul3A_405 : i32
      %add3A_407 = arith.constant 256 : i32
      %add3A_408 = arith.addi %add3A_407, %mul3A_406 : i32
      %get3A_409 = arith.index_cast %add3A_408 : i32 to index
      %get3A_410 = tpu.vector_load %arg16[%get3A_409] {strides = array<i32>} : memref<4096xi32, #tpu.memory_space<vmem>>, vector<16xi32>,
      %add3A_411 = arith.addi %get3A_404, %get3A_410 : vector<16xi32>
      %mul3A_412 = arith.constant 16 : i32
      %mul3A_413 = arith.muli %scan3A_397, %mul3A_412 : i32
      %add3A_414 = arith.constant 512 : i32
      %add3A_415 = arith.addi %add3A_414, %mul3A_413 : i32
      %get3A_416 = arith.index_cast %add3A_415 : i32 to index
      %get3A_417 = tpu.vector_load %arg16[%get3A_416] {strides = array<i32>} : memref<4096xi32, #tpu.memory_space<vmem>>, vector<16xi32>,
      %add3A_418 = arith.addi %add3A_411, %get3A_417 : vector<16xi32>
      %mul3A_419 = arith.constant 16 : i32
      %mul3A_420 = arith.muli %scan3A_397, %mul3A_419 : i32
      %add3A_421 = arith.constant 768 : i32
      %add3A_422 = arith.addi %add3A_421, %mul3A_420 : i32
      %get3A_423 = arith.index_cast %add3A_422 : i32 to index
      %get3A_424 = tpu.vector_load %arg16[%get3A_423] {strides = array<i32>} : memref<4096xi32, #tpu.memory_space<vmem>>, vector<16xi32>,
      %add3A_425 = arith.addi %add3A_418, %get3A_424 : vector<16xi32>
      %mul3A_426 = arith.constant 16 : i32
      %mul3A_427 = arith.muli %scan3A_397, %mul3A_426 : i32
      %add3A_428 = arith.constant 1024 : i32
      %add3A_429 = arith.addi %add3A_428, %mul3A_427 : i32
      %get3A_430 = arith.index_cast %add3A_429 : i32 to index
      %get3A_431 = tpu.vector_load %arg16[%get3A_430] {strides = array<i32>} : memref<4096xi32, #tpu.memory_space<vmem>>, vector<16xi32>,
      %add3A_432 = arith.addi %add3A_425, %get3A_431 : vector<16xi32>
      %mul3A_433 = arith.constant 16 : i32
      %mul3A_434 = arith.muli %scan3A_397, %mul3A_433 : i32
      %add3A_435 = arith.constant 1280 : i32
      %add3A_436 = arith.addi %add3A_435, %mul3A_434 : i32
      %get3A_437 = arith.index_cast %add3A_436 : i32 to index
      %get3A_438 = tpu.vector_load %arg16[%get3A_437] {strides = array<i32>} : memref<4096xi32, #tpu.memory_space<vmem>>, vector<16xi32>,
      %add3A_439 = arith.addi %add3A_432, %get3A_438 : vector<16xi32>
      %mul3A_440 = arith.constant 16 : i32
      %mul3A_441 = arith.muli %scan3A_397, %mul3A_440 : i32
      %add3A_442 = arith.constant 1536 : i32
      %add3A_443 = arith.addi %add3A_442, %mul3A_441 : i32
      %get3A_444 = arith.index_cast %add3A_443 : i32 to index
      %get3A_445 = tpu.vector_load %arg16[%get3A_444] {strides = array<i32>} : memref<4096xi32, #tpu.memory_space<vmem>>, vector<16xi32>,
      %add3A_446 = arith.addi %add3A_439, %get3A_445 : vector<16xi32>
      %mul3A_447 = arith.constant 16 : i32
      %mul3A_448 = arith.muli %scan3A_397, %mul3A_447 : i32
      %add3A_449 = arith.constant 1792 : i32
      %add3A_450 = arith.addi %add3A_449, %mul3A_448 : i32
      %get3A_451 = arith.index_cast %add3A_450 : i32 to index
      %get3A_452 = tpu.vector_load %arg16[%get3A_451] {strides = array<i32>} : memref<4096xi32, #tpu.memory_space<vmem>>, vector<16xi32>,
      %add3A_453 = arith.addi %add3A_446, %get3A_452 : vector<16xi32>
      %mul3A_454 = arith.constant 16 : i32
      %mul3A_455 = arith.muli %scan3A_397, %mul3A_454 : i32
      %add3A_456 = arith.constant 2048 : i32
      %add3A_457 = arith.addi %add3A_456, %mul3A_455 : i32
      %get3A_458 = arith.index_cast %add3A_457 : i32 to index
      %get3A_459 = tpu.vector_load %arg16[%get3A_458] {strides = array<i32>} : memref<4096xi32, #tpu.memory_space<vmem>>, vector<16xi32>,
      %add3A_460 = arith.addi %add3A_453, %get3A_459 : vector<16xi32>
      %mul3A_461 = arith.constant 16 : i32
      %mul3A_462 = arith.muli %scan3A_397, %mul3A_461 : i32
      %add3A_463 = arith.constant 2304 : i32
      %add3A_464 = arith.addi %add3A_463, %mul3A_462 : i32
      %get3A_465 = arith.index_cast %add3A_464 : i32 to index
      %get3A_466 = tpu.vector_load %arg16[%get3A_465] {strides = array<i32>} : memref<4096xi32, #tpu.memory_space<vmem>>, vector<16xi32>,
      %add3A_467 = arith.addi %add3A_460, %get3A_466 : vector<16xi32>
      %mul3A_468 = arith.constant 16 : i32
      %mul3A_469 = arith.muli %scan3A_397, %mul3A_468 : i32
      %add3A_470 = arith.constant 2560 : i32
      %add3A_471 = arith.addi %add3A_470, %mul3A_469 : i32
      %get3A_472 = arith.index_cast %add3A_471 : i32 to index
      %get3A_473 = tpu.vector_load %arg16[%get3A_472] {strides = array<i32>} : memref<4096xi32, #tpu.memory_space<vmem>>, vector<16xi32>,
      %add3A_474 = arith.addi %add3A_467, %get3A_473 : vector<16xi32>
      %mul3A_475 = arith.constant 16 : i32
      %mul3A_476 = arith.muli %scan3A_397, %mul3A_475 : i32
      %add3A_477 = arith.constant 2816 : i32
      %add3A_478 = arith.addi %add3A_477, %mul3A_476 : i32
      %get3A_479 = arith.index_cast %add3A_478 : i32 to index
      %get3A_480 = tpu.vector_load %arg16[%get3A_479] {strides = array<i32>} : memref<4096xi32, #tpu.memory_space<vmem>>, vector<16xi32>,
      %add3A_481 = arith.addi %add3A_474, %get3A_480 : vector<16xi32>
      %mul3A_482 = arith.constant 16 : i32
      %mul3A_483 = arith.muli %scan3A_397, %mul3A_482 : i32
      %add3A_484 = arith.constant 3072 : i32
      %add3A_485 = arith.addi %add3A_484, %mul3A_483 : i32
      %get3A_486 = arith.index_cast %add3A_485 : i32 to index
      %get3A_487 = tpu.vector_load %arg16[%get3A_486] {strides = array<i32>} : memref<4096xi32, #tpu.memory_space<vmem>>, vector<16xi32>,
      %add3A_488 = arith.addi %add3A_481, %get3A_487 : vector<16xi32>
      %mul3A_489 = arith.constant 16 : i32
      %mul3A_490 = arith.muli %scan3A_397, %mul3A_489 : i32
      %add3A_491 = arith.constant 3328 : i32
      %add3A_492 = arith.addi %add3A_491, %mul3A_490 : i32
      %get3A_493 = arith.index_cast %add3A_492 : i32 to index
      %get3A_494 = tpu.vector_load %arg16[%get3A_493] {strides = array<i32>} : memref<4096xi32, #tpu.memory_space<vmem>>, vector<16xi32>,
      %add3A_495 = arith.addi %add3A_488, %get3A_494 : vector<16xi32>
      %mul3A_496 = arith.constant 16 : i32
      %mul3A_497 = arith.muli %scan3A_397, %mul3A_496 : i32
      %add3A_498 = arith.constant 3584 : i32
      %add3A_499 = arith.addi %add3A_498, %mul3A_497 : i32
      %get3A_500 = arith.index_cast %add3A_499 : i32 to index
      %get3A_501 = tpu.vector_load %arg16[%get3A_500] {strides = array<i32>} : memref<4096xi32, #tpu.memory_space<vmem>>, vector<16xi32>,
      %add3A_502 = arith.addi %add3A_495, %get3A_501 : vector<16xi32>
      %mul3A_503 = arith.constant 16 : i32
      %mul3A_504 = arith.muli %scan3A_397, %mul3A_503 : i32
      %add3A_505 = arith.constant 3840 : i32
      %add3A_506 = arith.addi %add3A_505, %mul3A_504 : i32
      %get3A_507 = arith.index_cast %add3A_506 : i32 to index
      %get3A_508 = tpu.vector_load %arg16[%get3A_507] {strides = array<i32>} : memref<4096xi32, #tpu.memory_space<vmem>>, vector<16xi32>,
      %add3A_509 = arith.addi %add3A_502, %get3A_508 : vector<16xi32>
      %broadcast_in_dim3A_510 = arith.constant true
      %broadcast_in_dim3A_511 = vector.broadcast %broadcast_in_dim3A_510 : i1 to vector<16xi1>
      %masked_cumsum3A = tpu.scan <sum>, %add3A_509 masked %broadcast_in_dim3A_511 : vector<16xi32>, vector<16xi1> -> vector<16xi32>
      %add3A_512 = vector.broadcast %scan3A_398 : i32 to vector<16xi32>
      %add3A_513 = arith.addi %masked_cumsum3A, %add3A_512 : vector<16xi32>
      %lt3A_514 = vector.broadcast %scan3A_66 : i32 to vector<16xi32>
      %lt3A_515 = arith.cmpi slt, %add3A_513, %lt3A_514 : vector<16xi32>
      %jit3A_516 = arith.constant 1 : i32
      %jit3A_517 = arith.constant 0 : i32
      %broadcast_in_dim3A_518 = vector.broadcast %jit3A_516 : i32 to vector<16xi32>
      %broadcast_in_dim3A_519 = vector.broadcast %jit3A_517 : i32 to vector<16xi32>
      %select_n3A_520 = arith.select %lt3A_515, %broadcast_in_dim3A_518, %broadcast_in_dim3A_519 : vector<16xi1>, vector<16xi32>
      %reduce_sum3A_521 = arith.constant true
      %reduce_sum3A_522 = vector.broadcast %reduce_sum3A_521 : i1 to vector<16xi1>
      %reduce_sum3A_523 = tpu.scan <sum>, %select_n3A_520 masked %reduce_sum3A_522 : vector<16xi32>, vector<16xi1> -> vector<16xi32>
      %reduce_sum3A_524 = vector.extract %reduce_sum3A_523[15] : i32 from vector<16xi32>
      %add3A_525 = arith.addi %scan3A_399, %reduce_sum3A_524 : i32
      %jit3A_526 = arith.constant 0 : i32
      %broadcast_in_dim3A_527 = vector.broadcast %jit3A_526 : i32 to vector<16xi32>
      %select_n3A_528 = arith.select %lt3A_515, %add3A_509, %broadcast_in_dim3A_527 : vector<16xi1>, vector<16xi32>
      %reduce_sum3A_529 = arith.constant true
      %reduce_sum3A_530 = vector.broadcast %reduce_sum3A_529 : i1 to vector<16xi1>
      %reduce_sum3A_531 = tpu.scan <sum>, %select_n3A_528 masked %reduce_sum3A_530 : vector<16xi32>, vector<16xi1> -> vector<16xi32>
      %reduce_sum3A_532 = vector.extract %reduce_sum3A_531[15] : i32 from vector<16xi32>
      %add3A_533 = arith.addi %scan3A_400, %reduce_sum3A_532 : i32
      %reduce_sum3A_534 = arith.constant true
      %reduce_sum3A_535 = vector.broadcast %reduce_sum3A_534 : i1 to vector<16xi1>
      %reduce_sum3A_536 = tpu.scan <sum>, %add3A_509 masked %reduce_sum3A_535 : vector<16xi32>, vector<16xi1> -> vector<16xi32>
      %reduce_sum3A_537 = vector.extract %reduce_sum3A_536[15] : i32 from vector<16xi32>
      %add3A_538 = arith.addi %scan3A_398, %reduce_sum3A_537 : i32
      scf.yield %add3A_538, %add3A_525, %add3A_533 : i32, i32, i32
    }
    %scan3A_75 = arith.constant 16 : i32
    %sub3A = arith.constant 1638 : i32
    %sub3A_76 = arith.subi %sub3A, %scan3A_74#2 : i32
    %mul3A_77 = arith.constant 0 : i32
    %mul3A_78 = arith.constant 256 : i32
    %mul3A_79 = arith.muli %mul3A_77, %mul3A_78 : i32
    %add3A = arith.addi %mul3A_79, %scan3A_74#1 : i32
    %scan3A_80 = arith.constant 0 : i32
    %scan3A_81 = arith.constant 0 : i32
    %scan3A_82 = arith.constant 32 : i32
    %scan3A_83 = arith.addi %scan3A_81, %scan3A_82 : i32
    %scan3A_84 = arith.constant 1 : i32
    %scan3A_85 = scf.for %scan3A_397 = %scan3A_81 to %scan3A_83 step %scan3A_84 iter_args(%scan3A_398 = %scan3A_80) -> (i32)  : i32 {
      %mul3A_399 = arith.constant 128 : i32
      %mul3A_400 = arith.muli %scan3A_397, %mul3A_399 : i32
      %add3A_401 = arith.constant 0 : i32
      %add3A_402 = arith.addi %mul3A_400, %add3A_401 : i32
      %swap3A_403 = arith.index_cast %add3A_402 : i32 to index
      %swap3A_404 = tpu.vector_load %arg15[%swap3A_403] {strides = array<i32>} : memref<4096xi32, #tpu.memory_space<vmem>>, vector<16xi32>,
      tpu.vector_store %arg15[%swap3A_403], %broadcast_in_dim3A_23 {strides = array<i32>} : memref<4096xi32, #tpu.memory_space<vmem>>, vector<16xi32>,
      %mul3A_405 = arith.constant 128 : i32
      %mul3A_406 = arith.muli %scan3A_397, %mul3A_405 : i32
      %add3A_407 = arith.constant 16 : i32
      %add3A_408 = arith.addi %mul3A_406, %add3A_407 : i32
      %swap3A_409 = arith.index_cast %add3A_408 : i32 to index
      %swap3A_410 = tpu.vector_load %arg15[%swap3A_409] {strides = array<i32>} : memref<4096xi32, #tpu.memory_space<vmem>>, vector<16xi32>,
      tpu.vector_store %arg15[%swap3A_409], %broadcast_in_dim3A_23 {strides = array<i32>} : memref<4096xi32, #tpu.memory_space<vmem>>, vector<16xi32>,
      %mul3A_411 = arith.constant 128 : i32
      %mul3A_412 = arith.muli %scan3A_397, %mul3A_411 : i32
      %add3A_413 = arith.constant 32 : i32
      %add3A_414 = arith.addi %mul3A_412, %add3A_413 : i32
      %swap3A_415 = arith.index_cast %add3A_414 : i32 to index
      %swap3A_416 = tpu.vector_load %arg15[%swap3A_415] {strides = array<i32>} : memref<4096xi32, #tpu.memory_space<vmem>>, vector<16xi32>,
      tpu.vector_store %arg15[%swap3A_415], %broadcast_in_dim3A_23 {strides = array<i32>} : memref<4096xi32, #tpu.memory_space<vmem>>, vector<16xi32>,
      %mul3A_417 = arith.constant 128 : i32
      %mul3A_418 = arith.muli %scan3A_397, %mul3A_417 : i32
      %add3A_419 = arith.constant 48 : i32
      %add3A_420 = arith.addi %mul3A_418, %add3A_419 : i32
      %swap3A_421 = arith.index_cast %add3A_420 : i32 to index
      %swap3A_422 = tpu.vector_load %arg15[%swap3A_421] {strides = array<i32>} : memref<4096xi32, #tpu.memory_space<vmem>>, vector<16xi32>,
      tpu.vector_store %arg15[%swap3A_421], %broadcast_in_dim3A_23 {strides = array<i32>} : memref<4096xi32, #tpu.memory_space<vmem>>, vector<16xi32>,
      %mul3A_423 = arith.constant 128 : i32
      %mul3A_424 = arith.muli %scan3A_397, %mul3A_423 : i32
      %add3A_425 = arith.constant 64 : i32
      %add3A_426 = arith.addi %mul3A_424, %add3A_425 : i32
      %swap3A_427 = arith.index_cast %add3A_426 : i32 to index
      %swap3A_428 = tpu.vector_load %arg15[%swap3A_427] {strides = array<i32>} : memref<4096xi32, #tpu.memory_space<vmem>>, vector<16xi32>,
      tpu.vector_store %arg15[%swap3A_427], %broadcast_in_dim3A_23 {strides = array<i32>} : memref<4096xi32, #tpu.memory_space<vmem>>, vector<16xi32>,
      %mul3A_429 = arith.constant 128 : i32
      %mul3A_430 = arith.muli %scan3A_397, %mul3A_429 : i32
      %add3A_431 = arith.constant 80 : i32
      %add3A_432 = arith.addi %mul3A_430, %add3A_431 : i32
      %swap3A_433 = arith.index_cast %add3A_432 : i32 to index
      %swap3A_434 = tpu.vector_load %arg15[%swap3A_433] {strides = array<i32>} : memref<4096xi32, #tpu.memory_space<vmem>>, vector<16xi32>,
      tpu.vector_store %arg15[%swap3A_433], %broadcast_in_dim3A_23 {strides = array<i32>} : memref<4096xi32, #tpu.memory_space<vmem>>, vector<16xi32>,
      %mul3A_435 = arith.constant 128 : i32
      %mul3A_436 = arith.muli %scan3A_397, %mul3A_435 : i32
      %add3A_437 = arith.constant 96 : i32
      %add3A_438 = arith.addi %mul3A_436, %add3A_437 : i32
      %swap3A_439 = arith.index_cast %add3A_438 : i32 to index
      %swap3A_440 = tpu.vector_load %arg15[%swap3A_439] {strides = array<i32>} : memref<4096xi32, #tpu.memory_space<vmem>>, vector<16xi32>,
      tpu.vector_store %arg15[%swap3A_439], %broadcast_in_dim3A_23 {strides = array<i32>} : memref<4096xi32, #tpu.memory_space<vmem>>, vector<16xi32>,
      %mul3A_441 = arith.constant 128 : i32
      %mul3A_442 = arith.muli %scan3A_397, %mul3A_441 : i32
      %add3A_443 = arith.constant 112 : i32
      %add3A_444 = arith.addi %mul3A_442, %add3A_443 : i32
      %swap3A_445 = arith.index_cast %add3A_444 : i32 to index
      %swap3A_446 = tpu.vector_load %arg15[%swap3A_445] {strides = array<i32>} : memref<4096xi32, #tpu.memory_space<vmem>>, vector<16xi32>,
      tpu.vector_store %arg15[%swap3A_445], %broadcast_in_dim3A_23 {strides = array<i32>} : memref<4096xi32, #tpu.memory_space<vmem>>, vector<16xi32>,
      %scan3A_447 = arith.constant 0 : i32
      scf.yield %scan3A_447 : i32
    }
    %scan3A_86 = arith.constant 32 : i32
    %scan3A_87 = arith.constant 0 : i32
    %scan3A_88 = arith.constant 16 : i32
    %scan3A_89 = arith.addi %scan3A_87, %scan3A_88 : i32
    %scan3A_90 = arith.constant 1 : i32
    scf.for %scan3A_397 = %scan3A_87 to %scan3A_89 step %scan3A_90  : i32 {
      %mul3A_398 = arith.constant 64 : i32
      %mul3A_399 = arith.muli %scan3A_397, %mul3A_398 : i32
      %add3A_400 = arith.constant 0 : i32
      %add3A_401 = arith.addi %mul3A_399, %add3A_400 : i32
      %get3A_402 = arith.index_cast %add3A_401 : i32 to index
      %get3A_403 = tpu.vector_load %arg14[%get3A_402] {strides = array<i32>} : memref<1024xi32, #tpu.memory_space<vmem>>, vector<16xi32>,
      %shift_right_logical3A = arith.constant 24 : i32
      %shift_right_logical3A_404 = vector.broadcast %shift_right_logical3A : i32 to vector<16xi32>
      %shift_right_logical3A_405 = arith.shrui %get3A_403, %shift_right_logical3A_404 : vector<16xi32>
      %eq3A_406 = vector.broadcast %add3A : i32 to vector<16xi32>
      %eq3A_407 = arith.cmpi eq, %shift_right_logical3A_405, %eq3A_406 : vector<16xi32>
      %shift_right_logical3A_408 = arith.constant 16 : i32
      %shift_right_logical3A_409 = vector.broadcast %shift_right_logical3A_408 : i32 to vector<16xi32>
      %shift_right_logical3A_410 = arith.shrui %get3A_403, %shift_right_logical3A_409 : vector<16xi32>
      %and3A = arith.constant 255 : i32
      %and3A_411 = vector.broadcast %and3A : i32 to vector<16xi32>
      %and3A_412 = arith.andi %shift_right_logical3A_410, %and3A_411 : vector<16xi32>
      %mul3A_413 = arith.constant 256 : i32
      %mul3A_414 = vector.broadcast %mul3A_413 : i32 to vector<16xi32>
      %mul3A_415 = arith.muli %iota3A, %mul3A_414 : vector<16xi32>
      %add3A_416 = arith.addi %mul3A_415, %and3A_412 : vector<16xi32>
      tpu.vector_store_idx %arg15[%add3A_416], %broadcast_in_dim3A_25 masked %eq3A_407 {add = true} : memref<4096xi32, #tpu.memory_space<vmem>>[vector<16xi32>], vector<16xi32>, vector<16xi1>
      %mul3A_417 = arith.constant 64 : i32
      %mul3A_418 = arith.muli %scan3A_397, %mul3A_417 : i32
      %add3A_419 = arith.constant 16 : i32
      %add3A_420 = arith.addi %mul3A_418, %add3A_419 : i32
      %get3A_421 = arith.index_cast %add3A_420 : i32 to index
      %get3A_422 = tpu.vector_load %arg14[%get3A_421] {strides = array<i32>} : memref<1024xi32, #tpu.memory_space<vmem>>, vector<16xi32>,
      %shift_right_logical3A_423 = arith.constant 24 : i32
      %shift_right_logical3A_424 = vector.broadcast %shift_right_logical3A_423 : i32 to vector<16xi32>
      %shift_right_logical3A_425 = arith.shrui %get3A_422, %shift_right_logical3A_424 : vector<16xi32>
      %eq3A_426 = vector.broadcast %add3A : i32 to vector<16xi32>
      %eq3A_427 = arith.cmpi eq, %shift_right_logical3A_425, %eq3A_426 : vector<16xi32>
      %shift_right_logical3A_428 = arith.constant 16 : i32
      %shift_right_logical3A_429 = vector.broadcast %shift_right_logical3A_428 : i32 to vector<16xi32>
      %shift_right_logical3A_430 = arith.shrui %get3A_422, %shift_right_logical3A_429 : vector<16xi32>
      %and3A_431 = arith.constant 255 : i32
      %and3A_432 = vector.broadcast %and3A_431 : i32 to vector<16xi32>
      %and3A_433 = arith.andi %shift_right_logical3A_430, %and3A_432 : vector<16xi32>
      %mul3A_434 = arith.constant 256 : i32
      %mul3A_435 = vector.broadcast %mul3A_434 : i32 to vector<16xi32>
      %mul3A_436 = arith.muli %iota3A, %mul3A_435 : vector<16xi32>
      %add3A_437 = arith.addi %mul3A_436, %and3A_433 : vector<16xi32>
      tpu.vector_store_idx %arg15[%add3A_437], %broadcast_in_dim3A_25 masked %eq3A_427 {add = true} : memref<4096xi32, #tpu.memory_space<vmem>>[vector<16xi32>], vector<16xi32>, vector<16xi1>
      %mul3A_438 = arith.constant 64 : i32
      %mul3A_439 = arith.muli %scan3A_397, %mul3A_438 : i32
      %add3A_440 = arith.constant 32 : i32
      %add3A_441 = arith.addi %mul3A_439, %add3A_440 : i32
      %get3A_442 = arith.index_cast %add3A_441 : i32 to index
      %get3A_443 = tpu.vector_load %arg14[%get3A_442] {strides = array<i32>} : memref<1024xi32, #tpu.memory_space<vmem>>, vector<16xi32>,
      %shift_right_logical3A_444 = arith.constant 24 : i32
      %shift_right_logical3A_445 = vector.broadcast %shift_right_logical3A_444 : i32 to vector<16xi32>
      %shift_right_logical3A_446 = arith.shrui %get3A_443, %shift_right_logical3A_445 : vector<16xi32>
      %eq3A_447 = vector.broadcast %add3A : i32 to vector<16xi32>
      %eq3A_448 = arith.cmpi eq, %shift_right_logical3A_446, %eq3A_447 : vector<16xi32>
      %shift_right_logical3A_449 = arith.constant 16 : i32
      %shift_right_logical3A_450 = vector.broadcast %shift_right_logical3A_449 : i32 to vector<16xi32>
      %shift_right_logical3A_451 = arith.shrui %get3A_443, %shift_right_logical3A_450 : vector<16xi32>
      %and3A_452 = arith.constant 255 : i32
      %and3A_453 = vector.broadcast %and3A_452 : i32 to vector<16xi32>
      %and3A_454 = arith.andi %shift_right_logical3A_451, %and3A_453 : vector<16xi32>
      %mul3A_455 = arith.constant 256 : i32
      %mul3A_456 = vector.broadcast %mul3A_455 : i32 to vector<16xi32>
      %mul3A_457 = arith.muli %iota3A, %mul3A_456 : vector<16xi32>
      %add3A_458 = arith.addi %mul3A_457, %and3A_454 : vector<16xi32>
      tpu.vector_store_idx %arg15[%add3A_458], %broadcast_in_dim3A_25 masked %eq3A_448 {add = true} : memref<4096xi32, #tpu.memory_space<vmem>>[vector<16xi32>], vector<16xi32>, vector<16xi1>
      %mul3A_459 = arith.constant 64 : i32
      %mul3A_460 = arith.muli %scan3A_397, %mul3A_459 : i32
      %add3A_461 = arith.constant 48 : i32
      %add3A_462 = arith.addi %mul3A_460, %add3A_461 : i32
      %get3A_463 = arith.index_cast %add3A_462 : i32 to index
      %get3A_464 = tpu.vector_load %arg14[%get3A_463] {strides = array<i32>} : memref<1024xi32, #tpu.memory_space<vmem>>, vector<16xi32>,
      %shift_right_logical3A_465 = arith.constant 24 : i32
      %shift_right_logical3A_466 = vector.broadcast %shift_right_logical3A_465 : i32 to vector<16xi32>
      %shift_right_logical3A_467 = arith.shrui %get3A_464, %shift_right_logical3A_466 : vector<16xi32>
      %eq3A_468 = vector.broadcast %add3A : i32 to vector<16xi32>
      %eq3A_469 = arith.cmpi eq, %shift_right_logical3A_467, %eq3A_468 : vector<16xi32>
      %shift_right_logical3A_470 = arith.constant 16 : i32
      %shift_right_logical3A_471 = vector.broadcast %shift_right_logical3A_470 : i32 to vector<16xi32>
      %shift_right_logical3A_472 = arith.shrui %get3A_464, %shift_right_logical3A_471 : vector<16xi32>
      %and3A_473 = arith.constant 255 : i32
      %and3A_474 = vector.broadcast %and3A_473 : i32 to vector<16xi32>
      %and3A_475 = arith.andi %shift_right_logical3A_472, %and3A_474 : vector<16xi32>
      %mul3A_476 = arith.constant 256 : i32
      %mul3A_477 = vector.broadcast %mul3A_476 : i32 to vector<16xi32>
      %mul3A_478 = arith.muli %iota3A, %mul3A_477 : vector<16xi32>
      %add3A_479 = arith.addi %mul3A_478, %and3A_475 : vector<16xi32>
      tpu.vector_store_idx %arg15[%add3A_479], %broadcast_in_dim3A_25 masked %eq3A_469 {add = true} : memref<4096xi32, #tpu.memory_space<vmem>>[vector<16xi32>], vector<16xi32>, vector<16xi1>
    }
    %scan3A_91 = arith.constant 16 : i32
    %scan3A_92 = arith.constant 0 : i32
    %scan3A_93 = arith.constant 0 : i32
    %scan3A_94 = arith.constant 16 : i32
    %scan3A_95 = arith.addi %scan3A_93, %scan3A_94 : i32
    %scan3A_96 = arith.constant 1 : i32
    %scan3A_97 = scf.for %scan3A_397 = %scan3A_93 to %scan3A_95 step %scan3A_96 iter_args(%scan3A_398 = %scan3A_92) -> (i32)  : i32 {
      %mul3A_399 = arith.constant 16 : i32
      %mul3A_400 = arith.muli %scan3A_397, %mul3A_399 : i32
      %get3A_401 = arith.index_cast %mul3A_400 : i32 to index
      %get3A_402 = tpu.vector_load %arg15[%get3A_401] {strides = array<i32>} : memref<4096xi32, #tpu.memory_space<vmem>>, vector<16xi32>,
      %mul3A_403 = arith.constant 16 : i32
      %mul3A_404 = arith.muli %scan3A_397, %mul3A_403 : i32
      %add3A_405 = arith.constant 256 : i32
      %add3A_406 = arith.addi %add3A_405, %mul3A_404 : i32
      %get3A_407 = arith.index_cast %add3A_406 : i32 to index
      %get3A_408 = tpu.vector_load %arg15[%get3A_407] {strides = array<i32>} : memref<4096xi32, #tpu.memory_space<vmem>>, vector<16xi32>,
      %add3A_409 = arith.addi %get3A_402, %get3A_408 : vector<16xi32>
      %mul3A_410 = arith.constant 16 : i32
      %mul3A_411 = arith.muli %scan3A_397, %mul3A_410 : i32
      %add3A_412 = arith.constant 512 : i32
      %add3A_413 = arith.addi %add3A_412, %mul3A_411 : i32
      %get3A_414 = arith.index_cast %add3A_413 : i32 to index
      %get3A_415 = tpu.vector_load %arg15[%get3A_414] {strides = array<i32>} : memref<4096xi32, #tpu.memory_space<vmem>>, vector<16xi32>,
      %add3A_416 = arith.addi %add3A_409, %get3A_415 : vector<16xi32>
      %mul3A_417 = arith.constant 16 : i32
      %mul3A_418 = arith.muli %scan3A_397, %mul3A_417 : i32
      %add3A_419 = arith.constant 768 : i32
      %add3A_420 = arith.addi %add3A_419, %mul3A_418 : i32
      %get3A_421 = arith.index_cast %add3A_420 : i32 to index
      %get3A_422 = tpu.vector_load %arg15[%get3A_421] {strides = array<i32>} : memref<4096xi32, #tpu.memory_space<vmem>>, vector<16xi32>,
      %add3A_423 = arith.addi %add3A_416, %get3A_422 : vector<16xi32>
      %mul3A_424 = arith.constant 16 : i32
      %mul3A_425 = arith.muli %scan3A_397, %mul3A_424 : i32
      %add3A_426 = arith.constant 1024 : i32
      %add3A_427 = arith.addi %add3A_426, %mul3A_425 : i32
      %get3A_428 = arith.index_cast %add3A_427 : i32 to index
      %get3A_429 = tpu.vector_load %arg15[%get3A_428] {strides = array<i32>} : memref<4096xi32, #tpu.memory_space<vmem>>, vector<16xi32>,
      %add3A_430 = arith.addi %add3A_423, %get3A_429 : vector<16xi32>
      %mul3A_431 = arith.constant 16 : i32
      %mul3A_432 = arith.muli %scan3A_397, %mul3A_431 : i32
      %add3A_433 = arith.constant 1280 : i32
      %add3A_434 = arith.addi %add3A_433, %mul3A_432 : i32
      %get3A_435 = arith.index_cast %add3A_434 : i32 to index
      %get3A_436 = tpu.vector_load %arg15[%get3A_435] {strides = array<i32>} : memref<4096xi32, #tpu.memory_space<vmem>>, vector<16xi32>,
      %add3A_437 = arith.addi %add3A_430, %get3A_436 : vector<16xi32>
      %mul3A_438 = arith.constant 16 : i32
      %mul3A_439 = arith.muli %scan3A_397, %mul3A_438 : i32
      %add3A_440 = arith.constant 1536 : i32
      %add3A_441 = arith.addi %add3A_440, %mul3A_439 : i32
      %get3A_442 = arith.index_cast %add3A_441 : i32 to index
      %get3A_443 = tpu.vector_load %arg15[%get3A_442] {strides = array<i32>} : memref<4096xi32, #tpu.memory_space<vmem>>, vector<16xi32>,
      %add3A_444 = arith.addi %add3A_437, %get3A_443 : vector<16xi32>
      %mul3A_445 = arith.constant 16 : i32
      %mul3A_446 = arith.muli %scan3A_397, %mul3A_445 : i32
      %add3A_447 = arith.constant 1792 : i32
      %add3A_448 = arith.addi %add3A_447, %mul3A_446 : i32
      %get3A_449 = arith.index_cast %add3A_448 : i32 to index
      %get3A_450 = tpu.vector_load %arg15[%get3A_449] {strides = array<i32>} : memref<4096xi32, #tpu.memory_space<vmem>>, vector<16xi32>,
      %add3A_451 = arith.addi %add3A_444, %get3A_450 : vector<16xi32>
      %mul3A_452 = arith.constant 16 : i32
      %mul3A_453 = arith.muli %scan3A_397, %mul3A_452 : i32
      %add3A_454 = arith.constant 2048 : i32
      %add3A_455 = arith.addi %add3A_454, %mul3A_453 : i32
      %get3A_456 = arith.index_cast %add3A_455 : i32 to index
      %get3A_457 = tpu.vector_load %arg15[%get3A_456] {strides = array<i32>} : memref<4096xi32, #tpu.memory_space<vmem>>, vector<16xi32>,
      %add3A_458 = arith.addi %add3A_451, %get3A_457 : vector<16xi32>
      %mul3A_459 = arith.constant 16 : i32
      %mul3A_460 = arith.muli %scan3A_397, %mul3A_459 : i32
      %add3A_461 = arith.constant 2304 : i32
      %add3A_462 = arith.addi %add3A_461, %mul3A_460 : i32
      %get3A_463 = arith.index_cast %add3A_462 : i32 to index
      %get3A_464 = tpu.vector_load %arg15[%get3A_463] {strides = array<i32>} : memref<4096xi32, #tpu.memory_space<vmem>>, vector<16xi32>,
      %add3A_465 = arith.addi %add3A_458, %get3A_464 : vector<16xi32>
      %mul3A_466 = arith.constant 16 : i32
      %mul3A_467 = arith.muli %scan3A_397, %mul3A_466 : i32
      %add3A_468 = arith.constant 2560 : i32
      %add3A_469 = arith.addi %add3A_468, %mul3A_467 : i32
      %get3A_470 = arith.index_cast %add3A_469 : i32 to index
      %get3A_471 = tpu.vector_load %arg15[%get3A_470] {strides = array<i32>} : memref<4096xi32, #tpu.memory_space<vmem>>, vector<16xi32>,
      %add3A_472 = arith.addi %add3A_465, %get3A_471 : vector<16xi32>
      %mul3A_473 = arith.constant 16 : i32
      %mul3A_474 = arith.muli %scan3A_397, %mul3A_473 : i32
      %add3A_475 = arith.constant 2816 : i32
      %add3A_476 = arith.addi %add3A_475, %mul3A_474 : i32
      %get3A_477 = arith.index_cast %add3A_476 : i32 to index
      %get3A_478 = tpu.vector_load %arg15[%get3A_477] {strides = array<i32>} : memref<4096xi32, #tpu.memory_space<vmem>>, vector<16xi32>,
      %add3A_479 = arith.addi %add3A_472, %get3A_478 : vector<16xi32>
      %mul3A_480 = arith.constant 16 : i32
      %mul3A_481 = arith.muli %scan3A_397, %mul3A_480 : i32
      %add3A_482 = arith.constant 3072 : i32
      %add3A_483 = arith.addi %add3A_482, %mul3A_481 : i32
      %get3A_484 = arith.index_cast %add3A_483 : i32 to index
      %get3A_485 = tpu.vector_load %arg15[%get3A_484] {strides = array<i32>} : memref<4096xi32, #tpu.memory_space<vmem>>, vector<16xi32>,
      %add3A_486 = arith.addi %add3A_479, %get3A_485 : vector<16xi32>
      %mul3A_487 = arith.constant 16 : i32
      %mul3A_488 = arith.muli %scan3A_397, %mul3A_487 : i32
      %add3A_489 = arith.constant 3328 : i32
      %add3A_490 = arith.addi %add3A_489, %mul3A_488 : i32
      %get3A_491 = arith.index_cast %add3A_490 : i32 to index
      %get3A_492 = tpu.vector_load %arg15[%get3A_491] {strides = array<i32>} : memref<4096xi32, #tpu.memory_space<vmem>>, vector<16xi32>,
      %add3A_493 = arith.addi %add3A_486, %get3A_492 : vector<16xi32>
      %mul3A_494 = arith.constant 16 : i32
      %mul3A_495 = arith.muli %scan3A_397, %mul3A_494 : i32
      %add3A_496 = arith.constant 3584 : i32
      %add3A_497 = arith.addi %add3A_496, %mul3A_495 : i32
      %get3A_498 = arith.index_cast %add3A_497 : i32 to index
      %get3A_499 = tpu.vector_load %arg15[%get3A_498] {strides = array<i32>} : memref<4096xi32, #tpu.memory_space<vmem>>, vector<16xi32>,
      %add3A_500 = arith.addi %add3A_493, %get3A_499 : vector<16xi32>
      %mul3A_501 = arith.constant 16 : i32
      %mul3A_502 = arith.muli %scan3A_397, %mul3A_501 : i32
      %add3A_503 = arith.constant 3840 : i32
      %add3A_504 = arith.addi %add3A_503, %mul3A_502 : i32
      %get3A_505 = arith.index_cast %add3A_504 : i32 to index
      %get3A_506 = tpu.vector_load %arg15[%get3A_505] {strides = array<i32>} : memref<4096xi32, #tpu.memory_space<vmem>>, vector<16xi32>,
      %add3A_507 = arith.addi %add3A_500, %get3A_506 : vector<16xi32>
      %mul3A_508 = arith.constant 16 : i32
      %mul3A_509 = arith.muli %scan3A_397, %mul3A_508 : i32
      %swap3A_510 = arith.index_cast %mul3A_509 : i32 to index
      %swap3A_511 = tpu.vector_load %arg17[%swap3A_510] {strides = array<i32>} : memref<256xi32, #tpu.memory_space<vmem>>, vector<16xi32>,
      tpu.vector_store %arg17[%swap3A_510], %add3A_507 {strides = array<i32>} : memref<256xi32, #tpu.memory_space<vmem>>, vector<16xi32>,
      %scan3A_512 = arith.constant 0 : i32
      scf.yield %scan3A_512 : i32
    }
    %scan3A_98 = arith.constant 16 : i32
    %mul3A_99 = arith.constant 256 : i32
    %mul3A_100 = arith.muli %arg1, %mul3A_99 : i32
    %run_scoped3A_101 = arith.constant 1 : i32
    "tpu.region"() ({
      %run_scoped3A_397 = tpu.sem_alloc : memref<!tpu.dma_semaphore, #tpu.memory_space<semaphore_mem>>
      %dma_start3A_398 = tpu.memref_slice %arg22[%run_scoped3A_101, %mul3A_100] : memref<4x4096xi32, #tpu.memory_space<vmem_shared>> -> memref<1x256xi32, #tpu.memory_space<vmem_shared>>
      %dma_start3A_399 = tpu.memref_squeeze %dma_start3A_398 : memref<1x256xi32, #tpu.memory_space<vmem_shared>> -> memref<256xi32, #tpu.memory_space<vmem_shared>>
      %dma_start3A_400 = tpu.memref_slice %arg22[%run_scoped3A_101, %mul3A_100] : memref<4x4096xi32, #tpu.memory_space<vmem_shared>> -> memref<1x256xi32, #tpu.memory_space<vmem_shared>>
      %dma_start3A_401 = tpu.memref_squeeze %dma_start3A_400 : memref<1x256xi32, #tpu.memory_space<vmem_shared>> -> memref<256xi32, #tpu.memory_space<vmem_shared>>
      tpu.enqueue_dma source(%arg17 : memref<256xi32, #tpu.memory_space<vmem>>) target(%dma_start3A_401 : memref<256xi32, #tpu.memory_space<vmem_shared>>) target_semaphore(%run_scoped3A_397 : memref<!tpu.dma_semaphore, #tpu.memory_space<semaphore_mem>>)
      %dma_wait3A_402 = tpu.memref_slice %arg22[%run_scoped3A_101, %mul3A_100] : memref<4x4096xi32, #tpu.memory_space<vmem_shared>> -> memref<1x256xi32, #tpu.memory_space<vmem_shared>>
      %dma_wait3A_403 = tpu.memref_squeeze %dma_wait3A_402 : memref<1x256xi32, #tpu.memory_space<vmem_shared>> -> memref<256xi32, #tpu.memory_space<vmem_shared>>
      %dma_wait3A_404 = tpu.memref_slice %arg22[%run_scoped3A_101, %mul3A_100] : memref<4x4096xi32, #tpu.memory_space<vmem_shared>> -> memref<1x256xi32, #tpu.memory_space<vmem_shared>>
      %dma_wait3A_405 = tpu.memref_squeeze %dma_wait3A_404 : memref<1x256xi32, #tpu.memory_space<vmem_shared>> -> memref<256xi32, #tpu.memory_space<vmem_shared>>
      tpu.wait_dma2 semaphore(%run_scoped3A_397 : memref<!tpu.dma_semaphore, #tpu.memory_space<semaphore_mem>>) src(%arg17 : memref<256xi32, #tpu.memory_space<vmem>>) dst(%dma_wait3A_405 : memref<256xi32, #tpu.memory_space<vmem_shared>>)
      tpu.yield
    }) : () -> ()
    %barrier3A_102 = arith.constant 0 : index
    tpu.barrier barrier_id(%barrier3A_102)
    %run_scoped3A_103 = arith.constant 1 : i32
    "tpu.region"() ({
      %run_scoped3A_397 = tpu.sem_alloc : memref<!tpu.dma_semaphore, #tpu.memory_space<semaphore_mem>>
      %dma_start3A_398 = arith.constant 0 : i32
      %dma_start3A_399 = tpu.memref_slice %arg22[%run_scoped3A_103, %dma_start3A_398] : memref<4x4096xi32, #tpu.memory_space<vmem_shared>> -> memref<1x4096xi32, #tpu.memory_space<vmem_shared>>
      %dma_start3A_400 = tpu.memref_squeeze %dma_start3A_399 : memref<1x4096xi32, #tpu.memory_space<vmem_shared>> -> memref<4096xi32, #tpu.memory_space<vmem_shared>>
      %dma_start3A_401 = arith.constant 0 : i32
      %dma_start3A_402 = tpu.memref_slice %arg22[%run_scoped3A_103, %dma_start3A_401] : memref<4x4096xi32, #tpu.memory_space<vmem_shared>> -> memref<1x4096xi32, #tpu.memory_space<vmem_shared>>
      %dma_start3A_403 = tpu.memref_squeeze %dma_start3A_402 : memref<1x4096xi32, #tpu.memory_space<vmem_shared>> -> memref<4096xi32, #tpu.memory_space<vmem_shared>>
      tpu.enqueue_dma source(%dma_start3A_403 : memref<4096xi32, #tpu.memory_space<vmem_shared>>) target(%arg16 : memref<4096xi32, #tpu.memory_space<vmem>>) target_semaphore(%run_scoped3A_397 : memref<!tpu.dma_semaphore, #tpu.memory_space<semaphore_mem>>)
      %dma_wait3A_404 = arith.constant 0 : i32
      %dma_wait3A_405 = tpu.memref_slice %arg22[%run_scoped3A_103, %dma_wait3A_404] : memref<4x4096xi32, #tpu.memory_space<vmem_shared>> -> memref<1x4096xi32, #tpu.memory_space<vmem_shared>>
      %dma_wait3A_406 = tpu.memref_squeeze %dma_wait3A_405 : memref<1x4096xi32, #tpu.memory_space<vmem_shared>> -> memref<4096xi32, #tpu.memory_space<vmem_shared>>
      %dma_wait3A_407 = arith.constant 0 : i32
      %dma_wait3A_408 = tpu.memref_slice %arg22[%run_scoped3A_103, %dma_wait3A_407] : memref<4x4096xi32, #tpu.memory_space<vmem_shared>> -> memref<1x4096xi32, #tpu.memory_space<vmem_shared>>
      %dma_wait3A_409 = tpu.memref_squeeze %dma_wait3A_408 : memref<1x4096xi32, #tpu.memory_space<vmem_shared>> -> memref<4096xi32, #tpu.memory_space<vmem_shared>>
      tpu.wait_dma2 semaphore(%run_scoped3A_397 : memref<!tpu.dma_semaphore, #tpu.memory_space<semaphore_mem>>) src(%dma_wait3A_409 : memref<4096xi32, #tpu.memory_space<vmem_shared>>) dst(%arg16 : memref<4096xi32, #tpu.memory_space<vmem>>)
      tpu.yield
    }) : () -> ()
    %scan3A_104 = arith.constant 0 : i32
    %scan3A_105 = arith.constant 0 : i32
    %scan3A_106 = arith.constant 0 : i32
    %scan3A_107 = arith.constant 0 : i32
    %scan3A_108 = arith.constant 16 : i32
    %scan3A_109 = arith.addi %scan3A_107, %scan3A_108 : i32
    %scan3A_110 = arith.constant 1 : i32
    %scan3A_111:3 = scf.for %scan3A_397 = %scan3A_107 to %scan3A_109 step %scan3A_110 iter_args(%scan3A_398 = %scan3A_104, %scan3A_399 = %scan3A_105, %scan3A_400 = %scan3A_106) -> (i32, i32, i32)  : i32 {
      %mul3A_401 = arith.constant 16 : i32
      %mul3A_402 = arith.muli %scan3A_397, %mul3A_401 : i32
      %get3A_403 = arith.index_cast %mul3A_402 : i32 to index
      %get3A_404 = tpu.vector_load %arg16[%get3A_403] {strides = array<i32>} : memref<4096xi32, #tpu.memory_space<vmem>>, vector<16xi32>,
      %mul3A_405 = arith.constant 16 : i32
      %mul3A_406 = arith.muli %scan3A_397, %mul3A_405 : i32
      %add3A_407 = arith.constant 256 : i32
      %add3A_408 = arith.addi %add3A_407, %mul3A_406 : i32
      %get3A_409 = arith.index_cast %add3A_408 : i32 to index
      %get3A_410 = tpu.vector_load %arg16[%get3A_409] {strides = array<i32>} : memref<4096xi32, #tpu.memory_space<vmem>>, vector<16xi32>,
      %add3A_411 = arith.addi %get3A_404, %get3A_410 : vector<16xi32>
      %mul3A_412 = arith.constant 16 : i32
      %mul3A_413 = arith.muli %scan3A_397, %mul3A_412 : i32
      %add3A_414 = arith.constant 512 : i32
      %add3A_415 = arith.addi %add3A_414, %mul3A_413 : i32
      %get3A_416 = arith.index_cast %add3A_415 : i32 to index
      %get3A_417 = tpu.vector_load %arg16[%get3A_416] {strides = array<i32>} : memref<4096xi32, #tpu.memory_space<vmem>>, vector<16xi32>,
      %add3A_418 = arith.addi %add3A_411, %get3A_417 : vector<16xi32>
      %mul3A_419 = arith.constant 16 : i32
      %mul3A_420 = arith.muli %scan3A_397, %mul3A_419 : i32
      %add3A_421 = arith.constant 768 : i32
      %add3A_422 = arith.addi %add3A_421, %mul3A_420 : i32
      %get3A_423 = arith.index_cast %add3A_422 : i32 to index
      %get3A_424 = tpu.vector_load %arg16[%get3A_423] {strides = array<i32>} : memref<4096xi32, #tpu.memory_space<vmem>>, vector<16xi32>,
      %add3A_425 = arith.addi %add3A_418, %get3A_424 : vector<16xi32>
      %mul3A_426 = arith.constant 16 : i32
      %mul3A_427 = arith.muli %scan3A_397, %mul3A_426 : i32
      %add3A_428 = arith.constant 1024 : i32
      %add3A_429 = arith.addi %add3A_428, %mul3A_427 : i32
      %get3A_430 = arith.index_cast %add3A_429 : i32 to index
      %get3A_431 = tpu.vector_load %arg16[%get3A_430] {strides = array<i32>} : memref<4096xi32, #tpu.memory_space<vmem>>, vector<16xi32>,
      %add3A_432 = arith.addi %add3A_425, %get3A_431 : vector<16xi32>
      %mul3A_433 = arith.constant 16 : i32
      %mul3A_434 = arith.muli %scan3A_397, %mul3A_433 : i32
      %add3A_435 = arith.constant 1280 : i32
      %add3A_436 = arith.addi %add3A_435, %mul3A_434 : i32
      %get3A_437 = arith.index_cast %add3A_436 : i32 to index
      %get3A_438 = tpu.vector_load %arg16[%get3A_437] {strides = array<i32>} : memref<4096xi32, #tpu.memory_space<vmem>>, vector<16xi32>,
      %add3A_439 = arith.addi %add3A_432, %get3A_438 : vector<16xi32>
      %mul3A_440 = arith.constant 16 : i32
      %mul3A_441 = arith.muli %scan3A_397, %mul3A_440 : i32
      %add3A_442 = arith.constant 1536 : i32
      %add3A_443 = arith.addi %add3A_442, %mul3A_441 : i32
      %get3A_444 = arith.index_cast %add3A_443 : i32 to index
      %get3A_445 = tpu.vector_load %arg16[%get3A_444] {strides = array<i32>} : memref<4096xi32, #tpu.memory_space<vmem>>, vector<16xi32>,
      %add3A_446 = arith.addi %add3A_439, %get3A_445 : vector<16xi32>
      %mul3A_447 = arith.constant 16 : i32
      %mul3A_448 = arith.muli %scan3A_397, %mul3A_447 : i32
      %add3A_449 = arith.constant 1792 : i32
      %add3A_450 = arith.addi %add3A_449, %mul3A_448 : i32
      %get3A_451 = arith.index_cast %add3A_450 : i32 to index
      %get3A_452 = tpu.vector_load %arg16[%get3A_451] {strides = array<i32>} : memref<4096xi32, #tpu.memory_space<vmem>>, vector<16xi32>,
      %add3A_453 = arith.addi %add3A_446, %get3A_452 : vector<16xi32>
      %mul3A_454 = arith.constant 16 : i32
      %mul3A_455 = arith.muli %scan3A_397, %mul3A_454 : i32
      %add3A_456 = arith.constant 2048 : i32
      %add3A_457 = arith.addi %add3A_456, %mul3A_455 : i32
      %get3A_458 = arith.index_cast %add3A_457 : i32 to index
      %get3A_459 = tpu.vector_load %arg16[%get3A_458] {strides = array<i32>} : memref<4096xi32, #tpu.memory_space<vmem>>, vector<16xi32>,
      %add3A_460 = arith.addi %add3A_453, %get3A_459 : vector<16xi32>
      %mul3A_461 = arith.constant 16 : i32
      %mul3A_462 = arith.muli %scan3A_397, %mul3A_461 : i32
      %add3A_463 = arith.constant 2304 : i32
      %add3A_464 = arith.addi %add3A_463, %mul3A_462 : i32
      %get3A_465 = arith.index_cast %add3A_464 : i32 to index
      %get3A_466 = tpu.vector_load %arg16[%get3A_465] {strides = array<i32>} : memref<4096xi32, #tpu.memory_space<vmem>>, vector<16xi32>,
      %add3A_467 = arith.addi %add3A_460, %get3A_466 : vector<16xi32>
      %mul3A_468 = arith.constant 16 : i32
      %mul3A_469 = arith.muli %scan3A_397, %mul3A_468 : i32
      %add3A_470 = arith.constant 2560 : i32
      %add3A_471 = arith.addi %add3A_470, %mul3A_469 : i32
      %get3A_472 = arith.index_cast %add3A_471 : i32 to index
      %get3A_473 = tpu.vector_load %arg16[%get3A_472] {strides = array<i32>} : memref<4096xi32, #tpu.memory_space<vmem>>, vector<16xi32>,
      %add3A_474 = arith.addi %add3A_467, %get3A_473 : vector<16xi32>
      %mul3A_475 = arith.constant 16 : i32
      %mul3A_476 = arith.muli %scan3A_397, %mul3A_475 : i32
      %add3A_477 = arith.constant 2816 : i32
      %add3A_478 = arith.addi %add3A_477, %mul3A_476 : i32
      %get3A_479 = arith.index_cast %add3A_478 : i32 to index
      %get3A_480 = tpu.vector_load %arg16[%get3A_479] {strides = array<i32>} : memref<4096xi32, #tpu.memory_space<vmem>>, vector<16xi32>,
      %add3A_481 = arith.addi %add3A_474, %get3A_480 : vector<16xi32>
      %mul3A_482 = arith.constant 16 : i32
      %mul3A_483 = arith.muli %scan3A_397, %mul3A_482 : i32
      %add3A_484 = arith.constant 3072 : i32
      %add3A_485 = arith.addi %add3A_484, %mul3A_483 : i32
      %get3A_486 = arith.index_cast %add3A_485 : i32 to index
      %get3A_487 = tpu.vector_load %arg16[%get3A_486] {strides = array<i32>} : memref<4096xi32, #tpu.memory_space<vmem>>, vector<16xi32>,
      %add3A_488 = arith.addi %add3A_481, %get3A_487 : vector<16xi32>
      %mul3A_489 = arith.constant 16 : i32
      %mul3A_490 = arith.muli %scan3A_397, %mul3A_489 : i32
      %add3A_491 = arith.constant 3328 : i32
      %add3A_492 = arith.addi %add3A_491, %mul3A_490 : i32
      %get3A_493 = arith.index_cast %add3A_492 : i32 to index
      %get3A_494 = tpu.vector_load %arg16[%get3A_493] {strides = array<i32>} : memref<4096xi32, #tpu.memory_space<vmem>>, vector<16xi32>,
      %add3A_495 = arith.addi %add3A_488, %get3A_494 : vector<16xi32>
      %mul3A_496 = arith.constant 16 : i32
      %mul3A_497 = arith.muli %scan3A_397, %mul3A_496 : i32
      %add3A_498 = arith.constant 3584 : i32
      %add3A_499 = arith.addi %add3A_498, %mul3A_497 : i32
      %get3A_500 = arith.index_cast %add3A_499 : i32 to index
      %get3A_501 = tpu.vector_load %arg16[%get3A_500] {strides = array<i32>} : memref<4096xi32, #tpu.memory_space<vmem>>, vector<16xi32>,
      %add3A_502 = arith.addi %add3A_495, %get3A_501 : vector<16xi32>
      %mul3A_503 = arith.constant 16 : i32
      %mul3A_504 = arith.muli %scan3A_397, %mul3A_503 : i32
      %add3A_505 = arith.constant 3840 : i32
      %add3A_506 = arith.addi %add3A_505, %mul3A_504 : i32
      %get3A_507 = arith.index_cast %add3A_506 : i32 to index
      %get3A_508 = tpu.vector_load %arg16[%get3A_507] {strides = array<i32>} : memref<4096xi32, #tpu.memory_space<vmem>>, vector<16xi32>,
      %add3A_509 = arith.addi %add3A_502, %get3A_508 : vector<16xi32>
      %broadcast_in_dim3A_510 = arith.constant true
      %broadcast_in_dim3A_511 = vector.broadcast %broadcast_in_dim3A_510 : i1 to vector<16xi1>
      %masked_cumsum3A = tpu.scan <sum>, %add3A_509 masked %broadcast_in_dim3A_511 : vector<16xi32>, vector<16xi1> -> vector<16xi32>
      %add3A_512 = vector.broadcast %scan3A_398 : i32 to vector<16xi32>
      %add3A_513 = arith.addi %masked_cumsum3A, %add3A_512 : vector<16xi32>
      %lt3A_514 = vector.broadcast %sub3A_76 : i32 to vector<16xi32>
      %lt3A_515 = arith.cmpi slt, %add3A_513, %lt3A_514 : vector<16xi32>
      %jit3A_516 = arith.constant 1 : i32
      %jit3A_517 = arith.constant 0 : i32
      %broadcast_in_dim3A_518 = vector.broadcast %jit3A_516 : i32 to vector<16xi32>
      %broadcast_in_dim3A_519 = vector.broadcast %jit3A_517 : i32 to vector<16xi32>
      %select_n3A_520 = arith.select %lt3A_515, %broadcast_in_dim3A_518, %broadcast_in_dim3A_519 : vector<16xi1>, vector<16xi32>
      %reduce_sum3A_521 = arith.constant true
      %reduce_sum3A_522 = vector.broadcast %reduce_sum3A_521 : i1 to vector<16xi1>
      %reduce_sum3A_523 = tpu.scan <sum>, %select_n3A_520 masked %reduce_sum3A_522 : vector<16xi32>, vector<16xi1> -> vector<16xi32>
      %reduce_sum3A_524 = vector.extract %reduce_sum3A_523[15] : i32 from vector<16xi32>
      %add3A_525 = arith.addi %scan3A_399, %reduce_sum3A_524 : i32
      %jit3A_526 = arith.constant 0 : i32
      %broadcast_in_dim3A_527 = vector.broadcast %jit3A_526 : i32 to vector<16xi32>
      %select_n3A_528 = arith.select %lt3A_515, %add3A_509, %broadcast_in_dim3A_527 : vector<16xi1>, vector<16xi32>
      %reduce_sum3A_529 = arith.constant true
      %reduce_sum3A_530 = vector.broadcast %reduce_sum3A_529 : i1 to vector<16xi1>
      %reduce_sum3A_531 = tpu.scan <sum>, %select_n3A_528 masked %reduce_sum3A_530 : vector<16xi32>, vector<16xi1> -> vector<16xi32>
      %reduce_sum3A_532 = vector.extract %reduce_sum3A_531[15] : i32 from vector<16xi32>
      %add3A_533 = arith.addi %scan3A_400, %reduce_sum3A_532 : i32
      %reduce_sum3A_534 = arith.constant true
      %reduce_sum3A_535 = vector.broadcast %reduce_sum3A_534 : i1 to vector<16xi1>
      %reduce_sum3A_536 = tpu.scan <sum>, %add3A_509 masked %reduce_sum3A_535 : vector<16xi32>, vector<16xi1> -> vector<16xi32>
      %reduce_sum3A_537 = vector.extract %reduce_sum3A_536[15] : i32 from vector<16xi32>
      %add3A_538 = arith.addi %scan3A_398, %reduce_sum3A_537 : i32
      scf.yield %add3A_538, %add3A_525, %add3A_533 : i32, i32, i32
    }
    %scan3A_112 = arith.constant 16 : i32
    %sub3A_113 = arith.subi %sub3A_76, %scan3A_111#2 : i32
    %mul3A_114 = arith.constant 256 : i32
    %mul3A_115 = arith.muli %add3A, %mul3A_114 : i32
    %add3A_116 = arith.addi %mul3A_115, %scan3A_111#1 : i32
    %scan3A_117 = arith.constant 0 : i32
    %scan3A_118 = arith.constant 0 : i32
    %scan3A_119 = arith.constant 32 : i32
    %scan3A_120 = arith.addi %scan3A_118, %scan3A_119 : i32
    %scan3A_121 = arith.constant 1 : i32
    %scan3A_122 = scf.for %scan3A_397 = %scan3A_118 to %scan3A_120 step %scan3A_121 iter_args(%scan3A_398 = %scan3A_117) -> (i32)  : i32 {
      %mul3A_399 = arith.constant 128 : i32
      %mul3A_400 = arith.muli %scan3A_397, %mul3A_399 : i32
      %add3A_401 = arith.constant 0 : i32
      %add3A_402 = arith.addi %mul3A_400, %add3A_401 : i32
      %swap3A_403 = arith.index_cast %add3A_402 : i32 to index
      %swap3A_404 = tpu.vector_load %arg15[%swap3A_403] {strides = array<i32>} : memref<4096xi32, #tpu.memory_space<vmem>>, vector<16xi32>,
      tpu.vector_store %arg15[%swap3A_403], %broadcast_in_dim3A_23 {strides = array<i32>} : memref<4096xi32, #tpu.memory_space<vmem>>, vector<16xi32>,
      %mul3A_405 = arith.constant 128 : i32
      %mul3A_406 = arith.muli %scan3A_397, %mul3A_405 : i32
      %add3A_407 = arith.constant 16 : i32
      %add3A_408 = arith.addi %mul3A_406, %add3A_407 : i32
      %swap3A_409 = arith.index_cast %add3A_408 : i32 to index
      %swap3A_410 = tpu.vector_load %arg15[%swap3A_409] {strides = array<i32>} : memref<4096xi32, #tpu.memory_space<vmem>>, vector<16xi32>,
      tpu.vector_store %arg15[%swap3A_409], %broadcast_in_dim3A_23 {strides = array<i32>} : memref<4096xi32, #tpu.memory_space<vmem>>, vector<16xi32>,
      %mul3A_411 = arith.constant 128 : i32
      %mul3A_412 = arith.muli %scan3A_397, %mul3A_411 : i32
      %add3A_413 = arith.constant 32 : i32
      %add3A_414 = arith.addi %mul3A_412, %add3A_413 : i32
      %swap3A_415 = arith.index_cast %add3A_414 : i32 to index
      %swap3A_416 = tpu.vector_load %arg15[%swap3A_415] {strides = array<i32>} : memref<4096xi32, #tpu.memory_space<vmem>>, vector<16xi32>,
      tpu.vector_store %arg15[%swap3A_415], %broadcast_in_dim3A_23 {strides = array<i32>} : memref<4096xi32, #tpu.memory_space<vmem>>, vector<16xi32>,
      %mul3A_417 = arith.constant 128 : i32
      %mul3A_418 = arith.muli %scan3A_397, %mul3A_417 : i32
      %add3A_419 = arith.constant 48 : i32
      %add3A_420 = arith.addi %mul3A_418, %add3A_419 : i32
      %swap3A_421 = arith.index_cast %add3A_420 : i32 to index
      %swap3A_422 = tpu.vector_load %arg15[%swap3A_421] {strides = array<i32>} : memref<4096xi32, #tpu.memory_space<vmem>>, vector<16xi32>,
      tpu.vector_store %arg15[%swap3A_421], %broadcast_in_dim3A_23 {strides = array<i32>} : memref<4096xi32, #tpu.memory_space<vmem>>, vector<16xi32>,
      %mul3A_423 = arith.constant 128 : i32
      %mul3A_424 = arith.muli %scan3A_397, %mul3A_423 : i32
      %add3A_425 = arith.constant 64 : i32
      %add3A_426 = arith.addi %mul3A_424, %add3A_425 : i32
      %swap3A_427 = arith.index_cast %add3A_426 : i32 to index
      %swap3A_428 = tpu.vector_load %arg15[%swap3A_427] {strides = array<i32>} : memref<4096xi32, #tpu.memory_space<vmem>>, vector<16xi32>,
      tpu.vector_store %arg15[%swap3A_427], %broadcast_in_dim3A_23 {strides = array<i32>} : memref<4096xi32, #tpu.memory_space<vmem>>, vector<16xi32>,
      %mul3A_429 = arith.constant 128 : i32
      %mul3A_430 = arith.muli %scan3A_397, %mul3A_429 : i32
      %add3A_431 = arith.constant 80 : i32
      %add3A_432 = arith.addi %mul3A_430, %add3A_431 : i32
      %swap3A_433 = arith.index_cast %add3A_432 : i32 to index
      %swap3A_434 = tpu.vector_load %arg15[%swap3A_433] {strides = array<i32>} : memref<4096xi32, #tpu.memory_space<vmem>>, vector<16xi32>,
      tpu.vector_store %arg15[%swap3A_433], %broadcast_in_dim3A_23 {strides = array<i32>} : memref<4096xi32, #tpu.memory_space<vmem>>, vector<16xi32>,
      %mul3A_435 = arith.constant 128 : i32
      %mul3A_436 = arith.muli %scan3A_397, %mul3A_435 : i32
      %add3A_437 = arith.constant 96 : i32
      %add3A_438 = arith.addi %mul3A_436, %add3A_437 : i32
      %swap3A_439 = arith.index_cast %add3A_438 : i32 to index
      %swap3A_440 = tpu.vector_load %arg15[%swap3A_439] {strides = array<i32>} : memref<4096xi32, #tpu.memory_space<vmem>>, vector<16xi32>,
      tpu.vector_store %arg15[%swap3A_439], %broadcast_in_dim3A_23 {strides = array<i32>} : memref<4096xi32, #tpu.memory_space<vmem>>, vector<16xi32>,
      %mul3A_441 = arith.constant 128 : i32
      %mul3A_442 = arith.muli %scan3A_397, %mul3A_441 : i32
      %add3A_443 = arith.constant 112 : i32
      %add3A_444 = arith.addi %mul3A_442, %add3A_443 : i32
      %swap3A_445 = arith.index_cast %add3A_444 : i32 to index
      %swap3A_446 = tpu.vector_load %arg15[%swap3A_445] {strides = array<i32>} : memref<4096xi32, #tpu.memory_space<vmem>>, vector<16xi32>,
      tpu.vector_store %arg15[%swap3A_445], %broadcast_in_dim3A_23 {strides = array<i32>} : memref<4096xi32, #tpu.memory_space<vmem>>, vector<16xi32>,
      %scan3A_447 = arith.constant 0 : i32
      scf.yield %scan3A_447 : i32
    }
    %scan3A_123 = arith.constant 32 : i32
    %scan3A_124 = arith.constant 0 : i32
    %scan3A_125 = arith.constant 16 : i32
    %scan3A_126 = arith.addi %scan3A_124, %scan3A_125 : i32
    %scan3A_127 = arith.constant 1 : i32
    scf.for %scan3A_397 = %scan3A_124 to %scan3A_126 step %scan3A_127  : i32 {
      %mul3A_398 = arith.constant 64 : i32
      %mul3A_399 = arith.muli %scan3A_397, %mul3A_398 : i32
      %add3A_400 = arith.constant 0 : i32
      %add3A_401 = arith.addi %mul3A_399, %add3A_400 : i32
      %get3A_402 = arith.index_cast %add3A_401 : i32 to index
      %get3A_403 = tpu.vector_load %arg14[%get3A_402] {strides = array<i32>} : memref<1024xi32, #tpu.memory_space<vmem>>, vector<16xi32>,
      %shift_right_logical3A = arith.constant 16 : i32
      %shift_right_logical3A_404 = vector.broadcast %shift_right_logical3A : i32 to vector<16xi32>
      %shift_right_logical3A_405 = arith.shrui %get3A_403, %shift_right_logical3A_404 : vector<16xi32>
      %eq3A_406 = vector.broadcast %add3A_116 : i32 to vector<16xi32>
      %eq3A_407 = arith.cmpi eq, %shift_right_logical3A_405, %eq3A_406 : vector<16xi32>
      %shift_right_logical3A_408 = arith.constant 8 : i32
      %shift_right_logical3A_409 = vector.broadcast %shift_right_logical3A_408 : i32 to vector<16xi32>
      %shift_right_logical3A_410 = arith.shrui %get3A_403, %shift_right_logical3A_409 : vector<16xi32>
      %and3A = arith.constant 255 : i32
      %and3A_411 = vector.broadcast %and3A : i32 to vector<16xi32>
      %and3A_412 = arith.andi %shift_right_logical3A_410, %and3A_411 : vector<16xi32>
      %mul3A_413 = arith.constant 256 : i32
      %mul3A_414 = vector.broadcast %mul3A_413 : i32 to vector<16xi32>
      %mul3A_415 = arith.muli %iota3A, %mul3A_414 : vector<16xi32>
      %add3A_416 = arith.addi %mul3A_415, %and3A_412 : vector<16xi32>
      tpu.vector_store_idx %arg15[%add3A_416], %broadcast_in_dim3A_25 masked %eq3A_407 {add = true} : memref<4096xi32, #tpu.memory_space<vmem>>[vector<16xi32>], vector<16xi32>, vector<16xi1>
      %mul3A_417 = arith.constant 64 : i32
      %mul3A_418 = arith.muli %scan3A_397, %mul3A_417 : i32
      %add3A_419 = arith.constant 16 : i32
      %add3A_420 = arith.addi %mul3A_418, %add3A_419 : i32
      %get3A_421 = arith.index_cast %add3A_420 : i32 to index
      %get3A_422 = tpu.vector_load %arg14[%get3A_421] {strides = array<i32>} : memref<1024xi32, #tpu.memory_space<vmem>>, vector<16xi32>,
      %shift_right_logical3A_423 = arith.constant 16 : i32
      %shift_right_logical3A_424 = vector.broadcast %shift_right_logical3A_423 : i32 to vector<16xi32>
      %shift_right_logical3A_425 = arith.shrui %get3A_422, %shift_right_logical3A_424 : vector<16xi32>
      %eq3A_426 = vector.broadcast %add3A_116 : i32 to vector<16xi32>
      %eq3A_427 = arith.cmpi eq, %shift_right_logical3A_425, %eq3A_426 : vector<16xi32>
      %shift_right_logical3A_428 = arith.constant 8 : i32
      %shift_right_logical3A_429 = vector.broadcast %shift_right_logical3A_428 : i32 to vector<16xi32>
      %shift_right_logical3A_430 = arith.shrui %get3A_422, %shift_right_logical3A_429 : vector<16xi32>
      %and3A_431 = arith.constant 255 : i32
      %and3A_432 = vector.broadcast %and3A_431 : i32 to vector<16xi32>
      %and3A_433 = arith.andi %shift_right_logical3A_430, %and3A_432 : vector<16xi32>
      %mul3A_434 = arith.constant 256 : i32
      %mul3A_435 = vector.broadcast %mul3A_434 : i32 to vector<16xi32>
      %mul3A_436 = arith.muli %iota3A, %mul3A_435 : vector<16xi32>
      %add3A_437 = arith.addi %mul3A_436, %and3A_433 : vector<16xi32>
      tpu.vector_store_idx %arg15[%add3A_437], %broadcast_in_dim3A_25 masked %eq3A_427 {add = true} : memref<4096xi32, #tpu.memory_space<vmem>>[vector<16xi32>], vector<16xi32>, vector<16xi1>
      %mul3A_438 = arith.constant 64 : i32
      %mul3A_439 = arith.muli %scan3A_397, %mul3A_438 : i32
      %add3A_440 = arith.constant 32 : i32
      %add3A_441 = arith.addi %mul3A_439, %add3A_440 : i32
      %get3A_442 = arith.index_cast %add3A_441 : i32 to index
      %get3A_443 = tpu.vector_load %arg14[%get3A_442] {strides = array<i32>} : memref<1024xi32, #tpu.memory_space<vmem>>, vector<16xi32>,
      %shift_right_logical3A_444 = arith.constant 16 : i32
      %shift_right_logical3A_445 = vector.broadcast %shift_right_logical3A_444 : i32 to vector<16xi32>
      %shift_right_logical3A_446 = arith.shrui %get3A_443, %shift_right_logical3A_445 : vector<16xi32>
      %eq3A_447 = vector.broadcast %add3A_116 : i32 to vector<16xi32>
      %eq3A_448 = arith.cmpi eq, %shift_right_logical3A_446, %eq3A_447 : vector<16xi32>
      %shift_right_logical3A_449 = arith.constant 8 : i32
      %shift_right_logical3A_450 = vector.broadcast %shift_right_logical3A_449 : i32 to vector<16xi32>
      %shift_right_logical3A_451 = arith.shrui %get3A_443, %shift_right_logical3A_450 : vector<16xi32>
      %and3A_452 = arith.constant 255 : i32
      %and3A_453 = vector.broadcast %and3A_452 : i32 to vector<16xi32>
      %and3A_454 = arith.andi %shift_right_logical3A_451, %and3A_453 : vector<16xi32>
      %mul3A_455 = arith.constant 256 : i32
      %mul3A_456 = vector.broadcast %mul3A_455 : i32 to vector<16xi32>
      %mul3A_457 = arith.muli %iota3A, %mul3A_456 : vector<16xi32>
      %add3A_458 = arith.addi %mul3A_457, %and3A_454 : vector<16xi32>
      tpu.vector_store_idx %arg15[%add3A_458], %broadcast_in_dim3A_25 masked %eq3A_448 {add = true} : memref<4096xi32, #tpu.memory_space<vmem>>[vector<16xi32>], vector<16xi32>, vector<16xi1>
      %mul3A_459 = arith.constant 64 : i32
      %mul3A_460 = arith.muli %scan3A_397, %mul3A_459 : i32
      %add3A_461 = arith.constant 48 : i32
      %add3A_462 = arith.addi %mul3A_460, %add3A_461 : i32
      %get3A_463 = arith.index_cast %add3A_462 : i32 to index
      %get3A_464 = tpu.vector_load %arg14[%get3A_463] {strides = array<i32>} : memref<1024xi32, #tpu.memory_space<vmem>>, vector<16xi32>,
      %shift_right_logical3A_465 = arith.constant 16 : i32
      %shift_right_logical3A_466 = vector.broadcast %shift_right_logical3A_465 : i32 to vector<16xi32>
      %shift_right_logical3A_467 = arith.shrui %get3A_464, %shift_right_logical3A_466 : vector<16xi32>
      %eq3A_468 = vector.broadcast %add3A_116 : i32 to vector<16xi32>
      %eq3A_469 = arith.cmpi eq, %shift_right_logical3A_467, %eq3A_468 : vector<16xi32>
      %shift_right_logical3A_470 = arith.constant 8 : i32
      %shift_right_logical3A_471 = vector.broadcast %shift_right_logical3A_470 : i32 to vector<16xi32>
      %shift_right_logical3A_472 = arith.shrui %get3A_464, %shift_right_logical3A_471 : vector<16xi32>
      %and3A_473 = arith.constant 255 : i32
      %and3A_474 = vector.broadcast %and3A_473 : i32 to vector<16xi32>
      %and3A_475 = arith.andi %shift_right_logical3A_472, %and3A_474 : vector<16xi32>
      %mul3A_476 = arith.constant 256 : i32
      %mul3A_477 = vector.broadcast %mul3A_476 : i32 to vector<16xi32>
      %mul3A_478 = arith.muli %iota3A, %mul3A_477 : vector<16xi32>
      %add3A_479 = arith.addi %mul3A_478, %and3A_475 : vector<16xi32>
      tpu.vector_store_idx %arg15[%add3A_479], %broadcast_in_dim3A_25 masked %eq3A_469 {add = true} : memref<4096xi32, #tpu.memory_space<vmem>>[vector<16xi32>], vector<16xi32>, vector<16xi1>
    }
    %scan3A_128 = arith.constant 16 : i32
    %scan3A_129 = arith.constant 0 : i32
    %scan3A_130 = arith.constant 0 : i32
    %scan3A_131 = arith.constant 16 : i32
    %scan3A_132 = arith.addi %scan3A_130, %scan3A_131 : i32
    %scan3A_133 = arith.constant 1 : i32
    %scan3A_134 = scf.for %scan3A_397 = %scan3A_130 to %scan3A_132 step %scan3A_133 iter_args(%scan3A_398 = %scan3A_129) -> (i32)  : i32 {
      %mul3A_399 = arith.constant 16 : i32
      %mul3A_400 = arith.muli %scan3A_397, %mul3A_399 : i32
      %get3A_401 = arith.index_cast %mul3A_400 : i32 to index
      %get3A_402 = tpu.vector_load %arg15[%get3A_401] {strides = array<i32>} : memref<4096xi32, #tpu.memory_space<vmem>>, vector<16xi32>,
      %mul3A_403 = arith.constant 16 : i32
      %mul3A_404 = arith.muli %scan3A_397, %mul3A_403 : i32
      %add3A_405 = arith.constant 256 : i32
      %add3A_406 = arith.addi %add3A_405, %mul3A_404 : i32
      %get3A_407 = arith.index_cast %add3A_406 : i32 to index
      %get3A_408 = tpu.vector_load %arg15[%get3A_407] {strides = array<i32>} : memref<4096xi32, #tpu.memory_space<vmem>>, vector<16xi32>,
      %add3A_409 = arith.addi %get3A_402, %get3A_408 : vector<16xi32>
      %mul3A_410 = arith.constant 16 : i32
      %mul3A_411 = arith.muli %scan3A_397, %mul3A_410 : i32
      %add3A_412 = arith.constant 512 : i32
      %add3A_413 = arith.addi %add3A_412, %mul3A_411 : i32
      %get3A_414 = arith.index_cast %add3A_413 : i32 to index
      %get3A_415 = tpu.vector_load %arg15[%get3A_414] {strides = array<i32>} : memref<4096xi32, #tpu.memory_space<vmem>>, vector<16xi32>,
      %add3A_416 = arith.addi %add3A_409, %get3A_415 : vector<16xi32>
      %mul3A_417 = arith.constant 16 : i32
      %mul3A_418 = arith.muli %scan3A_397, %mul3A_417 : i32
      %add3A_419 = arith.constant 768 : i32
      %add3A_420 = arith.addi %add3A_419, %mul3A_418 : i32
      %get3A_421 = arith.index_cast %add3A_420 : i32 to index
      %get3A_422 = tpu.vector_load %arg15[%get3A_421] {strides = array<i32>} : memref<4096xi32, #tpu.memory_space<vmem>>, vector<16xi32>,
      %add3A_423 = arith.addi %add3A_416, %get3A_422 : vector<16xi32>
      %mul3A_424 = arith.constant 16 : i32
      %mul3A_425 = arith.muli %scan3A_397, %mul3A_424 : i32
      %add3A_426 = arith.constant 1024 : i32
      %add3A_427 = arith.addi %add3A_426, %mul3A_425 : i32
      %get3A_428 = arith.index_cast %add3A_427 : i32 to index
      %get3A_429 = tpu.vector_load %arg15[%get3A_428] {strides = array<i32>} : memref<4096xi32, #tpu.memory_space<vmem>>, vector<16xi32>,
      %add3A_430 = arith.addi %add3A_423, %get3A_429 : vector<16xi32>
      %mul3A_431 = arith.constant 16 : i32
      %mul3A_432 = arith.muli %scan3A_397, %mul3A_431 : i32
      %add3A_433 = arith.constant 1280 : i32
      %add3A_434 = arith.addi %add3A_433, %mul3A_432 : i32
      %get3A_435 = arith.index_cast %add3A_434 : i32 to index
      %get3A_436 = tpu.vector_load %arg15[%get3A_435] {strides = array<i32>} : memref<4096xi32, #tpu.memory_space<vmem>>, vector<16xi32>,
      %add3A_437 = arith.addi %add3A_430, %get3A_436 : vector<16xi32>
      %mul3A_438 = arith.constant 16 : i32
      %mul3A_439 = arith.muli %scan3A_397, %mul3A_438 : i32
      %add3A_440 = arith.constant 1536 : i32
      %add3A_441 = arith.addi %add3A_440, %mul3A_439 : i32
      %get3A_442 = arith.index_cast %add3A_441 : i32 to index
      %get3A_443 = tpu.vector_load %arg15[%get3A_442] {strides = array<i32>} : memref<4096xi32, #tpu.memory_space<vmem>>, vector<16xi32>,
      %add3A_444 = arith.addi %add3A_437, %get3A_443 : vector<16xi32>
      %mul3A_445 = arith.constant 16 : i32
      %mul3A_446 = arith.muli %scan3A_397, %mul3A_445 : i32
      %add3A_447 = arith.constant 1792 : i32
      %add3A_448 = arith.addi %add3A_447, %mul3A_446 : i32
      %get3A_449 = arith.index_cast %add3A_448 : i32 to index
      %get3A_450 = tpu.vector_load %arg15[%get3A_449] {strides = array<i32>} : memref<4096xi32, #tpu.memory_space<vmem>>, vector<16xi32>,
      %add3A_451 = arith.addi %add3A_444, %get3A_450 : vector<16xi32>
      %mul3A_452 = arith.constant 16 : i32
      %mul3A_453 = arith.muli %scan3A_397, %mul3A_452 : i32
      %add3A_454 = arith.constant 2048 : i32
      %add3A_455 = arith.addi %add3A_454, %mul3A_453 : i32
      %get3A_456 = arith.index_cast %add3A_455 : i32 to index
      %get3A_457 = tpu.vector_load %arg15[%get3A_456] {strides = array<i32>} : memref<4096xi32, #tpu.memory_space<vmem>>, vector<16xi32>,
      %add3A_458 = arith.addi %add3A_451, %get3A_457 : vector<16xi32>
      %mul3A_459 = arith.constant 16 : i32
      %mul3A_460 = arith.muli %scan3A_397, %mul3A_459 : i32
      %add3A_461 = arith.constant 2304 : i32
      %add3A_462 = arith.addi %add3A_461, %mul3A_460 : i32
      %get3A_463 = arith.index_cast %add3A_462 : i32 to index
      %get3A_464 = tpu.vector_load %arg15[%get3A_463] {strides = array<i32>} : memref<4096xi32, #tpu.memory_space<vmem>>, vector<16xi32>,
      %add3A_465 = arith.addi %add3A_458, %get3A_464 : vector<16xi32>
      %mul3A_466 = arith.constant 16 : i32
      %mul3A_467 = arith.muli %scan3A_397, %mul3A_466 : i32
      %add3A_468 = arith.constant 2560 : i32
      %add3A_469 = arith.addi %add3A_468, %mul3A_467 : i32
      %get3A_470 = arith.index_cast %add3A_469 : i32 to index
      %get3A_471 = tpu.vector_load %arg15[%get3A_470] {strides = array<i32>} : memref<4096xi32, #tpu.memory_space<vmem>>, vector<16xi32>,
      %add3A_472 = arith.addi %add3A_465, %get3A_471 : vector<16xi32>
      %mul3A_473 = arith.constant 16 : i32
      %mul3A_474 = arith.muli %scan3A_397, %mul3A_473 : i32
      %add3A_475 = arith.constant 2816 : i32
      %add3A_476 = arith.addi %add3A_475, %mul3A_474 : i32
      %get3A_477 = arith.index_cast %add3A_476 : i32 to index
      %get3A_478 = tpu.vector_load %arg15[%get3A_477] {strides = array<i32>} : memref<4096xi32, #tpu.memory_space<vmem>>, vector<16xi32>,
      %add3A_479 = arith.addi %add3A_472, %get3A_478 : vector<16xi32>
      %mul3A_480 = arith.constant 16 : i32
      %mul3A_481 = arith.muli %scan3A_397, %mul3A_480 : i32
      %add3A_482 = arith.constant 3072 : i32
      %add3A_483 = arith.addi %add3A_482, %mul3A_481 : i32
      %get3A_484 = arith.index_cast %add3A_483 : i32 to index
      %get3A_485 = tpu.vector_load %arg15[%get3A_484] {strides = array<i32>} : memref<4096xi32, #tpu.memory_space<vmem>>, vector<16xi32>,
      %add3A_486 = arith.addi %add3A_479, %get3A_485 : vector<16xi32>
      %mul3A_487 = arith.constant 16 : i32
      %mul3A_488 = arith.muli %scan3A_397, %mul3A_487 : i32
      %add3A_489 = arith.constant 3328 : i32
      %add3A_490 = arith.addi %add3A_489, %mul3A_488 : i32
      %get3A_491 = arith.index_cast %add3A_490 : i32 to index
      %get3A_492 = tpu.vector_load %arg15[%get3A_491] {strides = array<i32>} : memref<4096xi32, #tpu.memory_space<vmem>>, vector<16xi32>,
      %add3A_493 = arith.addi %add3A_486, %get3A_492 : vector<16xi32>
      %mul3A_494 = arith.constant 16 : i32
      %mul3A_495 = arith.muli %scan3A_397, %mul3A_494 : i32
      %add3A_496 = arith.constant 3584 : i32
      %add3A_497 = arith.addi %add3A_496, %mul3A_495 : i32
      %get3A_498 = arith.index_cast %add3A_497 : i32 to index
      %get3A_499 = tpu.vector_load %arg15[%get3A_498] {strides = array<i32>} : memref<4096xi32, #tpu.memory_space<vmem>>, vector<16xi32>,
      %add3A_500 = arith.addi %add3A_493, %get3A_499 : vector<16xi32>
      %mul3A_501 = arith.constant 16 : i32
      %mul3A_502 = arith.muli %scan3A_397, %mul3A_501 : i32
      %add3A_503 = arith.constant 3840 : i32
      %add3A_504 = arith.addi %add3A_503, %mul3A_502 : i32
      %get3A_505 = arith.index_cast %add3A_504 : i32 to index
      %get3A_506 = tpu.vector_load %arg15[%get3A_505] {strides = array<i32>} : memref<4096xi32, #tpu.memory_space<vmem>>, vector<16xi32>,
      %add3A_507 = arith.addi %add3A_500, %get3A_506 : vector<16xi32>
      %mul3A_508 = arith.constant 16 : i32
      %mul3A_509 = arith.muli %scan3A_397, %mul3A_508 : i32
      %swap3A_510 = arith.index_cast %mul3A_509 : i32 to index
      %swap3A_511 = tpu.vector_load %arg17[%swap3A_510] {strides = array<i32>} : memref<256xi32, #tpu.memory_space<vmem>>, vector<16xi32>,
      tpu.vector_store %arg17[%swap3A_510], %add3A_507 {strides = array<i32>} : memref<256xi32, #tpu.memory_space<vmem>>, vector<16xi32>,
      %scan3A_512 = arith.constant 0 : i32
      scf.yield %scan3A_512 : i32
    }
    %scan3A_135 = arith.constant 16 : i32
    %mul3A_136 = arith.constant 256 : i32
    %mul3A_137 = arith.muli %arg1, %mul3A_136 : i32
    %run_scoped3A_138 = arith.constant 2 : i32
    "tpu.region"() ({
      %run_scoped3A_397 = tpu.sem_alloc : memref<!tpu.dma_semaphore, #tpu.memory_space<semaphore_mem>>
      %dma_start3A_398 = tpu.memref_slice %arg22[%run_scoped3A_138, %mul3A_137] : memref<4x4096xi32, #tpu.memory_space<vmem_shared>> -> memref<1x256xi32, #tpu.memory_space<vmem_shared>>
      %dma_start3A_399 = tpu.memref_squeeze %dma_start3A_398 : memref<1x256xi32, #tpu.memory_space<vmem_shared>> -> memref<256xi32, #tpu.memory_space<vmem_shared>>
      %dma_start3A_400 = tpu.memref_slice %arg22[%run_scoped3A_138, %mul3A_137] : memref<4x4096xi32, #tpu.memory_space<vmem_shared>> -> memref<1x256xi32, #tpu.memory_space<vmem_shared>>
      %dma_start3A_401 = tpu.memref_squeeze %dma_start3A_400 : memref<1x256xi32, #tpu.memory_space<vmem_shared>> -> memref<256xi32, #tpu.memory_space<vmem_shared>>
      tpu.enqueue_dma source(%arg17 : memref<256xi32, #tpu.memory_space<vmem>>) target(%dma_start3A_401 : memref<256xi32, #tpu.memory_space<vmem_shared>>) target_semaphore(%run_scoped3A_397 : memref<!tpu.dma_semaphore, #tpu.memory_space<semaphore_mem>>)
      %dma_wait3A_402 = tpu.memref_slice %arg22[%run_scoped3A_138, %mul3A_137] : memref<4x4096xi32, #tpu.memory_space<vmem_shared>> -> memref<1x256xi32, #tpu.memory_space<vmem_shared>>
      %dma_wait3A_403 = tpu.memref_squeeze %dma_wait3A_402 : memref<1x256xi32, #tpu.memory_space<vmem_shared>> -> memref<256xi32, #tpu.memory_space<vmem_shared>>
      %dma_wait3A_404 = tpu.memref_slice %arg22[%run_scoped3A_138, %mul3A_137] : memref<4x4096xi32, #tpu.memory_space<vmem_shared>> -> memref<1x256xi32, #tpu.memory_space<vmem_shared>>
      %dma_wait3A_405 = tpu.memref_squeeze %dma_wait3A_404 : memref<1x256xi32, #tpu.memory_space<vmem_shared>> -> memref<256xi32, #tpu.memory_space<vmem_shared>>
      tpu.wait_dma2 semaphore(%run_scoped3A_397 : memref<!tpu.dma_semaphore, #tpu.memory_space<semaphore_mem>>) src(%arg17 : memref<256xi32, #tpu.memory_space<vmem>>) dst(%dma_wait3A_405 : memref<256xi32, #tpu.memory_space<vmem_shared>>)
      tpu.yield
    }) : () -> ()
    %barrier3A_139 = arith.constant 0 : index
    tpu.barrier barrier_id(%barrier3A_139)
    %run_scoped3A_140 = arith.constant 2 : i32
    "tpu.region"() ({
      %run_scoped3A_397 = tpu.sem_alloc : memref<!tpu.dma_semaphore, #tpu.memory_space<semaphore_mem>>
      %dma_start3A_398 = arith.constant 0 : i32
      %dma_start3A_399 = tpu.memref_slice %arg22[%run_scoped3A_140, %dma_start3A_398] : memref<4x4096xi32, #tpu.memory_space<vmem_shared>> -> memref<1x4096xi32, #tpu.memory_space<vmem_shared>>
      %dma_start3A_400 = tpu.memref_squeeze %dma_start3A_399 : memref<1x4096xi32, #tpu.memory_space<vmem_shared>> -> memref<4096xi32, #tpu.memory_space<vmem_shared>>
      %dma_start3A_401 = arith.constant 0 : i32
      %dma_start3A_402 = tpu.memref_slice %arg22[%run_scoped3A_140, %dma_start3A_401] : memref<4x4096xi32, #tpu.memory_space<vmem_shared>> -> memref<1x4096xi32, #tpu.memory_space<vmem_shared>>
      %dma_start3A_403 = tpu.memref_squeeze %dma_start3A_402 : memref<1x4096xi32, #tpu.memory_space<vmem_shared>> -> memref<4096xi32, #tpu.memory_space<vmem_shared>>
      tpu.enqueue_dma source(%dma_start3A_403 : memref<4096xi32, #tpu.memory_space<vmem_shared>>) target(%arg16 : memref<4096xi32, #tpu.memory_space<vmem>>) target_semaphore(%run_scoped3A_397 : memref<!tpu.dma_semaphore, #tpu.memory_space<semaphore_mem>>)
      %dma_wait3A_404 = arith.constant 0 : i32
      %dma_wait3A_405 = tpu.memref_slice %arg22[%run_scoped3A_140, %dma_wait3A_404] : memref<4x4096xi32, #tpu.memory_space<vmem_shared>> -> memref<1x4096xi32, #tpu.memory_space<vmem_shared>>
      %dma_wait3A_406 = tpu.memref_squeeze %dma_wait3A_405 : memref<1x4096xi32, #tpu.memory_space<vmem_shared>> -> memref<4096xi32, #tpu.memory_space<vmem_shared>>
      %dma_wait3A_407 = arith.constant 0 : i32
      %dma_wait3A_408 = tpu.memref_slice %arg22[%run_scoped3A_140, %dma_wait3A_407] : memref<4x4096xi32, #tpu.memory_space<vmem_shared>> -> memref<1x4096xi32, #tpu.memory_space<vmem_shared>>
      %dma_wait3A_409 = tpu.memref_squeeze %dma_wait3A_408 : memref<1x4096xi32, #tpu.memory_space<vmem_shared>> -> memref<4096xi32, #tpu.memory_space<vmem_shared>>
      tpu.wait_dma2 semaphore(%run_scoped3A_397 : memref<!tpu.dma_semaphore, #tpu.memory_space<semaphore_mem>>) src(%dma_wait3A_409 : memref<4096xi32, #tpu.memory_space<vmem_shared>>) dst(%arg16 : memref<4096xi32, #tpu.memory_space<vmem>>)
      tpu.yield
    }) : () -> ()
    %scan3A_141 = arith.constant 0 : i32
    %scan3A_142 = arith.constant 0 : i32
    %scan3A_143 = arith.constant 0 : i32
    %scan3A_144 = arith.constant 0 : i32
    %scan3A_145 = arith.constant 16 : i32
    %scan3A_146 = arith.addi %scan3A_144, %scan3A_145 : i32
    %scan3A_147 = arith.constant 1 : i32
    %scan3A_148:3 = scf.for %scan3A_397 = %scan3A_144 to %scan3A_146 step %scan3A_147 iter_args(%scan3A_398 = %scan3A_141, %scan3A_399 = %scan3A_142, %scan3A_400 = %scan3A_143) -> (i32, i32, i32)  : i32 {
      %mul3A_401 = arith.constant 16 : i32
      %mul3A_402 = arith.muli %scan3A_397, %mul3A_401 : i32
      %get3A_403 = arith.index_cast %mul3A_402 : i32 to index
      %get3A_404 = tpu.vector_load %arg16[%get3A_403] {strides = array<i32>} : memref<4096xi32, #tpu.memory_space<vmem>>, vector<16xi32>,
      %mul3A_405 = arith.constant 16 : i32
      %mul3A_406 = arith.muli %scan3A_397, %mul3A_405 : i32
      %add3A_407 = arith.constant 256 : i32
      %add3A_408 = arith.addi %add3A_407, %mul3A_406 : i32
      %get3A_409 = arith.index_cast %add3A_408 : i32 to index
      %get3A_410 = tpu.vector_load %arg16[%get3A_409] {strides = array<i32>} : memref<4096xi32, #tpu.memory_space<vmem>>, vector<16xi32>,
      %add3A_411 = arith.addi %get3A_404, %get3A_410 : vector<16xi32>
      %mul3A_412 = arith.constant 16 : i32
      %mul3A_413 = arith.muli %scan3A_397, %mul3A_412 : i32
      %add3A_414 = arith.constant 512 : i32
      %add3A_415 = arith.addi %add3A_414, %mul3A_413 : i32
      %get3A_416 = arith.index_cast %add3A_415 : i32 to index
      %get3A_417 = tpu.vector_load %arg16[%get3A_416] {strides = array<i32>} : memref<4096xi32, #tpu.memory_space<vmem>>, vector<16xi32>,
      %add3A_418 = arith.addi %add3A_411, %get3A_417 : vector<16xi32>
      %mul3A_419 = arith.constant 16 : i32
      %mul3A_420 = arith.muli %scan3A_397, %mul3A_419 : i32
      %add3A_421 = arith.constant 768 : i32
      %add3A_422 = arith.addi %add3A_421, %mul3A_420 : i32
      %get3A_423 = arith.index_cast %add3A_422 : i32 to index
      %get3A_424 = tpu.vector_load %arg16[%get3A_423] {strides = array<i32>} : memref<4096xi32, #tpu.memory_space<vmem>>, vector<16xi32>,
      %add3A_425 = arith.addi %add3A_418, %get3A_424 : vector<16xi32>
      %mul3A_426 = arith.constant 16 : i32
      %mul3A_427 = arith.muli %scan3A_397, %mul3A_426 : i32
      %add3A_428 = arith.constant 1024 : i32
      %add3A_429 = arith.addi %add3A_428, %mul3A_427 : i32
      %get3A_430 = arith.index_cast %add3A_429 : i32 to index
      %get3A_431 = tpu.vector_load %arg16[%get3A_430] {strides = array<i32>} : memref<4096xi32, #tpu.memory_space<vmem>>, vector<16xi32>,
      %add3A_432 = arith.addi %add3A_425, %get3A_431 : vector<16xi32>
      %mul3A_433 = arith.constant 16 : i32
      %mul3A_434 = arith.muli %scan3A_397, %mul3A_433 : i32
      %add3A_435 = arith.constant 1280 : i32
      %add3A_436 = arith.addi %add3A_435, %mul3A_434 : i32
      %get3A_437 = arith.index_cast %add3A_436 : i32 to index
      %get3A_438 = tpu.vector_load %arg16[%get3A_437] {strides = array<i32>} : memref<4096xi32, #tpu.memory_space<vmem>>, vector<16xi32>,
      %add3A_439 = arith.addi %add3A_432, %get3A_438 : vector<16xi32>
      %mul3A_440 = arith.constant 16 : i32
      %mul3A_441 = arith.muli %scan3A_397, %mul3A_440 : i32
      %add3A_442 = arith.constant 1536 : i32
      %add3A_443 = arith.addi %add3A_442, %mul3A_441 : i32
      %get3A_444 = arith.index_cast %add3A_443 : i32 to index
      %get3A_445 = tpu.vector_load %arg16[%get3A_444] {strides = array<i32>} : memref<4096xi32, #tpu.memory_space<vmem>>, vector<16xi32>,
      %add3A_446 = arith.addi %add3A_439, %get3A_445 : vector<16xi32>
      %mul3A_447 = arith.constant 16 : i32
      %mul3A_448 = arith.muli %scan3A_397, %mul3A_447 : i32
      %add3A_449 = arith.constant 1792 : i32
      %add3A_450 = arith.addi %add3A_449, %mul3A_448 : i32
      %get3A_451 = arith.index_cast %add3A_450 : i32 to index
      %get3A_452 = tpu.vector_load %arg16[%get3A_451] {strides = array<i32>} : memref<4096xi32, #tpu.memory_space<vmem>>, vector<16xi32>,
      %add3A_453 = arith.addi %add3A_446, %get3A_452 : vector<16xi32>
      %mul3A_454 = arith.constant 16 : i32
      %mul3A_455 = arith.muli %scan3A_397, %mul3A_454 : i32
      %add3A_456 = arith.constant 2048 : i32
      %add3A_457 = arith.addi %add3A_456, %mul3A_455 : i32
      %get3A_458 = arith.index_cast %add3A_457 : i32 to index
      %get3A_459 = tpu.vector_load %arg16[%get3A_458] {strides = array<i32>} : memref<4096xi32, #tpu.memory_space<vmem>>, vector<16xi32>,
      %add3A_460 = arith.addi %add3A_453, %get3A_459 : vector<16xi32>
      %mul3A_461 = arith.constant 16 : i32
      %mul3A_462 = arith.muli %scan3A_397, %mul3A_461 : i32
      %add3A_463 = arith.constant 2304 : i32
      %add3A_464 = arith.addi %add3A_463, %mul3A_462 : i32
      %get3A_465 = arith.index_cast %add3A_464 : i32 to index
      %get3A_466 = tpu.vector_load %arg16[%get3A_465] {strides = array<i32>} : memref<4096xi32, #tpu.memory_space<vmem>>, vector<16xi32>,
      %add3A_467 = arith.addi %add3A_460, %get3A_466 : vector<16xi32>
      %mul3A_468 = arith.constant 16 : i32
      %mul3A_469 = arith.muli %scan3A_397, %mul3A_468 : i32
      %add3A_470 = arith.constant 2560 : i32
      %add3A_471 = arith.addi %add3A_470, %mul3A_469 : i32
      %get3A_472 = arith.index_cast %add3A_471 : i32 to index
      %get3A_473 = tpu.vector_load %arg16[%get3A_472] {strides = array<i32>} : memref<4096xi32, #tpu.memory_space<vmem>>, vector<16xi32>,
      %add3A_474 = arith.addi %add3A_467, %get3A_473 : vector<16xi32>
      %mul3A_475 = arith.constant 16 : i32
      %mul3A_476 = arith.muli %scan3A_397, %mul3A_475 : i32
      %add3A_477 = arith.constant 2816 : i32
      %add3A_478 = arith.addi %add3A_477, %mul3A_476 : i32
      %get3A_479 = arith.index_cast %add3A_478 : i32 to index
      %get3A_480 = tpu.vector_load %arg16[%get3A_479] {strides = array<i32>} : memref<4096xi32, #tpu.memory_space<vmem>>, vector<16xi32>,
      %add3A_481 = arith.addi %add3A_474, %get3A_480 : vector<16xi32>
      %mul3A_482 = arith.constant 16 : i32
      %mul3A_483 = arith.muli %scan3A_397, %mul3A_482 : i32
      %add3A_484 = arith.constant 3072 : i32
      %add3A_485 = arith.addi %add3A_484, %mul3A_483 : i32
      %get3A_486 = arith.index_cast %add3A_485 : i32 to index
      %get3A_487 = tpu.vector_load %arg16[%get3A_486] {strides = array<i32>} : memref<4096xi32, #tpu.memory_space<vmem>>, vector<16xi32>,
      %add3A_488 = arith.addi %add3A_481, %get3A_487 : vector<16xi32>
      %mul3A_489 = arith.constant 16 : i32
      %mul3A_490 = arith.muli %scan3A_397, %mul3A_489 : i32
      %add3A_491 = arith.constant 3328 : i32
      %add3A_492 = arith.addi %add3A_491, %mul3A_490 : i32
      %get3A_493 = arith.index_cast %add3A_492 : i32 to index
      %get3A_494 = tpu.vector_load %arg16[%get3A_493] {strides = array<i32>} : memref<4096xi32, #tpu.memory_space<vmem>>, vector<16xi32>,
      %add3A_495 = arith.addi %add3A_488, %get3A_494 : vector<16xi32>
      %mul3A_496 = arith.constant 16 : i32
      %mul3A_497 = arith.muli %scan3A_397, %mul3A_496 : i32
      %add3A_498 = arith.constant 3584 : i32
      %add3A_499 = arith.addi %add3A_498, %mul3A_497 : i32
      %get3A_500 = arith.index_cast %add3A_499 : i32 to index
      %get3A_501 = tpu.vector_load %arg16[%get3A_500] {strides = array<i32>} : memref<4096xi32, #tpu.memory_space<vmem>>, vector<16xi32>,
      %add3A_502 = arith.addi %add3A_495, %get3A_501 : vector<16xi32>
      %mul3A_503 = arith.constant 16 : i32
      %mul3A_504 = arith.muli %scan3A_397, %mul3A_503 : i32
      %add3A_505 = arith.constant 3840 : i32
      %add3A_506 = arith.addi %add3A_505, %mul3A_504 : i32
      %get3A_507 = arith.index_cast %add3A_506 : i32 to index
      %get3A_508 = tpu.vector_load %arg16[%get3A_507] {strides = array<i32>} : memref<4096xi32, #tpu.memory_space<vmem>>, vector<16xi32>,
      %add3A_509 = arith.addi %add3A_502, %get3A_508 : vector<16xi32>
      %broadcast_in_dim3A_510 = arith.constant true
      %broadcast_in_dim3A_511 = vector.broadcast %broadcast_in_dim3A_510 : i1 to vector<16xi1>
      %masked_cumsum3A = tpu.scan <sum>, %add3A_509 masked %broadcast_in_dim3A_511 : vector<16xi32>, vector<16xi1> -> vector<16xi32>
      %add3A_512 = vector.broadcast %scan3A_398 : i32 to vector<16xi32>
      %add3A_513 = arith.addi %masked_cumsum3A, %add3A_512 : vector<16xi32>
      %lt3A_514 = vector.broadcast %sub3A_113 : i32 to vector<16xi32>
      %lt3A_515 = arith.cmpi slt, %add3A_513, %lt3A_514 : vector<16xi32>
      %jit3A_516 = arith.constant 1 : i32
      %jit3A_517 = arith.constant 0 : i32
      %broadcast_in_dim3A_518 = vector.broadcast %jit3A_516 : i32 to vector<16xi32>
      %broadcast_in_dim3A_519 = vector.broadcast %jit3A_517 : i32 to vector<16xi32>
      %select_n3A_520 = arith.select %lt3A_515, %broadcast_in_dim3A_518, %broadcast_in_dim3A_519 : vector<16xi1>, vector<16xi32>
      %reduce_sum3A_521 = arith.constant true
      %reduce_sum3A_522 = vector.broadcast %reduce_sum3A_521 : i1 to vector<16xi1>
      %reduce_sum3A_523 = tpu.scan <sum>, %select_n3A_520 masked %reduce_sum3A_522 : vector<16xi32>, vector<16xi1> -> vector<16xi32>
      %reduce_sum3A_524 = vector.extract %reduce_sum3A_523[15] : i32 from vector<16xi32>
      %add3A_525 = arith.addi %scan3A_399, %reduce_sum3A_524 : i32
      %jit3A_526 = arith.constant 0 : i32
      %broadcast_in_dim3A_527 = vector.broadcast %jit3A_526 : i32 to vector<16xi32>
      %select_n3A_528 = arith.select %lt3A_515, %add3A_509, %broadcast_in_dim3A_527 : vector<16xi1>, vector<16xi32>
      %reduce_sum3A_529 = arith.constant true
      %reduce_sum3A_530 = vector.broadcast %reduce_sum3A_529 : i1 to vector<16xi1>
      %reduce_sum3A_531 = tpu.scan <sum>, %select_n3A_528 masked %reduce_sum3A_530 : vector<16xi32>, vector<16xi1> -> vector<16xi32>
      %reduce_sum3A_532 = vector.extract %reduce_sum3A_531[15] : i32 from vector<16xi32>
      %add3A_533 = arith.addi %scan3A_400, %reduce_sum3A_532 : i32
      %reduce_sum3A_534 = arith.constant true
      %reduce_sum3A_535 = vector.broadcast %reduce_sum3A_534 : i1 to vector<16xi1>
      %reduce_sum3A_536 = tpu.scan <sum>, %add3A_509 masked %reduce_sum3A_535 : vector<16xi32>, vector<16xi1> -> vector<16xi32>
      %reduce_sum3A_537 = vector.extract %reduce_sum3A_536[15] : i32 from vector<16xi32>
      %add3A_538 = arith.addi %scan3A_398, %reduce_sum3A_537 : i32
      scf.yield %add3A_538, %add3A_525, %add3A_533 : i32, i32, i32
    }
    %scan3A_149 = arith.constant 16 : i32
    %sub3A_150 = arith.subi %sub3A_113, %scan3A_148#2 : i32
    %mul3A_151 = arith.constant 256 : i32
    %mul3A_152 = arith.muli %add3A_116, %mul3A_151 : i32
    %add3A_153 = arith.addi %mul3A_152, %scan3A_148#1 : i32
    %scan3A_154 = arith.constant 0 : i32
    %scan3A_155 = arith.constant 0 : i32
    %scan3A_156 = arith.constant 32 : i32
    %scan3A_157 = arith.addi %scan3A_155, %scan3A_156 : i32
    %scan3A_158 = arith.constant 1 : i32
    %scan3A_159 = scf.for %scan3A_397 = %scan3A_155 to %scan3A_157 step %scan3A_158 iter_args(%scan3A_398 = %scan3A_154) -> (i32)  : i32 {
      %mul3A_399 = arith.constant 128 : i32
      %mul3A_400 = arith.muli %scan3A_397, %mul3A_399 : i32
      %add3A_401 = arith.constant 0 : i32
      %add3A_402 = arith.addi %mul3A_400, %add3A_401 : i32
      %swap3A_403 = arith.index_cast %add3A_402 : i32 to index
      %swap3A_404 = tpu.vector_load %arg15[%swap3A_403] {strides = array<i32>} : memref<4096xi32, #tpu.memory_space<vmem>>, vector<16xi32>,
      tpu.vector_store %arg15[%swap3A_403], %broadcast_in_dim3A_23 {strides = array<i32>} : memref<4096xi32, #tpu.memory_space<vmem>>, vector<16xi32>,
      %mul3A_405 = arith.constant 128 : i32
      %mul3A_406 = arith.muli %scan3A_397, %mul3A_405 : i32
      %add3A_407 = arith.constant 16 : i32
      %add3A_408 = arith.addi %mul3A_406, %add3A_407 : i32
      %swap3A_409 = arith.index_cast %add3A_408 : i32 to index
      %swap3A_410 = tpu.vector_load %arg15[%swap3A_409] {strides = array<i32>} : memref<4096xi32, #tpu.memory_space<vmem>>, vector<16xi32>,
      tpu.vector_store %arg15[%swap3A_409], %broadcast_in_dim3A_23 {strides = array<i32>} : memref<4096xi32, #tpu.memory_space<vmem>>, vector<16xi32>,
      %mul3A_411 = arith.constant 128 : i32
      %mul3A_412 = arith.muli %scan3A_397, %mul3A_411 : i32
      %add3A_413 = arith.constant 32 : i32
      %add3A_414 = arith.addi %mul3A_412, %add3A_413 : i32
      %swap3A_415 = arith.index_cast %add3A_414 : i32 to index
      %swap3A_416 = tpu.vector_load %arg15[%swap3A_415] {strides = array<i32>} : memref<4096xi32, #tpu.memory_space<vmem>>, vector<16xi32>,
      tpu.vector_store %arg15[%swap3A_415], %broadcast_in_dim3A_23 {strides = array<i32>} : memref<4096xi32, #tpu.memory_space<vmem>>, vector<16xi32>,
      %mul3A_417 = arith.constant 128 : i32
      %mul3A_418 = arith.muli %scan3A_397, %mul3A_417 : i32
      %add3A_419 = arith.constant 48 : i32
      %add3A_420 = arith.addi %mul3A_418, %add3A_419 : i32
      %swap3A_421 = arith.index_cast %add3A_420 : i32 to index
      %swap3A_422 = tpu.vector_load %arg15[%swap3A_421] {strides = array<i32>} : memref<4096xi32, #tpu.memory_space<vmem>>, vector<16xi32>,
      tpu.vector_store %arg15[%swap3A_421], %broadcast_in_dim3A_23 {strides = array<i32>} : memref<4096xi32, #tpu.memory_space<vmem>>, vector<16xi32>,
      %mul3A_423 = arith.constant 128 : i32
      %mul3A_424 = arith.muli %scan3A_397, %mul3A_423 : i32
      %add3A_425 = arith.constant 64 : i32
      %add3A_426 = arith.addi %mul3A_424, %add3A_425 : i32
      %swap3A_427 = arith.index_cast %add3A_426 : i32 to index
      %swap3A_428 = tpu.vector_load %arg15[%swap3A_427] {strides = array<i32>} : memref<4096xi32, #tpu.memory_space<vmem>>, vector<16xi32>,
      tpu.vector_store %arg15[%swap3A_427], %broadcast_in_dim3A_23 {strides = array<i32>} : memref<4096xi32, #tpu.memory_space<vmem>>, vector<16xi32>,
      %mul3A_429 = arith.constant 128 : i32
      %mul3A_430 = arith.muli %scan3A_397, %mul3A_429 : i32
      %add3A_431 = arith.constant 80 : i32
      %add3A_432 = arith.addi %mul3A_430, %add3A_431 : i32
      %swap3A_433 = arith.index_cast %add3A_432 : i32 to index
      %swap3A_434 = tpu.vector_load %arg15[%swap3A_433] {strides = array<i32>} : memref<4096xi32, #tpu.memory_space<vmem>>, vector<16xi32>,
      tpu.vector_store %arg15[%swap3A_433], %broadcast_in_dim3A_23 {strides = array<i32>} : memref<4096xi32, #tpu.memory_space<vmem>>, vector<16xi32>,
      %mul3A_435 = arith.constant 128 : i32
      %mul3A_436 = arith.muli %scan3A_397, %mul3A_435 : i32
      %add3A_437 = arith.constant 96 : i32
      %add3A_438 = arith.addi %mul3A_436, %add3A_437 : i32
      %swap3A_439 = arith.index_cast %add3A_438 : i32 to index
      %swap3A_440 = tpu.vector_load %arg15[%swap3A_439] {strides = array<i32>} : memref<4096xi32, #tpu.memory_space<vmem>>, vector<16xi32>,
      tpu.vector_store %arg15[%swap3A_439], %broadcast_in_dim3A_23 {strides = array<i32>} : memref<4096xi32, #tpu.memory_space<vmem>>, vector<16xi32>,
      %mul3A_441 = arith.constant 128 : i32
      %mul3A_442 = arith.muli %scan3A_397, %mul3A_441 : i32
      %add3A_443 = arith.constant 112 : i32
      %add3A_444 = arith.addi %mul3A_442, %add3A_443 : i32
      %swap3A_445 = arith.index_cast %add3A_444 : i32 to index
      %swap3A_446 = tpu.vector_load %arg15[%swap3A_445] {strides = array<i32>} : memref<4096xi32, #tpu.memory_space<vmem>>, vector<16xi32>,
      tpu.vector_store %arg15[%swap3A_445], %broadcast_in_dim3A_23 {strides = array<i32>} : memref<4096xi32, #tpu.memory_space<vmem>>, vector<16xi32>,
      %scan3A_447 = arith.constant 0 : i32
      scf.yield %scan3A_447 : i32
    }
    %scan3A_160 = arith.constant 32 : i32
    %scan3A_161 = arith.constant 0 : i32
    %scan3A_162 = arith.constant 16 : i32
    %scan3A_163 = arith.addi %scan3A_161, %scan3A_162 : i32
    %scan3A_164 = arith.constant 1 : i32
    scf.for %scan3A_397 = %scan3A_161 to %scan3A_163 step %scan3A_164  : i32 {
      %mul3A_398 = arith.constant 64 : i32
      %mul3A_399 = arith.muli %scan3A_397, %mul3A_398 : i32
      %add3A_400 = arith.constant 0 : i32
      %add3A_401 = arith.addi %mul3A_399, %add3A_400 : i32
      %get3A_402 = arith.index_cast %add3A_401 : i32 to index
      %get3A_403 = tpu.vector_load %arg14[%get3A_402] {strides = array<i32>} : memref<1024xi32, #tpu.memory_space<vmem>>, vector<16xi32>,
      %shift_right_logical3A = arith.constant 8 : i32
      %shift_right_logical3A_404 = vector.broadcast %shift_right_logical3A : i32 to vector<16xi32>
      %shift_right_logical3A_405 = arith.shrui %get3A_403, %shift_right_logical3A_404 : vector<16xi32>
      %eq3A_406 = vector.broadcast %add3A_153 : i32 to vector<16xi32>
      %eq3A_407 = arith.cmpi eq, %shift_right_logical3A_405, %eq3A_406 : vector<16xi32>
      %shift_right_logical3A_408 = arith.constant 0 : i32
      %shift_right_logical3A_409 = vector.broadcast %shift_right_logical3A_408 : i32 to vector<16xi32>
      %shift_right_logical3A_410 = arith.shrui %get3A_403, %shift_right_logical3A_409 : vector<16xi32>
      %and3A = arith.constant 255 : i32
      %and3A_411 = vector.broadcast %and3A : i32 to vector<16xi32>
      %and3A_412 = arith.andi %shift_right_logical3A_410, %and3A_411 : vector<16xi32>
      %mul3A_413 = arith.constant 256 : i32
      %mul3A_414 = vector.broadcast %mul3A_413 : i32 to vector<16xi32>
      %mul3A_415 = arith.muli %iota3A, %mul3A_414 : vector<16xi32>
      %add3A_416 = arith.addi %mul3A_415, %and3A_412 : vector<16xi32>
      tpu.vector_store_idx %arg15[%add3A_416], %broadcast_in_dim3A_25 masked %eq3A_407 {add = true} : memref<4096xi32, #tpu.memory_space<vmem>>[vector<16xi32>], vector<16xi32>, vector<16xi1>
      %mul3A_417 = arith.constant 64 : i32
      %mul3A_418 = arith.muli %scan3A_397, %mul3A_417 : i32
      %add3A_419 = arith.constant 16 : i32
      %add3A_420 = arith.addi %mul3A_418, %add3A_419 : i32
      %get3A_421 = arith.index_cast %add3A_420 : i32 to index
      %get3A_422 = tpu.vector_load %arg14[%get3A_421] {strides = array<i32>} : memref<1024xi32, #tpu.memory_space<vmem>>, vector<16xi32>,
      %shift_right_logical3A_423 = arith.constant 8 : i32
      %shift_right_logical3A_424 = vector.broadcast %shift_right_logical3A_423 : i32 to vector<16xi32>
      %shift_right_logical3A_425 = arith.shrui %get3A_422, %shift_right_logical3A_424 : vector<16xi32>
      %eq3A_426 = vector.broadcast %add3A_153 : i32 to vector<16xi32>
      %eq3A_427 = arith.cmpi eq, %shift_right_logical3A_425, %eq3A_426 : vector<16xi32>
      %shift_right_logical3A_428 = arith.constant 0 : i32
      %shift_right_logical3A_429 = vector.broadcast %shift_right_logical3A_428 : i32 to vector<16xi32>
      %shift_right_logical3A_430 = arith.shrui %get3A_422, %shift_right_logical3A_429 : vector<16xi32>
      %and3A_431 = arith.constant 255 : i32
      %and3A_432 = vector.broadcast %and3A_431 : i32 to vector<16xi32>
      %and3A_433 = arith.andi %shift_right_logical3A_430, %and3A_432 : vector<16xi32>
      %mul3A_434 = arith.constant 256 : i32
      %mul3A_435 = vector.broadcast %mul3A_434 : i32 to vector<16xi32>
      %mul3A_436 = arith.muli %iota3A, %mul3A_435 : vector<16xi32>
      %add3A_437 = arith.addi %mul3A_436, %and3A_433 : vector<16xi32>
      tpu.vector_store_idx %arg15[%add3A_437], %broadcast_in_dim3A_25 masked %eq3A_427 {add = true} : memref<4096xi32, #tpu.memory_space<vmem>>[vector<16xi32>], vector<16xi32>, vector<16xi1>
      %mul3A_438 = arith.constant 64 : i32
      %mul3A_439 = arith.muli %scan3A_397, %mul3A_438 : i32
      %add3A_440 = arith.constant 32 : i32
      %add3A_441 = arith.addi %mul3A_439, %add3A_440 : i32
      %get3A_442 = arith.index_cast %add3A_441 : i32 to index
      %get3A_443 = tpu.vector_load %arg14[%get3A_442] {strides = array<i32>} : memref<1024xi32, #tpu.memory_space<vmem>>, vector<16xi32>,
      %shift_right_logical3A_444 = arith.constant 8 : i32
      %shift_right_logical3A_445 = vector.broadcast %shift_right_logical3A_444 : i32 to vector<16xi32>
      %shift_right_logical3A_446 = arith.shrui %get3A_443, %shift_right_logical3A_445 : vector<16xi32>
      %eq3A_447 = vector.broadcast %add3A_153 : i32 to vector<16xi32>
      %eq3A_448 = arith.cmpi eq, %shift_right_logical3A_446, %eq3A_447 : vector<16xi32>
      %shift_right_logical3A_449 = arith.constant 0 : i32
      %shift_right_logical3A_450 = vector.broadcast %shift_right_logical3A_449 : i32 to vector<16xi32>
      %shift_right_logical3A_451 = arith.shrui %get3A_443, %shift_right_logical3A_450 : vector<16xi32>
      %and3A_452 = arith.constant 255 : i32
      %and3A_453 = vector.broadcast %and3A_452 : i32 to vector<16xi32>
      %and3A_454 = arith.andi %shift_right_logical3A_451, %and3A_453 : vector<16xi32>
      %mul3A_455 = arith.constant 256 : i32
      %mul3A_456 = vector.broadcast %mul3A_455 : i32 to vector<16xi32>
      %mul3A_457 = arith.muli %iota3A, %mul3A_456 : vector<16xi32>
      %add3A_458 = arith.addi %mul3A_457, %and3A_454 : vector<16xi32>
      tpu.vector_store_idx %arg15[%add3A_458], %broadcast_in_dim3A_25 masked %eq3A_448 {add = true} : memref<4096xi32, #tpu.memory_space<vmem>>[vector<16xi32>], vector<16xi32>, vector<16xi1>
      %mul3A_459 = arith.constant 64 : i32
      %mul3A_460 = arith.muli %scan3A_397, %mul3A_459 : i32
      %add3A_461 = arith.constant 48 : i32
      %add3A_462 = arith.addi %mul3A_460, %add3A_461 : i32
      %get3A_463 = arith.index_cast %add3A_462 : i32 to index
      %get3A_464 = tpu.vector_load %arg14[%get3A_463] {strides = array<i32>} : memref<1024xi32, #tpu.memory_space<vmem>>, vector<16xi32>,
      %shift_right_logical3A_465 = arith.constant 8 : i32
      %shift_right_logical3A_466 = vector.broadcast %shift_right_logical3A_465 : i32 to vector<16xi32>
      %shift_right_logical3A_467 = arith.shrui %get3A_464, %shift_right_logical3A_466 : vector<16xi32>
      %eq3A_468 = vector.broadcast %add3A_153 : i32 to vector<16xi32>
      %eq3A_469 = arith.cmpi eq, %shift_right_logical3A_467, %eq3A_468 : vector<16xi32>
      %shift_right_logical3A_470 = arith.constant 0 : i32
      %shift_right_logical3A_471 = vector.broadcast %shift_right_logical3A_470 : i32 to vector<16xi32>
      %shift_right_logical3A_472 = arith.shrui %get3A_464, %shift_right_logical3A_471 : vector<16xi32>
      %and3A_473 = arith.constant 255 : i32
      %and3A_474 = vector.broadcast %and3A_473 : i32 to vector<16xi32>
      %and3A_475 = arith.andi %shift_right_logical3A_472, %and3A_474 : vector<16xi32>
      %mul3A_476 = arith.constant 256 : i32
      %mul3A_477 = vector.broadcast %mul3A_476 : i32 to vector<16xi32>
      %mul3A_478 = arith.muli %iota3A, %mul3A_477 : vector<16xi32>
      %add3A_479 = arith.addi %mul3A_478, %and3A_475 : vector<16xi32>
      tpu.vector_store_idx %arg15[%add3A_479], %broadcast_in_dim3A_25 masked %eq3A_469 {add = true} : memref<4096xi32, #tpu.memory_space<vmem>>[vector<16xi32>], vector<16xi32>, vector<16xi1>
    }
    %scan3A_165 = arith.constant 16 : i32
    %scan3A_166 = arith.constant 0 : i32
    %scan3A_167 = arith.constant 0 : i32
    %scan3A_168 = arith.constant 16 : i32
    %scan3A_169 = arith.addi %scan3A_167, %scan3A_168 : i32
    %scan3A_170 = arith.constant 1 : i32
    %scan3A_171 = scf.for %scan3A_397 = %scan3A_167 to %scan3A_169 step %scan3A_170 iter_args(%scan3A_398 = %scan3A_166) -> (i32)  : i32 {
      %mul3A_399 = arith.constant 16 : i32
      %mul3A_400 = arith.muli %scan3A_397, %mul3A_399 : i32
      %get3A_401 = arith.index_cast %mul3A_400 : i32 to index
      %get3A_402 = tpu.vector_load %arg15[%get3A_401] {strides = array<i32>} : memref<4096xi32, #tpu.memory_space<vmem>>, vector<16xi32>,
      %mul3A_403 = arith.constant 16 : i32
      %mul3A_404 = arith.muli %scan3A_397, %mul3A_403 : i32
      %add3A_405 = arith.constant 256 : i32
      %add3A_406 = arith.addi %add3A_405, %mul3A_404 : i32
      %get3A_407 = arith.index_cast %add3A_406 : i32 to index
      %get3A_408 = tpu.vector_load %arg15[%get3A_407] {strides = array<i32>} : memref<4096xi32, #tpu.memory_space<vmem>>, vector<16xi32>,
      %add3A_409 = arith.addi %get3A_402, %get3A_408 : vector<16xi32>
      %mul3A_410 = arith.constant 16 : i32
      %mul3A_411 = arith.muli %scan3A_397, %mul3A_410 : i32
      %add3A_412 = arith.constant 512 : i32
      %add3A_413 = arith.addi %add3A_412, %mul3A_411 : i32
      %get3A_414 = arith.index_cast %add3A_413 : i32 to index
      %get3A_415 = tpu.vector_load %arg15[%get3A_414] {strides = array<i32>} : memref<4096xi32, #tpu.memory_space<vmem>>, vector<16xi32>,
      %add3A_416 = arith.addi %add3A_409, %get3A_415 : vector<16xi32>
      %mul3A_417 = arith.constant 16 : i32
      %mul3A_418 = arith.muli %scan3A_397, %mul3A_417 : i32
      %add3A_419 = arith.constant 768 : i32
      %add3A_420 = arith.addi %add3A_419, %mul3A_418 : i32
      %get3A_421 = arith.index_cast %add3A_420 : i32 to index
      %get3A_422 = tpu.vector_load %arg15[%get3A_421] {strides = array<i32>} : memref<4096xi32, #tpu.memory_space<vmem>>, vector<16xi32>,
      %add3A_423 = arith.addi %add3A_416, %get3A_422 : vector<16xi32>
      %mul3A_424 = arith.constant 16 : i32
      %mul3A_425 = arith.muli %scan3A_397, %mul3A_424 : i32
      %add3A_426 = arith.constant 1024 : i32
      %add3A_427 = arith.addi %add3A_426, %mul3A_425 : i32
      %get3A_428 = arith.index_cast %add3A_427 : i32 to index
      %get3A_429 = tpu.vector_load %arg15[%get3A_428] {strides = array<i32>} : memref<4096xi32, #tpu.memory_space<vmem>>, vector<16xi32>,
      %add3A_430 = arith.addi %add3A_423, %get3A_429 : vector<16xi32>
      %mul3A_431 = arith.constant 16 : i32
      %mul3A_432 = arith.muli %scan3A_397, %mul3A_431 : i32
      %add3A_433 = arith.constant 1280 : i32
      %add3A_434 = arith.addi %add3A_433, %mul3A_432 : i32
      %get3A_435 = arith.index_cast %add3A_434 : i32 to index
      %get3A_436 = tpu.vector_load %arg15[%get3A_435] {strides = array<i32>} : memref<4096xi32, #tpu.memory_space<vmem>>, vector<16xi32>,
      %add3A_437 = arith.addi %add3A_430, %get3A_436 : vector<16xi32>
      %mul3A_438 = arith.constant 16 : i32
      %mul3A_439 = arith.muli %scan3A_397, %mul3A_438 : i32
      %add3A_440 = arith.constant 1536 : i32
      %add3A_441 = arith.addi %add3A_440, %mul3A_439 : i32
      %get3A_442 = arith.index_cast %add3A_441 : i32 to index
      %get3A_443 = tpu.vector_load %arg15[%get3A_442] {strides = array<i32>} : memref<4096xi32, #tpu.memory_space<vmem>>, vector<16xi32>,
      %add3A_444 = arith.addi %add3A_437, %get3A_443 : vector<16xi32>
      %mul3A_445 = arith.constant 16 : i32
      %mul3A_446 = arith.muli %scan3A_397, %mul3A_445 : i32
      %add3A_447 = arith.constant 1792 : i32
      %add3A_448 = arith.addi %add3A_447, %mul3A_446 : i32
      %get3A_449 = arith.index_cast %add3A_448 : i32 to index
      %get3A_450 = tpu.vector_load %arg15[%get3A_449] {strides = array<i32>} : memref<4096xi32, #tpu.memory_space<vmem>>, vector<16xi32>,
      %add3A_451 = arith.addi %add3A_444, %get3A_450 : vector<16xi32>
      %mul3A_452 = arith.constant 16 : i32
      %mul3A_453 = arith.muli %scan3A_397, %mul3A_452 : i32
      %add3A_454 = arith.constant 2048 : i32
      %add3A_455 = arith.addi %add3A_454, %mul3A_453 : i32
      %get3A_456 = arith.index_cast %add3A_455 : i32 to index
      %get3A_457 = tpu.vector_load %arg15[%get3A_456] {strides = array<i32>} : memref<4096xi32, #tpu.memory_space<vmem>>, vector<16xi32>,
      %add3A_458 = arith.addi %add3A_451, %get3A_457 : vector<16xi32>
      %mul3A_459 = arith.constant 16 : i32
      %mul3A_460 = arith.muli %scan3A_397, %mul3A_459 : i32
      %add3A_461 = arith.constant 2304 : i32
      %add3A_462 = arith.addi %add3A_461, %mul3A_460 : i32
      %get3A_463 = arith.index_cast %add3A_462 : i32 to index
      %get3A_464 = tpu.vector_load %arg15[%get3A_463] {strides = array<i32>} : memref<4096xi32, #tpu.memory_space<vmem>>, vector<16xi32>,
      %add3A_465 = arith.addi %add3A_458, %get3A_464 : vector<16xi32>
      %mul3A_466 = arith.constant 16 : i32
      %mul3A_467 = arith.muli %scan3A_397, %mul3A_466 : i32
      %add3A_468 = arith.constant 2560 : i32
      %add3A_469 = arith.addi %add3A_468, %mul3A_467 : i32
      %get3A_470 = arith.index_cast %add3A_469 : i32 to index
      %get3A_471 = tpu.vector_load %arg15[%get3A_470] {strides = array<i32>} : memref<4096xi32, #tpu.memory_space<vmem>>, vector<16xi32>,
      %add3A_472 = arith.addi %add3A_465, %get3A_471 : vector<16xi32>
      %mul3A_473 = arith.constant 16 : i32
      %mul3A_474 = arith.muli %scan3A_397, %mul3A_473 : i32
      %add3A_475 = arith.constant 2816 : i32
      %add3A_476 = arith.addi %add3A_475, %mul3A_474 : i32
      %get3A_477 = arith.index_cast %add3A_476 : i32 to index
      %get3A_478 = tpu.vector_load %arg15[%get3A_477] {strides = array<i32>} : memref<4096xi32, #tpu.memory_space<vmem>>, vector<16xi32>,
      %add3A_479 = arith.addi %add3A_472, %get3A_478 : vector<16xi32>
      %mul3A_480 = arith.constant 16 : i32
      %mul3A_481 = arith.muli %scan3A_397, %mul3A_480 : i32
      %add3A_482 = arith.constant 3072 : i32
      %add3A_483 = arith.addi %add3A_482, %mul3A_481 : i32
      %get3A_484 = arith.index_cast %add3A_483 : i32 to index
      %get3A_485 = tpu.vector_load %arg15[%get3A_484] {strides = array<i32>} : memref<4096xi32, #tpu.memory_space<vmem>>, vector<16xi32>,
      %add3A_486 = arith.addi %add3A_479, %get3A_485 : vector<16xi32>
      %mul3A_487 = arith.constant 16 : i32
      %mul3A_488 = arith.muli %scan3A_397, %mul3A_487 : i32
      %add3A_489 = arith.constant 3328 : i32
      %add3A_490 = arith.addi %add3A_489, %mul3A_488 : i32
      %get3A_491 = arith.index_cast %add3A_490 : i32 to index
      %get3A_492 = tpu.vector_load %arg15[%get3A_491] {strides = array<i32>} : memref<4096xi32, #tpu.memory_space<vmem>>, vector<16xi32>,
      %add3A_493 = arith.addi %add3A_486, %get3A_492 : vector<16xi32>
      %mul3A_494 = arith.constant 16 : i32
      %mul3A_495 = arith.muli %scan3A_397, %mul3A_494 : i32
      %add3A_496 = arith.constant 3584 : i32
      %add3A_497 = arith.addi %add3A_496, %mul3A_495 : i32
      %get3A_498 = arith.index_cast %add3A_497 : i32 to index
      %get3A_499 = tpu.vector_load %arg15[%get3A_498] {strides = array<i32>} : memref<4096xi32, #tpu.memory_space<vmem>>, vector<16xi32>,
      %add3A_500 = arith.addi %add3A_493, %get3A_499 : vector<16xi32>
      %mul3A_501 = arith.constant 16 : i32
      %mul3A_502 = arith.muli %scan3A_397, %mul3A_501 : i32
      %add3A_503 = arith.constant 3840 : i32
      %add3A_504 = arith.addi %add3A_503, %mul3A_502 : i32
      %get3A_505 = arith.index_cast %add3A_504 : i32 to index
      %get3A_506 = tpu.vector_load %arg15[%get3A_505] {strides = array<i32>} : memref<4096xi32, #tpu.memory_space<vmem>>, vector<16xi32>,
      %add3A_507 = arith.addi %add3A_500, %get3A_506 : vector<16xi32>
      %mul3A_508 = arith.constant 16 : i32
      %mul3A_509 = arith.muli %scan3A_397, %mul3A_508 : i32
      %swap3A_510 = arith.index_cast %mul3A_509 : i32 to index
      %swap3A_511 = tpu.vector_load %arg17[%swap3A_510] {strides = array<i32>} : memref<256xi32, #tpu.memory_space<vmem>>, vector<16xi32>,
      tpu.vector_store %arg17[%swap3A_510], %add3A_507 {strides = array<i32>} : memref<256xi32, #tpu.memory_space<vmem>>, vector<16xi32>,
      %scan3A_512 = arith.constant 0 : i32
      scf.yield %scan3A_512 : i32
    }
    %scan3A_172 = arith.constant 16 : i32
    %mul3A_173 = arith.constant 256 : i32
    %mul3A_174 = arith.muli %arg1, %mul3A_173 : i32
    %run_scoped3A_175 = arith.constant 3 : i32
    "tpu.region"() ({
      %run_scoped3A_397 = tpu.sem_alloc : memref<!tpu.dma_semaphore, #tpu.memory_space<semaphore_mem>>
      %dma_start3A_398 = tpu.memref_slice %arg22[%run_scoped3A_175, %mul3A_174] : memref<4x4096xi32, #tpu.memory_space<vmem_shared>> -> memref<1x256xi32, #tpu.memory_space<vmem_shared>>
      %dma_start3A_399 = tpu.memref_squeeze %dma_start3A_398 : memref<1x256xi32, #tpu.memory_space<vmem_shared>> -> memref<256xi32, #tpu.memory_space<vmem_shared>>
      %dma_start3A_400 = tpu.memref_slice %arg22[%run_scoped3A_175, %mul3A_174] : memref<4x4096xi32, #tpu.memory_space<vmem_shared>> -> memref<1x256xi32, #tpu.memory_space<vmem_shared>>
      %dma_start3A_401 = tpu.memref_squeeze %dma_start3A_400 : memref<1x256xi32, #tpu.memory_space<vmem_shared>> -> memref<256xi32, #tpu.memory_space<vmem_shared>>
      tpu.enqueue_dma source(%arg17 : memref<256xi32, #tpu.memory_space<vmem>>) target(%dma_start3A_401 : memref<256xi32, #tpu.memory_space<vmem_shared>>) target_semaphore(%run_scoped3A_397 : memref<!tpu.dma_semaphore, #tpu.memory_space<semaphore_mem>>)
      %dma_wait3A_402 = tpu.memref_slice %arg22[%run_scoped3A_175, %mul3A_174] : memref<4x4096xi32, #tpu.memory_space<vmem_shared>> -> memref<1x256xi32, #tpu.memory_space<vmem_shared>>
      %dma_wait3A_403 = tpu.memref_squeeze %dma_wait3A_402 : memref<1x256xi32, #tpu.memory_space<vmem_shared>> -> memref<256xi32, #tpu.memory_space<vmem_shared>>
      %dma_wait3A_404 = tpu.memref_slice %arg22[%run_scoped3A_175, %mul3A_174] : memref<4x4096xi32, #tpu.memory_space<vmem_shared>> -> memref<1x256xi32, #tpu.memory_space<vmem_shared>>
      %dma_wait3A_405 = tpu.memref_squeeze %dma_wait3A_404 : memref<1x256xi32, #tpu.memory_space<vmem_shared>> -> memref<256xi32, #tpu.memory_space<vmem_shared>>
      tpu.wait_dma2 semaphore(%run_scoped3A_397 : memref<!tpu.dma_semaphore, #tpu.memory_space<semaphore_mem>>) src(%arg17 : memref<256xi32, #tpu.memory_space<vmem>>) dst(%dma_wait3A_405 : memref<256xi32, #tpu.memory_space<vmem_shared>>)
      tpu.yield
    }) : () -> ()
    %barrier3A_176 = arith.constant 0 : index
    tpu.barrier barrier_id(%barrier3A_176)
    %run_scoped3A_177 = arith.constant 3 : i32
    "tpu.region"() ({
      %run_scoped3A_397 = tpu.sem_alloc : memref<!tpu.dma_semaphore, #tpu.memory_space<semaphore_mem>>
      %dma_start3A_398 = arith.constant 0 : i32
      %dma_start3A_399 = tpu.memref_slice %arg22[%run_scoped3A_177, %dma_start3A_398] : memref<4x4096xi32, #tpu.memory_space<vmem_shared>> -> memref<1x4096xi32, #tpu.memory_space<vmem_shared>>
      %dma_start3A_400 = tpu.memref_squeeze %dma_start3A_399 : memref<1x4096xi32, #tpu.memory_space<vmem_shared>> -> memref<4096xi32, #tpu.memory_space<vmem_shared>>
      %dma_start3A_401 = arith.constant 0 : i32
      %dma_start3A_402 = tpu.memref_slice %arg22[%run_scoped3A_177, %dma_start3A_401] : memref<4x4096xi32, #tpu.memory_space<vmem_shared>> -> memref<1x4096xi32, #tpu.memory_space<vmem_shared>>
      %dma_start3A_403 = tpu.memref_squeeze %dma_start3A_402 : memref<1x4096xi32, #tpu.memory_space<vmem_shared>> -> memref<4096xi32, #tpu.memory_space<vmem_shared>>
      tpu.enqueue_dma source(%dma_start3A_403 : memref<4096xi32, #tpu.memory_space<vmem_shared>>) target(%arg16 : memref<4096xi32, #tpu.memory_space<vmem>>) target_semaphore(%run_scoped3A_397 : memref<!tpu.dma_semaphore, #tpu.memory_space<semaphore_mem>>)
      %dma_wait3A_404 = arith.constant 0 : i32
      %dma_wait3A_405 = tpu.memref_slice %arg22[%run_scoped3A_177, %dma_wait3A_404] : memref<4x4096xi32, #tpu.memory_space<vmem_shared>> -> memref<1x4096xi32, #tpu.memory_space<vmem_shared>>
      %dma_wait3A_406 = tpu.memref_squeeze %dma_wait3A_405 : memref<1x4096xi32, #tpu.memory_space<vmem_shared>> -> memref<4096xi32, #tpu.memory_space<vmem_shared>>
      %dma_wait3A_407 = arith.constant 0 : i32
      %dma_wait3A_408 = tpu.memref_slice %arg22[%run_scoped3A_177, %dma_wait3A_407] : memref<4x4096xi32, #tpu.memory_space<vmem_shared>> -> memref<1x4096xi32, #tpu.memory_space<vmem_shared>>
      %dma_wait3A_409 = tpu.memref_squeeze %dma_wait3A_408 : memref<1x4096xi32, #tpu.memory_space<vmem_shared>> -> memref<4096xi32, #tpu.memory_space<vmem_shared>>
      tpu.wait_dma2 semaphore(%run_scoped3A_397 : memref<!tpu.dma_semaphore, #tpu.memory_space<semaphore_mem>>) src(%dma_wait3A_409 : memref<4096xi32, #tpu.memory_space<vmem_shared>>) dst(%arg16 : memref<4096xi32, #tpu.memory_space<vmem>>)
      tpu.yield
    }) : () -> ()
    %scan3A_178 = arith.constant 0 : i32
    %scan3A_179 = arith.constant 0 : i32
    %scan3A_180 = arith.constant 0 : i32
    %scan3A_181 = arith.constant 0 : i32
    %scan3A_182 = arith.constant 16 : i32
    %scan3A_183 = arith.addi %scan3A_181, %scan3A_182 : i32
    %scan3A_184 = arith.constant 1 : i32
    %scan3A_185:3 = scf.for %scan3A_397 = %scan3A_181 to %scan3A_183 step %scan3A_184 iter_args(%scan3A_398 = %scan3A_178, %scan3A_399 = %scan3A_179, %scan3A_400 = %scan3A_180) -> (i32, i32, i32)  : i32 {
      %mul3A_401 = arith.constant 16 : i32
      %mul3A_402 = arith.muli %scan3A_397, %mul3A_401 : i32
      %get3A_403 = arith.index_cast %mul3A_402 : i32 to index
      %get3A_404 = tpu.vector_load %arg16[%get3A_403] {strides = array<i32>} : memref<4096xi32, #tpu.memory_space<vmem>>, vector<16xi32>,
      %mul3A_405 = arith.constant 16 : i32
      %mul3A_406 = arith.muli %scan3A_397, %mul3A_405 : i32
      %add3A_407 = arith.constant 256 : i32
      %add3A_408 = arith.addi %add3A_407, %mul3A_406 : i32
      %get3A_409 = arith.index_cast %add3A_408 : i32 to index
      %get3A_410 = tpu.vector_load %arg16[%get3A_409] {strides = array<i32>} : memref<4096xi32, #tpu.memory_space<vmem>>, vector<16xi32>,
      %add3A_411 = arith.addi %get3A_404, %get3A_410 : vector<16xi32>
      %mul3A_412 = arith.constant 16 : i32
      %mul3A_413 = arith.muli %scan3A_397, %mul3A_412 : i32
      %add3A_414 = arith.constant 512 : i32
      %add3A_415 = arith.addi %add3A_414, %mul3A_413 : i32
      %get3A_416 = arith.index_cast %add3A_415 : i32 to index
      %get3A_417 = tpu.vector_load %arg16[%get3A_416] {strides = array<i32>} : memref<4096xi32, #tpu.memory_space<vmem>>, vector<16xi32>,
      %add3A_418 = arith.addi %add3A_411, %get3A_417 : vector<16xi32>
      %mul3A_419 = arith.constant 16 : i32
      %mul3A_420 = arith.muli %scan3A_397, %mul3A_419 : i32
      %add3A_421 = arith.constant 768 : i32
      %add3A_422 = arith.addi %add3A_421, %mul3A_420 : i32
      %get3A_423 = arith.index_cast %add3A_422 : i32 to index
      %get3A_424 = tpu.vector_load %arg16[%get3A_423] {strides = array<i32>} : memref<4096xi32, #tpu.memory_space<vmem>>, vector<16xi32>,
      %add3A_425 = arith.addi %add3A_418, %get3A_424 : vector<16xi32>
      %mul3A_426 = arith.constant 16 : i32
      %mul3A_427 = arith.muli %scan3A_397, %mul3A_426 : i32
      %add3A_428 = arith.constant 1024 : i32
      %add3A_429 = arith.addi %add3A_428, %mul3A_427 : i32
      %get3A_430 = arith.index_cast %add3A_429 : i32 to index
      %get3A_431 = tpu.vector_load %arg16[%get3A_430] {strides = array<i32>} : memref<4096xi32, #tpu.memory_space<vmem>>, vector<16xi32>,
      %add3A_432 = arith.addi %add3A_425, %get3A_431 : vector<16xi32>
      %mul3A_433 = arith.constant 16 : i32
      %mul3A_434 = arith.muli %scan3A_397, %mul3A_433 : i32
      %add3A_435 = arith.constant 1280 : i32
      %add3A_436 = arith.addi %add3A_435, %mul3A_434 : i32
      %get3A_437 = arith.index_cast %add3A_436 : i32 to index
      %get3A_438 = tpu.vector_load %arg16[%get3A_437] {strides = array<i32>} : memref<4096xi32, #tpu.memory_space<vmem>>, vector<16xi32>,
      %add3A_439 = arith.addi %add3A_432, %get3A_438 : vector<16xi32>
      %mul3A_440 = arith.constant 16 : i32
      %mul3A_441 = arith.muli %scan3A_397, %mul3A_440 : i32
      %add3A_442 = arith.constant 1536 : i32
      %add3A_443 = arith.addi %add3A_442, %mul3A_441 : i32
      %get3A_444 = arith.index_cast %add3A_443 : i32 to index
      %get3A_445 = tpu.vector_load %arg16[%get3A_444] {strides = array<i32>} : memref<4096xi32, #tpu.memory_space<vmem>>, vector<16xi32>,
      %add3A_446 = arith.addi %add3A_439, %get3A_445 : vector<16xi32>
      %mul3A_447 = arith.constant 16 : i32
      %mul3A_448 = arith.muli %scan3A_397, %mul3A_447 : i32
      %add3A_449 = arith.constant 1792 : i32
      %add3A_450 = arith.addi %add3A_449, %mul3A_448 : i32
      %get3A_451 = arith.index_cast %add3A_450 : i32 to index
      %get3A_452 = tpu.vector_load %arg16[%get3A_451] {strides = array<i32>} : memref<4096xi32, #tpu.memory_space<vmem>>, vector<16xi32>,
      %add3A_453 = arith.addi %add3A_446, %get3A_452 : vector<16xi32>
      %mul3A_454 = arith.constant 16 : i32
      %mul3A_455 = arith.muli %scan3A_397, %mul3A_454 : i32
      %add3A_456 = arith.constant 2048 : i32
      %add3A_457 = arith.addi %add3A_456, %mul3A_455 : i32
      %get3A_458 = arith.index_cast %add3A_457 : i32 to index
      %get3A_459 = tpu.vector_load %arg16[%get3A_458] {strides = array<i32>} : memref<4096xi32, #tpu.memory_space<vmem>>, vector<16xi32>,
      %add3A_460 = arith.addi %add3A_453, %get3A_459 : vector<16xi32>
      %mul3A_461 = arith.constant 16 : i32
      %mul3A_462 = arith.muli %scan3A_397, %mul3A_461 : i32
      %add3A_463 = arith.constant 2304 : i32
      %add3A_464 = arith.addi %add3A_463, %mul3A_462 : i32
      %get3A_465 = arith.index_cast %add3A_464 : i32 to index
      %get3A_466 = tpu.vector_load %arg16[%get3A_465] {strides = array<i32>} : memref<4096xi32, #tpu.memory_space<vmem>>, vector<16xi32>,
      %add3A_467 = arith.addi %add3A_460, %get3A_466 : vector<16xi32>
      %mul3A_468 = arith.constant 16 : i32
      %mul3A_469 = arith.muli %scan3A_397, %mul3A_468 : i32
      %add3A_470 = arith.constant 2560 : i32
      %add3A_471 = arith.addi %add3A_470, %mul3A_469 : i32
      %get3A_472 = arith.index_cast %add3A_471 : i32 to index
      %get3A_473 = tpu.vector_load %arg16[%get3A_472] {strides = array<i32>} : memref<4096xi32, #tpu.memory_space<vmem>>, vector<16xi32>,
      %add3A_474 = arith.addi %add3A_467, %get3A_473 : vector<16xi32>
      %mul3A_475 = arith.constant 16 : i32
      %mul3A_476 = arith.muli %scan3A_397, %mul3A_475 : i32
      %add3A_477 = arith.constant 2816 : i32
      %add3A_478 = arith.addi %add3A_477, %mul3A_476 : i32
      %get3A_479 = arith.index_cast %add3A_478 : i32 to index
      %get3A_480 = tpu.vector_load %arg16[%get3A_479] {strides = array<i32>} : memref<4096xi32, #tpu.memory_space<vmem>>, vector<16xi32>,
      %add3A_481 = arith.addi %add3A_474, %get3A_480 : vector<16xi32>
      %mul3A_482 = arith.constant 16 : i32
      %mul3A_483 = arith.muli %scan3A_397, %mul3A_482 : i32
      %add3A_484 = arith.constant 3072 : i32
      %add3A_485 = arith.addi %add3A_484, %mul3A_483 : i32
      %get3A_486 = arith.index_cast %add3A_485 : i32 to index
      %get3A_487 = tpu.vector_load %arg16[%get3A_486] {strides = array<i32>} : memref<4096xi32, #tpu.memory_space<vmem>>, vector<16xi32>,
      %add3A_488 = arith.addi %add3A_481, %get3A_487 : vector<16xi32>
      %mul3A_489 = arith.constant 16 : i32
      %mul3A_490 = arith.muli %scan3A_397, %mul3A_489 : i32
      %add3A_491 = arith.constant 3328 : i32
      %add3A_492 = arith.addi %add3A_491, %mul3A_490 : i32
      %get3A_493 = arith.index_cast %add3A_492 : i32 to index
      %get3A_494 = tpu.vector_load %arg16[%get3A_493] {strides = array<i32>} : memref<4096xi32, #tpu.memory_space<vmem>>, vector<16xi32>,
      %add3A_495 = arith.addi %add3A_488, %get3A_494 : vector<16xi32>
      %mul3A_496 = arith.constant 16 : i32
      %mul3A_497 = arith.muli %scan3A_397, %mul3A_496 : i32
      %add3A_498 = arith.constant 3584 : i32
      %add3A_499 = arith.addi %add3A_498, %mul3A_497 : i32
      %get3A_500 = arith.index_cast %add3A_499 : i32 to index
      %get3A_501 = tpu.vector_load %arg16[%get3A_500] {strides = array<i32>} : memref<4096xi32, #tpu.memory_space<vmem>>, vector<16xi32>,
      %add3A_502 = arith.addi %add3A_495, %get3A_501 : vector<16xi32>
      %mul3A_503 = arith.constant 16 : i32
      %mul3A_504 = arith.muli %scan3A_397, %mul3A_503 : i32
      %add3A_505 = arith.constant 3840 : i32
      %add3A_506 = arith.addi %add3A_505, %mul3A_504 : i32
      %get3A_507 = arith.index_cast %add3A_506 : i32 to index
      %get3A_508 = tpu.vector_load %arg16[%get3A_507] {strides = array<i32>} : memref<4096xi32, #tpu.memory_space<vmem>>, vector<16xi32>,
      %add3A_509 = arith.addi %add3A_502, %get3A_508 : vector<16xi32>
      %broadcast_in_dim3A_510 = arith.constant true
      %broadcast_in_dim3A_511 = vector.broadcast %broadcast_in_dim3A_510 : i1 to vector<16xi1>
      %masked_cumsum3A = tpu.scan <sum>, %add3A_509 masked %broadcast_in_dim3A_511 : vector<16xi32>, vector<16xi1> -> vector<16xi32>
      %add3A_512 = vector.broadcast %scan3A_398 : i32 to vector<16xi32>
      %add3A_513 = arith.addi %masked_cumsum3A, %add3A_512 : vector<16xi32>
      %lt3A_514 = vector.broadcast %sub3A_150 : i32 to vector<16xi32>
      %lt3A_515 = arith.cmpi slt, %add3A_513, %lt3A_514 : vector<16xi32>
      %jit3A_516 = arith.constant 1 : i32
      %jit3A_517 = arith.constant 0 : i32
      %broadcast_in_dim3A_518 = vector.broadcast %jit3A_516 : i32 to vector<16xi32>
      %broadcast_in_dim3A_519 = vector.broadcast %jit3A_517 : i32 to vector<16xi32>
      %select_n3A_520 = arith.select %lt3A_515, %broadcast_in_dim3A_518, %broadcast_in_dim3A_519 : vector<16xi1>, vector<16xi32>
      %reduce_sum3A_521 = arith.constant true
      %reduce_sum3A_522 = vector.broadcast %reduce_sum3A_521 : i1 to vector<16xi1>
      %reduce_sum3A_523 = tpu.scan <sum>, %select_n3A_520 masked %reduce_sum3A_522 : vector<16xi32>, vector<16xi1> -> vector<16xi32>
      %reduce_sum3A_524 = vector.extract %reduce_sum3A_523[15] : i32 from vector<16xi32>
      %add3A_525 = arith.addi %scan3A_399, %reduce_sum3A_524 : i32
      %jit3A_526 = arith.constant 0 : i32
      %broadcast_in_dim3A_527 = vector.broadcast %jit3A_526 : i32 to vector<16xi32>
      %select_n3A_528 = arith.select %lt3A_515, %add3A_509, %broadcast_in_dim3A_527 : vector<16xi1>, vector<16xi32>
      %reduce_sum3A_529 = arith.constant true
      %reduce_sum3A_530 = vector.broadcast %reduce_sum3A_529 : i1 to vector<16xi1>
      %reduce_sum3A_531 = tpu.scan <sum>, %select_n3A_528 masked %reduce_sum3A_530 : vector<16xi32>, vector<16xi1> -> vector<16xi32>
      %reduce_sum3A_532 = vector.extract %reduce_sum3A_531[15] : i32 from vector<16xi32>
      %add3A_533 = arith.addi %scan3A_400, %reduce_sum3A_532 : i32
      %reduce_sum3A_534 = arith.constant true
      %reduce_sum3A_535 = vector.broadcast %reduce_sum3A_534 : i1 to vector<16xi1>
      %reduce_sum3A_536 = tpu.scan <sum>, %add3A_509 masked %reduce_sum3A_535 : vector<16xi32>, vector<16xi1> -> vector<16xi32>
      %reduce_sum3A_537 = vector.extract %reduce_sum3A_536[15] : i32 from vector<16xi32>
      %add3A_538 = arith.addi %scan3A_398, %reduce_sum3A_537 : i32
      scf.yield %add3A_538, %add3A_525, %add3A_533 : i32, i32, i32
    }
    %scan3A_186 = arith.constant 16 : i32
    %sub3A_187 = arith.subi %sub3A_150, %scan3A_185#2 : i32
    %mul3A_188 = arith.constant 256 : i32
    %mul3A_189 = arith.muli %add3A_153, %mul3A_188 : i32
    %add3A_190 = arith.addi %mul3A_189, %scan3A_185#1 : i32
    %xor3A = arith.constant -2147483648 : i32
    %xor3A_191 = arith.xori %add3A_190, %xor3A : i32
    "tpu.region"() ({
      %run_scoped3A_397 = tpu.sem_alloc : memref<!tpu.dma_semaphore, #tpu.memory_space<semaphore_mem>>
      tpu.enqueue_dma source(%arg23 : memref<256xi32, #tpu.memory_space<vmem_shared>>) target(%arg20 : memref<256xi32, #tpu.memory_space<vmem>>) target_semaphore(%run_scoped3A_397 : memref<!tpu.dma_semaphore, #tpu.memory_space<semaphore_mem>>)
      tpu.wait_dma2 semaphore(%run_scoped3A_397 : memref<!tpu.dma_semaphore, #tpu.memory_space<semaphore_mem>>) src(%arg23 : memref<256xi32, #tpu.memory_space<vmem_shared>>) dst(%arg20 : memref<256xi32, #tpu.memory_space<vmem>>)
      tpu.yield
    }) : () -> ()
    %broadcast_in_dim3A_192 = arith.constant 0 : i32
    %broadcast_in_dim3A_193 = vector.broadcast %broadcast_in_dim3A_192 : i32 to vector<16xi32>
    %broadcast_in_dim3A_194 = arith.constant 0 : i32
    %broadcast_in_dim3A_195 = vector.broadcast %broadcast_in_dim3A_194 : i32 to vector<16xi32>
    %get3A = arith.constant 0 : index
    %get3A_196 = tpu.vector_load %arg20[%get3A] {strides = array<i32>} : memref<256xi32, #tpu.memory_space<vmem>>, vector<16xi32>,
    %add3A_197 = arith.addi %broadcast_in_dim3A_193, %get3A_196 : vector<16xi32>
    %lt3A = arith.constant 0 : i32
    %lt3A_198 = arith.cmpi slt, %lt3A, %arg1 : i32
    %jit3A = arith.constant 0 : i32
    %broadcast_in_dim3A_199 = vector.broadcast %jit3A : i32 to vector<16xi32>
    %select_n3A = arith.select %lt3A_198, %get3A_196, %broadcast_in_dim3A_199 : vector<16xi32>
    %add3A_200 = arith.addi %broadcast_in_dim3A_195, %select_n3A : vector<16xi32>
    %get3A_201 = arith.constant 16 : index
    %get3A_202 = tpu.vector_load %arg20[%get3A_201] {strides = array<i32>} : memref<256xi32, #tpu.memory_space<vmem>>, vector<16xi32>,
    %add3A_203 = arith.addi %add3A_197, %get3A_202 : vector<16xi32>
    %lt3A_204 = arith.constant 1 : i32
    %lt3A_205 = arith.cmpi slt, %lt3A_204, %arg1 : i32
    %jit3A_206 = arith.constant 0 : i32
    %broadcast_in_dim3A_207 = vector.broadcast %jit3A_206 : i32 to vector<16xi32>
    %select_n3A_208 = arith.select %lt3A_205, %get3A_202, %broadcast_in_dim3A_207 : vector<16xi32>
    %add3A_209 = arith.addi %add3A_200, %select_n3A_208 : vector<16xi32>
    %get3A_210 = arith.constant 32 : index
    %get3A_211 = tpu.vector_load %arg20[%get3A_210] {strides = array<i32>} : memref<256xi32, #tpu.memory_space<vmem>>, vector<16xi32>,
    %add3A_212 = arith.addi %add3A_203, %get3A_211 : vector<16xi32>
    %lt3A_213 = arith.constant 2 : i32
    %lt3A_214 = arith.cmpi slt, %lt3A_213, %arg1 : i32
    %jit3A_215 = arith.constant 0 : i32
    %broadcast_in_dim3A_216 = vector.broadcast %jit3A_215 : i32 to vector<16xi32>
    %select_n3A_217 = arith.select %lt3A_214, %get3A_211, %broadcast_in_dim3A_216 : vector<16xi32>
    %add3A_218 = arith.addi %add3A_209, %select_n3A_217 : vector<16xi32>
    %get3A_219 = arith.constant 48 : index
    %get3A_220 = tpu.vector_load %arg20[%get3A_219] {strides = array<i32>} : memref<256xi32, #tpu.memory_space<vmem>>, vector<16xi32>,
    %add3A_221 = arith.addi %add3A_212, %get3A_220 : vector<16xi32>
    %lt3A_222 = arith.constant 3 : i32
    %lt3A_223 = arith.cmpi slt, %lt3A_222, %arg1 : i32
    %jit3A_224 = arith.constant 0 : i32
    %broadcast_in_dim3A_225 = vector.broadcast %jit3A_224 : i32 to vector<16xi32>
    %select_n3A_226 = arith.select %lt3A_223, %get3A_220, %broadcast_in_dim3A_225 : vector<16xi32>
    %add3A_227 = arith.addi %add3A_218, %select_n3A_226 : vector<16xi32>
    %get3A_228 = arith.constant 64 : index
    %get3A_229 = tpu.vector_load %arg20[%get3A_228] {strides = array<i32>} : memref<256xi32, #tpu.memory_space<vmem>>, vector<16xi32>,
    %add3A_230 = arith.addi %add3A_221, %get3A_229 : vector<16xi32>
    %lt3A_231 = arith.constant 4 : i32
    %lt3A_232 = arith.cmpi slt, %lt3A_231, %arg1 : i32
    %jit3A_233 = arith.constant 0 : i32
    %broadcast_in_dim3A_234 = vector.broadcast %jit3A_233 : i32 to vector<16xi32>
    %select_n3A_235 = arith.select %lt3A_232, %get3A_229, %broadcast_in_dim3A_234 : vector<16xi32>
    %add3A_236 = arith.addi %add3A_227, %select_n3A_235 : vector<16xi32>
    %get3A_237 = arith.constant 80 : index
    %get3A_238 = tpu.vector_load %arg20[%get3A_237] {strides = array<i32>} : memref<256xi32, #tpu.memory_space<vmem>>, vector<16xi32>,
    %add3A_239 = arith.addi %add3A_230, %get3A_238 : vector<16xi32>
    %lt3A_240 = arith.constant 5 : i32
    %lt3A_241 = arith.cmpi slt, %lt3A_240, %arg1 : i32
    %jit3A_242 = arith.constant 0 : i32
    %broadcast_in_dim3A_243 = vector.broadcast %jit3A_242 : i32 to vector<16xi32>
    %select_n3A_244 = arith.select %lt3A_241, %get3A_238, %broadcast_in_dim3A_243 : vector<16xi32>
    %add3A_245 = arith.addi %add3A_236, %select_n3A_244 : vector<16xi32>
    %get3A_246 = arith.constant 96 : index
    %get3A_247 = tpu.vector_load %arg20[%get3A_246] {strides = array<i32>} : memref<256xi32, #tpu.memory_space<vmem>>, vector<16xi32>,
    %add3A_248 = arith.addi %add3A_239, %get3A_247 : vector<16xi32>
    %lt3A_249 = arith.constant 6 : i32
    %lt3A_250 = arith.cmpi slt, %lt3A_249, %arg1 : i32
    %jit3A_251 = arith.constant 0 : i32
    %broadcast_in_dim3A_252 = vector.broadcast %jit3A_251 : i32 to vector<16xi32>
    %select_n3A_253 = arith.select %lt3A_250, %get3A_247, %broadcast_in_dim3A_252 : vector<16xi32>
    %add3A_254 = arith.addi %add3A_245, %select_n3A_253 : vector<16xi32>
    %get3A_255 = arith.constant 112 : index
    %get3A_256 = tpu.vector_load %arg20[%get3A_255] {strides = array<i32>} : memref<256xi32, #tpu.memory_space<vmem>>, vector<16xi32>,
    %add3A_257 = arith.addi %add3A_248, %get3A_256 : vector<16xi32>
    %lt3A_258 = arith.constant 7 : i32
    %lt3A_259 = arith.cmpi slt, %lt3A_258, %arg1 : i32
    %jit3A_260 = arith.constant 0 : i32
    %broadcast_in_dim3A_261 = vector.broadcast %jit3A_260 : i32 to vector<16xi32>
    %select_n3A_262 = arith.select %lt3A_259, %get3A_256, %broadcast_in_dim3A_261 : vector<16xi32>
    %add3A_263 = arith.addi %add3A_254, %select_n3A_262 : vector<16xi32>
    %get3A_264 = arith.constant 128 : index
    %get3A_265 = tpu.vector_load %arg20[%get3A_264] {strides = array<i32>} : memref<256xi32, #tpu.memory_space<vmem>>, vector<16xi32>,
    %add3A_266 = arith.addi %add3A_257, %get3A_265 : vector<16xi32>
    %lt3A_267 = arith.constant 8 : i32
    %lt3A_268 = arith.cmpi slt, %lt3A_267, %arg1 : i32
    %jit3A_269 = arith.constant 0 : i32
    %broadcast_in_dim3A_270 = vector.broadcast %jit3A_269 : i32 to vector<16xi32>
    %select_n3A_271 = arith.select %lt3A_268, %get3A_265, %broadcast_in_dim3A_270 : vector<16xi32>
    %add3A_272 = arith.addi %add3A_263, %select_n3A_271 : vector<16xi32>
    %get3A_273 = arith.constant 144 : index
    %get3A_274 = tpu.vector_load %arg20[%get3A_273] {strides = array<i32>} : memref<256xi32, #tpu.memory_space<vmem>>, vector<16xi32>,
    %add3A_275 = arith.addi %add3A_266, %get3A_274 : vector<16xi32>
    %lt3A_276 = arith.constant 9 : i32
    %lt3A_277 = arith.cmpi slt, %lt3A_276, %arg1 : i32
    %jit3A_278 = arith.constant 0 : i32
    %broadcast_in_dim3A_279 = vector.broadcast %jit3A_278 : i32 to vector<16xi32>
    %select_n3A_280 = arith.select %lt3A_277, %get3A_274, %broadcast_in_dim3A_279 : vector<16xi32>
    %add3A_281 = arith.addi %add3A_272, %select_n3A_280 : vector<16xi32>
    %get3A_282 = arith.constant 160 : index
    %get3A_283 = tpu.vector_load %arg20[%get3A_282] {strides = array<i32>} : memref<256xi32, #tpu.memory_space<vmem>>, vector<16xi32>,
    %add3A_284 = arith.addi %add3A_275, %get3A_283 : vector<16xi32>
    %lt3A_285 = arith.constant 10 : i32
    %lt3A_286 = arith.cmpi slt, %lt3A_285, %arg1 : i32
    %jit3A_287 = arith.constant 0 : i32
    %broadcast_in_dim3A_288 = vector.broadcast %jit3A_287 : i32 to vector<16xi32>
    %select_n3A_289 = arith.select %lt3A_286, %get3A_283, %broadcast_in_dim3A_288 : vector<16xi32>
    %add3A_290 = arith.addi %add3A_281, %select_n3A_289 : vector<16xi32>
    %get3A_291 = arith.constant 176 : index
    %get3A_292 = tpu.vector_load %arg20[%get3A_291] {strides = array<i32>} : memref<256xi32, #tpu.memory_space<vmem>>, vector<16xi32>,
    %add3A_293 = arith.addi %add3A_284, %get3A_292 : vector<16xi32>
    %lt3A_294 = arith.constant 11 : i32
    %lt3A_295 = arith.cmpi slt, %lt3A_294, %arg1 : i32
    %jit3A_296 = arith.constant 0 : i32
    %broadcast_in_dim3A_297 = vector.broadcast %jit3A_296 : i32 to vector<16xi32>
    %select_n3A_298 = arith.select %lt3A_295, %get3A_292, %broadcast_in_dim3A_297 : vector<16xi32>
    %add3A_299 = arith.addi %add3A_290, %select_n3A_298 : vector<16xi32>
    %get3A_300 = arith.constant 192 : index
    %get3A_301 = tpu.vector_load %arg20[%get3A_300] {strides = array<i32>} : memref<256xi32, #tpu.memory_space<vmem>>, vector<16xi32>,
    %add3A_302 = arith.addi %add3A_293, %get3A_301 : vector<16xi32>
    %lt3A_303 = arith.constant 12 : i32
    %lt3A_304 = arith.cmpi slt, %lt3A_303, %arg1 : i32
    %jit3A_305 = arith.constant 0 : i32
    %broadcast_in_dim3A_306 = vector.broadcast %jit3A_305 : i32 to vector<16xi32>
    %select_n3A_307 = arith.select %lt3A_304, %get3A_301, %broadcast_in_dim3A_306 : vector<16xi32>
    %add3A_308 = arith.addi %add3A_299, %select_n3A_307 : vector<16xi32>
    %get3A_309 = arith.constant 208 : index
    %get3A_310 = tpu.vector_load %arg20[%get3A_309] {strides = array<i32>} : memref<256xi32, #tpu.memory_space<vmem>>, vector<16xi32>,
    %add3A_311 = arith.addi %add3A_302, %get3A_310 : vector<16xi32>
    %lt3A_312 = arith.constant 13 : i32
    %lt3A_313 = arith.cmpi slt, %lt3A_312, %arg1 : i32
    %jit3A_314 = arith.constant 0 : i32
    %broadcast_in_dim3A_315 = vector.broadcast %jit3A_314 : i32 to vector<16xi32>
    %select_n3A_316 = arith.select %lt3A_313, %get3A_310, %broadcast_in_dim3A_315 : vector<16xi32>
    %add3A_317 = arith.addi %add3A_308, %select_n3A_316 : vector<16xi32>
    %get3A_318 = arith.constant 224 : index
    %get3A_319 = tpu.vector_load %arg20[%get3A_318] {strides = array<i32>} : memref<256xi32, #tpu.memory_space<vmem>>, vector<16xi32>,
    %add3A_320 = arith.addi %add3A_311, %get3A_319 : vector<16xi32>
    %lt3A_321 = arith.constant 14 : i32
    %lt3A_322 = arith.cmpi slt, %lt3A_321, %arg1 : i32
    %jit3A_323 = arith.constant 0 : i32
    %broadcast_in_dim3A_324 = vector.broadcast %jit3A_323 : i32 to vector<16xi32>
    %select_n3A_325 = arith.select %lt3A_322, %get3A_319, %broadcast_in_dim3A_324 : vector<16xi32>
    %add3A_326 = arith.addi %add3A_317, %select_n3A_325 : vector<16xi32>
    %get3A_327 = arith.constant 240 : index
    %get3A_328 = tpu.vector_load %arg20[%get3A_327] {strides = array<i32>} : memref<256xi32, #tpu.memory_space<vmem>>, vector<16xi32>,
    %add3A_329 = arith.addi %add3A_320, %get3A_328 : vector<16xi32>
    %lt3A_330 = arith.constant 15 : i32
    %lt3A_331 = arith.cmpi slt, %lt3A_330, %arg1 : i32
    %jit3A_332 = arith.constant 0 : i32
    %broadcast_in_dim3A_333 = vector.broadcast %jit3A_332 : i32 to vector<16xi32>
    %select_n3A_334 = arith.select %lt3A_331, %get3A_328, %broadcast_in_dim3A_333 : vector<16xi32>
    %add3A_335 = arith.addi %add3A_326, %select_n3A_334 : vector<16xi32>
    %reduce_max3A = arith.constant true
    %reduce_max3A_336 = vector.broadcast %reduce_max3A : i1 to vector<16xi1>
    %reduce_max3A_337 = arith.constant -2147483648 : i32
    %reduce_max3A_338 = vector.broadcast %reduce_max3A_337 : i32 to vector<16xi32>
    %reduce_max3A_339 = arith.xori %add3A_329, %reduce_max3A_338 : vector<16xi32>
    %reduce_max3A_340 = tpu.scan <max>, %reduce_max3A_339 masked %reduce_max3A_336 : vector<16xi32>, vector<16xi1> -> vector<16xi32>
    %reduce_max3A_341 = arith.xori %reduce_max3A_340, %reduce_max3A_338 : vector<16xi32>
    %reduce_max3A_342 = vector.extract %reduce_max3A_341[15] : i32 from vector<16xi32>
    %reduce_max3A_343 = arith.constant true
    %reduce_max3A_344 = vector.broadcast %reduce_max3A_343 : i1 to vector<16xi1>
    %reduce_max3A_345 = arith.constant -2147483648 : i32
    %reduce_max3A_346 = vector.broadcast %reduce_max3A_345 : i32 to vector<16xi32>
    %reduce_max3A_347 = arith.xori %add3A_335, %reduce_max3A_346 : vector<16xi32>
    %reduce_max3A_348 = tpu.scan <max>, %reduce_max3A_347 masked %reduce_max3A_344 : vector<16xi32>, vector<16xi1> -> vector<16xi32>
    %reduce_max3A_349 = arith.xori %reduce_max3A_348, %reduce_max3A_346 : vector<16xi32>
    %reduce_max3A_350 = vector.extract %reduce_max3A_349[15] : i32 from vector<16xi32>
    %sub3A_351 = arith.constant 1638 : i32
    %sub3A_352 = arith.subi %sub3A_351, %reduce_max3A_342 : i32
    %broadcast_in_dim3A_353 = arith.constant 0.000000e+00 : f32
    %broadcast_in_dim3A_354 = vector.broadcast %broadcast_in_dim3A_353 : f32 to vector<16xf32>
    %broadcast_in_dim3A_355 = arith.constant 0.000000e+00 : f32
    %broadcast_in_dim3A_356 = vector.broadcast %broadcast_in_dim3A_355 : f32 to vector<16xf32>
    %broadcast_in_dim3A_357 = arith.constant -3.000000e+38 : f32
    %broadcast_in_dim3A_358 = vector.broadcast %broadcast_in_dim3A_357 : f32 to vector<16xf32>
    %scan3A_359 = arith.constant 1638 : i32
    %scan3A_360 = arith.constant 0 : i32
    %scan3A_361 = arith.constant 0 : i32
    %scan3A_362 = arith.constant 32 : i32
    %scan3A_363 = arith.addi %scan3A_361, %scan3A_362 : i32
    %scan3A_364 = arith.constant 1 : i32
    %scan3A_365:4 = scf.for %scan3A_397 = %scan3A_361 to %scan3A_363 step %scan3A_364 iter_args(%scan3A_398 = %scan3A_360, %scan3A_399 = %broadcast_in_dim3A_354, %scan3A_400 = %broadcast_in_dim3A_356, %scan3A_401 = %broadcast_in_dim3A_358) -> (i32, vector<16xf32>, vector<16xf32>, vector<16xf32>)  : i32 {
      %mul3A_402 = arith.constant 32 : i32
      %mul3A_403 = arith.muli %scan3A_397, %mul3A_402 : i32
      %add3A_404 = arith.constant 0 : i32
      %add3A_405 = arith.addi %mul3A_403, %add3A_404 : i32
      %get3A_406 = arith.index_cast %add3A_405 : i32 to index
      %get3A_407 = tpu.vector_load %arg14[%get3A_406] {strides = array<i32>} : memref<1024xi32, #tpu.memory_space<vmem>>, vector<16xi32>,
      %xor3A_408 = arith.constant -2147483648 : i32
      %xor3A_409 = vector.broadcast %xor3A_408 : i32 to vector<16xi32>
      %xor3A_410 = arith.xori %get3A_407, %xor3A_409 : vector<16xi32>
      %get3A_411 = arith.index_cast %add3A_405 : i32 to index
      %get3A_412 = tpu.vector_load %arg12[%get3A_411] {strides = array<i32>} : memref<1024xf32, #tpu.memory_space<vmem>>, vector<16xf32>,
      %lt3A_413 = vector.broadcast %xor3A_191 : i32 to vector<16xi32>
      %lt3A_414 = arith.cmpi slt, %xor3A_410, %lt3A_413 : vector<16xi32>
      %jit3A_415 = arith.constant 0.000000e+00 : f32
      %broadcast_in_dim3A_416 = vector.broadcast %jit3A_415 : f32 to vector<16xf32>
      %select_n3A_417 = arith.select %lt3A_414, %get3A_412, %broadcast_in_dim3A_416 : vector<16xi1>, vector<16xf32>
      %add3A_418 = arith.addf %scan3A_399, %select_n3A_417 : vector<16xf32>
      %eq3A_419 = vector.broadcast %add3A_190 : i32 to vector<16xi32>
      %eq3A_420 = arith.cmpi eq, %get3A_407, %eq3A_419 : vector<16xi32>
      %jit3A_421 = arith.constant -3.000000e+38 : f32
      %broadcast_in_dim3A_422 = vector.broadcast %jit3A_421 : f32 to vector<16xf32>
      %select_n3A_423 = arith.select %eq3A_420, %get3A_412, %broadcast_in_dim3A_422 : vector<16xi1>, vector<16xf32>
      %max3A = arith.maximumf %scan3A_401, %select_n3A_423 : vector<16xf32>
      %get3A_424 = arith.index_cast %add3A_405 : i32 to index
      %get3A_425 = tpu.vector_load %arg9[%get3A_424] {strides = array<i32>} : memref<1024xi32, #tpu.memory_space<vmem>>, vector<16xi32>,
      %eq3A_426 = arith.constant 0 : i32
      %eq3A_427 = vector.broadcast %eq3A_426 : i32 to vector<16xi32>
      %eq3A_428 = arith.cmpi eq, %get3A_425, %eq3A_427 : vector<16xi32>
      %jit3A_429 = arith.constant 1 : i32
      %jit3A_430 = arith.constant 0 : i32
      %broadcast_in_dim3A_431 = vector.broadcast %jit3A_429 : i32 to vector<16xi32>
      %broadcast_in_dim3A_432 = vector.broadcast %jit3A_430 : i32 to vector<16xi32>
      %select_n3A_433 = arith.select %eq3A_428, %broadcast_in_dim3A_431, %broadcast_in_dim3A_432 : vector<16xi1>, vector<16xi32>
      %broadcast_in_dim3A_434 = arith.constant true
      %broadcast_in_dim3A_435 = vector.broadcast %broadcast_in_dim3A_434 : i1 to vector<16xi1>
      %masked_cumsum3A = tpu.scan <sum>, %select_n3A_433 masked %broadcast_in_dim3A_435 : vector<16xi32>, vector<16xi1> -> vector<16xi32>
      %add3A_436 = arith.addi %reduce_max3A_350, %scan3A_398 : i32
      %add3A_437 = vector.broadcast %add3A_436 : i32 to vector<16xi32>
      %add3A_438 = arith.addi %add3A_437, %masked_cumsum3A : vector<16xi32>
      %sub3A_439 = arith.subi %add3A_438, %select_n3A_433 : vector<16xi32>
      %add3A_440 = arith.addi %mul3A_0, %add3A_405 : i32
      %add3A_441 = vector.broadcast %add3A_440 : i32 to vector<16xi32>
      %add3A_442 = arith.addi %add3A_441, %iota3A : vector<16xi32>
      %sub3A_443 = arith.subi %add3A_442, %sub3A_439 : vector<16xi32>
      %eq3A_444 = arith.constant 0 : i32
      %eq3A_445 = vector.broadcast %eq3A_444 : i32 to vector<16xi32>
      %eq3A_446 = arith.cmpi eq, %get3A_425, %eq3A_445 : vector<16xi32>
      %lt3A_447 = vector.broadcast %scan3A_359 : i32 to vector<16xi32>
      %lt3A_448 = arith.cmpi slt, %sub3A_439, %lt3A_447 : vector<16xi32>
      %lt3A_449 = vector.broadcast %sub3A_352 : i32 to vector<16xi32>
      %lt3A_450 = arith.cmpi slt, %sub3A_443, %lt3A_449 : vector<16xi32>
      %select_n3A_451 = arith.select %eq3A_446, %lt3A_448, %lt3A_450 : vector<16xi1>, vector<16xi1>
      %get3A_452 = arith.index_cast %add3A_405 : i32 to index
      %get3A_453 = tpu.vector_load %arg10[%get3A_452] {strides = array<i32>} : memref<1024xf32, #tpu.memory_space<vmem>>, vector<16xf32>,
      %get3A_454 = arith.index_cast %add3A_405 : i32 to index
      %get3A_455 = tpu.vector_load %arg11[%get3A_454] {strides = array<i32>} : memref<1024xf32, #tpu.memory_space<vmem>>, vector<16xf32>,
      %select_n3A_456 = arith.select %select_n3A_451, %get3A_453, %get3A_455 : vector<16xi1>, vector<16xf32>
      %add3A_457 = arith.addf %scan3A_400, %select_n3A_456 : vector<16xf32>
      %reduce_sum3A_458 = arith.constant true
      %reduce_sum3A_459 = vector.broadcast %reduce_sum3A_458 : i1 to vector<16xi1>
      %reduce_sum3A_460 = tpu.scan <sum>, %select_n3A_433 masked %reduce_sum3A_459 : vector<16xi32>, vector<16xi1> -> vector<16xi32>
      %reduce_sum3A_461 = vector.extract %reduce_sum3A_460[15] : i32 from vector<16xi32>
      %add3A_462 = arith.addi %scan3A_398, %reduce_sum3A_461 : i32
      %mul3A_463 = arith.constant 32 : i32
      %mul3A_464 = arith.muli %scan3A_397, %mul3A_463 : i32
      %add3A_465 = arith.constant 16 : i32
      %add3A_466 = arith.addi %mul3A_464, %add3A_465 : i32
      %get3A_467 = arith.index_cast %add3A_466 : i32 to index
      %get3A_468 = tpu.vector_load %arg14[%get3A_467] {strides = array<i32>} : memref<1024xi32, #tpu.memory_space<vmem>>, vector<16xi32>,
      %xor3A_469 = arith.constant -2147483648 : i32
      %xor3A_470 = vector.broadcast %xor3A_469 : i32 to vector<16xi32>
      %xor3A_471 = arith.xori %get3A_468, %xor3A_470 : vector<16xi32>
      %get3A_472 = arith.index_cast %add3A_466 : i32 to index
      %get3A_473 = tpu.vector_load %arg12[%get3A_472] {strides = array<i32>} : memref<1024xf32, #tpu.memory_space<vmem>>, vector<16xf32>,
      %lt3A_474 = vector.broadcast %xor3A_191 : i32 to vector<16xi32>
      %lt3A_475 = arith.cmpi slt, %xor3A_471, %lt3A_474 : vector<16xi32>
      %jit3A_476 = arith.constant 0.000000e+00 : f32
      %broadcast_in_dim3A_477 = vector.broadcast %jit3A_476 : f32 to vector<16xf32>
      %select_n3A_478 = arith.select %lt3A_475, %get3A_473, %broadcast_in_dim3A_477 : vector<16xi1>, vector<16xf32>
      %add3A_479 = arith.addf %add3A_418, %select_n3A_478 : vector<16xf32>
      %eq3A_480 = vector.broadcast %add3A_190 : i32 to vector<16xi32>
      %eq3A_481 = arith.cmpi eq, %get3A_468, %eq3A_480 : vector<16xi32>
      %jit3A_482 = arith.constant -3.000000e+38 : f32
      %broadcast_in_dim3A_483 = vector.broadcast %jit3A_482 : f32 to vector<16xf32>
      %select_n3A_484 = arith.select %eq3A_481, %get3A_473, %broadcast_in_dim3A_483 : vector<16xi1>, vector<16xf32>
      %max3A_485 = arith.maximumf %max3A, %select_n3A_484 : vector<16xf32>
      %get3A_486 = arith.index_cast %add3A_466 : i32 to index
      %get3A_487 = tpu.vector_load %arg9[%get3A_486] {strides = array<i32>} : memref<1024xi32, #tpu.memory_space<vmem>>, vector<16xi32>,
      %eq3A_488 = arith.constant 0 : i32
      %eq3A_489 = vector.broadcast %eq3A_488 : i32 to vector<16xi32>
      %eq3A_490 = arith.cmpi eq, %get3A_487, %eq3A_489 : vector<16xi32>
      %jit3A_491 = arith.constant 1 : i32
      %jit3A_492 = arith.constant 0 : i32
      %broadcast_in_dim3A_493 = vector.broadcast %jit3A_491 : i32 to vector<16xi32>
      %broadcast_in_dim3A_494 = vector.broadcast %jit3A_492 : i32 to vector<16xi32>
      %select_n3A_495 = arith.select %eq3A_490, %broadcast_in_dim3A_493, %broadcast_in_dim3A_494 : vector<16xi1>, vector<16xi32>
      %broadcast_in_dim3A_496 = arith.constant true
      %broadcast_in_dim3A_497 = vector.broadcast %broadcast_in_dim3A_496 : i1 to vector<16xi1>
      %masked_cumsum3A_498 = tpu.scan <sum>, %select_n3A_495 masked %broadcast_in_dim3A_497 : vector<16xi32>, vector<16xi1> -> vector<16xi32>
      %add3A_499 = arith.addi %reduce_max3A_350, %add3A_462 : i32
      %add3A_500 = vector.broadcast %add3A_499 : i32 to vector<16xi32>
      %add3A_501 = arith.addi %add3A_500, %masked_cumsum3A_498 : vector<16xi32>
      %sub3A_502 = arith.subi %add3A_501, %select_n3A_495 : vector<16xi32>
      %add3A_503 = arith.addi %mul3A_0, %add3A_466 : i32
      %add3A_504 = vector.broadcast %add3A_503 : i32 to vector<16xi32>
      %add3A_505 = arith.addi %add3A_504, %iota3A : vector<16xi32>
      %sub3A_506 = arith.subi %add3A_505, %sub3A_502 : vector<16xi32>
      %eq3A_507 = arith.constant 0 : i32
      %eq3A_508 = vector.broadcast %eq3A_507 : i32 to vector<16xi32>
      %eq3A_509 = arith.cmpi eq, %get3A_487, %eq3A_508 : vector<16xi32>
      %lt3A_510 = vector.broadcast %scan3A_359 : i32 to vector<16xi32>
      %lt3A_511 = arith.cmpi slt, %sub3A_502, %lt3A_510 : vector<16xi32>
      %lt3A_512 = vector.broadcast %sub3A_352 : i32 to vector<16xi32>
      %lt3A_513 = arith.cmpi slt, %sub3A_506, %lt3A_512 : vector<16xi32>
      %select_n3A_514 = arith.select %eq3A_509, %lt3A_511, %lt3A_513 : vector<16xi1>, vector<16xi1>
      %get3A_515 = arith.index_cast %add3A_466 : i32 to index
      %get3A_516 = tpu.vector_load %arg10[%get3A_515] {strides = array<i32>} : memref<1024xf32, #tpu.memory_space<vmem>>, vector<16xf32>,
      %get3A_517 = arith.index_cast %add3A_466 : i32 to index
      %get3A_518 = tpu.vector_load %arg11[%get3A_517] {strides = array<i32>} : memref<1024xf32, #tpu.memory_space<vmem>>, vector<16xf32>,
      %select_n3A_519 = arith.select %select_n3A_514, %get3A_516, %get3A_518 : vector<16xi1>, vector<16xf32>
      %add3A_520 = arith.addf %add3A_457, %select_n3A_519 : vector<16xf32>
      %reduce_sum3A_521 = arith.constant true
      %reduce_sum3A_522 = vector.broadcast %reduce_sum3A_521 : i1 to vector<16xi1>
      %reduce_sum3A_523 = tpu.scan <sum>, %select_n3A_495 masked %reduce_sum3A_522 : vector<16xi32>, vector<16xi1> -> vector<16xi32>
      %reduce_sum3A_524 = vector.extract %reduce_sum3A_523[15] : i32 from vector<16xi32>
      %add3A_525 = arith.addi %add3A_462, %reduce_sum3A_524 : i32
      scf.yield %add3A_525, %add3A_479, %add3A_520, %max3A_485 : i32, vector<16xf32>, vector<16xf32>, vector<16xf32>
    }
    %scan3A_366 = arith.constant 32 : i32
    %reduce_sum3A_367 = arith.constant true
    %reduce_sum3A_368 = vector.broadcast %reduce_sum3A_367 : i1 to vector<16xi1>
    %reduce_sum3A_369 = tpu.scan <sum>, %scan3A_365#1 masked %reduce_sum3A_368 : vector<16xf32>, vector<16xi1> -> vector<16xf32>
    %reduce_sum3A_370 = vector.extract %reduce_sum3A_369[15] : f32 from vector<16xf32>
    %broadcast_in_dim3A_371 = vector.broadcast %reduce_sum3A_370 : f32 to vector<16xf32>
    %swap3A_372 = arith.constant 0 : index
    %swap3A_373 = tpu.vector_load %arg19[%swap3A_372] {strides = array<i32>} : memref<16xf32, #tpu.memory_space<vmem>>, vector<16xf32>,
    tpu.vector_store %arg19[%swap3A_372], %broadcast_in_dim3A_371 {strides = array<i32>} : memref<16xf32, #tpu.memory_space<vmem>>, vector<16xf32>,
    %mul3A_374 = arith.constant 16 : i32
    %mul3A_375 = arith.muli %arg1, %mul3A_374 : i32
    "tpu.region"() ({
      %run_scoped3A_397 = tpu.sem_alloc : memref<!tpu.dma_semaphore, #tpu.memory_space<semaphore_mem>>
      %dma_start3A_398 = tpu.memref_slice %arg25[%mul3A_375] : memref<256xf32, #tpu.memory_space<vmem_shared>> -> memref<16xf32, #tpu.memory_space<vmem_shared>>
      %dma_start3A_399 = tpu.memref_slice %arg25[%mul3A_375] : memref<256xf32, #tpu.memory_space<vmem_shared>> -> memref<16xf32, #tpu.memory_space<vmem_shared>>
      tpu.enqueue_dma source(%arg19 : memref<16xf32, #tpu.memory_space<vmem>>) target(%dma_start3A_399 : memref<16xf32, #tpu.memory_space<vmem_shared>>) target_semaphore(%run_scoped3A_397 : memref<!tpu.dma_semaphore, #tpu.memory_space<semaphore_mem>>)
      %dma_wait3A_400 = tpu.memref_slice %arg25[%mul3A_375] : memref<256xf32, #tpu.memory_space<vmem_shared>> -> memref<16xf32, #tpu.memory_space<vmem_shared>>
      %dma_wait3A_401 = tpu.memref_slice %arg25[%mul3A_375] : memref<256xf32, #tpu.memory_space<vmem_shared>> -> memref<16xf32, #tpu.memory_space<vmem_shared>>
      tpu.wait_dma2 semaphore(%run_scoped3A_397 : memref<!tpu.dma_semaphore, #tpu.memory_space<semaphore_mem>>) src(%arg19 : memref<16xf32, #tpu.memory_space<vmem>>) dst(%dma_wait3A_401 : memref<16xf32, #tpu.memory_space<vmem_shared>>)
      tpu.yield
    }) : () -> ()
    %reduce_sum3A_376 = arith.constant true
    %reduce_sum3A_377 = vector.broadcast %reduce_sum3A_376 : i1 to vector<16xi1>
    %reduce_sum3A_378 = tpu.scan <sum>, %scan3A_365#2 masked %reduce_sum3A_377 : vector<16xf32>, vector<16xi1> -> vector<16xf32>
    %reduce_sum3A_379 = vector.extract %reduce_sum3A_378[15] : f32 from vector<16xf32>
    %broadcast_in_dim3A_380 = vector.broadcast %reduce_sum3A_379 : f32 to vector<16xf32>
    %swap3A_381 = arith.constant 0 : index
    %swap3A_382 = tpu.vector_load %arg19[%swap3A_381] {strides = array<i32>} : memref<16xf32, #tpu.memory_space<vmem>>, vector<16xf32>,
    tpu.vector_store %arg19[%swap3A_381], %broadcast_in_dim3A_380 {strides = array<i32>} : memref<16xf32, #tpu.memory_space<vmem>>, vector<16xf32>,
    %mul3A_383 = arith.constant 16 : i32
    %mul3A_384 = arith.muli %arg1, %mul3A_383 : i32
    "tpu.region"() ({
      %run_scoped3A_397 = tpu.sem_alloc : memref<!tpu.dma_semaphore, #tpu.memory_space<semaphore_mem>>
      %dma_start3A_398 = tpu.memref_slice %arg26[%mul3A_384] : memref<256xf32, #tpu.memory_space<vmem_shared>> -> memref<16xf32, #tpu.memory_space<vmem_shared>>
      %dma_start3A_399 = tpu.memref_slice %arg26[%mul3A_384] : memref<256xf32, #tpu.memory_space<vmem_shared>> -> memref<16xf32, #tpu.memory_space<vmem_shared>>
      tpu.enqueue_dma source(%arg19 : memref<16xf32, #tpu.memory_space<vmem>>) target(%dma_start3A_399 : memref<16xf32, #tpu.memory_space<vmem_shared>>) target_semaphore(%run_scoped3A_397 : memref<!tpu.dma_semaphore, #tpu.memory_space<semaphore_mem>>)
      %dma_wait3A_400 = tpu.memref_slice %arg26[%mul3A_384] : memref<256xf32, #tpu.memory_space<vmem_shared>> -> memref<16xf32, #tpu.memory_space<vmem_shared>>
      %dma_wait3A_401 = tpu.memref_slice %arg26[%mul3A_384] : memref<256xf32, #tpu.memory_space<vmem_shared>> -> memref<16xf32, #tpu.memory_space<vmem_shared>>
      tpu.wait_dma2 semaphore(%run_scoped3A_397 : memref<!tpu.dma_semaphore, #tpu.memory_space<semaphore_mem>>) src(%arg19 : memref<16xf32, #tpu.memory_space<vmem>>) dst(%dma_wait3A_401 : memref<16xf32, #tpu.memory_space<vmem_shared>>)
      tpu.yield
    }) : () -> ()
    %reduce_max3A_385 = arith.constant true
    %reduce_max3A_386 = vector.broadcast %reduce_max3A_385 : i1 to vector<16xi1>
    %reduce_max3A_387 = tpu.scan <max>, %scan3A_365#3 masked %reduce_max3A_386 : vector<16xf32>, vector<16xi1> -> vector<16xf32>
    %reduce_max3A_388 = vector.extract %reduce_max3A_387[15] : f32 from vector<16xf32>
    %broadcast_in_dim3A_389 = vector.broadcast %reduce_max3A_388 : f32 to vector<16xf32>
    %swap3A_390 = arith.constant 0 : index
    %swap3A_391 = tpu.vector_load %arg19[%swap3A_390] {strides = array<i32>} : memref<16xf32, #tpu.memory_space<vmem>>, vector<16xf32>,
    tpu.vector_store %arg19[%swap3A_390], %broadcast_in_dim3A_389 {strides = array<i32>} : memref<16xf32, #tpu.memory_space<vmem>>, vector<16xf32>,
    %mul3A_392 = arith.constant 16 : i32
    %mul3A_393 = arith.muli %arg1, %mul3A_392 : i32
    "tpu.region"() ({
      %run_scoped3A_397 = tpu.sem_alloc : memref<!tpu.dma_semaphore, #tpu.memory_space<semaphore_mem>>
      %dma_start3A_398 = tpu.memref_slice %arg27[%mul3A_393] : memref<256xf32, #tpu.memory_space<vmem_shared>> -> memref<16xf32, #tpu.memory_space<vmem_shared>>
      %dma_start3A_399 = tpu.memref_slice %arg27[%mul3A_393] : memref<256xf32, #tpu.memory_space<vmem_shared>> -> memref<16xf32, #tpu.memory_space<vmem_shared>>
      tpu.enqueue_dma source(%arg19 : memref<16xf32, #tpu.memory_space<vmem>>) target(%dma_start3A_399 : memref<16xf32, #tpu.memory_space<vmem_shared>>) target_semaphore(%run_scoped3A_397 : memref<!tpu.dma_semaphore, #tpu.memory_space<semaphore_mem>>)
      %dma_wait3A_400 = tpu.memref_slice %arg27[%mul3A_393] : memref<256xf32, #tpu.memory_space<vmem_shared>> -> memref<16xf32, #tpu.memory_space<vmem_shared>>
      %dma_wait3A_401 = tpu.memref_slice %arg27[%mul3A_393] : memref<256xf32, #tpu.memory_space<vmem_shared>> -> memref<16xf32, #tpu.memory_space<vmem_shared>>
      tpu.wait_dma2 semaphore(%run_scoped3A_397 : memref<!tpu.dma_semaphore, #tpu.memory_space<semaphore_mem>>) src(%arg19 : memref<16xf32, #tpu.memory_space<vmem>>) dst(%dma_wait3A_401 : memref<16xf32, #tpu.memory_space<vmem_shared>>)
      tpu.yield
    }) : () -> ()
    %barrier3A_394 = arith.constant 0 : index
    tpu.barrier barrier_id(%barrier3A_394)
    %eq3A = arith.constant 0 : i32
    %eq3A_395 = arith.cmpi eq, %arg1, %eq3A : i32
    %convert_element_type3A = arith.extui %eq3A_395 : i1 to i32
    %cond3A = arith.constant 0 : i32
    %cond3A_396 = arith.cmpi ne, %convert_element_type3A, %cond3A : i32
    scf.if %cond3A_396 {
      "tpu.region"() ({
        %run_scoped3A_606 = tpu.sem_alloc : memref<!tpu.dma_semaphore, #tpu.memory_space<semaphore_mem>>
        tpu.enqueue_dma source(%arg25 : memref<256xf32, #tpu.memory_space<vmem_shared>>) target(%arg21 : memref<256xf32, #tpu.memory_space<vmem>>) target_semaphore(%run_scoped3A_606 : memref<!tpu.dma_semaphore, #tpu.memory_space<semaphore_mem>>)
        tpu.wait_dma2 semaphore(%run_scoped3A_606 : memref<!tpu.dma_semaphore, #tpu.memory_space<semaphore_mem>>) src(%arg25 : memref<256xf32, #tpu.memory_space<vmem_shared>>) dst(%arg21 : memref<256xf32, #tpu.memory_space<vmem>>)
        tpu.yield
      }) : () -> ()
      %broadcast_in_dim3A_397 = arith.constant 0.000000e+00 : f32
      %broadcast_in_dim3A_398 = vector.broadcast %broadcast_in_dim3A_397 : f32 to vector<16xf32>
      %get3A_399 = arith.constant 0 : index
      %get3A_400 = tpu.vector_load %arg21[%get3A_399] {strides = array<i32>} : memref<256xf32, #tpu.memory_space<vmem>>, vector<16xf32>,
      %add3A_401 = arith.addf %broadcast_in_dim3A_398, %get3A_400 : vector<16xf32>
      %get3A_402 = arith.constant 16 : index
      %get3A_403 = tpu.vector_load %arg21[%get3A_402] {strides = array<i32>} : memref<256xf32, #tpu.memory_space<vmem>>, vector<16xf32>,
      %add3A_404 = arith.addf %add3A_401, %get3A_403 : vector<16xf32>
      %get3A_405 = arith.constant 32 : index
      %get3A_406 = tpu.vector_load %arg21[%get3A_405] {strides = array<i32>} : memref<256xf32, #tpu.memory_space<vmem>>, vector<16xf32>,
      %add3A_407 = arith.addf %add3A_404, %get3A_406 : vector<16xf32>
      %get3A_408 = arith.constant 48 : index
      %get3A_409 = tpu.vector_load %arg21[%get3A_408] {strides = array<i32>} : memref<256xf32, #tpu.memory_space<vmem>>, vector<16xf32>,
      %add3A_410 = arith.addf %add3A_407, %get3A_409 : vector<16xf32>
      %get3A_411 = arith.constant 64 : index
      %get3A_412 = tpu.vector_load %arg21[%get3A_411] {strides = array<i32>} : memref<256xf32, #tpu.memory_space<vmem>>, vector<16xf32>,
      %add3A_413 = arith.addf %add3A_410, %get3A_412 : vector<16xf32>
      %get3A_414 = arith.constant 80 : index
      %get3A_415 = tpu.vector_load %arg21[%get3A_414] {strides = array<i32>} : memref<256xf32, #tpu.memory_space<vmem>>, vector<16xf32>,
      %add3A_416 = arith.addf %add3A_413, %get3A_415 : vector<16xf32>
      %get3A_417 = arith.constant 96 : index
      %get3A_418 = tpu.vector_load %arg21[%get3A_417] {strides = array<i32>} : memref<256xf32, #tpu.memory_space<vmem>>, vector<16xf32>,
      %add3A_419 = arith.addf %add3A_416, %get3A_418 : vector<16xf32>
      %get3A_420 = arith.constant 112 : index
      %get3A_421 = tpu.vector_load %arg21[%get3A_420] {strides = array<i32>} : memref<256xf32, #tpu.memory_space<vmem>>, vector<16xf32>,
      %add3A_422 = arith.addf %add3A_419, %get3A_421 : vector<16xf32>
      %get3A_423 = arith.constant 128 : index
      %get3A_424 = tpu.vector_load %arg21[%get3A_423] {strides = array<i32>} : memref<256xf32, #tpu.memory_space<vmem>>, vector<16xf32>,
      %add3A_425 = arith.addf %add3A_422, %get3A_424 : vector<16xf32>
      %get3A_426 = arith.constant 144 : index
      %get3A_427 = tpu.vector_load %arg21[%get3A_426] {strides = array<i32>} : memref<256xf32, #tpu.memory_space<vmem>>, vector<16xf32>,
      %add3A_428 = arith.addf %add3A_425, %get3A_427 : vector<16xf32>
      %get3A_429 = arith.constant 160 : index
      %get3A_430 = tpu.vector_load %arg21[%get3A_429] {strides = array<i32>} : memref<256xf32, #tpu.memory_space<vmem>>, vector<16xf32>,
      %add3A_431 = arith.addf %add3A_428, %get3A_430 : vector<16xf32>
      %get3A_432 = arith.constant 176 : index
      %get3A_433 = tpu.vector_load %arg21[%get3A_432] {strides = array<i32>} : memref<256xf32, #tpu.memory_space<vmem>>, vector<16xf32>,
      %add3A_434 = arith.addf %add3A_431, %get3A_433 : vector<16xf32>
      %get3A_435 = arith.constant 192 : index
      %get3A_436 = tpu.vector_load %arg21[%get3A_435] {strides = array<i32>} : memref<256xf32, #tpu.memory_space<vmem>>, vector<16xf32>,
      %add3A_437 = arith.addf %add3A_434, %get3A_436 : vector<16xf32>
      %get3A_438 = arith.constant 208 : index
      %get3A_439 = tpu.vector_load %arg21[%get3A_438] {strides = array<i32>} : memref<256xf32, #tpu.memory_space<vmem>>, vector<16xf32>,
      %add3A_440 = arith.addf %add3A_437, %get3A_439 : vector<16xf32>
      %get3A_441 = arith.constant 224 : index
      %get3A_442 = tpu.vector_load %arg21[%get3A_441] {strides = array<i32>} : memref<256xf32, #tpu.memory_space<vmem>>, vector<16xf32>,
      %add3A_443 = arith.addf %add3A_440, %get3A_442 : vector<16xf32>
      %get3A_444 = arith.constant 240 : index
      %get3A_445 = tpu.vector_load %arg21[%get3A_444] {strides = array<i32>} : memref<256xf32, #tpu.memory_space<vmem>>, vector<16xf32>,
      %add3A_446 = arith.addf %add3A_443, %get3A_445 : vector<16xf32>
      "tpu.region"() ({
        %run_scoped3A_606 = tpu.sem_alloc : memref<!tpu.dma_semaphore, #tpu.memory_space<semaphore_mem>>
        tpu.enqueue_dma source(%arg26 : memref<256xf32, #tpu.memory_space<vmem_shared>>) target(%arg21 : memref<256xf32, #tpu.memory_space<vmem>>) target_semaphore(%run_scoped3A_606 : memref<!tpu.dma_semaphore, #tpu.memory_space<semaphore_mem>>)
        tpu.wait_dma2 semaphore(%run_scoped3A_606 : memref<!tpu.dma_semaphore, #tpu.memory_space<semaphore_mem>>) src(%arg26 : memref<256xf32, #tpu.memory_space<vmem_shared>>) dst(%arg21 : memref<256xf32, #tpu.memory_space<vmem>>)
        tpu.yield
      }) : () -> ()
      %broadcast_in_dim3A_447 = arith.constant 0.000000e+00 : f32
      %broadcast_in_dim3A_448 = vector.broadcast %broadcast_in_dim3A_447 : f32 to vector<16xf32>
      %get3A_449 = arith.constant 0 : index
      %get3A_450 = tpu.vector_load %arg21[%get3A_449] {strides = array<i32>} : memref<256xf32, #tpu.memory_space<vmem>>, vector<16xf32>,
      %add3A_451 = arith.addf %broadcast_in_dim3A_448, %get3A_450 : vector<16xf32>
      %get3A_452 = arith.constant 16 : index
      %get3A_453 = tpu.vector_load %arg21[%get3A_452] {strides = array<i32>} : memref<256xf32, #tpu.memory_space<vmem>>, vector<16xf32>,
      %add3A_454 = arith.addf %add3A_451, %get3A_453 : vector<16xf32>
      %get3A_455 = arith.constant 32 : index
      %get3A_456 = tpu.vector_load %arg21[%get3A_455] {strides = array<i32>} : memref<256xf32, #tpu.memory_space<vmem>>, vector<16xf32>,
      %add3A_457 = arith.addf %add3A_454, %get3A_456 : vector<16xf32>
      %get3A_458 = arith.constant 48 : index
      %get3A_459 = tpu.vector_load %arg21[%get3A_458] {strides = array<i32>} : memref<256xf32, #tpu.memory_space<vmem>>, vector<16xf32>,
      %add3A_460 = arith.addf %add3A_457, %get3A_459 : vector<16xf32>
      %get3A_461 = arith.constant 64 : index
      %get3A_462 = tpu.vector_load %arg21[%get3A_461] {strides = array<i32>} : memref<256xf32, #tpu.memory_space<vmem>>, vector<16xf32>,
      %add3A_463 = arith.addf %add3A_460, %get3A_462 : vector<16xf32>
      %get3A_464 = arith.constant 80 : index
      %get3A_465 = tpu.vector_load %arg21[%get3A_464] {strides = array<i32>} : memref<256xf32, #tpu.memory_space<vmem>>, vector<16xf32>,
      %add3A_466 = arith.addf %add3A_463, %get3A_465 : vector<16xf32>
      %get3A_467 = arith.constant 96 : index
      %get3A_468 = tpu.vector_load %arg21[%get3A_467] {strides = array<i32>} : memref<256xf32, #tpu.memory_space<vmem>>, vector<16xf32>,
      %add3A_469 = arith.addf %add3A_466, %get3A_468 : vector<16xf32>
      %get3A_470 = arith.constant 112 : index
      %get3A_471 = tpu.vector_load %arg21[%get3A_470] {strides = array<i32>} : memref<256xf32, #tpu.memory_space<vmem>>, vector<16xf32>,
      %add3A_472 = arith.addf %add3A_469, %get3A_471 : vector<16xf32>
      %get3A_473 = arith.constant 128 : index
      %get3A_474 = tpu.vector_load %arg21[%get3A_473] {strides = array<i32>} : memref<256xf32, #tpu.memory_space<vmem>>, vector<16xf32>,
      %add3A_475 = arith.addf %add3A_472, %get3A_474 : vector<16xf32>
      %get3A_476 = arith.constant 144 : index
      %get3A_477 = tpu.vector_load %arg21[%get3A_476] {strides = array<i32>} : memref<256xf32, #tpu.memory_space<vmem>>, vector<16xf32>,
      %add3A_478 = arith.addf %add3A_475, %get3A_477 : vector<16xf32>
      %get3A_479 = arith.constant 160 : index
      %get3A_480 = tpu.vector_load %arg21[%get3A_479] {strides = array<i32>} : memref<256xf32, #tpu.memory_space<vmem>>, vector<16xf32>,
      %add3A_481 = arith.addf %add3A_478, %get3A_480 : vector<16xf32>
      %get3A_482 = arith.constant 176 : index
      %get3A_483 = tpu.vector_load %arg21[%get3A_482] {strides = array<i32>} : memref<256xf32, #tpu.memory_space<vmem>>, vector<16xf32>,
      %add3A_484 = arith.addf %add3A_481, %get3A_483 : vector<16xf32>
      %get3A_485 = arith.constant 192 : index
      %get3A_486 = tpu.vector_load %arg21[%get3A_485] {strides = array<i32>} : memref<256xf32, #tpu.memory_space<vmem>>, vector<16xf32>,
      %add3A_487 = arith.addf %add3A_484, %get3A_486 : vector<16xf32>
      %get3A_488 = arith.constant 208 : index
      %get3A_489 = tpu.vector_load %arg21[%get3A_488] {strides = array<i32>} : memref<256xf32, #tpu.memory_space<vmem>>, vector<16xf32>,
      %add3A_490 = arith.addf %add3A_487, %get3A_489 : vector<16xf32>
      %get3A_491 = arith.constant 224 : index
      %get3A_492 = tpu.vector_load %arg21[%get3A_491] {strides = array<i32>} : memref<256xf32, #tpu.memory_space<vmem>>, vector<16xf32>,
      %add3A_493 = arith.addf %add3A_490, %get3A_492 : vector<16xf32>
      %get3A_494 = arith.constant 240 : index
      %get3A_495 = tpu.vector_load %arg21[%get3A_494] {strides = array<i32>} : memref<256xf32, #tpu.memory_space<vmem>>, vector<16xf32>,
      %add3A_496 = arith.addf %add3A_493, %get3A_495 : vector<16xf32>
      "tpu.region"() ({
        %run_scoped3A_606 = tpu.sem_alloc : memref<!tpu.dma_semaphore, #tpu.memory_space<semaphore_mem>>
        tpu.enqueue_dma source(%arg24 : memref<256xf32, #tpu.memory_space<vmem_shared>>) target(%arg21 : memref<256xf32, #tpu.memory_space<vmem>>) target_semaphore(%run_scoped3A_606 : memref<!tpu.dma_semaphore, #tpu.memory_space<semaphore_mem>>)
        tpu.wait_dma2 semaphore(%run_scoped3A_606 : memref<!tpu.dma_semaphore, #tpu.memory_space<semaphore_mem>>) src(%arg24 : memref<256xf32, #tpu.memory_space<vmem_shared>>) dst(%arg21 : memref<256xf32, #tpu.memory_space<vmem>>)
        tpu.yield
      }) : () -> ()
      %broadcast_in_dim3A_497 = arith.constant 0.000000e+00 : f32
      %broadcast_in_dim3A_498 = vector.broadcast %broadcast_in_dim3A_497 : f32 to vector<16xf32>
      %get3A_499 = arith.constant 0 : index
      %get3A_500 = tpu.vector_load %arg21[%get3A_499] {strides = array<i32>} : memref<256xf32, #tpu.memory_space<vmem>>, vector<16xf32>,
      %add3A_501 = arith.addf %broadcast_in_dim3A_498, %get3A_500 : vector<16xf32>
      %get3A_502 = arith.constant 16 : index
      %get3A_503 = tpu.vector_load %arg21[%get3A_502] {strides = array<i32>} : memref<256xf32, #tpu.memory_space<vmem>>, vector<16xf32>,
      %add3A_504 = arith.addf %add3A_501, %get3A_503 : vector<16xf32>
      %get3A_505 = arith.constant 32 : index
      %get3A_506 = tpu.vector_load %arg21[%get3A_505] {strides = array<i32>} : memref<256xf32, #tpu.memory_space<vmem>>, vector<16xf32>,
      %add3A_507 = arith.addf %add3A_504, %get3A_506 : vector<16xf32>
      %get3A_508 = arith.constant 48 : index
      %get3A_509 = tpu.vector_load %arg21[%get3A_508] {strides = array<i32>} : memref<256xf32, #tpu.memory_space<vmem>>, vector<16xf32>,
      %add3A_510 = arith.addf %add3A_507, %get3A_509 : vector<16xf32>
      %get3A_511 = arith.constant 64 : index
      %get3A_512 = tpu.vector_load %arg21[%get3A_511] {strides = array<i32>} : memref<256xf32, #tpu.memory_space<vmem>>, vector<16xf32>,
      %add3A_513 = arith.addf %add3A_510, %get3A_512 : vector<16xf32>
      %get3A_514 = arith.constant 80 : index
      %get3A_515 = tpu.vector_load %arg21[%get3A_514] {strides = array<i32>} : memref<256xf32, #tpu.memory_space<vmem>>, vector<16xf32>,
      %add3A_516 = arith.addf %add3A_513, %get3A_515 : vector<16xf32>
      %get3A_517 = arith.constant 96 : index
      %get3A_518 = tpu.vector_load %arg21[%get3A_517] {strides = array<i32>} : memref<256xf32, #tpu.memory_space<vmem>>, vector<16xf32>,
      %add3A_519 = arith.addf %add3A_516, %get3A_518 : vector<16xf32>
      %get3A_520 = arith.constant 112 : index
      %get3A_521 = tpu.vector_load %arg21[%get3A_520] {strides = array<i32>} : memref<256xf32, #tpu.memory_space<vmem>>, vector<16xf32>,
      %add3A_522 = arith.addf %add3A_519, %get3A_521 : vector<16xf32>
      %get3A_523 = arith.constant 128 : index
      %get3A_524 = tpu.vector_load %arg21[%get3A_523] {strides = array<i32>} : memref<256xf32, #tpu.memory_space<vmem>>, vector<16xf32>,
      %add3A_525 = arith.addf %add3A_522, %get3A_524 : vector<16xf32>
      %get3A_526 = arith.constant 144 : index
      %get3A_527 = tpu.vector_load %arg21[%get3A_526] {strides = array<i32>} : memref<256xf32, #tpu.memory_space<vmem>>, vector<16xf32>,
      %add3A_528 = arith.addf %add3A_525, %get3A_527 : vector<16xf32>
      %get3A_529 = arith.constant 160 : index
      %get3A_530 = tpu.vector_load %arg21[%get3A_529] {strides = array<i32>} : memref<256xf32, #tpu.memory_space<vmem>>, vector<16xf32>,
      %add3A_531 = arith.addf %add3A_528, %get3A_530 : vector<16xf32>
      %get3A_532 = arith.constant 176 : index
      %get3A_533 = tpu.vector_load %arg21[%get3A_532] {strides = array<i32>} : memref<256xf32, #tpu.memory_space<vmem>>, vector<16xf32>,
      %add3A_534 = arith.addf %add3A_531, %get3A_533 : vector<16xf32>
      %get3A_535 = arith.constant 192 : index
      %get3A_536 = tpu.vector_load %arg21[%get3A_535] {strides = array<i32>} : memref<256xf32, #tpu.memory_space<vmem>>, vector<16xf32>,
      %add3A_537 = arith.addf %add3A_534, %get3A_536 : vector<16xf32>
      %get3A_538 = arith.constant 208 : index
      %get3A_539 = tpu.vector_load %arg21[%get3A_538] {strides = array<i32>} : memref<256xf32, #tpu.memory_space<vmem>>, vector<16xf32>,
      %add3A_540 = arith.addf %add3A_537, %get3A_539 : vector<16xf32>
      %get3A_541 = arith.constant 224 : index
      %get3A_542 = tpu.vector_load %arg21[%get3A_541] {strides = array<i32>} : memref<256xf32, #tpu.memory_space<vmem>>, vector<16xf32>,
      %add3A_543 = arith.addf %add3A_540, %get3A_542 : vector<16xf32>
      %get3A_544 = arith.constant 240 : index
      %get3A_545 = tpu.vector_load %arg21[%get3A_544] {strides = array<i32>} : memref<256xf32, #tpu.memory_space<vmem>>, vector<16xf32>,
      %add3A_546 = arith.addf %add3A_543, %get3A_545 : vector<16xf32>
      "tpu.region"() ({
        %run_scoped3A_606 = tpu.sem_alloc : memref<!tpu.dma_semaphore, #tpu.memory_space<semaphore_mem>>
        tpu.enqueue_dma source(%arg27 : memref<256xf32, #tpu.memory_space<vmem_shared>>) target(%arg21 : memref<256xf32, #tpu.memory_space<vmem>>) target_semaphore(%run_scoped3A_606 : memref<!tpu.dma_semaphore, #tpu.memory_space<semaphore_mem>>)
        tpu.wait_dma2 semaphore(%run_scoped3A_606 : memref<!tpu.dma_semaphore, #tpu.memory_space<semaphore_mem>>) src(%arg27 : memref<256xf32, #tpu.memory_space<vmem_shared>>) dst(%arg21 : memref<256xf32, #tpu.memory_space<vmem>>)
        tpu.yield
      }) : () -> ()
      %broadcast_in_dim3A_547 = arith.constant -3.000000e+38 : f32
      %broadcast_in_dim3A_548 = vector.broadcast %broadcast_in_dim3A_547 : f32 to vector<16xf32>
      %get3A_549 = arith.constant 0 : index
      %get3A_550 = tpu.vector_load %arg21[%get3A_549] {strides = array<i32>} : memref<256xf32, #tpu.memory_space<vmem>>, vector<16xf32>,
      %max3A = arith.maximumf %broadcast_in_dim3A_548, %get3A_550 : vector<16xf32>
      %get3A_551 = arith.constant 16 : index
      %get3A_552 = tpu.vector_load %arg21[%get3A_551] {strides = array<i32>} : memref<256xf32, #tpu.memory_space<vmem>>, vector<16xf32>,
      %max3A_553 = arith.maximumf %max3A, %get3A_552 : vector<16xf32>
      %get3A_554 = arith.constant 32 : index
      %get3A_555 = tpu.vector_load %arg21[%get3A_554] {strides = array<i32>} : memref<256xf32, #tpu.memory_space<vmem>>, vector<16xf32>,
      %max3A_556 = arith.maximumf %max3A_553, %get3A_555 : vector<16xf32>
      %get3A_557 = arith.constant 48 : index
      %get3A_558 = tpu.vector_load %arg21[%get3A_557] {strides = array<i32>} : memref<256xf32, #tpu.memory_space<vmem>>, vector<16xf32>,
      %max3A_559 = arith.maximumf %max3A_556, %get3A_558 : vector<16xf32>
      %get3A_560 = arith.constant 64 : index
      %get3A_561 = tpu.vector_load %arg21[%get3A_560] {strides = array<i32>} : memref<256xf32, #tpu.memory_space<vmem>>, vector<16xf32>,
      %max3A_562 = arith.maximumf %max3A_559, %get3A_561 : vector<16xf32>
      %get3A_563 = arith.constant 80 : index
      %get3A_564 = tpu.vector_load %arg21[%get3A_563] {strides = array<i32>} : memref<256xf32, #tpu.memory_space<vmem>>, vector<16xf32>,
      %max3A_565 = arith.maximumf %max3A_562, %get3A_564 : vector<16xf32>
      %get3A_566 = arith.constant 96 : index
      %get3A_567 = tpu.vector_load %arg21[%get3A_566] {strides = array<i32>} : memref<256xf32, #tpu.memory_space<vmem>>, vector<16xf32>,
      %max3A_568 = arith.maximumf %max3A_565, %get3A_567 : vector<16xf32>
      %get3A_569 = arith.constant 112 : index
      %get3A_570 = tpu.vector_load %arg21[%get3A_569] {strides = array<i32>} : memref<256xf32, #tpu.memory_space<vmem>>, vector<16xf32>,
      %max3A_571 = arith.maximumf %max3A_568, %get3A_570 : vector<16xf32>
      %get3A_572 = arith.constant 128 : index
      %get3A_573 = tpu.vector_load %arg21[%get3A_572] {strides = array<i32>} : memref<256xf32, #tpu.memory_space<vmem>>, vector<16xf32>,
      %max3A_574 = arith.maximumf %max3A_571, %get3A_573 : vector<16xf32>
      %get3A_575 = arith.constant 144 : index
      %get3A_576 = tpu.vector_load %arg21[%get3A_575] {strides = array<i32>} : memref<256xf32, #tpu.memory_space<vmem>>, vector<16xf32>,
      %max3A_577 = arith.maximumf %max3A_574, %get3A_576 : vector<16xf32>
      %get3A_578 = arith.constant 160 : index
      %get3A_579 = tpu.vector_load %arg21[%get3A_578] {strides = array<i32>} : memref<256xf32, #tpu.memory_space<vmem>>, vector<16xf32>,
      %max3A_580 = arith.maximumf %max3A_577, %get3A_579 : vector<16xf32>
      %get3A_581 = arith.constant 176 : index
      %get3A_582 = tpu.vector_load %arg21[%get3A_581] {strides = array<i32>} : memref<256xf32, #tpu.memory_space<vmem>>, vector<16xf32>,
      %max3A_583 = arith.maximumf %max3A_580, %get3A_582 : vector<16xf32>
      %get3A_584 = arith.constant 192 : index
      %get3A_585 = tpu.vector_load %arg21[%get3A_584] {strides = array<i32>} : memref<256xf32, #tpu.memory_space<vmem>>, vector<16xf32>,
      %max3A_586 = arith.maximumf %max3A_583, %get3A_585 : vector<16xf32>
      %get3A_587 = arith.constant 208 : index
      %get3A_588 = tpu.vector_load %arg21[%get3A_587] {strides = array<i32>} : memref<256xf32, #tpu.memory_space<vmem>>, vector<16xf32>,
      %max3A_589 = arith.maximumf %max3A_586, %get3A_588 : vector<16xf32>
      %get3A_590 = arith.constant 224 : index
      %get3A_591 = tpu.vector_load %arg21[%get3A_590] {strides = array<i32>} : memref<256xf32, #tpu.memory_space<vmem>>, vector<16xf32>,
      %max3A_592 = arith.maximumf %max3A_589, %get3A_591 : vector<16xf32>
      %get3A_593 = arith.constant 240 : index
      %get3A_594 = tpu.vector_load %arg21[%get3A_593] {strides = array<i32>} : memref<256xf32, #tpu.memory_space<vmem>>, vector<16xf32>,
      %max3A_595 = arith.maximumf %max3A_592, %get3A_594 : vector<16xf32>
      %convert_element_type3A_596 = arith.sitofp %sub3A_187 : i32 to f32
      %sub3A_597 = arith.subf %add3A_496, %add3A_546 : vector<16xf32>
      %add3A_598 = arith.addf %sub3A_597, %add3A_446 : vector<16xf32>
      %mul3A_599 = vector.broadcast %convert_element_type3A_596 : f32 to vector<16xf32>
      %mul3A_600 = arith.mulf %mul3A_599, %max3A_595 : vector<16xf32>
      %add3A_601 = arith.addf %add3A_598, %mul3A_600 : vector<16xf32>
      %div3A = arith.constant 1.638400e+04 : f32
      %div3A_602 = vector.broadcast %div3A : f32 to vector<16xf32>
      %div3A_603 = arith.divf %add3A_601, %div3A_602 : vector<16xf32>
      %swap3A_604 = arith.constant 0 : index
      %swap3A_605 = tpu.vector_load %arg19[%swap3A_604] {strides = array<i32>} : memref<16xf32, #tpu.memory_space<vmem>>, vector<16xf32>,
      tpu.vector_store %arg19[%swap3A_604], %div3A_603 {strides = array<i32>} : memref<16xf32, #tpu.memory_space<vmem>>, vector<16xf32>,
      "tpu.region"() ({
        %run_scoped3A_606 = tpu.sem_alloc : memref<!tpu.dma_semaphore, #tpu.memory_space<semaphore_mem>>
        tpu.enqueue_dma source(%arg19 : memref<16xf32, #tpu.memory_space<vmem>>) target(%arg8 : memref<16xf32, #tpu.memory_space<hbm>>) target_semaphore(%run_scoped3A_606 : memref<!tpu.dma_semaphore, #tpu.memory_space<semaphore_mem>>)
        tpu.wait_dma2 semaphore(%run_scoped3A_606 : memref<!tpu.dma_semaphore, #tpu.memory_space<semaphore_mem>>) src(%arg19 : memref<16xf32, #tpu.memory_space<vmem>>) dst(%arg8 : memref<16xf32, #tpu.memory_space<hbm>>)
        tpu.yield
      }) : () -> ()
    } else {
    }
    return
  }
}

module attributes {stable_mosaic.version = 14 : i64} {
  func.func @_tc_body(%arg0: i32, %arg1: memref<1000x2048xf32, #tpu.memory_space<vmem>>, %arg2: memref<2048xi32, #tpu.memory_space<vmem>>, %arg3: memref<2048xf32, #tpu.memory_space<vmem>>, %arg4: memref<2048xf32, #tpu.memory_space<vmem>>, %arg5: memref<2048xf32, #tpu.memory_space<vmem>>, %arg6: memref<2048xf32, #tpu.memory_space<vmem>>, %arg7: memref<2048xi32, #tpu.memory_space<vmem>>) attributes {dimension_semantics = [#tpu.dimension_semantics<arbitrary>], iteration_bounds = array<i64: 8>, scalar_prefetch = 0 : i64, scratch_operands = 0 : i64, tpu.core_type = #tpu.core_type<tc>, window_params = [{transform_indices = @transform_0, window_bounds = array<i64: 1000, 2048>}, {transform_indices = @transform_1, window_bounds = array<i64: 2048>}, {transform_indices = @transform_2, window_bounds = array<i64: 2048>}, {transform_indices = @transform_3, window_bounds = array<i64: 2048>}, {transform_indices = @transform_4, window_bounds = array<i64: 2048>}, {transform_indices = @transform_5, window_bounds = array<i64: 2048>}, {transform_indices = @transform_6, window_bounds = array<i64: 2048>}]} {
    %get3A = arith.constant 0 : index
    %get3A_0 = arith.constant 0 : index
    %get3A_1 = vector.load %arg1[%get3A, %get3A_0] : memref<1000x2048xf32, #tpu.memory_space<vmem>>, vector<1000x2048xf32>
    %get3A_2 = arith.constant 0 : index
    %get3A_3 = vector.load %arg2[%get3A_2] : memref<2048xi32, #tpu.memory_space<vmem>>, vector<2048xi32>
    %reshape3A = vector.shape_cast %get3A_3 : vector<2048xi32> to vector<1x2048xi32>
    %exp3A = math.exp %get3A_1 : vector<1000x2048xf32>
    %reduce_sum3A = arith.constant dense<0.000000e+00> : vector<2048xf32>
    %reduce_sum3A_4 = vector.multi_reduction <add>, %exp3A, %reduce_sum3A [0] : vector<1000x2048xf32> to vector<2048xf32>
    %broadcast_in_dim3A = vector.shape_cast %reduce_sum3A_4 : vector<2048xf32> to vector<1x2048xf32>
    %iota3A = tpu.iota {dimensions = array<i32: 0>} : vector<1000x2048xi32>
    %eq3A = arith.constant 0 : i32
    %eq3A_5 = vector.broadcast %eq3A : i32 to vector<1x2048xi32>
    %eq3A_6 = arith.cmpi eq, %reshape3A, %eq3A_5 : vector<1x2048xi32>
    %eq3A_7 = vector.broadcast %reshape3A : vector<1x2048xi32> to vector<1000x2048xi32>
    %eq3A_8 = arith.cmpi eq, %iota3A, %eq3A_7 : vector<1000x2048xi32>
    %jit3A = arith.constant 0.000000e+00 : f32
    %broadcast_in_dim3A_9 = vector.broadcast %jit3A : f32 to vector<1000x2048xf32>
    %select_n3A = arith.select %eq3A_8, %exp3A, %broadcast_in_dim3A_9 : vector<1000x2048xi1>, vector<1000x2048xf32>
    %reduce_sum3A_10 = arith.constant dense<0.000000e+00> : vector<2048xf32>
    %reduce_sum3A_11 = vector.multi_reduction <add>, %select_n3A, %reduce_sum3A_10 [0] : vector<1000x2048xf32> to vector<2048xf32>
    %broadcast_in_dim3A_12 = vector.shape_cast %reduce_sum3A_11 : vector<2048xf32> to vector<1x2048xf32>
    %mul3A = arith.constant 2.000000e+00 : f32
    %mul3A_13 = vector.broadcast %mul3A : f32 to vector<1000x2048xf32>
    %mul3A_14 = arith.mulf %mul3A_13, %exp3A : vector<1000x2048xf32>
    %jit3A_15 = arith.constant 0.000000e+00 : f32
    %broadcast_in_dim3A_16 = vector.shape_cast %broadcast_in_dim3A : vector<1x2048xf32> to vector<1x2048xf32>
    %broadcast_in_dim3A_17 = vector.broadcast %broadcast_in_dim3A_16 : vector<1x2048xf32> to vector<1000x2048xf32>
    %broadcast_in_dim3A_18 = vector.broadcast %jit3A_15 : f32 to vector<1000x2048xf32>
    %select_n3A_19 = arith.select %eq3A_8, %broadcast_in_dim3A_17, %broadcast_in_dim3A_18 : vector<1000x2048xi1>, vector<1000x2048xf32>
    %sub3A = arith.subf %mul3A_14, %select_n3A_19 : vector<1000x2048xf32>
    %eq3A_20 = arith.constant 0 : i32
    %eq3A_21 = vector.broadcast %eq3A_20 : i32 to vector<1000x2048xi32>
    %eq3A_22 = arith.cmpi eq, %iota3A, %eq3A_21 : vector<1000x2048xi32>
    %jit3A_23 = arith.constant -3.000000e+38 : f32
    %broadcast_in_dim3A_24 = vector.broadcast %jit3A_23 : f32 to vector<1000x2048xf32>
    %select_n3A_25 = arith.select %eq3A_22, %broadcast_in_dim3A_24, %sub3A : vector<1000x2048xi1>, vector<1000x2048xf32>
    %reduce_max3A = arith.constant dense<0xFF800000> : vector<2048xf32>
    %reduce_max3A_26 = vector.multi_reduction <maximumf>, %select_n3A_25, %reduce_max3A [0] : vector<1000x2048xf32> to vector<2048xf32>
    %broadcast_in_dim3A_27 = vector.shape_cast %reduce_max3A_26 : vector<2048xf32> to vector<1x2048xf32>
    %div3A = arith.divf %broadcast_in_dim3A_27, %broadcast_in_dim3A : vector<1x2048xf32>
    %slice3A = vector.extract_strided_slice %exp3A {offsets = [0, 0], sizes = [1, 2048], strides = [1, 1]} : vector<1000x2048xf32> to vector<1x2048xf32>
    %div3A_28 = arith.divf %slice3A, %broadcast_in_dim3A : vector<1x2048xf32>
    %slice3A_29 = vector.extract_strided_slice %exp3A {offsets = [1, 0], sizes = [1, 2048], strides = [1, 1]} : vector<1000x2048xf32> to vector<1x2048xf32>
    %select_n3A_30 = arith.select %eq3A_6, %slice3A_29, %broadcast_in_dim3A_12 : vector<1x2048xi1>, vector<1x2048xf32>
    %mul3A_31 = arith.constant 2.000000e+00 : f32
    %mul3A_32 = vector.broadcast %mul3A_31 : f32 to vector<1x2048xf32>
    %mul3A_33 = arith.mulf %mul3A_32, %div3A_28 : vector<1x2048xf32>
    %sub3A_34 = arith.subf %div3A, %mul3A_33 : vector<1x2048xf32>
    %convert_element_type3A = arith.extui %eq3A_6 : vector<1x2048xi1> to vector<1x2048xi32>
    %convert_element_type3A_35 = arith.sitofp %convert_element_type3A : vector<1x2048xi32> to vector<1x2048xf32>
    %add3A = arith.addf %sub3A_34, %convert_element_type3A_35 : vector<1x2048xf32>
    %reshape3A_36 = vector.shape_cast %div3A_28 : vector<1x2048xf32> to vector<2048xf32>
    %swap3A = arith.constant 0 : index
    %swap3A_37 = vector.load %arg3[%swap3A] : memref<2048xf32, #tpu.memory_space<vmem>>, vector<2048xf32>
    tpu.vector_store %arg3[%swap3A], %reshape3A_36 {strides = array<i32>} : memref<2048xf32, #tpu.memory_space<vmem>>, vector<2048xf32>,
    %div3A_38 = arith.divf %select_n3A_30, %broadcast_in_dim3A : vector<1x2048xf32>
    %reshape3A_39 = vector.shape_cast %div3A_38 : vector<1x2048xf32> to vector<2048xf32>
    %swap3A_40 = arith.constant 0 : index
    %swap3A_41 = vector.load %arg4[%swap3A_40] : memref<2048xf32, #tpu.memory_space<vmem>>, vector<2048xf32>
    tpu.vector_store %arg4[%swap3A_40], %reshape3A_39 {strides = array<i32>} : memref<2048xf32, #tpu.memory_space<vmem>>, vector<2048xf32>,
    %reshape3A_42 = vector.shape_cast %add3A : vector<1x2048xf32> to vector<2048xf32>
    %swap3A_43 = arith.constant 0 : index
    %swap3A_44 = vector.load %arg5[%swap3A_43] : memref<2048xf32, #tpu.memory_space<vmem>>, vector<2048xf32>
    tpu.vector_store %arg5[%swap3A_43], %reshape3A_42 {strides = array<i32>} : memref<2048xf32, #tpu.memory_space<vmem>>, vector<2048xf32>,
    %reshape3A_45 = vector.shape_cast %div3A : vector<1x2048xf32> to vector<2048xf32>
    %swap3A_46 = arith.constant 0 : index
    %swap3A_47 = vector.load %arg6[%swap3A_46] : memref<2048xf32, #tpu.memory_space<vmem>>, vector<2048xf32>
    tpu.vector_store %arg6[%swap3A_46], %reshape3A_45 {strides = array<i32>} : memref<2048xf32, #tpu.memory_space<vmem>>, vector<2048xf32>,
    %bitcast_convert_type3A = tpu.bitcast %add3A : vector<1x2048xf32> -> vector<1x2048xi32>
    %ge3A = arith.constant 0 : i32
    %ge3A_48 = vector.broadcast %ge3A : i32 to vector<1x2048xi32>
    %ge3A_49 = arith.cmpi sge, %bitcast_convert_type3A, %ge3A_48 : vector<1x2048xi32>
    %sub3A_50 = arith.constant -2147483648 : i32
    %sub3A_51 = vector.broadcast %sub3A_50 : i32 to vector<1x2048xi32>
    %sub3A_52 = arith.subi %sub3A_51, %bitcast_convert_type3A : vector<1x2048xi32>
    %select_n3A_53 = arith.select %ge3A_49, %bitcast_convert_type3A, %sub3A_52 : vector<1x2048xi1>, vector<1x2048xi32>
    %xor3A = arith.constant -2147483648 : i32
    %xor3A_54 = vector.broadcast %xor3A : i32 to vector<1x2048xi32>
    %xor3A_55 = arith.xori %select_n3A_53, %xor3A_54 : vector<1x2048xi32>
    %reshape3A_56 = vector.shape_cast %xor3A_55 : vector<1x2048xi32> to vector<2048xi32>
    %swap3A_57 = arith.constant 0 : index
    %swap3A_58 = vector.load %arg7[%swap3A_57] : memref<2048xi32, #tpu.memory_space<vmem>>, vector<2048xi32>
    tpu.vector_store %arg7[%swap3A_57], %reshape3A_56 {strides = array<i32>} : memref<2048xi32, #tpu.memory_space<vmem>>, vector<2048xi32>,
    return
  }
  func.func @transform_0(%arg0: i32) -> (i32, i32) {
    %c0_i32 = arith.constant 0 : i32
    %c0_i32_0 = arith.constant 0 : i32
    return %c0_i32, %arg0 : i32, i32
  }
  func.func @transform_1(%arg0: i32) -> i32 {
    %c0_i32 = arith.constant 0 : i32
    return %arg0 : i32
  }
  func.func @transform_2(%arg0: i32) -> i32 {
    %c0_i32 = arith.constant 0 : i32
    return %arg0 : i32
  }
  func.func @transform_3(%arg0: i32) -> i32 {
    %c0_i32 = arith.constant 0 : i32
    return %arg0 : i32
  }
  func.func @transform_4(%arg0: i32) -> i32 {
    %c0_i32 = arith.constant 0 : i32
    return %arg0 : i32
  }
  func.func @transform_5(%arg0: i32) -> i32 {
    %c0_i32 = arith.constant 0 : i32
    return %arg0 : i32
  }
  func.func @transform_6(%arg0: i32) -> i32 {
    %c0_i32 = arith.constant 0 : i32
    return %arg0 : i32
  }
}

</mosaic_0001>

<sc_bundles>
// kernel: kernel.4.cloned.1.call-start
scs
__scs_entry_jumppad:
0x0: {  	(pc) =	sbr.rel $0x88, $3  }
0x1: {  	(tag) =	ssettag $0x0;
	lr =	simm.s32 $0x1  }
0x2: {  	[smem:$0x3F9F] =	sst lr;
	_ =	strace $0xD0000000  }
0x3: {  	_ = 	snop  }
0x4: {  	_ = 	snop  }
0x5: {  	_ = 	snop  }
0x6: {  	_ = 	snop  }
0x7: {  	_ = 	snop  }
__scs_overlays_trampoline_lowered:
0x8: {  	[smem:$0x3FAE] =	sst s0  }
0x9: {  	[smem:$0x3FAF] =	sst s1  }
0xa: {  	[smem:$0x3FB0] =	sst s2  }
0xb: {  	[smem:$0x3FB1] =	sst s3  }
0xc: {  	[smem:$0x3FB2] =	sst s4  }
0xd: {  	[smem:$0x3FB3] =	sst s5  }
0xe: {  	[smem:$0x3FB4] =	sst s6  }
0xf: {  	[smem:$0x3FB5] =	sst s7  }
0x10: {  	[smem:$0x3FB6] =	sst s8  }
0x11: {  	[smem:$0x3FB7] =	sst s9;
	s0 =	simm.s32 @!p0 $0x0  }
0x12: {  	s1 =	sld [smem:$0x3F9D];
	s0 =	simm.s32 @p0 $0x1  }
0x13: {  	[smem:$0x3FB8] =	sst s0;
	s0 =	simm.s32 @!p1 $0x0  }
0x14: {  	s2 =	sld [smem:$0x3F9C];
	s0 =	simm.s32 @p1 $0x1  }
0x15: {  	[smem:$0x3FB9] =	sst s0;
	s0 =	simm.s32 @!p2 $0x0  }
0x16: {  	s3 =	sld [smem:$0x3FDB];
	s0 =	simm.s32 @p2 $0x1  }
0x17: {  	s4 =	simm.s32 $0x1BF5;
	[smem:$0x3FBB] =	sst s0  }
0x18: {  	s0 =	sld [smem:$0x3F9E];
	_ =	swait.ge [sflag:s4], $0x0  }
0x19: {  	s7 =	sld [smem:$0x3F9F]  }
0x1a: {  	s8 =	sadd.s32 $0xFFFFE003, lr  }
0x1b: {  	s9 =	sadd.s32 $0xFFFFFEF7, lr;
	s5 =	simm.s32 $0xFFFFFFFF;
	p2 =	slt.u32 s8, $0xFFFFF086  }
0x1c: {  	p1 =	slt.u32 s9, $0xF7A;
	s5 =	simm.s32 @!p2 $0x0  }
0x1d: {  	s5 =	simm.s32 @p1 $0x1;
	p0 =	seq.s32 s7, s2  }
0x1e: {  	s7 =	smul.u32 @!p0 $0xF7A, s2;
	p2 =	seq.s32 @!p0 s5, $0x0  }
0x1f: {  	s9 =	smul.u32 $0xF7A, s1;
	s8 =	simm.s32 @!p0 $0x1BF5;
	p2 =	por !p2, p0  }
0x20: {  	[sflag:s8] =	ssyncset.s32 @!p0 $0xFFFFF086;
	s6 =	sadd.s32 @!p0 s3, s7;
	s7 =	simm.s32 @!p0 $0x108  }
0x21: {  	s3 =	sadd.s32 s3, s9;
	s6 =	sadd.s32 @!p0 $0x88, s6;
	s7 =	simm.s32 @p2 $0x1082  }
0x22: {  	[simem:s7], [sflag:s8] =	dma.local @!p0 [hbm:s6], $0xF7A  }
0x23: {  	s9 =	sor.u32 $0xD0000000, s2;
	s6 =	simm.s32 $0x108;
	_ =	swait.ge @!p0 [sflag:s8], $0x0  }
0x24: {  	s3 =	sadd.s32 $0x88, s3;
	s6 =	simm.s32 @!p1 $0x1082;
	[sflag:s4] =	ssyncset.s32 $0xFFFFF086  }
0x25: {  	[simem:s6], [sflag:s4] =	dma.local [hbm:s3], $0xF7A  }
0x26: {  	[smem:$0x3F9F] =	sst s1;
	(tag) =	ssettag s2;
	_ =	strace s9  }
0x27: {  	s1 =	sld [smem:$0x3FAF]  }
0x28: {  	s2 =	sld [smem:$0x3FB0]  }
0x29: {  	s4 =	sld [smem:$0x3FB2]  }
0x2a: {  	p0 =	seq.s32 s5, $0x0;
	s5 =	sld [smem:$0x3FB3]  }
0x2b: {  	s6 =	sld [smem:$0x3FB4]  }
0x2c: {  	s7 =	sld [smem:$0x3FB5]  }
0x2d: {  	s3 =	simm.s32 $0x108;
	s8 =	sld [smem:$0x3FB6]  }
0x2e: {  	s3 =	simm.s32 @!p0 $0x1082;
	s9 =	sld [smem:$0x3FB7]  }
0x2f: {  	lr =	sadd.s32 s0, s3;
	s0 =	sld [smem:$0x3FAE]  }
0x30: {  	s3 =	sld [smem:$0x3FB1]  }
0x31: {  	[smem:$0x3FBA] =	sst s10  }
0x32: {  	s10 =	sld [smem:$0x3FB8];
	_ =	sdelay $0x3  }
0x33: {  	p0 =	seq.s32 s10, $0x1;
	s10 =	sld [smem:$0x3FBA];
	_ =	sdelay $0x3  }
0x34: {  	[smem:$0x3FBA] =	sst s10  }
0x35: {  	s10 =	sld [smem:$0x3FB9];
	_ =	sdelay $0x3  }
0x36: {  	p1 =	seq.s32 s10, $0x1;
	s10 =	sld [smem:$0x3FBA];
	_ =	sdelay $0x3  }
0x37: {  	[smem:$0x3FBA] =	sst s10  }
0x38: {  	s10 =	sld [smem:$0x3FBB]  }
0x39: {  	_ = 	snop;
	(pc) =	sbr.ind lr, $3  }
0x3a: {  	_ = 	snop  }
0x3b: {  	_ = 	snop  }
0x3c: {  	p2 =	seq.s32 s10, $0x1;
	s10 =	sld [smem:$0x3FBA]  }
0x3d: {  	_ =	shalt  }
0x3e: {  	_ =	shalt  }
0x3f: {  	_ =	shalt  }
0x40: {  	_ =	shalt  }
0x41: {  	_ =	shalt  }
0x42: {  	_ =	shalt  }
0x43: {  	_ =	shalt  }
0x44: {  	_ =	shalt  }
0x45: {  	_ =	shalt  }
0x46: {  	_ =	shalt  }
0x47: {  	_ =	shalt  }
0x48: {  	_ =	shalt  }
0x49: {  	_ =	shalt  }
0x4a: {  	_ =	shalt  }
0x4b: {  	_ =	shalt  }
0x4c: {  	_ =	shalt  }
0x4d: {  	_ =	shalt  }
0x4e: {  	_ =	shalt  }
0x4f: {  	_ =	shalt  }
0x50: {  	_ =	shalt  }
0x51: {  	_ =	shalt  }
0x52: {  	_ =	shalt  }
0x53: {  	_ =	shalt  }
0x54: {  	_ =	shalt  }
0x55: {  	_ =	shalt  }
0x56: {  	_ =	shalt  }
0x57: {  	_ =	shalt  }
0x58: {  	_ =	shalt  }
0x59: {  	_ =	shalt  }
0x5a: {  	_ =	shalt  }
0x5b: {  	_ =	shalt  }
0x5c: {  	_ =	shalt  }
0x5d: {  	_ =	shalt  }
0x5e: {  	_ =	shalt  }
0x5f: {  	_ =	shalt  }
0x60: {  	_ =	shalt  }
0x61: {  	_ =	shalt  }
0x62: {  	_ =	shalt  }
0x63: {  	_ =	shalt  }
0x64: {  	_ =	shalt  }
0x65: {  	_ =	shalt  }
0x66: {  	_ =	shalt  }
0x67: {  	_ =	shalt  }
0x68: {  	_ =	shalt  }
0x69: {  	_ =	shalt  }
0x6a: {  	_ =	shalt  }
0x6b: {  	_ =	shalt  }
0x6c: {  	_ =	shalt  }
0x6d: {  	_ =	shalt  }
0x6e: {  	_ =	shalt  }
0x6f: {  	_ =	shalt  }
0x70: {  	_ =	shalt  }
0x71: {  	_ =	shalt  }
0x72: {  	_ =	shalt  }
0x73: {  	_ =	shalt  }
0x74: {  	_ =	shalt  }
0x75: {  	_ =	shalt  }
0x76: {  	_ =	shalt  }
0x77: {  	_ =	shalt  }
0x78: {  	_ =	shalt  }
0x79: {  	_ =	shalt  }
0x7a: {  	_ =	shalt  }
0x7b: {  	_ =	shalt  }
0x7c: {  	_ =	shalt  }
0x7d: {  	_ =	shalt  }
0x7e: {  	_ =	shalt  }
0x7f: {  	_ =	shalt  }
0x80: {  	_ =	shalt  }
0x81: {  	_ =	shalt  }
0x82: {  	_ =	shalt  }
0x83: {  	_ =	shalt  }
0x84: {  	_ =	shalt  }
0x85: {  	_ =	shalt  }
0x86: {  	_ =	shalt  }
0x87: {  	_ =	shalt  }
.Lfunc_end0:
.L_simem_size_0:
called_computation_lowered:
.L_overlay_start_0:
0x88: {  	s0 =	sld [smem:$0x3FD9]  }
0x89: {  	s1 =	sld [smem:$0x3FFE];
	_ =	sdelay $0x3  }
0x8a: {  	s0 =	sadd.s32 s1, s0  }
0x8b: {  	[smem:$0x3FC6] =	sst s0  }
0x8c: {  	_ = 	snop  }
0x8d: {  	s0 =	sld [smem:$0x3FC8]  }
0x8e: {  	s16 =	sld [smem:$0x3FD0];
	(tm) =	ssettm $0x1  }
0x8f: {  	s2 =	sld [smem:$0x3FFB];
	_ =	sdelay $0x3  }
0x90: {  	_ =	strace s2  }
0x91: {  	s2 =	sld [smem:$0x3FFC];
	_ =	sdelay $0x3  }
0x92: {  	_ =	strace s2  }
0x93: {  	s2 =	sld [smem:$0x3FFD];
	_ =	sdelay $0x3  }
0x94: {  	_ =	strace s2  }
0x95: {  	_ =	strace $0x8FFFFFFF  }
0x96: {  	s17 =	sld [smem:$0x3FDB];
	_ =	sdelay $0x1  }
0x97: {  	s3 =	simm.s32 $_scs_section_size  }
0x98: {  	s4 =	simm.s32 $_size__tile_overlayer_lowered;
	s5 =	simm.s32 $_tile_overlayer_lowered  }
0x99: {  	s20 =	simm.s32 $0x1BFF;
	s19 =	sshll.u32 s5, $0x1;
	s2 =	sadd.s32 s3, s17  }
0x9a: {  	s6 =	simm.s32 $0x0;
	s18 =	sshll.u32 s4, $0x1;
	s4 =	sadd.s32 s19, s2  }
0x9b: {  	[timem:s6], [sflag:s20] =	dma.local [hbm:s4], s18  }
0x9c: {  	_ =	swait.ge [sflag:s20], s18  }
0x9d: {  	s3 =	ssub.s32 $0x0, s18;
	[sflag:s20] =	ssyncset.done $0x0  }
0x9e: {  	[sflag:s20] =	ssyncadd.s32 s3;
	_ =	sdelay $0x1  }
0x9f: {  	s21 =	simm.s32 $0x1B8B  }
0xa0: {  	_ =	swait.ge [sflag:s21], $0x1  }
0xa1: {  	[sflag:s21] =	ssyncset.done $0x0  }
0xa2: {  	s23 =	simm.s32 $0x1B8E;
	s22 =	sld [smem:$0x3FFE];
	[sflag:s21] =	ssyncadd.s32 $0xFFFFFFFF  }
0xa3: {  	s24 =	simm.s32 $execute0_lowered;
	[smem:$0x3FD2] =	sst s23  }
0xa4: {  	s4 =	sshll.u32 s24, $0x1;
	_ =	strace $0x80000046;
	[dreg:$0x1] =	wrdreg $0xFFFFFFFF  }
0xa5: {  	s25 =	simm.s32 $_size_execute0_lowered;
	s2 =	sadd.s32 s2, s4;
	[dreg:$0x0] =	wrdreg $0x0  }
0xa6: {  	s4 =	sshll.u32 s25, $0x1;
	[dreg:$0x2] =	wrdreg s2  }
0xa7: {  	[dreg:$0x3] =	wrdreg s4  }
0xa8: {  	[dreg:$0x4] =	wrdreg $0xC0  }
0xa9: {  	_ =	task [dreg:s6], $0x5FFFF  }
0xaa: {  	[dreg:$0x1] =	wrdreg $0xFFFFFFFF  }
0xab: {  	[dreg:$0x0] =	wrdreg $0x60  }
0xac: {  	[dreg:$0x2] =	wrdreg s0  }
0xad: {  	[dreg:$0x3] =	wrdreg s22  }
0xae: {  	[dreg:$0x4] =	wrdreg s16  }
0xaf: {  	[dreg:$0x5] =	wrdreg $0x40000  }
0xb0: {  	[dreg:$0x6] =	wrdreg $0x40100  }
0xb1: {  	[dreg:$0x7] =	wrdreg $0x3C000  }
0xb2: {  	[dreg:$0x8] =	wrdreg $0x40200  }
0xb3: {  	[dreg:$0x9] =	wrdreg $0x40300  }
0xb4: {  	[dreg:$0xa] =	wrdreg $0x40400  }
0xb5: {  	[dreg:$0xb] =	wrdreg $0x9  }
0xb6: {  	_ =	task.clear_ibuf [dreg:s6], $0xCFFFF;
	_ =	strace $0x90000046  }
0xb7: {  	s26 =	simm.s32 $0x9;
	_ =	strace $0x80000048  }
0xb8: {  	_ =	swait.ge [sflag:s26], $0x1  }
0xb9: {  	[sflag:s26] =	ssyncadd.s32 $0xFFFFFFFF  }
0xba: {  	_ =	strace $0x90000048  }
0xbb: {  	_ =	sfence  }
0xbc: {  	s28 =	sld [smem:$0x0];
	_ =	sdelay $0x1  }
0xbd: {  	s29 =	srdreg.scid  }
0xbe: {  	s30 =	sshll.u32 s29, $0xD;
	s31 =	sshrl.u32 s29, $0x2  }
0xbf: {  	s1 =	sand.u32 $0x1, s29;
	s2 =	sand.u32 $0x4000, s30;
	s0 =	sadd.s32 s31, s28  }
0xc0: {  	s1 =	sor.u32 s2, s1;
	s0 =	sshll.u32 s0, $0x11  }
0xc1: {  	s0 =	sor.u32 s0, s1  }
0xc2: {  	s0 =	sadd.s32 $0x8F2B, s0  }
0xc3: {  	[sflag:s0] =	ssyncadd.remote.s32 $0x1  }
0xc4: {  	_ =	sfence.sel $0xFFFF  }
0xc5: {  	[dreg:$0x0] =	wrdreg $0xFFFFFFFF;
	(pc) =	sbr.abs _section_cstart, $3  }
0xc6: {  	[dreg:$0x1] =	wrdreg $0xFFFFFFFF  }
0xc7: {  	_ =	task.clear_ibuf [dreg:s6], $0x2FFFF;
	_ =	strace $0x9FFFFFFF  }
0xc8: {  	(tm) =	ssettm $0x7FFFFFFF  }
0xc9: {  	_ =	shalt  }
tec
execute0_lowered:
.L_overlay_start_1:
0x0: {  	(tag) =	ssettag $0x1  }
0x1: {  	s7 =	rddreg [dreg:$0x0]  }
0x2: {  	s8 =	rddreg [dreg:$0x1]  }
0x3: {  	s1 =	rddreg [dreg:$0x2]  }
0x4: {  	s9 =	rddreg [dreg:$0x3]  }
0x5: {  	s3 =	rddreg [dreg:$0x4]  }
0x6: {  	s10 =	rddreg [dreg:$0x5]  }
0x7: {  	s5 =	rddreg [dreg:$0x6]  }
0x8: {  	s4 =	rddreg [dreg:$0x7]  }
0x9: {  	s2 =	rddreg [dreg:$0x8]  }
0xa: {  	s0 =	rddreg [dreg:$0x9];
	s11 =	simm.s32 $0x0;
	s6 =	stileid.u32  }
0xb: {  	[smem:$0x7FF] =	sst s11;
	s12 =	sshll.u32 s6, $0x7  }
0xc: {  	_ =	strace $0x80000047;
	s8 =	sadd.s32 s12, s8;
	s7 =	sadd.s32 s7, s12  }
0xd: {  	[tilespmem:s11], [sflag:$0x1] =	stream.linear.gather [hbm4b:s7+s11], $0x400, $0x38;
	[tilespmem:$0x4050] =	vst v63  }
0xe: {  	s21 =	simm.s32 $0x1400;
	s20 =	sadd.s32 $0x3200, s8  }
0xf: {  	[tilespmem:s21], [sflag:$0x1] =	stream.linear.gather [hbm4b:s20+s11], $0x400, $0x38;
	[tilespmem:$0x4050] =	vst v63  }
0x10: {  	s23 =	simm.s32 $0x1000;
	s22 =	sadd.s32 $0x2A00, s8  }
0x11: {  	[tilespmem:s23], [sflag:$0x1] =	stream.linear.gather [hbm4b:s22+s11], $0x400, $0x38;
	[tilespmem:$0x4050] =	vst v63  }
0x12: {  	s25 =	simm.s32 $0x400;
	s24 =	sadd.s32 $0x1200, s8  }
0x13: {  	[tilespmem:s25], [sflag:$0x1] =	stream.linear.gather [hbm4b:s24+s11], $0x400, $0x38;
	[tilespmem:$0x4050] =	vst v63  }
0x14: {  	s28 =	simm.s32 $0x800;
	s26 =	sadd.s32 $0x1A00, s8  }
0x15: {  	[tilespmem:s28], [sflag:$0x1] =	stream.linear.gather [hbm4b:s26+s11], $0x400, $0x38;
	[tilespmem:$0x4050] =	vst v63  }
0x16: {  	s30 =	simm.s32 $0xC00;
	s31 =	simm.s32 $0x1;
	s29 =	sadd.s32 $0x2200, s8  }
0x17: {  	[tilespmem:s30], [sflag:$0x1] =	stream.linear.gather [hbm4b:s29+s11], $0x400, $0x38;
	[tilespmem:$0x4050] =	vst v63  }
0x18: {  	_ =	swait.ge [sflag:s31], $0x400  }
0x19: {  	[sflag:s31] =	ssyncset.done $0x0  }
0x1a: {  	[sflag:s31] =	ssyncadd.s32 $0xFFFFFC00  }
0x1b: {  	_ =	swait.ge [sflag:s31], $0x400  }
0x1c: {  	[sflag:s31] =	ssyncset.done $0x0  }
0x1d: {  	[sflag:s31] =	ssyncadd.s32 $0xFFFFFC00  }
0x1e: {  	_ =	swait.ge [sflag:s31], $0x400  }
0x1f: {  	[sflag:s31] =	ssyncset.done $0x0  }
0x20: {  	[sflag:s31] =	ssyncadd.s32 $0xFFFFFC00  }
0x21: {  	_ =	swait.ge [sflag:s31], $0x400  }
0x22: {  	[sflag:s31] =	ssyncset.done $0x0  }
0x23: {  	[sflag:s31] =	ssyncadd.s32 $0xFFFFFC00  }
0x24: {  	_ =	swait.ge [sflag:s31], $0x400  }
0x25: {  	[sflag:s31] =	ssyncset.done $0x0  }
0x26: {  	[sflag:s31] =	ssyncadd.s32 $0xFFFFFC00  }
0x27: {  	_ =	swait.ge [sflag:s31], $0x400  }
0x28: {  	[sflag:s31] =	ssyncset.done $0x0  }
0x29: {  	v1 =	vimm.s32 $0x0;
	s7 =	simm.s32 $0x0;
	s8 =	simm.s32 $0x200;
	[sflag:s31] =	ssyncadd.s32 $0xFFFFFC00  }
.LBB2_1:
0x2a: {  	p0 =	sne.s32 s8, $0x3E00;
	[tilespmem:s7+$0x1870] =	vst v1  }
0x2b: {  	[tilespmem:s7+$0x1800] =	vst v1  }
0x2c: {  	[tilespmem:s7+$0x1810] =	vst v1  }
.Ltmp0:
0x2d: {  	[tilespmem:s7+$0x1820] =	vst v1;
	(pc) =	sbr.rel @p0 .LBB2_1-.Ltmp0, $4  }
0x2e: {  	[tilespmem:s7+$0x1830] =	vst v1  }
0x2f: {  	[tilespmem:s7+$0x1840] =	vst v1  }
0x30: {  	[tilespmem:s7+$0x1850] =	vst v1  }
0x31: {  	[tilespmem:s7+$0x1860] =	vst v1;
	s7 =	sshra.s32 s8, $0x2;
	s8 =	sadd.s32 $0x200, s8  }
0x32: {  	[tilespmem:s7+$0x1870] =	vst v1  }
0x33: {  	[tilespmem:s7+$0x1800] =	vst v1  }
0x34: {  	[tilespmem:s7+$0x1810] =	vst v1  }
0x35: {  	[tilespmem:s7+$0x1820] =	vst v1  }
0x36: {  	[tilespmem:s7+$0x1830] =	vst v1  }
0x37: {  	[tilespmem:s7+$0x1840] =	vst v1  }
0x38: {  	[tilespmem:s7+$0x1850] =	vst v1;
	v0 =	vimm.s32 $0x0;
	v4 =	vimm.f32 $0.0e+00;
	v2 =	vlaneseq.u32  }
0x39: {  	[tilespmem:s7+$0x1860] =	vst v1;
	s7 =	simm.s32 $0x0;
	s8 =	simm.s32 $0x1800;
	v3 =	vimm.s32 $0x0;
	v1 =	vmul.u32 $0x100, v2;
	v2 =	vimm.s32 $0x1  }
.LBB2_3:
0x3a: {  	s11 =	sshra.s32 s7, $0x2  }
0x3b: {  	v5 =	vld [tilespmem:s11+$0x1400];
	_ =	sdelay $0x4  }
0x3c: {  	v5 =	vshrl.u32 v5, $0x18  }
0x3d: {  	v6 =	vand.u32 $0x80, v5  }
0x3e: {  	v5 =	vand.u32 $0x7F, v5;
	v6 =	vor.u32 v1, v6  }
0x3f: {  	v5 =	vor.u32 v5, v6;
	_ =	sdelay $0x2  }
0x40: {  	v7 =	vld [tilespmem:s11+$0x1000]  }
0x41: {  	v6 =	vld [tilespmem:s11+$0x0]  }
0x42: {  	[tilespmem:v5+s8+$0x0] =	vst.idx.add.s32.msk $0xffff, v2  }
0x43: {  	v5 =	vld [tilespmem:s11+$0x1410];
	_ =	sdelay $0x4  }
0x44: {  	v5 =	vshrl.u32 v5, $0x18  }
0x45: {  	v8 =	vand.u32 $0x80, v5  }
0x46: {  	v5 =	vand.u32 $0x7F, v5;
	v8 =	vor.u32 v1, v8  }
0x47: {  	v5 =	vor.u32 v5, v8;
	_ =	sdelay $0x2  }
0x48: {  	v60 =	vld [tilespmem:s11+$0x10]  }
0x49: {  	v9 =	vld [tilespmem:s11+$0x1010]  }
0x4a: {  	[tilespmem:v5+s8+$0x0] =	vst.idx.add.s32.msk $0xffff, v2  }
0x4b: {  	v5 =	vld [tilespmem:s11+$0x1420];
	_ =	sdelay $0x4  }
0x4c: {  	v5 =	vshrl.u32 v5, $0x18  }
0x4d: {  	v10 =	vand.u32 $0x80, v5  }
0x4e: {  	v5 =	vand.u32 $0x7F, v5;
	v10 =	vor.u32 v1, v10  }
0x4f: {  	v5 =	vor.u32 v5, v10;
	_ =	sdelay $0x2  }
0x50: {  	v61 =	vld [tilespmem:s11+$0x20]  }
0x51: {  	v11 =	vld [tilespmem:s11+$0x1020]  }
0x52: {  	[tilespmem:v5+s8+$0x0] =	vst.idx.add.s32.msk $0xffff, v2  }
0x53: {  	v5 =	vld [tilespmem:s11+$0x1430];
	_ =	sdelay $0x4  }
0x54: {  	v5 =	vshrl.u32 v5, $0x18  }
0x55: {  	v4 =	vadd.f32 v7, v4;
	v7 =	vld [tilespmem:s11+$0x30];
	v12 =	vand.u32 $0x80, v5  }
0x56: {  	vm0 =	veq.s32 v6, $0x0;
	v5 =	vand.u32 $0x7F, v5;
	v6 =	vor.u32 v1, v12  }
0x57: {  	p0 =	sne.s32 s7, $0xF00;
	v62 =	vsel vm0, $0x1, v0;
	vm13 =	veq.s32 v60, $0x0;
	v5 =	vor.u32 v5, v6;
	v6 =	vld [tilespmem:s11+$0x1030]  }
.Ltmp1:
0x58: {  	v3 =	vadd.s32 v62, v3;
	v4 =	vadd.f32 v9, v4;
	v8 =	vsel vm13, $0x1, v0;
	(pc) =	sbr.rel @p0 .LBB2_3-.Ltmp1, $4  }
0x59: {  	v3 =	vadd.s32 v8, v3;
	vm14 =	veq.s32 v61, $0x0  }
0x5a: {  	v4 =	vadd.f32 v11, v4;
	v63 =	vsel vm14, $0x1, v0;
	vm15 =	veq.s32 v7, $0x0  }
0x5b: {  	v3 =	vadd.s32 v63, v3;
	v7 =	vsel vm15, $0x1, v0  }
0x5c: {  	s7 =	sadd.s32 $0x100, s7;
	v3 =	vadd.s32 v7, v3;
	v4 =	vadd.f32 v6, v4;
	[tilespmem:v5+s8+$0x0] =	vst.idx.add.s32.msk $0xffff, v2  }
0x5d: {  	(xrf0) =	vadd.scan.msk.s32 $0xffff, v3  }
0x5e: {  	(xrf2) =	vadd.scan.msk.f32 $0xffff, v4;
	_ =	sdelay $0x4  }
0x5f: {  	v0, _, _ =	vpop (xrf0)  }
0x60: {  	v0 =	vbroadcast v0, $0xF;
	_ =	sdelay $0x1  }
0x61: {  	s7 =	sshll.u32 s6, $0x4  }
0x62: {  	s11 =	simm.s32 $0x3900;
	s25 =	simm.s32 $0x2;
	s8 =	sadd.s32 s7, s9;
	[tilespmem:$0x3900] =	vst v0  }
0x63: {  	[spmem:s8] =	stream.linear.scatter [tilespmem:s11], [sflag:$0x2], $0x10, $0x38;
	v0, _, _ =	vpop (xrf2);
	[tilespmem:$0x4050] =	vst v63  }
0x64: {  	_ =	swait.ge [sflag:s25], $0x10  }
0x65: {  	v0 =	vbroadcast v0, $0xF;
	[sflag:s25] =	ssyncset.done $0x0  }
0x66: {  	[sflag:s25] =	ssyncadd.s32 $0xFFFFFFF0  }
0x67: {  	s12 =	simm.s32 $0x3980;
	s26 =	sadd.s32 s7, s3;
	[tilespmem:$0x3980] =	vst v0  }
0x68: {  	[spmem:s26] =	stream.linear.scatter [tilespmem:s12], [sflag:$0x2], $0x10, $0x38;
	[tilespmem:$0x4050] =	vst v63  }
0x69: {  	_ =	swait.ge [sflag:s25], $0x10  }
0x6a: {  	s28 =	simm.s32 $0x0;
	[sflag:s25] =	ssyncset.done $0x0  }
0x6b: {  	s29 =	sand.u32 $0xF0, s28;
	[sflag:s25] =	ssyncadd.s32 $0xFFFFFFF0  }
0x6c: {  	s30 =	simm.s32 $0x1800;
	v0 =	vld [tilespmem:s29+$0x1900]  }
0x6d: {  	v1 =	vld [tilespmem:s30+$0x0]  }
0x6e: {  	v2 =	vld [tilespmem:s29+$0x1A00]  }
0x6f: {  	v3 =	vld [tilespmem:s29+$0x1B00]  }
0x70: {  	v59 =	vld [tilespmem:s29+$0x1C00]  }
0x71: {  	v5 =	vld [tilespmem:s29+$0x1D00]  }
0x72: {  	v0 =	vadd.s32 v1, v0;
	v1 =	vld [tilespmem:s29+$0x1E00]  }
0x73: {  	v0 =	vadd.s32 v2, v0;
	v2 =	vld [tilespmem:s29+$0x1F00]  }
0x74: {  	v0 =	vadd.s32 v3, v0;
	v3 =	vld [tilespmem:s29+$0x2000]  }
0x75: {  	v60 =	vld [tilespmem:s29+$0x2100];
	v0 =	vadd.s32 v59, v0  }
0x76: {  	v61 =	vld [tilespmem:s29+$0x2200];
	v0 =	vadd.s32 v5, v0  }
0x77: {  	v0 =	vadd.s32 v1, v0;
	v1 =	vld [tilespmem:s29+$0x2300]  }
0x78: {  	v0 =	vadd.s32 v2, v0;
	v2 =	vld [tilespmem:s29+$0x2400]  }
0x79: {  	v0 =	vadd.s32 v3, v0;
	v3 =	vld [tilespmem:s29+$0x2500]  }
0x7a: {  	v62 =	vld [tilespmem:s29+$0x2600];
	v0 =	vadd.s32 v60, v0  }
0x7b: {  	v63 =	vld [tilespmem:s29+$0x2700];
	v0 =	vadd.s32 v61, v0  }
0x7c: {  	v0 =	vadd.s32 v1, v0  }
0x7d: {  	v0 =	vadd.s32 v2, v0  }
0x7e: {  	v0 =	vadd.s32 v3, v0  }
0x7f: {  	v0 =	vadd.s32 v62, v0  }
0x80: {  	s31 =	simm.s32 $0x10;
	s11 =	simm.s32 $0x3800;
	v0 =	vadd.s32 v63, v0  }
0x81: {  	s8 =	sand.u32 $0xF0, s31;
	[tilespmem:s11+$0x0] =	vst v0  }
0x82: {  	s13 =	simm.s32 $0x20;
	s12 =	simm.s32 $0x1810;
	v0 =	vld [tilespmem:s8+$0x1900]  }
.LBB2_5:
0x83: {  	p0 =	sne.s32 s13, $0xF0;
	v1 =	vld [tilespmem:s12+$0x0]  }
0x84: {  	v2 =	vld [tilespmem:s8+$0x1A00]  }
0x85: {  	v3 =	vld [tilespmem:s8+$0x1B00]  }
0x86: {  	v4 =	vld [tilespmem:s8+$0x1C00]  }
0x87: {  	v5 =	vld [tilespmem:s8+$0x1D00]  }
0x88: {  	v0 =	vadd.s32 v1, v0;
	v1 =	vld [tilespmem:s8+$0x1E00]  }
0x89: {  	v0 =	vadd.s32 v2, v0;
	v2 =	vld [tilespmem:s8+$0x1F00]  }
0x8a: {  	v0 =	vadd.s32 v3, v0;
	v3 =	vld [tilespmem:s8+$0x2000]  }
0x8b: {  	v0 =	vadd.s32 v4, v0;
	v4 =	vld [tilespmem:s8+$0x2100]  }
0x8c: {  	v0 =	vadd.s32 v5, v0;
	v5 =	vld [tilespmem:s8+$0x2200]  }
0x8d: {  	v0 =	vadd.s32 v1, v0;
	v1 =	vld [tilespmem:s8+$0x2300]  }
0x8e: {  	v0 =	vadd.s32 v2, v0;
	v2 =	vld [tilespmem:s8+$0x2400]  }
0x8f: {  	v0 =	vadd.s32 v3, v0;
	v3 =	vld [tilespmem:s8+$0x2500]  }
0x90: {  	v0 =	vadd.s32 v4, v0;
	v4 =	vld [tilespmem:s8+$0x2600]  }
0x91: {  	v0 =	vadd.s32 v5, v0;
	v5 =	vld [tilespmem:s8+$0x2700]  }
0x92: {  	v0 =	vadd.s32 v1, v0  }
0x93: {  	v0 =	vadd.s32 v2, v0  }
.Ltmp2:
0x94: {  	v0 =	vadd.s32 v3, v0;
	(pc) =	sbr.rel @p0 .LBB2_5-.Ltmp2, $4  }
0x95: {  	v0 =	vadd.s32 v4, v0  }
0x96: {  	s11 =	sadd.s32 $0x10, s11;
	v0 =	vadd.s32 v5, v0  }
0x97: {  	s8 =	sand.u32 $0xF0, s13;
	[tilespmem:s11+$0x0] =	vst v0  }
0x98: {  	s12 =	sadd.s32 $0x10, s12;
	s13 =	sadd.s32 $0x10, s13;
	v0 =	vld [tilespmem:s8+$0x1900]  }
0x99: {  	v1 =	vld [tilespmem:s12+$0x0]  }
0x9a: {  	v2 =	vld [tilespmem:s8+$0x1A00]  }
0x9b: {  	v3 =	vld [tilespmem:s8+$0x1B00]  }
0x9c: {  	v4 =	vld [tilespmem:s8+$0x1C00]  }
0x9d: {  	v5 =	vld [tilespmem:s8+$0x1D00]  }
0x9e: {  	v0 =	vadd.s32 v1, v0;
	v1 =	vld [tilespmem:s8+$0x1E00]  }
0x9f: {  	v0 =	vadd.s32 v2, v0;
	v2 =	vld [tilespmem:s8+$0x1F00]  }
0xa0: {  	v0 =	vadd.s32 v3, v0;
	v3 =	vld [tilespmem:s8+$0x2000]  }
0xa1: {  	v0 =	vadd.s32 v4, v0;
	v4 =	vld [tilespmem:s8+$0x2100]  }
0xa2: {  	v0 =	vadd.s32 v5, v0;
	v5 =	vld [tilespmem:s8+$0x2200]  }
0xa3: {  	v0 =	vadd.s32 v1, v0;
	v1 =	vld [tilespmem:s8+$0x2300]  }
0xa4: {  	v0 =	vadd.s32 v2, v0;
	v2 =	vld [tilespmem:s8+$0x2400]  }
0xa5: {  	v0 =	vadd.s32 v3, v0;
	v3 =	vld [tilespmem:s8+$0x2500]  }
0xa6: {  	v0 =	vadd.s32 v4, v0;
	v4 =	vld [tilespmem:s8+$0x2600]  }
0xa7: {  	v0 =	vadd.s32 v5, v0;
	v5 =	vld [tilespmem:s8+$0x2700]  }
0xa8: {  	v0 =	vadd.s32 v1, v0  }
0xa9: {  	v0 =	vadd.s32 v2, v0  }
0xaa: {  	v0 =	vadd.s32 v3, v0  }
0xab: {  	s19 =	sadd.s32 $0x10, s11;
	v0 =	vadd.s32 v4, v0  }
0xac: {  	s20 =	simm.s32 $0x80;
	s13 =	simm.s32 $0x200;
	s8 =	sshll.u32 s6, $0xA;
	v0 =	vadd.s32 v5, v0  }
0xad: {  	s14 =	simm.s32 $0x3800;
	s21 =	simm.s32 $0x2;
	s11 =	sadd.s32 s8, s10;
	[tilespmem:s19+$0x0] =	vst v0  }
0xae: {  	[spmem:s11] =	stream.strided.scatter [tilespmem:s14], [sflag:$0x2], $0x100, s13, s20, $0x38;
	[tilespmem:$0x4050] =	vst v63  }
0xaf: {  	_ =	swait.ge [sflag:s21], $0x100  }
0xb0: {  	[sflag:s21] =	ssyncset.done $0x0  }
0xb1: {  	[sflag:s21] =	ssyncadd.s32 $0xFFFFFF00  }
0xb2: {  	s15 =	simm.s32 $0x2800;
	[bflag:$0x0] =	sbarrier.arrive $0xFFFF  }
0xb3: {  	[tilespmem:s15], [sflag:$0x2] =	stream.strided.gather [spmem:s10], $0x1000, s13, s20, $0x38;
	[tilespmem:$0x4050] =	vst v63  }
0xb4: {  	_ =	swait.ge [sflag:s21], $0x1000  }
0xb5: {  	[sflag:s21] =	ssyncset.done $0x0  }
0xb6: {  	s12 =	simm.s32 $0x0;
	[sflag:s21] =	ssyncadd.s32 $0xFFFFF000  }
0xb7: {  	s22 =	sand.u32 $0xF0, s12;
	v0 =	vld [tilespmem:s15+$0x0]  }
0xb8: {  	v1 =	vld [tilespmem:s22+$0x2900]  }
0xb9: {  	v2 =	vld [tilespmem:s22+$0x2A00]  }
0xba: {  	v3 =	vld [tilespmem:s22+$0x2B00]  }
0xbb: {  	v4 =	vld [tilespmem:s22+$0x2C00]  }
0xbc: {  	v5 =	vld [tilespmem:s22+$0x2D00]  }
0xbd: {  	v0 =	vadd.s32 v0, v1;
	v1 =	vld [tilespmem:s22+$0x2E00]  }
0xbe: {  	v0 =	vadd.s32 v2, v0;
	v2 =	vld [tilespmem:s22+$0x2F00]  }
0xbf: {  	v0 =	vadd.s32 v3, v0;
	v3 =	vld [tilespmem:s22+$0x3000]  }
0xc0: {  	v0 =	vadd.s32 v4, v0;
	v4 =	vld [tilespmem:s22+$0x3100]  }
0xc1: {  	v0 =	vadd.s32 v5, v0;
	v5 =	vld [tilespmem:s22+$0x3200]  }
0xc2: {  	v0 =	vadd.s32 v1, v0;
	v1 =	vld [tilespmem:s22+$0x3300]  }
0xc3: {  	v0 =	vadd.s32 v2, v0;
	v2 =	vld [tilespmem:s22+$0x3400]  }
0xc4: {  	v0 =	vadd.s32 v3, v0;
	v3 =	vld [tilespmem:s22+$0x3500]  }
0xc5: {  	v0 =	vadd.s32 v4, v0;
	v4 =	vld [tilespmem:s22+$0x3600]  }
0xc6: {  	v0 =	vadd.s32 v5, v0;
	v5 =	vld [tilespmem:s22+$0x3700]  }
0xc7: {  	v0 =	vadd.s32 v1, v0  }
0xc8: {  	s23 =	simm.s32 $0x10;
	s24 =	simm.s32 $0x2810;
	v0 =	vadd.s32 v2, v0  }
0xc9: {  	s25 =	sand.u32 $0xF0, s23;
	v6 =	vld [tilespmem:s24+$0x0];
	v0 =	vadd.s32 v3, v0  }
0xca: {  	v1 =	vld [tilespmem:s25+$0x2900];
	v0 =	vadd.s32 v4, v0  }
0xcb: {  	v2 =	vld [tilespmem:s25+$0x2A00];
	v5 =	vadd.s32 v5, v0  }
0xcc: {  	v3 =	vld [tilespmem:s25+$0x2B00];
	(xrf0) =	vadd.scan.msk.s32 $0xffff, v5  }
0xcd: {  	v4 =	vld [tilespmem:s25+$0x2C00]  }
0xce: {  	v0 =	vld [tilespmem:s25+$0x2D00]  }
0xcf: {  	v7 =	vld [tilespmem:s25+$0x2E00];
	v1 =	vadd.s32 v6, v1  }
0xd0: {  	v6 =	vld [tilespmem:s25+$0x2F00];
	v1 =	vadd.s32 v2, v1  }
0xd1: {  	v2 =	vld [tilespmem:s25+$0x3000];
	v1 =	vadd.s32 v3, v1  }
0xd2: {  	v3 =	vld [tilespmem:s25+$0x3100];
	v1 =	vadd.s32 v4, v1;
	v8, _, _ =	vpop (xrf0)  }
0xd3: {  	v4 =	vld [tilespmem:s25+$0x3200];
	v0 =	vadd.s32 v0, v1;
	(v2sf) =	vpush v8, $0xF  }
0xd4: {  	v1 =	vld [tilespmem:s25+$0x3300];
	v0 =	vadd.s32 v7, v0  }
0xd5: {  	v7 =	vld [tilespmem:s25+$0x3400];
	v0 =	vadd.s32 v6, v0  }
0xd6: {  	v0 =	vadd.s32 v2, v0  }
0xd7: {  	v6 =	vld [tilespmem:s25+$0x3500];
	v0 =	vadd.s32 v3, v0  }
0xd8: {  	v2 =	vld [tilespmem:s25+$0x3600];
	v8 =	vadd.s32 s12, v8;
	v0 =	vadd.s32 v4, v0  }
0xd9: {  	s26 =	simm.s32 $0x20;
	s28 =	simm.s32 $0x2820;
	v3 =	vld [tilespmem:s25+$0x3700];
	vm0 =	vlt.s32 v8, $0x666;
	v0 =	vadd.s32 v1, v0  }
0xda: {  	s29 =	sand.u32 $0xF0, s26;
	v4 =	vld [tilespmem:s28+$0x0];
	v5 =	vnsel vm0, $0x0, v5;
	v7 =	vadd.s32 v7, v0;
	v0 =	vimm.s32 $0x0  }
0xdb: {  	v1 =	vld [tilespmem:s29+$0x2900];
	(xrf0) =	vadd.scan.msk.s32 $0xffff, v5;
	v9 =	vsel vm0, $0x1, v0  }
0xdc: {  	v8 =	vld [tilespmem:s29+$0x2A00];
	(xrf0) =	vadd.scan.msk.s32 $0xffff, v9  }
0xdd: {  	v6 =	vadd.s32 v6, v7  }
0xde: {  	v7 =	vld [tilespmem:s29+$0x2B00];
	v2 =	vadd.s32 v2, v6  }
0xdf: {  	v5 =	vld [tilespmem:s29+$0x2C00];
	v6 =	vadd.s32 v3, v2  }
0xe0: {  	v2 =	vld [tilespmem:s29+$0x2D00];
	(xrf0) =	vadd.scan.msk.s32 $0xffff, v6;
	v1 =	vadd.s32 v4, v1  }
0xe1: {  	v3 =	vld [tilespmem:s29+$0x2E00];
	v1 =	vadd.s32 v8, v1;
	v8, _, _ =	vpop (xrf0)  }
0xe2: {  	v4 =	vld [tilespmem:s29+$0x2F00];
	v10, _, _ =	vpop (xrf0);
	s30 =	spop (v2sf);
	(v2sf) =	vpush v8, $0xF  }
0xe3: {  	v1 =	vadd.s32 v7, v1;
	v7 =	vld [tilespmem:s29+$0x3000];
	(v2sf) =	vpush v10, $0xF  }
0xe4: {  	v1 =	vadd.s32 v5, v1;
	v5 =	vld [tilespmem:s29+$0x3100]  }
0xe5: {  	v63 =	vld [tilespmem:s29+$0x3200];
	v1 =	vadd.s32 v2, v1  }
0xe6: {  	v11 =	vld [tilespmem:s29+$0x3300];
	v1 =	vadd.s32 v3, v1;
	v12, _, _ =	vpop (xrf0)  }
0xe7: {  	v13 =	vld [tilespmem:s29+$0x3400];
	v1 =	vadd.s32 v4, v1;
	s14 =	sadd.s32 $0x0, s30;
	(v2sf) =	vpush v12, $0xF  }
0xe8: {  	v2 =	vadd.s32 v7, v1;
	v1 =	vld [tilespmem:s29+$0x3500];
	v3 =	vadd.s32 s14, v12  }
0xe9: {  	v4 =	vadd.s32 v5, v2;
	v2 =	vld [tilespmem:s29+$0x3600];
	vm15 =	vlt.s32 v3, $0x666  }
0xea: {  	s31 =	simm.s32 $0x30;
	s16 =	simm.s32 $0x2830;
	v4 =	vadd.s32 v63, v4;
	v3 =	vld [tilespmem:s29+$0x3700];
	v5 =	vnsel vm15, $0x0, v6  }
0xeb: {  	s15 =	sand.u32 $0xF0, s31;
	v7 =	vsel vm15, $0x1, v0;
	v6 =	vadd.s32 v11, v4;
	v4 =	vld [tilespmem:s16+$0x0];
	(xrf0) =	vadd.scan.msk.s32 $0xffff, v5  }
0xec: {  	s17 =	simm.s32 $0x40;
	s13 =	simm.s32 $0x0;
	v5 =	vld [tilespmem:s15+$0x2900];
	v6 =	vadd.s32 v13, v6;
	(xrf0) =	vadd.scan.msk.s32 $0xffff, v7  }
.LBB2_7:
0xed: {  	p0 =	sne.s32 s17, $0xF0;
	v7 =	vld [tilespmem:s15+$0x2A00];
	v1 =	vadd.s32 v1, v6  }
0xee: {  	v6 =	vld [tilespmem:s15+$0x2B00];
	v1 =	vadd.s32 v2, v1  }
0xef: {  	v2 =	vld [tilespmem:s15+$0x2C00];
	v8 =	vadd.s32 v3, v1  }
0xf0: {  	v1 =	vld [tilespmem:s15+$0x2D00];
	(xrf0) =	vadd.scan.msk.s32 $0xffff, v8  }
0xf1: {  	v3 =	vadd.s32 v4, v5;
	v4 =	vld [tilespmem:s15+$0x2E00];
	v5, _, _ =	vpop (xrf0);
	s18 =	spop (v2sf)  }
0xf2: {  	v3 =	vadd.s32 v7, v3;
	v7 =	vld [tilespmem:s15+$0x2F00];
	v9, _, _ =	vpop (xrf0);
	(v2sf) =	vpush v5, $0xF;
	s12 =	sadd.s32 s12, s18;
	s18 =	spop (v2sf)  }
0xf3: {  	v3 =	vadd.s32 v6, v3;
	v5 =	vld [tilespmem:s15+$0x3000];
	(v2sf) =	vpush v9, $0xF;
	s13 =	sadd.s32 s13, s18  }
0xf4: {  	v10 =	vadd.s32 v2, v3;
	v3 =	vld [tilespmem:s15+$0x3100]  }
0xf5: {  	v1 =	vadd.s32 v1, v10;
	v6 =	vld [tilespmem:s15+$0x3200]  }
0xf6: {  	v1 =	vadd.s32 v4, v1;
	v9 =	vld [tilespmem:s15+$0x3300];
	v2, _, _ =	vpop (xrf0);
	s18 =	spop (v2sf)  }
0xf7: {  	v1 =	vadd.s32 v7, v1;
	v7 =	vld [tilespmem:s15+$0x3400];
	(v2sf) =	vpush v2, $0xF;
	s14 =	sadd.s32 s14, s18  }
.Ltmp3:
0xf8: {  	v4 =	vadd.s32 v5, v1;
	v1 =	vld [tilespmem:s15+$0x3500];
	v5 =	vadd.s32 s14, v2;
	(pc) =	sbr.rel @p0 .LBB2_7-.Ltmp3, $4  }
0xf9: {  	v3 =	vadd.s32 v3, v4;
	v2 =	vld [tilespmem:s15+$0x3600];
	vm0 =	vlt.s32 v5, $0x666  }
0xfa: {  	s16 =	sadd.s32 $0x10, s16;
	v5 =	vadd.s32 v6, v3;
	v3 =	vld [tilespmem:s15+$0x3700];
	v10 =	vsel vm0, $0x1, v0;
	v6 =	vnsel vm0, $0x0, v8  }
0xfb: {  	s15 =	sand.u32 $0xF0, s17;
	v4 =	vld [tilespmem:s16+$0x0];
	v8 =	vadd.s32 v9, v5;
	(xrf0) =	vadd.scan.msk.s32 $0xffff, v6  }
0xfc: {  	s17 =	sadd.s32 $0x10, s17;
	v5 =	vld [tilespmem:s15+$0x2900];
	v6 =	vadd.s32 v7, v8;
	(xrf0) =	vadd.scan.msk.s32 $0xffff, v10  }
0xfd: {  	v1 =	vadd.s32 v1, v6  }
0xfe: {  	v51 =	vld [tilespmem:s15+$0x2A00];
	v1 =	vadd.s32 v2, v1  }
0xff: {  	v2 =	vld [tilespmem:s15+$0x2B00];
	v1 =	vadd.s32 v3, v1  }
0x100: {  	v3 =	vld [tilespmem:s15+$0x2C00];
	(xrf0) =	vadd.scan.msk.s32 $0xffff, v1  }
0x101: {  	v7 =	vld [tilespmem:s15+$0x2D00]  }
0x102: {  	v52 =	vld [tilespmem:s15+$0x2E00];
	v4 =	vadd.s32 v4, v5  }
0x103: {  	v53 =	vld [tilespmem:s15+$0x2F00];
	v4 =	vadd.s32 v51, v4  }
0x104: {  	v54 =	vld [tilespmem:s15+$0x3000];
	v8, _, _ =	vpop (xrf0);
	v2 =	vadd.s32 v2, v4  }
0x105: {  	v9, _, _ =	vpop (xrf0);
	(v2sf) =	vpush v8, $0xF;
	v2 =	vadd.s32 v3, v2;
	v3 =	vld [tilespmem:s15+$0x3100]  }
0x106: {  	v55 =	vld [tilespmem:s15+$0x3200];
	(v2sf) =	vpush v9, $0xF;
	v2 =	vadd.s32 v7, v2;
	v56, _, _ =	vpop (xrf0)  }
0x107: {  	v57 =	vld [tilespmem:s15+$0x3300];
	v2 =	vadd.s32 v52, v2;
	(v2sf) =	vpush v56, $0xF  }
0x108: {  	v58 =	vld [tilespmem:s15+$0x3400];
	s16 =	spop (v2sf);
	v2 =	vadd.s32 v53, v2  }
0x109: {  	v59 =	vld [tilespmem:s15+$0x3500];
	s17 =	spop (v2sf);
	v2 =	vadd.s32 v54, v2  }
0x10a: {  	s18 =	spop (v2sf);
	v2 =	vadd.s32 v3, v2;
	v3 =	vld [tilespmem:s15+$0x3600]  }
0x10b: {  	v60 =	vld [tilespmem:s15+$0x3700];
	s14 =	sadd.s32 s14, s18;
	v2 =	vadd.s32 v55, v2  }
0x10c: {  	v8 =	vadd.s32 s14, v56;
	v2 =	vadd.s32 v57, v2  }
0x10d: {  	vm0 =	vlt.s32 v8, $0x666;
	v2 =	vadd.s32 v58, v2  }
0x10e: {  	v1 =	vnsel vm0, $0x0, v1;
	v2 =	vadd.s32 v59, v2  }
0x10f: {  	v61 =	vsel vm0, $0x1, v0;
	(xrf0) =	vadd.scan.msk.s32 $0xffff, v1;
	v1 =	vadd.s32 v3, v2  }
0x110: {  	(xrf0) =	vadd.scan.msk.s32 $0xffff, v61;
	v1 =	vadd.s32 v60, v1  }
0x111: {  	(xrf0) =	vadd.scan.msk.s32 $0xffff, v1;
	_ =	sdelay $0x2  }
0x112: {  	s24 =	spop (v2sf)  }
0x113: {  	v2, _, _ =	vpop (xrf0);
	s25 =	spop (v2sf)  }
0x114: {  	v3, _, _ =	vpop (xrf0);
	s19 =	spop (v2sf)  }
0x115: {  	v62, _, _ =	vpop (xrf0);
	s14 =	sadd.s32 s14, s19  }
0x116: {  	v63 =	vadd.s32 s14, v62  }
0x117: {  	vm15 =	vlt.s32 v63, $0x666  }
0x118: {  	v1 =	vnsel vm15, $0x0, v1  }
0x119: {  	v0 =	vsel vm15, $0x1, v0;
	(xrf0) =	vadd.scan.msk.s32 $0xffff, v1  }
0x11a: {  	(xrf0) =	vadd.scan.msk.s32 $0xffff, v0;
	_ =	sdelay $0x2  }
0x11b: {  	(v2sf) =	vpush v2, $0xF  }
0x11c: {  	(v2sf) =	vpush v3, $0xF  }
0x11d: {  	(v2sf) =	vpush v62, $0xF;
	v0, _, _ =	vpop (xrf0)  }
0x11e: {  	v1, _, _ =	vpop (xrf0);
	(v2sf) =	vpush v0, $0xF  }
0x11f: {  	(v2sf) =	vpush v1, $0xF;
	_ =	sdelay $0xa  }
0x120: {  	s26 =	spop (v2sf)  }
0x121: {  	s12 =	sadd.s32 s12, s16;
	s28 =	spop (v2sf)  }
0x122: {  	s13 =	sadd.s32 s13, s17;
	s15 =	simm.s32 $0x200;
	s29 =	spop (v2sf)  }
0x123: {  	s12 =	sadd.s32 s12, s24;
	s13 =	sadd.s32 s13, s25;
	s30 =	spop (v2sf)  }
0x124: {  	s12 =	sadd.s32 s12, s26;
	s31 =	sadd.s32 s13, s28;
	s16 =	spop (v2sf)  }
0x125: {  	s14 =	simm.s32 $0x0;
	v0 =	vimm.s32 $0x0;
	s13 =	sadd.s32 s12, s30;
	s12 =	sadd.s32 s31, s16  }
.LBB2_9:
0x126: {  	p0 =	seq.s32 s15, $0x3E00;
	[tilespmem:s14+$0x1870] =	vst v0  }
0x127: {  	[tilespmem:s14+$0x1800] =	vst v0  }
0x128: {  	[tilespmem:s14+$0x1810] =	vst v0  }
.Ltmp4:
0x129: {  	[tilespmem:s14+$0x1820] =	vst v0;
	(pc) =	sbr.rel @!p0 .LBB2_9-.Ltmp4, $4  }
0x12a: {  	[tilespmem:s14+$0x1830] =	vst v0  }
0x12b: {  	[tilespmem:s14+$0x1840] =	vst v0  }
0x12c: {  	[tilespmem:s14+$0x1850] =	vst v0  }
0x12d: {  	[tilespmem:s14+$0x1860] =	vst v0;
	s14 =	sshra.s32 s15, $0x2;
	s15 =	sadd.s32 $0x200, s15  }
0x12e: {  	[tilespmem:s14+$0x1870] =	vst v0  }
0x12f: {  	[tilespmem:s14+$0x1800] =	vst v0  }
0x130: {  	[tilespmem:s14+$0x1810] =	vst v0  }
0x131: {  	[tilespmem:s14+$0x1820] =	vst v0  }
0x132: {  	[tilespmem:s14+$0x1830] =	vst v0  }
0x133: {  	[tilespmem:s14+$0x1840] =	vst v0  }
0x134: {  	[tilespmem:s14+$0x1850] =	vst v0;
	v1 =	vlaneseq.u32  }
0x135: {  	[tilespmem:s14+$0x1860] =	vst v0;
	v0 =	vmov s12;
	s14 =	simm.s32 $0x0;
	v2 =	vimm.s32 $0x1;
	s15 =	simm.s32 $0x0;
	s16 =	simm.s32 $0x1800;
	v1 =	vmul.u32 $0x100, v1  }
.LBB2_11:
0x136: {  	s17 =	sshra.s32 s15, $0x2  }
0x137: {  	v3 =	vld [tilespmem:s17+$0x1400];
	_ =	sdelay $0x4  }
0x138: {  	v4 =	vshrl.u32 v3, $0x18;
	v3 =	vshrl.u32 v3, $0x10  }
0x139: {  	vm0 =	veq.s32 v4, v0;
	v3 =	vand.u32 $0xFF, v3  }
0x13a: {  	v3 =	vor.u32 v1, v3;
	_ =	sdelay $0x4  }
0x13b: {  	[tilespmem:v3+s16+$0x0] =	vst.idx.add.s32.msk vm0, v2  }
0x13c: {  	v3 =	vld [tilespmem:s17+$0x1410];
	_ =	sdelay $0x4  }
0x13d: {  	v61 =	vshrl.u32 v3, $0x18;
	v3 =	vshrl.u32 v3, $0x10  }
0x13e: {  	vm13 =	veq.s32 v61, v0;
	v3 =	vand.u32 $0xFF, v3  }
0x13f: {  	v3 =	vor.u32 v1, v3;
	_ =	sdelay $0x4  }
0x140: {  	[tilespmem:v3+s16+$0x0] =	vst.idx.add.s32.msk vm13, v2  }
0x141: {  	v3 =	vld [tilespmem:s17+$0x1420];
	_ =	sdelay $0x4  }
0x142: {  	v62 =	vshrl.u32 v3, $0x18;
	v3 =	vshrl.u32 v3, $0x10  }
0x143: {  	vm14 =	veq.s32 v62, v0;
	v3 =	vand.u32 $0xFF, v3  }
0x144: {  	v3 =	vor.u32 v1, v3;
	_ =	sdelay $0x4  }
0x145: {  	[tilespmem:v3+s16+$0x0] =	vst.idx.add.s32.msk vm14, v2  }
0x146: {  	v3 =	vld [tilespmem:s17+$0x1430];
	_ =	sdelay $0x4  }
0x147: {  	v63 =	vshrl.u32 v3, $0x18;
	v3 =	vshrl.u32 v3, $0x10  }
0x148: {  	vm15 =	veq.s32 v63, v0;
	v3 =	vand.u32 $0xFF, v3  }
0x149: {  	p0 =	sne.s32 s15, $0xF00;
	v3 =	vor.u32 v1, v3  }
.Ltmp5:
0x14a: {  	_ = 	snop;
	(pc) =	sbr.rel @p0 .LBB2_11-.Ltmp5, $2  }
0x14b: {  	_ =	sdelay $0x2  }
0x14c: {  	s15 =	sadd.s32 $0x100, s15;
	[tilespmem:v3+s16+$0x0] =	vst.idx.add.s32.msk vm15, v2  }
0x14d: {  	s14 =	sand.u32 $0xF0, s14;
	v1 =	vld [tilespmem:s16+$0x0]  }
0x14e: {  	v0 =	vld [tilespmem:s14+$0x1900]  }
0x14f: {  	v2 =	vld [tilespmem:s14+$0x1A00]  }
0x150: {  	v3 =	vld [tilespmem:s14+$0x1B00]  }
0x151: {  	v4 =	vld [tilespmem:s14+$0x1C00]  }
0x152: {  	v5 =	vld [tilespmem:s14+$0x1D00]  }
0x153: {  	v0 =	vadd.s32 v1, v0;
	v1 =	vld [tilespmem:s14+$0x1E00]  }
0x154: {  	v0 =	vadd.s32 v2, v0;
	v2 =	vld [tilespmem:s14+$0x1F00]  }
0x155: {  	v0 =	vadd.s32 v3, v0;
	v3 =	vld [tilespmem:s14+$0x2000]  }
0x156: {  	v60 =	vld [tilespmem:s14+$0x2100];
	v0 =	vadd.s32 v4, v0  }
0x157: {  	v61 =	vld [tilespmem:s14+$0x2200];
	v0 =	vadd.s32 v5, v0  }
0x158: {  	v0 =	vadd.s32 v1, v0;
	v1 =	vld [tilespmem:s14+$0x2300]  }
0x159: {  	v0 =	vadd.s32 v2, v0;
	v2 =	vld [tilespmem:s14+$0x2400]  }
0x15a: {  	v0 =	vadd.s32 v3, v0;
	v3 =	vld [tilespmem:s14+$0x2500]  }
0x15b: {  	v62 =	vld [tilespmem:s14+$0x2600];
	v0 =	vadd.s32 v60, v0  }
0x15c: {  	v63 =	vld [tilespmem:s14+$0x2700];
	v0 =	vadd.s32 v61, v0  }
0x15d: {  	v0 =	vadd.s32 v1, v0  }
0x15e: {  	v0 =	vadd.s32 v2, v0  }
0x15f: {  	v0 =	vadd.s32 v3, v0  }
0x160: {  	v0 =	vadd.s32 v62, v0  }
0x161: {  	s15 =	simm.s32 $0x10;
	s14 =	simm.s32 $0x3800;
	v0 =	vadd.s32 v63, v0  }
0x162: {  	s15 =	sand.u32 $0xF0, s15;
	[tilespmem:s14+$0x0] =	vst v0  }
0x163: {  	s17 =	simm.s32 $0x20;
	s16 =	simm.s32 $0x1810;
	v0 =	vld [tilespmem:s15+$0x1900]  }
.LBB2_13:
0x164: {  	p0 =	sne.s32 s17, $0xF0;
	v1 =	vld [tilespmem:s16+$0x0]  }
0x165: {  	v2 =	vld [tilespmem:s15+$0x1A00]  }
0x166: {  	v3 =	vld [tilespmem:s15+$0x1B00]  }
0x167: {  	v4 =	vld [tilespmem:s15+$0x1C00]  }
0x168: {  	v5 =	vld [tilespmem:s15+$0x1D00]  }
0x169: {  	v0 =	vadd.s32 v1, v0;
	v1 =	vld [tilespmem:s15+$0x1E00]  }
0x16a: {  	v0 =	vadd.s32 v2, v0;
	v2 =	vld [tilespmem:s15+$0x1F00]  }
0x16b: {  	v0 =	vadd.s32 v3, v0;
	v3 =	vld [tilespmem:s15+$0x2000]  }
0x16c: {  	v0 =	vadd.s32 v4, v0;
	v4 =	vld [tilespmem:s15+$0x2100]  }
0x16d: {  	v0 =	vadd.s32 v5, v0;
	v5 =	vld [tilespmem:s15+$0x2200]  }
0x16e: {  	v0 =	vadd.s32 v1, v0;
	v1 =	vld [tilespmem:s15+$0x2300]  }
0x16f: {  	v0 =	vadd.s32 v2, v0;
	v2 =	vld [tilespmem:s15+$0x2400]  }
0x170: {  	v0 =	vadd.s32 v3, v0;
	v3 =	vld [tilespmem:s15+$0x2500]  }
0x171: {  	v0 =	vadd.s32 v4, v0;
	v4 =	vld [tilespmem:s15+$0x2600]  }
0x172: {  	v0 =	vadd.s32 v5, v0;
	v5 =	vld [tilespmem:s15+$0x2700]  }
0x173: {  	v0 =	vadd.s32 v1, v0  }
0x174: {  	v0 =	vadd.s32 v2, v0  }
.Ltmp6:
0x175: {  	v0 =	vadd.s32 v3, v0;
	(pc) =	sbr.rel @p0 .LBB2_13-.Ltmp6, $4  }
0x176: {  	v0 =	vadd.s32 v4, v0  }
0x177: {  	s14 =	sadd.s32 $0x10, s14;
	v0 =	vadd.s32 v5, v0  }
0x178: {  	s15 =	sand.u32 $0xF0, s17;
	[tilespmem:s14+$0x0] =	vst v0  }
0x179: {  	s16 =	sadd.s32 $0x10, s16;
	s17 =	sadd.s32 $0x10, s17;
	v0 =	vld [tilespmem:s15+$0x1900]  }
0x17a: {  	v1 =	vld [tilespmem:s16+$0x0]  }
0x17b: {  	v2 =	vld [tilespmem:s15+$0x1A00]  }
0x17c: {  	v3 =	vld [tilespmem:s15+$0x1B00]  }
0x17d: {  	v4 =	vld [tilespmem:s15+$0x1C00]  }
0x17e: {  	v5 =	vld [tilespmem:s15+$0x1D00]  }
0x17f: {  	v0 =	vadd.s32 v1, v0;
	v1 =	vld [tilespmem:s15+$0x1E00]  }
0x180: {  	v0 =	vadd.s32 v2, v0;
	v2 =	vld [tilespmem:s15+$0x1F00]  }
0x181: {  	v0 =	vadd.s32 v3, v0;
	v3 =	vld [tilespmem:s15+$0x2000]  }
0x182: {  	v0 =	vadd.s32 v4, v0;
	v4 =	vld [tilespmem:s15+$0x2100]  }
0x183: {  	v0 =	vadd.s32 v5, v0;
	v5 =	vld [tilespmem:s15+$0x2200]  }
0x184: {  	v0 =	vadd.s32 v1, v0;
	v1 =	vld [tilespmem:s15+$0x2300]  }
0x185: {  	v0 =	vadd.s32 v2, v0;
	v2 =	vld [tilespmem:s15+$0x2400]  }
0x186: {  	v0 =	vadd.s32 v3, v0;
	v3 =	vld [tilespmem:s15+$0x2500]  }
0x187: {  	v0 =	vadd.s32 v4, v0;
	v4 =	vld [tilespmem:s15+$0x2600]  }
0x188: {  	v0 =	vadd.s32 v5, v0;
	v5 =	vld [tilespmem:s15+$0x2700]  }
0x189: {  	v0 =	vadd.s32 v1, v0  }
0x18a: {  	v0 =	vadd.s32 v2, v0  }
0x18b: {  	v0 =	vadd.s32 v3, v0  }
0x18c: {  	v0 =	vadd.s32 v4, v0  }
0x18d: {  	s14 =	sadd.s32 $0x10, s14;
	s31 =	sadd.s32 $0x80, s11;
	s16 =	simm.s32 $0x80;
	v0 =	vadd.s32 v5, v0  }
0x18e: {  	s19 =	simm.s32 $0x200;
	s17 =	simm.s32 $0x3800;
	s20 =	simm.s32 $0x2;
	[tilespmem:s14+$0x0] =	vst v0  }
0x18f: {  	[spmem:s31] =	stream.strided.scatter [tilespmem:s17], [sflag:$0x2], $0x100, s19, s16, $0x38;
	[tilespmem:$0x4050] =	vst v63  }
0x190: {  	_ =	swait.ge [sflag:s20], $0x100  }
0x191: {  	[sflag:s20] =	ssyncset.done $0x0  }
0x192: {  	[sflag:s20] =	ssyncadd.s32 $0xFFFFFF00  }
0x193: {  	s21 =	sadd.s32 $0x80, s10;
	s18 =	simm.s32 $0x2800;
	[bflag:$0x0] =	sbarrier.arrive $0xFFFF  }
0x194: {  	[tilespmem:s18], [sflag:$0x2] =	stream.strided.gather [spmem:s21], $0x1000, s19, s16, $0x38;
	[tilespmem:$0x4050] =	vst v63  }
0x195: {  	_ =	swait.ge [sflag:s20], $0x1000  }
0x196: {  	[sflag:s20] =	ssyncset.done $0x0  }
0x197: {  	s14 =	simm.s32 $0x0;
	[sflag:s20] =	ssyncadd.s32 $0xFFFFF000  }
0x198: {  	s22 =	sand.u32 $0xF0, s14;
	v0 =	vld [tilespmem:s18+$0x0]  }
0x199: {  	v1 =	vld [tilespmem:s22+$0x2900]  }
0x19a: {  	v2 =	vld [tilespmem:s22+$0x2A00]  }
0x19b: {  	v3 =	vld [tilespmem:s22+$0x2B00]  }
0x19c: {  	v4 =	vld [tilespmem:s22+$0x2C00]  }
0x19d: {  	v5 =	vld [tilespmem:s22+$0x2D00]  }
0x19e: {  	v0 =	vadd.s32 v0, v1;
	v1 =	vld [tilespmem:s22+$0x2E00]  }
0x19f: {  	v0 =	vadd.s32 v2, v0;
	v2 =	vld [tilespmem:s22+$0x2F00]  }
0x1a0: {  	v0 =	vadd.s32 v3, v0;
	v3 =	vld [tilespmem:s22+$0x3000]  }
0x1a1: {  	v0 =	vadd.s32 v4, v0;
	v4 =	vld [tilespmem:s22+$0x3100]  }
0x1a2: {  	v0 =	vadd.s32 v5, v0;
	v5 =	vld [tilespmem:s22+$0x3200]  }
0x1a3: {  	v0 =	vadd.s32 v1, v0;
	v1 =	vld [tilespmem:s22+$0x3300]  }
0x1a4: {  	v0 =	vadd.s32 v2, v0;
	v2 =	vld [tilespmem:s22+$0x3400]  }
0x1a5: {  	v0 =	vadd.s32 v3, v0;
	v3 =	vld [tilespmem:s22+$0x3500]  }
0x1a6: {  	v0 =	vadd.s32 v4, v0;
	v4 =	vld [tilespmem:s22+$0x3600]  }
0x1a7: {  	v0 =	vadd.s32 v5, v0;
	v5 =	vld [tilespmem:s22+$0x3700]  }
0x1a8: {  	v0 =	vadd.s32 v1, v0  }
0x1a9: {  	s23 =	simm.s32 $0x10;
	s24 =	simm.s32 $0x2810;
	v0 =	vadd.s32 v2, v0  }
0x1aa: {  	s25 =	sand.u32 $0xF0, s23;
	v6 =	vld [tilespmem:s24+$0x0];
	v0 =	vadd.s32 v3, v0  }
0x1ab: {  	v1 =	vld [tilespmem:s25+$0x2900];
	v0 =	vadd.s32 v4, v0  }
0x1ac: {  	v2 =	vld [tilespmem:s25+$0x2A00];
	v5 =	vadd.s32 v5, v0  }
0x1ad: {  	v3 =	vld [tilespmem:s25+$0x2B00];
	(xrf0) =	vadd.scan.msk.s32 $0xffff, v5  }
0x1ae: {  	v4 =	vld [tilespmem:s25+$0x2C00]  }
0x1af: {  	v0 =	vld [tilespmem:s25+$0x2D00]  }
0x1b0: {  	v7 =	vld [tilespmem:s25+$0x2E00];
	v1 =	vadd.s32 v6, v1  }
0x1b1: {  	v6 =	vld [tilespmem:s25+$0x2F00];
	v1 =	vadd.s32 v2, v1  }
0x1b2: {  	v2 =	vld [tilespmem:s25+$0x3000];
	v1 =	vadd.s32 v3, v1  }
0x1b3: {  	v3 =	vld [tilespmem:s25+$0x3100];
	v1 =	vadd.s32 v4, v1;
	v8, _, _ =	vpop (xrf0)  }
0x1b4: {  	v4 =	vld [tilespmem:s25+$0x3200];
	v0 =	vadd.s32 v0, v1;
	(v2sf) =	vpush v8, $0xF  }
0x1b5: {  	v1 =	vld [tilespmem:s25+$0x3300];
	v0 =	vadd.s32 v7, v0  }
0x1b6: {  	v7 =	vld [tilespmem:s25+$0x3400];
	v0 =	vadd.s32 v6, v0  }
0x1b7: {  	v0 =	vadd.s32 v2, v0  }
0x1b8: {  	s13 =	ssub.s32 $0x666, s13;
	v0 =	vadd.s32 v3, v0  }
0x1b9: {  	v6 =	vld [tilespmem:s25+$0x3500];
	v8 =	vadd.s32 s14, v8;
	v4 =	vadd.s32 v4, v0;
	v0 =	vmov s13  }
0x1ba: {  	v2 =	vld [tilespmem:s25+$0x3600];
	v1 =	vadd.s32 v1, v4;
	vm0 =	vlt.s32 v8, v0  }
0x1bb: {  	s26 =	simm.s32 $0x20;
	s28 =	simm.s32 $0x2820;
	v3 =	vld [tilespmem:s25+$0x3700];
	v7 =	vadd.s32 v7, v1;
	v1 =	vimm.s32 $0x0;
	v5 =	vnsel vm0, $0x0, v5  }
0x1bc: {  	s29 =	sand.u32 $0xF0, s26;
	v9 =	vld [tilespmem:s28+$0x0];
	v10 =	vsel vm0, $0x1, v1;
	(xrf0) =	vadd.scan.msk.s32 $0xffff, v5  }
0x1bd: {  	v4 =	vld [tilespmem:s29+$0x2900];
	(xrf0) =	vadd.scan.msk.s32 $0xffff, v10  }
0x1be: {  	v8 =	vld [tilespmem:s29+$0x2A00];
	v6 =	vadd.s32 v6, v7  }
0x1bf: {  	v7 =	vld [tilespmem:s29+$0x2B00];
	v2 =	vadd.s32 v2, v6  }
0x1c0: {  	v5 =	vld [tilespmem:s29+$0x2C00];
	v6 =	vadd.s32 v3, v2  }
0x1c1: {  	v2 =	vld [tilespmem:s29+$0x2D00];
	(xrf0) =	vadd.scan.msk.s32 $0xffff, v6  }
0x1c2: {  	v3 =	vadd.s32 v9, v4;
	v4 =	vld [tilespmem:s29+$0x2E00];
	v61, _, _ =	vpop (xrf0)  }
0x1c3: {  	v3 =	vadd.s32 v8, v3;
	v8 =	vld [tilespmem:s29+$0x2F00];
	v11, _, _ =	vpop (xrf0);
	s30 =	spop (v2sf);
	(v2sf) =	vpush v61, $0xF  }
0x1c4: {  	v3 =	vadd.s32 v7, v3;
	v7 =	vld [tilespmem:s29+$0x3000];
	(v2sf) =	vpush v11, $0xF  }
0x1c5: {  	v3 =	vadd.s32 v5, v3;
	v5 =	vld [tilespmem:s29+$0x3100]  }
0x1c6: {  	v62 =	vld [tilespmem:s29+$0x3200];
	v2 =	vadd.s32 v2, v3  }
0x1c7: {  	v12 =	vld [tilespmem:s29+$0x3300];
	v2 =	vadd.s32 v4, v2;
	v13, _, _ =	vpop (xrf0)  }
0x1c8: {  	v2 =	vadd.s32 v8, v2;
	v8 =	vld [tilespmem:s29+$0x3400];
	s16 =	sadd.s32 $0x0, s30;
	(v2sf) =	vpush v13, $0xF  }
0x1c9: {  	v3 =	vadd.s32 v7, v2;
	v2 =	vld [tilespmem:s29+$0x3500];
	v4 =	vadd.s32 s16, v13  }
0x1ca: {  	v5 =	vadd.s32 v5, v3;
	v3 =	vld [tilespmem:s29+$0x3600];
	vm15 =	vlt.s32 v4, v0  }
0x1cb: {  	s31 =	simm.s32 $0x30;
	s18 =	simm.s32 $0x2830;
	v5 =	vadd.s32 v62, v5;
	v4 =	vld [tilespmem:s29+$0x3700];
	v6 =	vnsel vm15, $0x0, v6  }
0x1cc: {  	s17 =	sand.u32 $0xF0, s31;
	v7 =	vadd.s32 v12, v5;
	v5 =	vld [tilespmem:s18+$0x0];
	v63 =	vsel vm15, $0x1, v1;
	(xrf0) =	vadd.scan.msk.s32 $0xffff, v6  }
0x1cd: {  	s15 =	simm.s32 $0x0;
	s19 =	simm.s32 $0x40;
	v7 =	vadd.s32 v8, v7;
	v6 =	vld [tilespmem:s17+$0x2900];
	(xrf0) =	vadd.scan.msk.s32 $0xffff, v63  }
.LBB2_15:
0x1ce: {  	p0 =	sne.s32 s19, $0xF0;
	v8 =	vld [tilespmem:s17+$0x2A00];
	v2 =	vadd.s32 v2, v7  }
0x1cf: {  	v7 =	vld [tilespmem:s17+$0x2B00];
	v2 =	vadd.s32 v3, v2  }
0x1d0: {  	v3 =	vld [tilespmem:s17+$0x2C00];
	v9 =	vadd.s32 v4, v2  }
0x1d1: {  	v2 =	vld [tilespmem:s17+$0x2D00];
	(xrf0) =	vadd.scan.msk.s32 $0xffff, v9  }
0x1d2: {  	v4 =	vadd.s32 v5, v6;
	v5 =	vld [tilespmem:s17+$0x2E00];
	v6, _, _ =	vpop (xrf0);
	s20 =	spop (v2sf)  }
0x1d3: {  	v4 =	vadd.s32 v8, v4;
	v8 =	vld [tilespmem:s17+$0x2F00];
	v10, _, _ =	vpop (xrf0);
	(v2sf) =	vpush v6, $0xF;
	s14 =	sadd.s32 s14, s20;
	s20 =	spop (v2sf)  }
0x1d4: {  	v4 =	vadd.s32 v7, v4;
	v6 =	vld [tilespmem:s17+$0x3000];
	(v2sf) =	vpush v10, $0xF;
	s15 =	sadd.s32 s15, s20  }
0x1d5: {  	v11 =	vadd.s32 v3, v4;
	v4 =	vld [tilespmem:s17+$0x3100]  }
0x1d6: {  	v2 =	vadd.s32 v2, v11;
	v7 =	vld [tilespmem:s17+$0x3200]  }
0x1d7: {  	v2 =	vadd.s32 v5, v2;
	v10 =	vld [tilespmem:s17+$0x3300];
	v3, _, _ =	vpop (xrf0);
	s20 =	spop (v2sf)  }
0x1d8: {  	v2 =	vadd.s32 v8, v2;
	v8 =	vld [tilespmem:s17+$0x3400];
	(v2sf) =	vpush v3, $0xF;
	s16 =	sadd.s32 s16, s20  }
.Ltmp7:
0x1d9: {  	v5 =	vadd.s32 v6, v2;
	v2 =	vld [tilespmem:s17+$0x3500];
	v6 =	vadd.s32 s16, v3;
	(pc) =	sbr.rel @p0 .LBB2_15-.Ltmp7, $4  }
0x1da: {  	v4 =	vadd.s32 v4, v5;
	v3 =	vld [tilespmem:s17+$0x3600];
	vm0 =	vlt.s32 v6, v0  }
0x1db: {  	s18 =	sadd.s32 $0x10, s18;
	v6 =	vadd.s32 v7, v4;
	v4 =	vld [tilespmem:s17+$0x3700];
	v11 =	vsel vm0, $0x1, v1;
	v7 =	vnsel vm0, $0x0, v9  }
0x1dc: {  	s17 =	sand.u32 $0xF0, s19;
	v5 =	vld [tilespmem:s18+$0x0];
	v9 =	vadd.s32 v10, v6;
	(xrf0) =	vadd.scan.msk.s32 $0xffff, v7  }
0x1dd: {  	s19 =	sadd.s32 $0x10, s19;
	v6 =	vld [tilespmem:s17+$0x2900];
	v7 =	vadd.s32 v8, v9;
	(xrf0) =	vadd.scan.msk.s32 $0xffff, v11  }
0x1de: {  	v2 =	vadd.s32 v2, v7  }
0x1df: {  	v47 =	vld [tilespmem:s17+$0x2A00];
	v2 =	vadd.s32 v3, v2  }
0x1e0: {  	v3 =	vld [tilespmem:s17+$0x2B00];
	v2 =	vadd.s32 v4, v2  }
0x1e1: {  	v48 =	vld [tilespmem:s17+$0x2C00];
	(xrf0) =	vadd.scan.msk.s32 $0xffff, v2  }
0x1e2: {  	v8 =	vld [tilespmem:s17+$0x2D00]  }
0x1e3: {  	v49 =	vld [tilespmem:s17+$0x2E00];
	v5 =	vadd.s32 v5, v6  }
0x1e4: {  	v50 =	vld [tilespmem:s17+$0x2F00];
	v5 =	vadd.s32 v47, v5  }
0x1e5: {  	v51 =	vld [tilespmem:s17+$0x3000];
	v9, _, _ =	vpop (xrf0);
	v3 =	vadd.s32 v3, v5  }
0x1e6: {  	v52 =	vld [tilespmem:s17+$0x3100];
	v10, _, _ =	vpop (xrf0);
	(v2sf) =	vpush v9, $0xF;
	v3 =	vadd.s32 v48, v3  }
0x1e7: {  	v53 =	vld [tilespmem:s17+$0x3200];
	(v2sf) =	vpush v10, $0xF;
	v3 =	vadd.s32 v8, v3;
	v54, _, _ =	vpop (xrf0)  }
0x1e8: {  	v55 =	vld [tilespmem:s17+$0x3300];
	v3 =	vadd.s32 v49, v3;
	(v2sf) =	vpush v54, $0xF  }
0x1e9: {  	v56 =	vld [tilespmem:s17+$0x3400];
	s18 =	spop (v2sf);
	v3 =	vadd.s32 v50, v3  }
0x1ea: {  	v57 =	vld [tilespmem:s17+$0x3500];
	s19 =	spop (v2sf);
	v3 =	vadd.s32 v51, v3  }
0x1eb: {  	v58 =	vld [tilespmem:s17+$0x3600];
	s20 =	spop (v2sf);
	v3 =	vadd.s32 v52, v3  }
0x1ec: {  	v59 =	vld [tilespmem:s17+$0x3700];
	s16 =	sadd.s32 s16, s20;
	v3 =	vadd.s32 v53, v3  }
0x1ed: {  	v9 =	vadd.s32 s16, v54;
	v3 =	vadd.s32 v55, v3  }
0x1ee: {  	vm0 =	vlt.s32 v9, v0;
	v3 =	vadd.s32 v56, v3  }
0x1ef: {  	v2 =	vnsel vm0, $0x0, v2;
	v3 =	vadd.s32 v57, v3  }
0x1f0: {  	v60 =	vsel vm0, $0x1, v1;
	(xrf0) =	vadd.scan.msk.s32 $0xffff, v2;
	v2 =	vadd.s32 v58, v3  }
0x1f1: {  	(xrf0) =	vadd.scan.msk.s32 $0xffff, v60;
	v2 =	vadd.s32 v59, v2  }
0x1f2: {  	(xrf0) =	vadd.scan.msk.s32 $0xffff, v2;
	_ =	sdelay $0x2  }
0x1f3: {  	s24 =	spop (v2sf)  }
0x1f4: {  	v3, _, _ =	vpop (xrf0);
	s25 =	spop (v2sf)  }
0x1f5: {  	v61, _, _ =	vpop (xrf0);
	s21 =	spop (v2sf)  }
0x1f6: {  	v62, _, _ =	vpop (xrf0);
	s16 =	sadd.s32 s16, s21  }
0x1f7: {  	v63 =	vadd.s32 s16, v62  }
0x1f8: {  	vm15 =	vlt.s32 v63, v0  }
0x1f9: {  	v0 =	vnsel vm15, $0x0, v2  }
0x1fa: {  	v1 =	vsel vm15, $0x1, v1;
	(xrf0) =	vadd.scan.msk.s32 $0xffff, v0  }
0x1fb: {  	(xrf0) =	vadd.scan.msk.s32 $0xffff, v1;
	_ =	sdelay $0x2  }
0x1fc: {  	(v2sf) =	vpush v3, $0xF  }
0x1fd: {  	(v2sf) =	vpush v61, $0xF  }
0x1fe: {  	(v2sf) =	vpush v62, $0xF;
	v0, _, _ =	vpop (xrf0)  }
0x1ff: {  	v1, _, _ =	vpop (xrf0);
	(v2sf) =	vpush v0, $0xF  }
0x200: {  	(v2sf) =	vpush v1, $0xF;
	_ =	sdelay $0xa  }
0x201: {  	s26 =	spop (v2sf)  }
0x202: {  	s17 =	simm.s32 $0x200;
	s28 =	spop (v2sf)  }
0x203: {  	s14 =	sadd.s32 s14, s18;
	s15 =	sadd.s32 s15, s19;
	s29 =	spop (v2sf)  }
0x204: {  	s14 =	sadd.s32 s14, s24;
	s15 =	sadd.s32 s15, s25;
	s30 =	spop (v2sf)  }
0x205: {  	s14 =	sadd.s32 s14, s26;
	s15 =	sadd.s32 s15, s28;
	s31 =	spop (v2sf)  }
0x206: {  	s16 =	simm.s32 $0x0;
	v0 =	vimm.s32 $0x0;
	s14 =	sadd.s32 s14, s30;
	s15 =	sadd.s32 s15, s31  }
.LBB2_17:
0x207: {  	p0 =	seq.s32 s17, $0x3E00;
	[tilespmem:s16+$0x1870] =	vst v0  }
0x208: {  	[tilespmem:s16+$0x1800] =	vst v0  }
0x209: {  	[tilespmem:s16+$0x1810] =	vst v0  }
.Ltmp8:
0x20a: {  	[tilespmem:s16+$0x1820] =	vst v0;
	(pc) =	sbr.rel @!p0 .LBB2_17-.Ltmp8, $4  }
0x20b: {  	[tilespmem:s16+$0x1830] =	vst v0  }
0x20c: {  	[tilespmem:s16+$0x1840] =	vst v0  }
0x20d: {  	[tilespmem:s16+$0x1850] =	vst v0  }
0x20e: {  	[tilespmem:s16+$0x1860] =	vst v0;
	s16 =	sshra.s32 s17, $0x2;
	s17 =	sadd.s32 $0x200, s17  }
0x20f: {  	[tilespmem:s16+$0x1870] =	vst v0  }
0x210: {  	[tilespmem:s16+$0x1800] =	vst v0  }
0x211: {  	[tilespmem:s16+$0x1810] =	vst v0  }
0x212: {  	[tilespmem:s16+$0x1820] =	vst v0  }
0x213: {  	[tilespmem:s16+$0x1830] =	vst v0  }
0x214: {  	[tilespmem:s16+$0x1840] =	vst v0;
	s12 =	sshll.u32 s12, $0x8  }
0x215: {  	[tilespmem:s16+$0x1850] =	vst v0;
	v1 =	vlaneseq.u32;
	s12 =	sadd.s32 s12, s15  }
0x216: {  	[tilespmem:s16+$0x1860] =	vst v0;
	v2 =	vimm.s32 $0x1;
	s16 =	simm.s32 $0x0;
	s17 =	simm.s32 $0x1800;
	s15 =	simm.s32 $0x0;
	v1 =	vmul.u32 $0x100, v1;
	v0 =	vmov s12  }
.LBB2_19:
0x217: {  	s18 =	sshra.s32 s16, $0x2  }
0x218: {  	v3 =	vld [tilespmem:s18+$0x1400];
	_ =	sdelay $0x4  }
0x219: {  	v4 =	vshrl.u32 v3, $0x10;
	v3 =	vshrl.u32 v3, $0x8  }
0x21a: {  	vm0 =	veq.s32 v4, v0;
	v3 =	vand.u32 $0xFF, v3  }
0x21b: {  	v3 =	vor.u32 v1, v3;
	_ =	sdelay $0x4  }
0x21c: {  	[tilespmem:v3+s17+$0x0] =	vst.idx.add.s32.msk vm0, v2  }
0x21d: {  	v3 =	vld [tilespmem:s18+$0x1410];
	_ =	sdelay $0x4  }
0x21e: {  	v61 =	vshrl.u32 v3, $0x10;
	v3 =	vshrl.u32 v3, $0x8  }
0x21f: {  	vm13 =	veq.s32 v61, v0;
	v3 =	vand.u32 $0xFF, v3  }
0x220: {  	v3 =	vor.u32 v1, v3;
	_ =	sdelay $0x4  }
0x221: {  	[tilespmem:v3+s17+$0x0] =	vst.idx.add.s32.msk vm13, v2  }
0x222: {  	v3 =	vld [tilespmem:s18+$0x1420];
	_ =	sdelay $0x4  }
0x223: {  	v62 =	vshrl.u32 v3, $0x10;
	v3 =	vshrl.u32 v3, $0x8  }
0x224: {  	vm14 =	veq.s32 v62, v0;
	v3 =	vand.u32 $0xFF, v3  }
0x225: {  	v3 =	vor.u32 v1, v3;
	_ =	sdelay $0x4  }
0x226: {  	[tilespmem:v3+s17+$0x0] =	vst.idx.add.s32.msk vm14, v2  }
0x227: {  	v3 =	vld [tilespmem:s18+$0x1430];
	_ =	sdelay $0x4  }
0x228: {  	v63 =	vshrl.u32 v3, $0x10;
	v3 =	vshrl.u32 v3, $0x8  }
0x229: {  	vm15 =	veq.s32 v63, v0;
	v3 =	vand.u32 $0xFF, v3  }
0x22a: {  	p0 =	sne.s32 s16, $0xF00;
	v3 =	vor.u32 v1, v3  }
.Ltmp9:
0x22b: {  	_ = 	snop;
	(pc) =	sbr.rel @p0 .LBB2_19-.Ltmp9, $2  }
0x22c: {  	_ =	sdelay $0x2  }
0x22d: {  	s16 =	sadd.s32 $0x100, s16;
	[tilespmem:v3+s17+$0x0] =	vst.idx.add.s32.msk vm15, v2  }
0x22e: {  	s15 =	sand.u32 $0xF0, s15;
	v1 =	vld [tilespmem:s17+$0x0]  }
0x22f: {  	v0 =	vld [tilespmem:s15+$0x1900]  }
0x230: {  	v2 =	vld [tilespmem:s15+$0x1A00]  }
0x231: {  	v3 =	vld [tilespmem:s15+$0x1B00]  }
0x232: {  	v4 =	vld [tilespmem:s15+$0x1C00]  }
0x233: {  	v5 =	vld [tilespmem:s15+$0x1D00]  }
0x234: {  	v0 =	vadd.s32 v1, v0;
	v1 =	vld [tilespmem:s15+$0x1E00]  }
0x235: {  	v0 =	vadd.s32 v2, v0;
	v2 =	vld [tilespmem:s15+$0x1F00]  }
0x236: {  	v0 =	vadd.s32 v3, v0;
	v3 =	vld [tilespmem:s15+$0x2000]  }
0x237: {  	v60 =	vld [tilespmem:s15+$0x2100];
	v0 =	vadd.s32 v4, v0  }
0x238: {  	v61 =	vld [tilespmem:s15+$0x2200];
	v0 =	vadd.s32 v5, v0  }
0x239: {  	v0 =	vadd.s32 v1, v0;
	v1 =	vld [tilespmem:s15+$0x2300]  }
0x23a: {  	v0 =	vadd.s32 v2, v0;
	v2 =	vld [tilespmem:s15+$0x2400]  }
0x23b: {  	v0 =	vadd.s32 v3, v0;
	v3 =	vld [tilespmem:s15+$0x2500]  }
0x23c: {  	v62 =	vld [tilespmem:s15+$0x2600];
	v0 =	vadd.s32 v60, v0  }
0x23d: {  	v63 =	vld [tilespmem:s15+$0x2700];
	v0 =	vadd.s32 v61, v0  }
0x23e: {  	v0 =	vadd.s32 v1, v0  }
0x23f: {  	v0 =	vadd.s32 v2, v0  }
0x240: {  	v0 =	vadd.s32 v3, v0  }
0x241: {  	v0 =	vadd.s32 v62, v0  }
0x242: {  	s16 =	simm.s32 $0x10;
	s15 =	simm.s32 $0x3800;
	v0 =	vadd.s32 v63, v0  }
0x243: {  	s16 =	sand.u32 $0xF0, s16;
	[tilespmem:s15+$0x0] =	vst v0  }
0x244: {  	s18 =	simm.s32 $0x20;
	s17 =	simm.s32 $0x1810;
	v0 =	vld [tilespmem:s16+$0x1900]  }
.LBB2_21:
0x245: {  	p0 =	sne.s32 s18, $0xF0;
	v1 =	vld [tilespmem:s17+$0x0]  }
0x246: {  	v2 =	vld [tilespmem:s16+$0x1A00]  }
0x247: {  	v3 =	vld [tilespmem:s16+$0x1B00]  }
0x248: {  	v4 =	vld [tilespmem:s16+$0x1C00]  }
0x249: {  	v5 =	vld [tilespmem:s16+$0x1D00]  }
0x24a: {  	v0 =	vadd.s32 v1, v0;
	v1 =	vld [tilespmem:s16+$0x1E00]  }
0x24b: {  	v0 =	vadd.s32 v2, v0;
	v2 =	vld [tilespmem:s16+$0x1F00]  }
0x24c: {  	v0 =	vadd.s32 v3, v0;
	v3 =	vld [tilespmem:s16+$0x2000]  }
0x24d: {  	v0 =	vadd.s32 v4, v0;
	v4 =	vld [tilespmem:s16+$0x2100]  }
0x24e: {  	v0 =	vadd.s32 v5, v0;
	v5 =	vld [tilespmem:s16+$0x2200]  }
0x24f: {  	v0 =	vadd.s32 v1, v0;
	v1 =	vld [tilespmem:s16+$0x2300]  }
0x250: {  	v0 =	vadd.s32 v2, v0;
	v2 =	vld [tilespmem:s16+$0x2400]  }
0x251: {  	v0 =	vadd.s32 v3, v0;
	v3 =	vld [tilespmem:s16+$0x2500]  }
0x252: {  	v0 =	vadd.s32 v4, v0;
	v4 =	vld [tilespmem:s16+$0x2600]  }
0x253: {  	v0 =	vadd.s32 v5, v0;
	v5 =	vld [tilespmem:s16+$0x2700]  }
0x254: {  	v0 =	vadd.s32 v1, v0  }
0x255: {  	v0 =	vadd.s32 v2, v0  }
.Ltmp10:
0x256: {  	v0 =	vadd.s32 v3, v0;
	(pc) =	sbr.rel @p0 .LBB2_21-.Ltmp10, $4  }
0x257: {  	v0 =	vadd.s32 v4, v0  }
0x258: {  	s15 =	sadd.s32 $0x10, s15;
	v0 =	vadd.s32 v5, v0  }
0x259: {  	s16 =	sand.u32 $0xF0, s18;
	[tilespmem:s15+$0x0] =	vst v0  }
0x25a: {  	s17 =	sadd.s32 $0x10, s17;
	s18 =	sadd.s32 $0x10, s18;
	v0 =	vld [tilespmem:s16+$0x1900]  }
0x25b: {  	v1 =	vld [tilespmem:s17+$0x0]  }
0x25c: {  	v2 =	vld [tilespmem:s16+$0x1A00]  }
0x25d: {  	v3 =	vld [tilespmem:s16+$0x1B00]  }
0x25e: {  	v4 =	vld [tilespmem:s16+$0x1C00]  }
0x25f: {  	v5 =	vld [tilespmem:s16+$0x1D00]  }
0x260: {  	v0 =	vadd.s32 v1, v0;
	v1 =	vld [tilespmem:s16+$0x1E00]  }
0x261: {  	v0 =	vadd.s32 v2, v0;
	v2 =	vld [tilespmem:s16+$0x1F00]  }
0x262: {  	v0 =	vadd.s32 v3, v0;
	v3 =	vld [tilespmem:s16+$0x2000]  }
0x263: {  	v0 =	vadd.s32 v4, v0;
	v4 =	vld [tilespmem:s16+$0x2100]  }
0x264: {  	v0 =	vadd.s32 v5, v0;
	v5 =	vld [tilespmem:s16+$0x2200]  }
0x265: {  	v0 =	vadd.s32 v1, v0;
	v1 =	vld [tilespmem:s16+$0x2300]  }
0x266: {  	v0 =	vadd.s32 v2, v0;
	v2 =	vld [tilespmem:s16+$0x2400]  }
0x267: {  	v0 =	vadd.s32 v3, v0;
	v3 =	vld [tilespmem:s16+$0x2500]  }
0x268: {  	v0 =	vadd.s32 v4, v0;
	v4 =	vld [tilespmem:s16+$0x2600]  }
0x269: {  	v0 =	vadd.s32 v5, v0;
	v5 =	vld [tilespmem:s16+$0x2700]  }
0x26a: {  	v0 =	vadd.s32 v1, v0  }
0x26b: {  	v0 =	vadd.s32 v2, v0  }
0x26c: {  	v0 =	vadd.s32 v3, v0  }
0x26d: {  	v0 =	vadd.s32 v4, v0  }
0x26e: {  	s15 =	sadd.s32 $0x10, s15;
	s29 =	sadd.s32 $0x100, s11;
	s30 =	simm.s32 $0x80;
	v0 =	vadd.s32 v5, v0  }
0x26f: {  	s31 =	simm.s32 $0x200;
	s18 =	simm.s32 $0x3800;
	s20 =	simm.s32 $0x2;
	[tilespmem:s15+$0x0] =	vst v0  }
0x270: {  	[spmem:s29] =	stream.strided.scatter [tilespmem:s18], [sflag:$0x2], $0x100, s31, s30, $0x38;
	[tilespmem:$0x4050] =	vst v63  }
0x271: {  	_ =	swait.ge [sflag:s20], $0x100  }
0x272: {  	[sflag:s20] =	ssyncset.done $0x0  }
0x273: {  	[sflag:s20] =	ssyncadd.s32 $0xFFFFFF00  }
0x274: {  	s21 =	sadd.s32 $0x100, s10;
	s19 =	simm.s32 $0x2800;
	[bflag:$0x0] =	sbarrier.arrive $0xFFFF  }
0x275: {  	[tilespmem:s19], [sflag:$0x2] =	stream.strided.gather [spmem:s21], $0x1000, s31, s30, $0x38;
	[tilespmem:$0x4050] =	vst v63  }
0x276: {  	_ =	swait.ge [sflag:s20], $0x1000  }
0x277: {  	[sflag:s20] =	ssyncset.done $0x0  }
0x278: {  	s15 =	simm.s32 $0x0;
	[sflag:s20] =	ssyncadd.s32 $0xFFFFF000  }
0x279: {  	s22 =	sand.u32 $0xF0, s15;
	v0 =	vld [tilespmem:s19+$0x0]  }
0x27a: {  	v1 =	vld [tilespmem:s22+$0x2900]  }
0x27b: {  	v2 =	vld [tilespmem:s22+$0x2A00]  }
0x27c: {  	v3 =	vld [tilespmem:s22+$0x2B00]  }
0x27d: {  	v4 =	vld [tilespmem:s22+$0x2C00]  }
0x27e: {  	v5 =	vld [tilespmem:s22+$0x2D00]  }
0x27f: {  	v0 =	vadd.s32 v0, v1;
	v1 =	vld [tilespmem:s22+$0x2E00]  }
0x280: {  	v0 =	vadd.s32 v2, v0;
	v2 =	vld [tilespmem:s22+$0x2F00]  }
0x281: {  	v0 =	vadd.s32 v3, v0;
	v3 =	vld [tilespmem:s22+$0x3000]  }
0x282: {  	v0 =	vadd.s32 v4, v0;
	v4 =	vld [tilespmem:s22+$0x3100]  }
0x283: {  	v0 =	vadd.s32 v5, v0;
	v5 =	vld [tilespmem:s22+$0x3200]  }
0x284: {  	v0 =	vadd.s32 v1, v0;
	v1 =	vld [tilespmem:s22+$0x3300]  }
0x285: {  	v0 =	vadd.s32 v2, v0;
	v2 =	vld [tilespmem:s22+$0x3400]  }
0x286: {  	v0 =	vadd.s32 v3, v0;
	v3 =	vld [tilespmem:s22+$0x3500]  }
0x287: {  	v0 =	vadd.s32 v4, v0;
	v4 =	vld [tilespmem:s22+$0x3600]  }
0x288: {  	v0 =	vadd.s32 v5, v0;
	v5 =	vld [tilespmem:s22+$0x3700]  }
0x289: {  	v0 =	vadd.s32 v1, v0  }
0x28a: {  	s23 =	simm.s32 $0x10;
	s24 =	simm.s32 $0x2810;
	v0 =	vadd.s32 v2, v0  }
0x28b: {  	s25 =	sand.u32 $0xF0, s23;
	v6 =	vld [tilespmem:s24+$0x0];
	v0 =	vadd.s32 v3, v0  }
0x28c: {  	v1 =	vld [tilespmem:s25+$0x2900];
	v0 =	vadd.s32 v4, v0  }
0x28d: {  	v2 =	vld [tilespmem:s25+$0x2A00];
	v5 =	vadd.s32 v5, v0  }
0x28e: {  	v3 =	vld [tilespmem:s25+$0x2B00];
	(xrf0) =	vadd.scan.msk.s32 $0xffff, v5  }
0x28f: {  	v4 =	vld [tilespmem:s25+$0x2C00]  }
0x290: {  	v0 =	vld [tilespmem:s25+$0x2D00]  }
0x291: {  	v7 =	vld [tilespmem:s25+$0x2E00];
	v1 =	vadd.s32 v6, v1  }
0x292: {  	v6 =	vld [tilespmem:s25+$0x2F00];
	v1 =	vadd.s32 v2, v1  }
0x293: {  	v2 =	vld [tilespmem:s25+$0x3000];
	v1 =	vadd.s32 v3, v1  }
0x294: {  	v3 =	vld [tilespmem:s25+$0x3100];
	v1 =	vadd.s32 v4, v1;
	v8, _, _ =	vpop (xrf0)  }
0x295: {  	v4 =	vld [tilespmem:s25+$0x3200];
	v0 =	vadd.s32 v0, v1;
	(v2sf) =	vpush v8, $0xF  }
0x296: {  	v1 =	vld [tilespmem:s25+$0x3300];
	v0 =	vadd.s32 v7, v0  }
0x297: {  	v7 =	vld [tilespmem:s25+$0x3400];
	v0 =	vadd.s32 v6, v0  }
0x298: {  	v0 =	vadd.s32 v2, v0  }
0x299: {  	s13 =	ssub.s32 s13, s14;
	v0 =	vadd.s32 v3, v0  }
0x29a: {  	v6 =	vld [tilespmem:s25+$0x3500];
	v8 =	vadd.s32 s15, v8;
	v4 =	vadd.s32 v4, v0;
	v0 =	vmov s13  }
0x29b: {  	v2 =	vld [tilespmem:s25+$0x3600];
	v1 =	vadd.s32 v1, v4;
	vm0 =	vlt.s32 v8, v0  }
0x29c: {  	s26 =	simm.s32 $0x20;
	s28 =	simm.s32 $0x2820;
	v3 =	vld [tilespmem:s25+$0x3700];
	v7 =	vadd.s32 v7, v1;
	v1 =	vimm.s32 $0x0;
	v5 =	vnsel vm0, $0x0, v5  }
0x29d: {  	s29 =	sand.u32 $0xF0, s26;
	v9 =	vld [tilespmem:s28+$0x0];
	v10 =	vsel vm0, $0x1, v1;
	(xrf0) =	vadd.scan.msk.s32 $0xffff, v5  }
0x29e: {  	v4 =	vld [tilespmem:s29+$0x2900];
	(xrf0) =	vadd.scan.msk.s32 $0xffff, v10  }
0x29f: {  	v8 =	vld [tilespmem:s29+$0x2A00];
	v6 =	vadd.s32 v6, v7  }
0x2a0: {  	v7 =	vld [tilespmem:s29+$0x2B00];
	v2 =	vadd.s32 v2, v6  }
0x2a1: {  	v5 =	vld [tilespmem:s29+$0x2C00];
	v6 =	vadd.s32 v3, v2  }
0x2a2: {  	v2 =	vld [tilespmem:s29+$0x2D00];
	(xrf0) =	vadd.scan.msk.s32 $0xffff, v6  }
0x2a3: {  	v3 =	vadd.s32 v9, v4;
	v4 =	vld [tilespmem:s29+$0x2E00];
	v61, _, _ =	vpop (xrf0)  }
0x2a4: {  	v3 =	vadd.s32 v8, v3;
	v8 =	vld [tilespmem:s29+$0x2F00];
	v11, _, _ =	vpop (xrf0);
	s30 =	spop (v2sf);
	(v2sf) =	vpush v61, $0xF  }
0x2a5: {  	v3 =	vadd.s32 v7, v3;
	v7 =	vld [tilespmem:s29+$0x3000];
	(v2sf) =	vpush v11, $0xF  }
0x2a6: {  	v3 =	vadd.s32 v5, v3;
	v5 =	vld [tilespmem:s29+$0x3100]  }
0x2a7: {  	v62 =	vld [tilespmem:s29+$0x3200];
	v2 =	vadd.s32 v2, v3  }
0x2a8: {  	v12 =	vld [tilespmem:s29+$0x3300];
	v2 =	vadd.s32 v4, v2;
	v13, _, _ =	vpop (xrf0)  }
0x2a9: {  	v2 =	vadd.s32 v8, v2;
	v8 =	vld [tilespmem:s29+$0x3400];
	s16 =	sadd.s32 $0x0, s30;
	(v2sf) =	vpush v13, $0xF  }
0x2aa: {  	v3 =	vadd.s32 v7, v2;
	v2 =	vld [tilespmem:s29+$0x3500];
	v4 =	vadd.s32 s16, v13  }
0x2ab: {  	v5 =	vadd.s32 v5, v3;
	v3 =	vld [tilespmem:s29+$0x3600];
	vm15 =	vlt.s32 v4, v0  }
0x2ac: {  	s18 =	simm.s32 $0x2830;
	s31 =	simm.s32 $0x30;
	v5 =	vadd.s32 v62, v5;
	v4 =	vld [tilespmem:s29+$0x3700];
	v6 =	vnsel vm15, $0x0, v6  }
0x2ad: {  	s17 =	sand.u32 $0xF0, s31;
	v7 =	vadd.s32 v12, v5;
	v5 =	vld [tilespmem:s18+$0x0];
	v63 =	vsel vm15, $0x1, v1;
	(xrf0) =	vadd.scan.msk.s32 $0xffff, v6  }
0x2ae: {  	s14 =	simm.s32 $0x0;
	s19 =	simm.s32 $0x40;
	v7 =	vadd.s32 v8, v7;
	v6 =	vld [tilespmem:s17+$0x2900];
	(xrf0) =	vadd.scan.msk.s32 $0xffff, v63  }
.LBB2_23:
0x2af: {  	p0 =	sne.s32 s19, $0xF0;
	v8 =	vld [tilespmem:s17+$0x2A00];
	v2 =	vadd.s32 v2, v7  }
0x2b0: {  	v7 =	vld [tilespmem:s17+$0x2B00];
	v2 =	vadd.s32 v3, v2  }
0x2b1: {  	v3 =	vld [tilespmem:s17+$0x2C00];
	v9 =	vadd.s32 v4, v2  }
0x2b2: {  	v2 =	vld [tilespmem:s17+$0x2D00];
	(xrf0) =	vadd.scan.msk.s32 $0xffff, v9  }
0x2b3: {  	v4 =	vadd.s32 v5, v6;
	v5 =	vld [tilespmem:s17+$0x2E00];
	v6, _, _ =	vpop (xrf0);
	s20 =	spop (v2sf)  }
0x2b4: {  	v4 =	vadd.s32 v8, v4;
	v8 =	vld [tilespmem:s17+$0x2F00];
	v10, _, _ =	vpop (xrf0);
	(v2sf) =	vpush v6, $0xF;
	s15 =	sadd.s32 s15, s20;
	s20 =	spop (v2sf)  }
0x2b5: {  	v4 =	vadd.s32 v7, v4;
	v6 =	vld [tilespmem:s17+$0x3000];
	(v2sf) =	vpush v10, $0xF;
	s14 =	sadd.s32 s14, s20  }
0x2b6: {  	v11 =	vadd.s32 v3, v4;
	v4 =	vld [tilespmem:s17+$0x3100]  }
0x2b7: {  	v2 =	vadd.s32 v2, v11;
	v7 =	vld [tilespmem:s17+$0x3200]  }
0x2b8: {  	v2 =	vadd.s32 v5, v2;
	v10 =	vld [tilespmem:s17+$0x3300];
	v3, _, _ =	vpop (xrf0);
	s20 =	spop (v2sf)  }
0x2b9: {  	v2 =	vadd.s32 v8, v2;
	v8 =	vld [tilespmem:s17+$0x3400];
	(v2sf) =	vpush v3, $0xF;
	s16 =	sadd.s32 s16, s20  }
.Ltmp11:
0x2ba: {  	v5 =	vadd.s32 v6, v2;
	v2 =	vld [tilespmem:s17+$0x3500];
	v6 =	vadd.s32 s16, v3;
	(pc) =	sbr.rel @p0 .LBB2_23-.Ltmp11, $4  }
0x2bb: {  	v4 =	vadd.s32 v4, v5;
	v3 =	vld [tilespmem:s17+$0x3600];
	vm0 =	vlt.s32 v6, v0  }
0x2bc: {  	s18 =	sadd.s32 $0x10, s18;
	v6 =	vadd.s32 v7, v4;
	v4 =	vld [tilespmem:s17+$0x3700];
	v11 =	vsel vm0, $0x1, v1;
	v7 =	vnsel vm0, $0x0, v9  }
0x2bd: {  	s17 =	sand.u32 $0xF0, s19;
	v5 =	vld [tilespmem:s18+$0x0];
	v9 =	vadd.s32 v10, v6;
	(xrf0) =	vadd.scan.msk.s32 $0xffff, v7  }
0x2be: {  	s19 =	sadd.s32 $0x10, s19;
	v6 =	vld [tilespmem:s17+$0x2900];
	v7 =	vadd.s32 v8, v9;
	(xrf0) =	vadd.scan.msk.s32 $0xffff, v11  }
0x2bf: {  	v2 =	vadd.s32 v2, v7  }
0x2c0: {  	v47 =	vld [tilespmem:s17+$0x2A00];
	v2 =	vadd.s32 v3, v2  }
0x2c1: {  	v3 =	vld [tilespmem:s17+$0x2B00];
	v2 =	vadd.s32 v4, v2  }
0x2c2: {  	v48 =	vld [tilespmem:s17+$0x2C00];
	(xrf0) =	vadd.scan.msk.s32 $0xffff, v2  }
0x2c3: {  	v8 =	vld [tilespmem:s17+$0x2D00]  }
0x2c4: {  	v49 =	vld [tilespmem:s17+$0x2E00];
	v5 =	vadd.s32 v5, v6  }
0x2c5: {  	v50 =	vld [tilespmem:s17+$0x2F00];
	v5 =	vadd.s32 v47, v5  }
0x2c6: {  	v51 =	vld [tilespmem:s17+$0x3000];
	v9, _, _ =	vpop (xrf0);
	v3 =	vadd.s32 v3, v5  }
0x2c7: {  	v52 =	vld [tilespmem:s17+$0x3100];
	v10, _, _ =	vpop (xrf0);
	(v2sf) =	vpush v9, $0xF;
	v3 =	vadd.s32 v48, v3  }
0x2c8: {  	v53 =	vld [tilespmem:s17+$0x3200];
	(v2sf) =	vpush v10, $0xF;
	v3 =	vadd.s32 v8, v3;
	v54, _, _ =	vpop (xrf0)  }
0x2c9: {  	v55 =	vld [tilespmem:s17+$0x3300];
	v3 =	vadd.s32 v49, v3;
	(v2sf) =	vpush v54, $0xF  }
0x2ca: {  	v56 =	vld [tilespmem:s17+$0x3400];
	s18 =	spop (v2sf);
	v3 =	vadd.s32 v50, v3  }
0x2cb: {  	v57 =	vld [tilespmem:s17+$0x3500];
	s19 =	spop (v2sf);
	v3 =	vadd.s32 v51, v3  }
0x2cc: {  	v58 =	vld [tilespmem:s17+$0x3600];
	s20 =	spop (v2sf);
	v3 =	vadd.s32 v52, v3  }
0x2cd: {  	v59 =	vld [tilespmem:s17+$0x3700];
	s16 =	sadd.s32 s16, s20;
	v3 =	vadd.s32 v53, v3  }
0x2ce: {  	v9 =	vadd.s32 s16, v54;
	v3 =	vadd.s32 v55, v3  }
0x2cf: {  	vm0 =	vlt.s32 v9, v0;
	v3 =	vadd.s32 v56, v3  }
0x2d0: {  	v2 =	vnsel vm0, $0x0, v2;
	v3 =	vadd.s32 v57, v3  }
0x2d1: {  	v60 =	vsel vm0, $0x1, v1;
	(xrf0) =	vadd.scan.msk.s32 $0xffff, v2;
	v2 =	vadd.s32 v58, v3  }
0x2d2: {  	(xrf0) =	vadd.scan.msk.s32 $0xffff, v60;
	v2 =	vadd.s32 v59, v2  }
0x2d3: {  	(xrf0) =	vadd.scan.msk.s32 $0xffff, v2;
	_ =	sdelay $0x2  }
0x2d4: {  	s24 =	spop (v2sf)  }
0x2d5: {  	v3, _, _ =	vpop (xrf0);
	s25 =	spop (v2sf)  }
0x2d6: {  	v61, _, _ =	vpop (xrf0);
	s21 =	spop (v2sf)  }
0x2d7: {  	v62, _, _ =	vpop (xrf0);
	s16 =	sadd.s32 s16, s21  }
0x2d8: {  	v63 =	vadd.s32 s16, v62  }
0x2d9: {  	vm15 =	vlt.s32 v63, v0  }
0x2da: {  	v0 =	vnsel vm15, $0x0, v2  }
0x2db: {  	v1 =	vsel vm15, $0x1, v1;
	(xrf0) =	vadd.scan.msk.s32 $0xffff, v0  }
0x2dc: {  	(xrf0) =	vadd.scan.msk.s32 $0xffff, v1;
	_ =	sdelay $0x2  }
0x2dd: {  	(v2sf) =	vpush v3, $0xF  }
0x2de: {  	(v2sf) =	vpush v61, $0xF  }
0x2df: {  	(v2sf) =	vpush v62, $0xF;
	v0, _, _ =	vpop (xrf0)  }
0x2e0: {  	v1, _, _ =	vpop (xrf0);
	(v2sf) =	vpush v0, $0xF  }
0x2e1: {  	(v2sf) =	vpush v1, $0xF;
	_ =	sdelay $0xa  }
0x2e2: {  	s26 =	spop (v2sf)  }
0x2e3: {  	s17 =	simm.s32 $0x200;
	s28 =	spop (v2sf)  }
0x2e4: {  	s15 =	sadd.s32 s15, s18;
	s14 =	sadd.s32 s14, s19;
	s29 =	spop (v2sf)  }
0x2e5: {  	s15 =	sadd.s32 s15, s24;
	s14 =	sadd.s32 s14, s25;
	s30 =	spop (v2sf)  }
0x2e6: {  	s15 =	sadd.s32 s15, s26;
	s31 =	sadd.s32 s14, s28;
	s18 =	spop (v2sf)  }
0x2e7: {  	s16 =	simm.s32 $0x0;
	v0 =	vimm.s32 $0x0;
	s14 =	sadd.s32 s15, s30;
	s15 =	sadd.s32 s31, s18  }
.LBB2_25:
0x2e8: {  	p0 =	seq.s32 s17, $0x3E00;
	[tilespmem:s16+$0x1870] =	vst v0  }
0x2e9: {  	[tilespmem:s16+$0x1800] =	vst v0  }
0x2ea: {  	[tilespmem:s16+$0x1810] =	vst v0  }
.Ltmp12:
0x2eb: {  	[tilespmem:s16+$0x1820] =	vst v0;
	(pc) =	sbr.rel @!p0 .LBB2_25-.Ltmp12, $4  }
0x2ec: {  	[tilespmem:s16+$0x1830] =	vst v0  }
0x2ed: {  	[tilespmem:s16+$0x1840] =	vst v0  }
0x2ee: {  	[tilespmem:s16+$0x1850] =	vst v0  }
0x2ef: {  	[tilespmem:s16+$0x1860] =	vst v0;
	s16 =	sshra.s32 s17, $0x2;
	s17 =	sadd.s32 $0x200, s17  }
0x2f0: {  	[tilespmem:s16+$0x1870] =	vst v0  }
0x2f1: {  	[tilespmem:s16+$0x1800] =	vst v0  }
0x2f2: {  	[tilespmem:s16+$0x1810] =	vst v0  }
0x2f3: {  	[tilespmem:s16+$0x1820] =	vst v0  }
0x2f4: {  	[tilespmem:s16+$0x1830] =	vst v0  }
0x2f5: {  	[tilespmem:s16+$0x1840] =	vst v0;
	s12 =	sshll.u32 s12, $0x8  }
0x2f6: {  	[tilespmem:s16+$0x1850] =	vst v0;
	v1 =	vlaneseq.u32;
	s12 =	sadd.s32 s12, s15  }
0x2f7: {  	[tilespmem:s16+$0x1860] =	vst v0;
	v2 =	vimm.s32 $0x1;
	s16 =	simm.s32 $0x0;
	s17 =	simm.s32 $0x1800;
	s15 =	simm.s32 $0x0;
	v1 =	vmul.u32 $0x100, v1;
	v0 =	vmov s12  }
.LBB2_27:
0x2f8: {  	s18 =	sshra.s32 s16, $0x2  }
0x2f9: {  	v3 =	vld [tilespmem:s18+$0x1400];
	_ =	sdelay $0x4  }
0x2fa: {  	v4 =	vshrl.u32 v3, $0x8  }
0x2fb: {  	v3 =	vand.u32 $0xFF, v3;
	vm0 =	veq.s32 v4, v0  }
0x2fc: {  	v3 =	vor.u32 v1, v3;
	_ =	sdelay $0x4  }
0x2fd: {  	[tilespmem:v3+s17+$0x0] =	vst.idx.add.s32.msk vm0, v2  }
0x2fe: {  	v3 =	vld [tilespmem:s18+$0x1410];
	_ =	sdelay $0x4  }
0x2ff: {  	v61 =	vshrl.u32 v3, $0x8  }
0x300: {  	v3 =	vand.u32 $0xFF, v3;
	vm13 =	veq.s32 v61, v0  }
0x301: {  	v3 =	vor.u32 v1, v3;
	_ =	sdelay $0x4  }
0x302: {  	[tilespmem:v3+s17+$0x0] =	vst.idx.add.s32.msk vm13, v2  }
0x303: {  	v3 =	vld [tilespmem:s18+$0x1420];
	_ =	sdelay $0x4  }
0x304: {  	v62 =	vshrl.u32 v3, $0x8  }
0x305: {  	v3 =	vand.u32 $0xFF, v3;
	vm14 =	veq.s32 v62, v0  }
0x306: {  	v3 =	vor.u32 v1, v3;
	_ =	sdelay $0x4  }
0x307: {  	[tilespmem:v3+s17+$0x0] =	vst.idx.add.s32.msk vm14, v2  }
0x308: {  	v3 =	vld [tilespmem:s18+$0x1430];
	_ =	sdelay $0x4  }
0x309: {  	v63 =	vshrl.u32 v3, $0x8  }
0x30a: {  	v3 =	vand.u32 $0xFF, v3;
	vm15 =	veq.s32 v63, v0  }
0x30b: {  	p0 =	sne.s32 s16, $0xF00;
	v3 =	vor.u32 v1, v3  }
.Ltmp13:
0x30c: {  	_ = 	snop;
	(pc) =	sbr.rel @p0 .LBB2_27-.Ltmp13, $2  }
0x30d: {  	_ =	sdelay $0x2  }
0x30e: {  	s16 =	sadd.s32 $0x100, s16;
	[tilespmem:v3+s17+$0x0] =	vst.idx.add.s32.msk vm15, v2  }
0x30f: {  	s15 =	sand.u32 $0xF0, s15;
	v1 =	vld [tilespmem:s17+$0x0]  }
0x310: {  	v0 =	vld [tilespmem:s15+$0x1900]  }
0x311: {  	v2 =	vld [tilespmem:s15+$0x1A00]  }
0x312: {  	v3 =	vld [tilespmem:s15+$0x1B00]  }
0x313: {  	v4 =	vld [tilespmem:s15+$0x1C00]  }
0x314: {  	v5 =	vld [tilespmem:s15+$0x1D00]  }
0x315: {  	v0 =	vadd.s32 v1, v0;
	v1 =	vld [tilespmem:s15+$0x1E00]  }
0x316: {  	v0 =	vadd.s32 v2, v0;
	v2 =	vld [tilespmem:s15+$0x1F00]  }
0x317: {  	v0 =	vadd.s32 v3, v0;
	v3 =	vld [tilespmem:s15+$0x2000]  }
0x318: {  	v60 =	vld [tilespmem:s15+$0x2100];
	v0 =	vadd.s32 v4, v0  }
0x319: {  	v61 =	vld [tilespmem:s15+$0x2200];
	v0 =	vadd.s32 v5, v0  }
0x31a: {  	v0 =	vadd.s32 v1, v0;
	v1 =	vld [tilespmem:s15+$0x2300]  }
0x31b: {  	v0 =	vadd.s32 v2, v0;
	v2 =	vld [tilespmem:s15+$0x2400]  }
0x31c: {  	v0 =	vadd.s32 v3, v0;
	v3 =	vld [tilespmem:s15+$0x2500]  }
0x31d: {  	v62 =	vld [tilespmem:s15+$0x2600];
	v0 =	vadd.s32 v60, v0  }
0x31e: {  	v63 =	vld [tilespmem:s15+$0x2700];
	v0 =	vadd.s32 v61, v0  }
0x31f: {  	v0 =	vadd.s32 v1, v0  }
0x320: {  	v0 =	vadd.s32 v2, v0  }
0x321: {  	v0 =	vadd.s32 v3, v0  }
0x322: {  	v0 =	vadd.s32 v62, v0  }
0x323: {  	s16 =	simm.s32 $0x10;
	s15 =	simm.s32 $0x3800;
	v0 =	vadd.s32 v63, v0  }
0x324: {  	s16 =	sand.u32 $0xF0, s16;
	[tilespmem:s15+$0x0] =	vst v0  }
0x325: {  	s18 =	simm.s32 $0x20;
	s17 =	simm.s32 $0x1810;
	v0 =	vld [tilespmem:s16+$0x1900]  }
.LBB2_29:
0x326: {  	p0 =	sne.s32 s18, $0xF0;
	v1 =	vld [tilespmem:s17+$0x0]  }
0x327: {  	v2 =	vld [tilespmem:s16+$0x1A00]  }
0x328: {  	v3 =	vld [tilespmem:s16+$0x1B00]  }
0x329: {  	v4 =	vld [tilespmem:s16+$0x1C00]  }
0x32a: {  	v5 =	vld [tilespmem:s16+$0x1D00]  }
0x32b: {  	v0 =	vadd.s32 v1, v0;
	v1 =	vld [tilespmem:s16+$0x1E00]  }
0x32c: {  	v0 =	vadd.s32 v2, v0;
	v2 =	vld [tilespmem:s16+$0x1F00]  }
0x32d: {  	v0 =	vadd.s32 v3, v0;
	v3 =	vld [tilespmem:s16+$0x2000]  }
0x32e: {  	v0 =	vadd.s32 v4, v0;
	v4 =	vld [tilespmem:s16+$0x2100]  }
0x32f: {  	v0 =	vadd.s32 v5, v0;
	v5 =	vld [tilespmem:s16+$0x2200]  }
0x330: {  	v0 =	vadd.s32 v1, v0;
	v1 =	vld [tilespmem:s16+$0x2300]  }
0x331: {  	v0 =	vadd.s32 v2, v0;
	v2 =	vld [tilespmem:s16+$0x2400]  }
0x332: {  	v0 =	vadd.s32 v3, v0;
	v3 =	vld [tilespmem:s16+$0x2500]  }
0x333: {  	v0 =	vadd.s32 v4, v0;
	v4 =	vld [tilespmem:s16+$0x2600]  }
0x334: {  	v0 =	vadd.s32 v5, v0;
	v5 =	vld [tilespmem:s16+$0x2700]  }
0x335: {  	v0 =	vadd.s32 v1, v0  }
0x336: {  	v0 =	vadd.s32 v2, v0  }
.Ltmp14:
0x337: {  	v0 =	vadd.s32 v3, v0;
	(pc) =	sbr.rel @p0 .LBB2_29-.Ltmp14, $4  }
0x338: {  	v0 =	vadd.s32 v4, v0  }
0x339: {  	s15 =	sadd.s32 $0x10, s15;
	v0 =	vadd.s32 v5, v0  }
0x33a: {  	s16 =	sand.u32 $0xF0, s18;
	[tilespmem:s15+$0x0] =	vst v0  }
0x33b: {  	s17 =	sadd.s32 $0x10, s17;
	s18 =	sadd.s32 $0x10, s18;
	v0 =	vld [tilespmem:s16+$0x1900]  }
0x33c: {  	v1 =	vld [tilespmem:s17+$0x0]  }
0x33d: {  	v2 =	vld [tilespmem:s16+$0x1A00]  }
0x33e: {  	v3 =	vld [tilespmem:s16+$0x1B00]  }
0x33f: {  	v4 =	vld [tilespmem:s16+$0x1C00]  }
0x340: {  	v5 =	vld [tilespmem:s16+$0x1D00]  }
0x341: {  	v0 =	vadd.s32 v1, v0;
	v1 =	vld [tilespmem:s16+$0x1E00]  }
0x342: {  	v0 =	vadd.s32 v2, v0;
	v2 =	vld [tilespmem:s16+$0x1F00]  }
0x343: {  	v0 =	vadd.s32 v3, v0;
	v3 =	vld [tilespmem:s16+$0x2000]  }
0x344: {  	v0 =	vadd.s32 v4, v0;
	v4 =	vld [tilespmem:s16+$0x2100]  }
0x345: {  	v0 =	vadd.s32 v5, v0;
	v5 =	vld [tilespmem:s16+$0x2200]  }
0x346: {  	v0 =	vadd.s32 v1, v0;
	v1 =	vld [tilespmem:s16+$0x2300]  }
0x347: {  	v0 =	vadd.s32 v2, v0;
	v2 =	vld [tilespmem:s16+$0x2400]  }
0x348: {  	v0 =	vadd.s32 v3, v0;
	v3 =	vld [tilespmem:s16+$0x2500]  }
0x349: {  	v0 =	vadd.s32 v4, v0;
	v4 =	vld [tilespmem:s16+$0x2600]  }
0x34a: {  	v0 =	vadd.s32 v5, v0;
	v5 =	vld [tilespmem:s16+$0x2700]  }
0x34b: {  	v0 =	vadd.s32 v1, v0  }
0x34c: {  	v0 =	vadd.s32 v2, v0  }
0x34d: {  	v0 =	vadd.s32 v3, v0  }
0x34e: {  	v0 =	vadd.s32 v4, v0  }
0x34f: {  	s15 =	sadd.s32 $0x10, s15;
	s11 =	sadd.s32 $0x180, s11;
	s18 =	simm.s32 $0x200;
	v0 =	vadd.s32 v5, v0  }
0x350: {  	s19 =	simm.s32 $0x3800;
	s20 =	simm.s32 $0x2;
	s16 =	simm.s32 $0x80;
	[tilespmem:s15+$0x0] =	vst v0  }
0x351: {  	[spmem:s11] =	stream.strided.scatter [tilespmem:s19], [sflag:$0x2], $0x100, s18, s16, $0x38;
	[tilespmem:$0x4050] =	vst v63  }
0x352: {  	_ =	swait.ge [sflag:s20], $0x100  }
0x353: {  	[sflag:s20] =	ssyncset.done $0x0  }
0x354: {  	[sflag:s20] =	ssyncadd.s32 $0xFFFFFF00  }
0x355: {  	s10 =	sadd.s32 $0x180, s10;
	s21 =	simm.s32 $0x2800;
	[bflag:$0x0] =	sbarrier.arrive $0xFFFF  }
0x356: {  	[tilespmem:s21], [sflag:$0x2] =	stream.strided.gather [spmem:s10], $0x1000, s18, s16, $0x38;
	[tilespmem:$0x4050] =	vst v63  }
0x357: {  	_ =	swait.ge [sflag:s20], $0x1000  }
0x358: {  	[sflag:s20] =	ssyncset.done $0x0  }
0x359: {  	s11 =	simm.s32 $0x0;
	[sflag:s20] =	ssyncadd.s32 $0xFFFFF000  }
0x35a: {  	s22 =	sand.u32 $0xF0, s11;
	v0 =	vld [tilespmem:s21+$0x0]  }
0x35b: {  	v1 =	vld [tilespmem:s22+$0x2900]  }
0x35c: {  	v2 =	vld [tilespmem:s22+$0x2A00]  }
0x35d: {  	v3 =	vld [tilespmem:s22+$0x2B00]  }
0x35e: {  	v4 =	vld [tilespmem:s22+$0x2C00]  }
0x35f: {  	v5 =	vld [tilespmem:s22+$0x2D00]  }
0x360: {  	v0 =	vadd.s32 v0, v1;
	v1 =	vld [tilespmem:s22+$0x2E00]  }
0x361: {  	v0 =	vadd.s32 v2, v0;
	v2 =	vld [tilespmem:s22+$0x2F00]  }
0x362: {  	v0 =	vadd.s32 v3, v0;
	v3 =	vld [tilespmem:s22+$0x3000]  }
0x363: {  	v0 =	vadd.s32 v4, v0;
	v4 =	vld [tilespmem:s22+$0x3100]  }
0x364: {  	v0 =	vadd.s32 v5, v0;
	v5 =	vld [tilespmem:s22+$0x3200]  }
0x365: {  	v0 =	vadd.s32 v1, v0;
	v1 =	vld [tilespmem:s22+$0x3300]  }
0x366: {  	v0 =	vadd.s32 v2, v0;
	v2 =	vld [tilespmem:s22+$0x3400]  }
0x367: {  	v0 =	vadd.s32 v3, v0;
	v3 =	vld [tilespmem:s22+$0x3500]  }
0x368: {  	v0 =	vadd.s32 v4, v0;
	v4 =	vld [tilespmem:s22+$0x3600]  }
0x369: {  	v0 =	vadd.s32 v5, v0;
	v5 =	vld [tilespmem:s22+$0x3700]  }
0x36a: {  	v0 =	vadd.s32 v1, v0  }
0x36b: {  	s23 =	simm.s32 $0x10;
	s24 =	simm.s32 $0x2810;
	v0 =	vadd.s32 v2, v0  }
0x36c: {  	s25 =	sand.u32 $0xF0, s23;
	v6 =	vld [tilespmem:s24+$0x0];
	v0 =	vadd.s32 v3, v0  }
0x36d: {  	v1 =	vld [tilespmem:s25+$0x2900];
	v0 =	vadd.s32 v4, v0  }
0x36e: {  	v2 =	vld [tilespmem:s25+$0x2A00];
	v5 =	vadd.s32 v5, v0  }
0x36f: {  	v3 =	vld [tilespmem:s25+$0x2B00];
	(xrf0) =	vadd.scan.msk.s32 $0xffff, v5  }
0x370: {  	v4 =	vld [tilespmem:s25+$0x2C00]  }
0x371: {  	v0 =	vld [tilespmem:s25+$0x2D00]  }
0x372: {  	v7 =	vld [tilespmem:s25+$0x2E00];
	v1 =	vadd.s32 v6, v1  }
0x373: {  	v6 =	vld [tilespmem:s25+$0x2F00];
	v1 =	vadd.s32 v2, v1  }
0x374: {  	v2 =	vld [tilespmem:s25+$0x3000];
	v1 =	vadd.s32 v3, v1  }
0x375: {  	v3 =	vld [tilespmem:s25+$0x3100];
	v1 =	vadd.s32 v4, v1;
	v8, _, _ =	vpop (xrf0)  }
0x376: {  	v4 =	vld [tilespmem:s25+$0x3200];
	v0 =	vadd.s32 v0, v1;
	(v2sf) =	vpush v8, $0xF  }
0x377: {  	v1 =	vld [tilespmem:s25+$0x3300];
	v0 =	vadd.s32 v7, v0  }
0x378: {  	v7 =	vld [tilespmem:s25+$0x3400];
	v0 =	vadd.s32 v6, v0  }
0x379: {  	v0 =	vadd.s32 v2, v0  }
0x37a: {  	s10 =	ssub.s32 s13, s14;
	v0 =	vadd.s32 v3, v0  }
0x37b: {  	v6 =	vld [tilespmem:s25+$0x3500];
	v8 =	vadd.s32 s11, v8;
	v4 =	vadd.s32 v4, v0;
	v0 =	vmov s10  }
0x37c: {  	v2 =	vld [tilespmem:s25+$0x3600];
	v1 =	vadd.s32 v1, v4;
	vm0 =	vlt.s32 v8, v0  }
0x37d: {  	s26 =	simm.s32 $0x20;
	s28 =	simm.s32 $0x2820;
	v3 =	vld [tilespmem:s25+$0x3700];
	v7 =	vadd.s32 v7, v1;
	v1 =	vimm.s32 $0x0;
	v5 =	vnsel vm0, $0x0, v5  }
0x37e: {  	s29 =	sand.u32 $0xF0, s26;
	v9 =	vld [tilespmem:s28+$0x0];
	v10 =	vsel vm0, $0x1, v1;
	(xrf0) =	vadd.scan.msk.s32 $0xffff, v5  }
0x37f: {  	v4 =	vld [tilespmem:s29+$0x2900];
	(xrf0) =	vadd.scan.msk.s32 $0xffff, v10  }
0x380: {  	v8 =	vld [tilespmem:s29+$0x2A00];
	v6 =	vadd.s32 v6, v7  }
0x381: {  	v7 =	vld [tilespmem:s29+$0x2B00];
	v2 =	vadd.s32 v2, v6  }
0x382: {  	v5 =	vld [tilespmem:s29+$0x2C00];
	v6 =	vadd.s32 v3, v2  }
0x383: {  	v2 =	vld [tilespmem:s29+$0x2D00];
	(xrf0) =	vadd.scan.msk.s32 $0xffff, v6  }
0x384: {  	v3 =	vadd.s32 v9, v4;
	v4 =	vld [tilespmem:s29+$0x2E00];
	v61, _, _ =	vpop (xrf0)  }
0x385: {  	v3 =	vadd.s32 v8, v3;
	v8 =	vld [tilespmem:s29+$0x2F00];
	v11, _, _ =	vpop (xrf0);
	s30 =	spop (v2sf);
	(v2sf) =	vpush v61, $0xF  }
0x386: {  	v3 =	vadd.s32 v7, v3;
	v7 =	vld [tilespmem:s29+$0x3000];
	(v2sf) =	vpush v11, $0xF  }
0x387: {  	v3 =	vadd.s32 v5, v3;
	v5 =	vld [tilespmem:s29+$0x3100]  }
0x388: {  	v62 =	vld [tilespmem:s29+$0x3200];
	v2 =	vadd.s32 v2, v3  }
0x389: {  	v12 =	vld [tilespmem:s29+$0x3300];
	v2 =	vadd.s32 v4, v2;
	v13, _, _ =	vpop (xrf0)  }
0x38a: {  	v2 =	vadd.s32 v8, v2;
	v8 =	vld [tilespmem:s29+$0x3400];
	s15 =	sadd.s32 $0x0, s30;
	(v2sf) =	vpush v13, $0xF  }
0x38b: {  	v3 =	vadd.s32 v7, v2;
	v2 =	vld [tilespmem:s29+$0x3500];
	v4 =	vadd.s32 s15, v13  }
0x38c: {  	v5 =	vadd.s32 v5, v3;
	v3 =	vld [tilespmem:s29+$0x3600];
	vm15 =	vlt.s32 v4, v0  }
0x38d: {  	s31 =	simm.s32 $0x30;
	s14 =	simm.s32 $0x2830;
	v5 =	vadd.s32 v62, v5;
	v4 =	vld [tilespmem:s29+$0x3700];
	v6 =	vnsel vm15, $0x0, v6  }
0x38e: {  	s16 =	sand.u32 $0xF0, s31;
	v7 =	vadd.s32 v12, v5;
	v5 =	vld [tilespmem:s14+$0x0];
	v63 =	vsel vm15, $0x1, v1;
	(xrf0) =	vadd.scan.msk.s32 $0xffff, v6  }
0x38f: {  	s17 =	simm.s32 $0x40;
	s13 =	simm.s32 $0x0;
	v7 =	vadd.s32 v8, v7;
	v6 =	vld [tilespmem:s16+$0x2900];
	(xrf0) =	vadd.scan.msk.s32 $0xffff, v63  }
.LBB2_31:
0x390: {  	p0 =	sne.s32 s17, $0xF0;
	v8 =	vld [tilespmem:s16+$0x2A00];
	v2 =	vadd.s32 v2, v7  }
0x391: {  	v7 =	vld [tilespmem:s16+$0x2B00];
	v2 =	vadd.s32 v3, v2  }
0x392: {  	v3 =	vld [tilespmem:s16+$0x2C00];
	v9 =	vadd.s32 v4, v2  }
0x393: {  	v2 =	vld [tilespmem:s16+$0x2D00];
	(xrf0) =	vadd.scan.msk.s32 $0xffff, v9  }
0x394: {  	v4 =	vadd.s32 v5, v6;
	v5 =	vld [tilespmem:s16+$0x2E00];
	v6, _, _ =	vpop (xrf0);
	s18 =	spop (v2sf)  }
0x395: {  	v4 =	vadd.s32 v8, v4;
	v8 =	vld [tilespmem:s16+$0x2F00];
	v10, _, _ =	vpop (xrf0);
	(v2sf) =	vpush v6, $0xF;
	s11 =	sadd.s32 s11, s18;
	s18 =	spop (v2sf)  }
0x396: {  	v4 =	vadd.s32 v7, v4;
	v6 =	vld [tilespmem:s16+$0x3000];
	(v2sf) =	vpush v10, $0xF;
	s13 =	sadd.s32 s13, s18  }
0x397: {  	v11 =	vadd.s32 v3, v4;
	v4 =	vld [tilespmem:s16+$0x3100]  }
0x398: {  	v2 =	vadd.s32 v2, v11;
	v7 =	vld [tilespmem:s16+$0x3200]  }
0x399: {  	v2 =	vadd.s32 v5, v2;
	v10 =	vld [tilespmem:s16+$0x3300];
	v3, _, _ =	vpop (xrf0);
	s18 =	spop (v2sf)  }
0x39a: {  	v2 =	vadd.s32 v8, v2;
	v8 =	vld [tilespmem:s16+$0x3400];
	(v2sf) =	vpush v3, $0xF;
	s15 =	sadd.s32 s15, s18  }
.Ltmp15:
0x39b: {  	v5 =	vadd.s32 v6, v2;
	v2 =	vld [tilespmem:s16+$0x3500];
	v6 =	vadd.s32 s15, v3;
	(pc) =	sbr.rel @p0 .LBB2_31-.Ltmp15, $4  }
0x39c: {  	v4 =	vadd.s32 v4, v5;
	v3 =	vld [tilespmem:s16+$0x3600];
	vm0 =	vlt.s32 v6, v0  }
0x39d: {  	s14 =	sadd.s32 $0x10, s14;
	v6 =	vadd.s32 v7, v4;
	v4 =	vld [tilespmem:s16+$0x3700];
	v11 =	vsel vm0, $0x1, v1;
	v7 =	vnsel vm0, $0x0, v9  }
0x39e: {  	s16 =	sand.u32 $0xF0, s17;
	v5 =	vld [tilespmem:s14+$0x0];
	v9 =	vadd.s32 v10, v6;
	(xrf0) =	vadd.scan.msk.s32 $0xffff, v7  }
0x39f: {  	s17 =	sadd.s32 $0x10, s17;
	v6 =	vld [tilespmem:s16+$0x2900];
	v7 =	vadd.s32 v8, v9;
	(xrf0) =	vadd.scan.msk.s32 $0xffff, v11  }
0x3a0: {  	v2 =	vadd.s32 v2, v7  }
0x3a1: {  	v7 =	vld [tilespmem:s16+$0x2A00];
	v2 =	vadd.s32 v3, v2  }
0x3a2: {  	v3 =	vld [tilespmem:s16+$0x2B00];
	v2 =	vadd.s32 v4, v2  }
0x3a3: {  	v4 =	vld [tilespmem:s16+$0x2C00];
	(xrf0) =	vadd.scan.msk.s32 $0xffff, v2  }
0x3a4: {  	v8 =	vld [tilespmem:s16+$0x2D00]  }
0x3a5: {  	v5 =	vadd.s32 v5, v6;
	v6 =	vld [tilespmem:s16+$0x2E00]  }
0x3a6: {  	v5 =	vadd.s32 v7, v5;
	v7 =	vld [tilespmem:s16+$0x2F00]  }
0x3a7: {  	v9, _, _ =	vpop (xrf0);
	v3 =	vadd.s32 v3, v5;
	v5 =	vld [tilespmem:s16+$0x3000]  }
0x3a8: {  	v10, _, _ =	vpop (xrf0);
	(v2sf) =	vpush v9, $0xF;
	v3 =	vadd.s32 v4, v3;
	v4 =	vld [tilespmem:s16+$0x3100]  }
0x3a9: {  	(v2sf) =	vpush v10, $0xF;
	v3 =	vadd.s32 v8, v3;
	v8 =	vld [tilespmem:s16+$0x3200];
	v9, _, _ =	vpop (xrf0)  }
0x3aa: {  	v3 =	vadd.s32 v6, v3;
	v6 =	vld [tilespmem:s16+$0x3300];
	(v2sf) =	vpush v9, $0xF  }
0x3ab: {  	s14 =	spop (v2sf);
	v3 =	vadd.s32 v7, v3;
	v7 =	vld [tilespmem:s16+$0x3400]  }
0x3ac: {  	s19 =	spop (v2sf);
	v3 =	vadd.s32 v5, v3;
	v5 =	vld [tilespmem:s16+$0x3500]  }
0x3ad: {  	s17 =	spop (v2sf);
	v3 =	vadd.s32 v4, v3;
	v4 =	vld [tilespmem:s16+$0x3600]  }
0x3ae: {  	s15 =	sadd.s32 s15, s17;
	v3 =	vadd.s32 v8, v3;
	v8 =	vld [tilespmem:s16+$0x3700]  }
0x3af: {  	v9 =	vadd.s32 s15, v9;
	v3 =	vadd.s32 v6, v3  }
0x3b0: {  	vm0 =	vlt.s32 v9, v0;
	v3 =	vadd.s32 v7, v3  }
0x3b1: {  	v2 =	vnsel vm0, $0x0, v2;
	v3 =	vadd.s32 v5, v3  }
0x3b2: {  	(xrf0) =	vadd.scan.msk.s32 $0xffff, v2;
	v5 =	vsel vm0, $0x1, v1;
	v2 =	vadd.s32 v4, v3  }
0x3b3: {  	(xrf0) =	vadd.scan.msk.s32 $0xffff, v5;
	v2 =	vadd.s32 v8, v2  }
0x3b4: {  	(xrf0) =	vadd.scan.msk.s32 $0xffff, v2;
	_ =	sdelay $0x2  }
0x3b5: {  	s28 =	spop (v2sf)  }
0x3b6: {  	v3, _, _ =	vpop (xrf0);
	s20 =	spop (v2sf)  }
0x3b7: {  	v4, _, _ =	vpop (xrf0);
	s29 =	spop (v2sf)  }
0x3b8: {  	v5, _, _ =	vpop (xrf0);
	s15 =	sadd.s32 s15, s29  }
0x3b9: {  	v6 =	vadd.s32 s15, v5  }
0x3ba: {  	vm0 =	vlt.s32 v6, v0  }
0x3bb: {  	v0 =	vnsel vm0, $0x0, v2  }
0x3bc: {  	(xrf0) =	vadd.scan.msk.s32 $0xffff, v0;
	v0 =	vsel vm0, $0x1, v1  }
0x3bd: {  	(xrf0) =	vadd.scan.msk.s32 $0xffff, v0;
	_ =	sdelay $0x2  }
0x3be: {  	(v2sf) =	vpush v3, $0xF  }
0x3bf: {  	(v2sf) =	vpush v4, $0xF  }
0x3c0: {  	(v2sf) =	vpush v5, $0xF;
	v0, _, _ =	vpop (xrf0)  }
0x3c1: {  	(v2sf) =	vpush v0, $0xF;
	v0, _, _ =	vpop (xrf0)  }
0x3c2: {  	(v2sf) =	vpush v0, $0xF;
	_ =	sdelay $0x8  }
0x3c3: {  	s15 =	simm.s32 $0x3A00  }
0x3c4: {  	[tilespmem:s15], [sflag:$0x2] =	stream.linear.gather [spmem:s9], $0x100, $0x38;
	[tilespmem:$0x4050] =	vst v63  }
0x3c5: {  	s18 =	spop (v2sf)  }
0x3c6: {  	s21 =	spop (v2sf)  }
0x3c7: {  	s30 =	spop (v2sf)  }
0x3c8: {  	s17 =	spop (v2sf)  }
0x3c9: {  	s22 =	simm.s32 $0x2;
	s31 =	spop (v2sf)  }
0x3ca: {  	_ =	swait.ge [sflag:s22], $0x100  }
0x3cb: {  	[sflag:s22] =	ssyncset.done $0x0  }
0x3cc: {  	[sflag:s22] =	ssyncadd.s32 $0xFFFFFF00  }
0x3cd: {  	v0 =	vld [tilespmem:$0x3A00]  }
0x3ce: {  	v1 =	vld [tilespmem:$0x3A10]  }
0x3cf: {  	v2 =	vld [tilespmem:$0x3A20]  }
0x3d0: {  	v3 =	vld [tilespmem:$0x3A30]  }
0x3d1: {  	v4 =	vld [tilespmem:$0x3A40]  }
0x3d2: {  	v5 =	vld [tilespmem:$0x3A50]  }
0x3d3: {  	v7 =	vld [tilespmem:$0x3A60];
	v6 =	vadd.s32 v0, v1  }
0x3d4: {  	v8 =	vld [tilespmem:$0x3A70];
	v6 =	vadd.s32 v2, v6  }
0x3d5: {  	v9 =	vld [tilespmem:$0x3A80];
	v6 =	vadd.s32 v3, v6  }
0x3d6: {  	v10 =	vld [tilespmem:$0x3A90];
	v6 =	vadd.s32 v4, v6  }
0x3d7: {  	v11 =	vld [tilespmem:$0x3AA0];
	v6 =	vadd.s32 v5, v6  }
0x3d8: {  	v12 =	vld [tilespmem:$0x3AB0];
	v6 =	vadd.s32 v7, v6  }
0x3d9: {  	v13 =	vld [tilespmem:$0x3AC0];
	v6 =	vadd.s32 v8, v6  }
0x3da: {  	v14 =	vld [tilespmem:$0x3AD0];
	v6 =	vadd.s32 v9, v6  }
0x3db: {  	v15 =	vld [tilespmem:$0x3AE0];
	v6 =	vadd.s32 v10, v6  }
0x3dc: {  	v16 =	vld [tilespmem:$0x3AF0];
	v6 =	vadd.s32 v11, v6  }
0x3dd: {  	v6 =	vadd.s32 v12, v6  }
0x3de: {  	v6 =	vadd.s32 v13, v6  }
0x3df: {  	p0 =	seq.s32 s6, $0x0;
	p1 =	sgt.u32 s6, $0x1;
	v6 =	vadd.s32 v14, v6  }
0x3e0: {  	p6 =	sgt.u32 s6, $0x2;
	v0 =	vpsel p0, $0x0, v0;
	v1 =	vpsel !p1, $0x0, v1;
	v6 =	vadd.s32 v15, v6  }
0x3e1: {  	p1 =	sgt.u32 s6, $0x3;
	v2 =	vpsel !p6, $0x0, v2;
	v0 =	vadd.s32 v0, v1;
	v6 =	vadd.s32 v16, v6  }
0x3e2: {  	p2 =	sgt.u32 s6, $0x4;
	v3 =	vpsel !p1, $0x0, v3;
	v0 =	vadd.s32 v2, v0;
	v1 =	vxor.u32 $0x80000000, v6  }
0x3e3: {  	p3 =	sgt.u32 s6, $0x5;
	v0 =	vadd.s32 v3, v0;
	(xrf0) =	vmax.scan.msk.u32 $0xffff, v1;
	v1 =	vpsel !p2, $0x0, v4  }
0x3e4: {  	p4 =	sgt.u32 s6, $0x6;
	v2 =	vpsel !p3, $0x0, v5;
	v0 =	vadd.s32 v1, v0  }
0x3e5: {  	p6 =	sgt.u32 s6, $0x8;
	v1 =	vpsel !p4, $0x0, v7;
	v0 =	vadd.s32 v2, v0  }
0x3e6: {  	p5 =	sgt.u32 s6, $0x7;
	v0 =	vadd.s32 v1, v0;
	v1 =	vpsel !p6, $0x0, v9  }
0x3e7: {  	v2 =	vpsel !p5, $0x0, v8  }
0x3e8: {  	p1 =	sgt.u32 s6, $0x9;
	v0 =	vadd.s32 v2, v0  }
0x3e9: {  	p2 =	sgt.u32 s6, $0xA;
	v2 =	vpsel !p1, $0x0, v10;
	v0 =	vadd.s32 v1, v0;
	v1, _, _ =	vpop (xrf0)  }
0x3ea: {  	p3 =	sgt.u32 s6, $0xB;
	v3 =	vpsel !p2, $0x0, v11;
	v0 =	vadd.s32 v2, v0;
	(v2sf) =	vpush v1, $0xF  }
0x3eb: {  	p4 =	sgt.u32 s6, $0xC;
	v1 =	vpsel !p3, $0x0, v12;
	v0 =	vadd.s32 v3, v0  }
0x3ec: {  	s15 =	simm.s32 $0x0;
	p5 =	sgt.u32 s6, $0xD;
	v2 =	vpsel !p4, $0x0, v13;
	v0 =	vadd.s32 v1, v0  }
0x3ed: {  	p6 =	seq.s32 s6, $0xF;
	v1 =	vpsel !p5, $0x0, v14;
	v0 =	vadd.s32 v2, v0;
	v2 =	vld [tilespmem:s15+$0x0]  }
0x3ee: {  	v3 =	vpsel !p6, $0x0, v15;
	v0 =	vadd.s32 v1, v0  }
0x3ef: {  	v0 =	vadd.s32 v3, v0  }
0x3f0: {  	v0 =	vxor.u32 $0x80000000, v0  }
0x3f1: {  	(xrf0) =	vmax.scan.msk.u32 $0xffff, v0  }
0x3f2: {  	v1 =	vimm.s32 $0x0;
	vm0 =	veq.s32 v2, $0x0  }
0x3f3: {  	v0 =	vsel vm0, $0x1, v1  }
0x3f4: {  	s13 =	sadd.s32 s13, s19;
	(xrf0) =	vadd.scan.msk.s32 $0xffff, v0  }
0x3f5: {  	s13 =	sadd.s32 s13, s20  }
0x3f6: {  	s13 =	sadd.s32 s13, s21;
	v4 =	vld [tilespmem:s15+$0x1400]  }
0x3f7: {  	s12 =	sshll.u32 s12, $0x8;
	s9 =	sadd.s32 s13, s31;
	v7 =	vld [tilespmem:s15+$0x1410];
	v0, _, _ =	vpop (xrf0)  }
0x3f8: {  	s9 =	sadd.s32 s12, s9;
	v8 =	vld [tilespmem:s15+$0xC00];
	(v2sf) =	vpush v0, $0xF  }
0x3f9: {  	s24 =	sxor.u32 $0x80000000, s9;
	v9 =	vld [tilespmem:s15+$0x10];
	s23 =	spop (v2sf)  }
0x3fa: {  	v5 =	vmov s24;
	v6 =	vmov s9;
	v12, _, _ =	vpop (xrf0);
	s12 =	sxor.u32 $0x80000000, s23  }
0x3fb: {  	v10 =	vld [tilespmem:s15+$0xC10];
	v11 =	vxor.u32 $0x80000000, v4;
	vm2 =	veq.s32 v4, v6;
	(v2sf) =	vpush v12, $0xF;
	s12 =	ssub.s32 $0x666, s12  }
0x3fc: {  	vm1 =	vlt.s32 v11, v5;
	v4 =	vxor.u32 $0x80000000, v7;
	v0 =	vmov s12;
	s12 =	simm.s32 $0x20  }
0x3fd: {  	v13 =	vimm.f32 $-3.000000010e+38;
	v14 =	vnsel vm1, $0x0, v8;
	vm1 =	vlt.s32 v4, v5;
	v11 =	vld [tilespmem:s12+$0x0]  }
0x3fe: {  	vm3 =	veq.s32 v9, $0x0;
	v8 =	vnsel vm2, $0xFF61B1E6, v8;
	v3 =	vimm.f32 $0.0e+00;
	v15 =	vld [tilespmem:s12+$0x1400]  }
0x3ff: {  	vm2 =	veq.s32 v7, v6;
	v8 =	vmax.f32 v13, v8;
	v4 =	vadd.f32 v14, v3;
	v14 =	vld [tilespmem:s12+$0x1410]  }
0x400: {  	v13 =	vnsel vm1, $0x0, v10;
	v10 =	vnsel vm2, $0xFF61B1E6, v10;
	v9 =	vsel vm3, $0x1, v1;
	v7 =	vld [tilespmem:s12+$0xC00]  }
0x401: {  	v8 =	vmax.f32 v8, v10;
	(xrf0) =	vadd.scan.msk.s32 $0xffff, v9  }
0x402: {  	v2 =	vlaneseq.u32;
	v4 =	vadd.f32 v13, v4;
	vm1 =	veq.s32 v11, $0x0  }
0x403: {  	vm2 =	vmmov vm0;
	v10 =	vld [tilespmem:s12+$0xC10];
	v9 =	vxor.u32 $0x80000000, v15;
	v11 =	vsel vm1, $0x1, v1  }
0x404: {  	vm0 =	vmmov vm3;
	v16 =	vor.u32 s8, v2;
	vm3 =	vlt.s32 v9, v5;
	(xrf0) =	vadd.scan.msk.s32 $0xffff, v11  }
0x405: {  	vm4 =	veq.s32 v15, v6;
	v9 =	vxor.u32 $0x80000000, v14;
	v11 =	vnsel vm3, $0x0, v7  }
0x406: {  	vm3 =	vlt.s32 v9, v5;
	v7 =	vnsel vm4, $0xFF61B1E6, v7;
	vm4 =	veq.s32 v14, v6  }
0x407: {  	v13, _, _ =	vpop (xrf0);
	v9 =	vsel vm0, $0xFFFFFFFF, v1;
	v4 =	vadd.f32 v11, v4;
	v7 =	vmax.f32 v8, v7;
	s25 =	spop (v2sf)  }
0x408: {  	s26 =	sadd.s32 s11, s14;
	v14 =	vld [tilespmem:s12+$0x10];
	v8 =	vnsel vm3, $0x0, v10;
	v11 =	vadd.s32 v9, v13;
	(v2sf) =	vpush v13, $0xF;
	s11 =	sxor.u32 $0x80000000, s25  }
0x409: {  	s28 =	sadd.s32 s26, s28;
	v9 =	vld [tilespmem:s15+$0x810];
	v13 =	vsel vm2, $0xFFFFFFFF, v1;
	v8 =	vadd.f32 v8, v4;
	v4 =	vnsel vm4, $0xFF61B1E6, v10;
	s29 =	sadd.s32 $0x0, s11  }
0x40a: {  	s30 =	sadd.s32 $0x10, s8;
	s9 =	sadd.s32 s28, s18;
	vm3 =	vmmov vm2;
	v10 =	vld [tilespmem:s15+$0x410];
	v4 =	vmax.f32 v7, v4;
	v15 =	vadd.s32 s29, v13;
	s31 =	spop (v2sf);
	v7, _, _ =	vpop (xrf0)  }
0x40b: {  	s16 =	simm.s32 $0x100;
	s9 =	sadd.s32 s9, s17;
	v13 =	vor.u32 s30, v2;
	v15 =	vadd.s32 v12, v15;
	v12 =	vld [tilespmem:s15+$0x800];
	s13 =	sadd.s32 $0x0, s31;
	(v2sf) =	vpush v7, $0xF  }
.LBB2_33:
0x40c: {  	v16 =	vsub.s32 v16, v15;
	s17 =	sadd.s32 s11, s13;
	s14 =	smov.u32 s16  }
0x40d: {  	vm4 =	vmneg vm3;
	v17 =	vld [tilespmem:s15+$0x400];
	vm5 =	vmneg vm0;
	vm2 =	vmmov vm1;
	s15 =	smov.u32 s12;
	s12 =	sshra.s32 s16, $0x2;
	s14 =	sadd.s32 $0x80, s16  }
0x40e: {  	p0 =	sne.s32 s16, $0xF80;
	vm1 =	vlt.s32 v15, $0x666;
	vm6 =	vlt.s32 v16, v0;
	v11 =	vadd.s32 s17, v11;
	v18 =	vld [tilespmem:s12+$0x0]  }
0x40f: {  	vm1 =	vmand vm3, vm1;
	v13 =	vsub.s32 v13, v11;
	vm3 =	vlt.s32 v11, $0x666;
	v15 =	vld [tilespmem:s12+$0x1400]  }
0x410: {  	vm4 =	vmand vm4, vm6;
	vm7 =	veq.s32 v14, $0x0;
	vm6 =	vlt.s32 v13, v0;
	v11 =	vld [tilespmem:s12+$0x1410]  }
0x411: {  	vm0 =	vmand vm0, vm3;
	v14 =	vsel vm7, $0x1, v1;
	vm3 =	vmand vm5, vm6;
	v13 =	vld [tilespmem:s12+$0xC00]  }
0x412: {  	vm4 =	vmor vm1, vm4;
	vm3 =	vmor vm0, vm3;
	vm0 =	vmmov vm7;
	(xrf0) =	vadd.scan.msk.s32 $0xffff, v14  }
0x413: {  	v12 =	vsel vm4, v17, v12;
	v9 =	vsel vm3, v10, v9;
	vm1 =	veq.s32 v18, $0x0;
	v14 =	vld [tilespmem:s12+$0xC10]  }
0x414: {  	v3 =	vadd.f32 v12, v3;
	v10 =	vxor.u32 $0x80000000, v15;
	v16 =	vsel vm1, $0x1, v1  }
0x415: {  	vm4 =	veq.s32 v15, v6;
	vm3 =	vlt.s32 v10, v5;
	v10 =	vxor.u32 $0x80000000, v11;
	(xrf0) =	vadd.scan.msk.s32 $0xffff, v16  }
0x416: {  	v3 =	vadd.f32 v9, v3;
	v15 =	vnsel vm3, $0x0, v13;
	vm3 =	vlt.s32 v10, v5  }
0x417: {  	v9 =	vnsel vm4, $0xFF61B1E6, v13;
	vm4 =	veq.s32 v11, v6;
	v8 =	vadd.f32 v15, v8  }
.Ltmp16:
0x418: {  	v10 =	vsel vm0, $0xFFFFFFFF, v1;
	v4 =	vmax.f32 v4, v9;
	v9 =	vnsel vm3, $0x0, v14;
	v12, _, _ =	vpop (xrf0);
	s16 =	spop (v2sf);
	(pc) =	sbr.rel @p0 .LBB2_33-.Ltmp16, $4  }
0x419: {  	s8 =	sadd.s32 $0x20, s8;
	v8 =	vadd.f32 v9, v8;
	v11 =	vadd.s32 v10, v12;
	v9 =	vld [tilespmem:s15+$0x810];
	(v2sf) =	vpush v12, $0xF;
	s13 =	sadd.s32 s13, s16  }
0x41a: {  	s17 =	sadd.s32 $0x10, s8;
	v13 =	vsel vm2, $0xFFFFFFFF, v1;
	vm3 =	vmmov vm2;
	v12 =	vnsel vm4, $0xFF61B1E6, v14;
	s16 =	sadd.s32 s11, s13;
	v10 =	vld [tilespmem:s15+$0x410]  }
0x41b: {  	v4 =	vmax.f32 v4, v12;
	v14 =	vld [tilespmem:s12+$0x10];
	v17, _, _ =	vpop (xrf0);
	v12 =	vadd.s32 s16, v13;
	v13 =	vor.u32 s17, v2;
	s16 =	spop (v2sf)  }
0x41c: {  	v16 =	vor.u32 s8, v2;
	(v2sf) =	vpush v17, $0xF;
	v15 =	vadd.s32 v7, v12;
	v12 =	vld [tilespmem:s15+$0x800];
	s13 =	sadd.s32 s13, s16;
	v7 =	vmovc v17;
	s16 =	smov.u32 s14  }
0x41d: {  	_ =	sdelay $0x2  }
0x41e: {  	vm2 =	veq.s32 v14, $0x0  }
0x41f: {  	v5 =	vsel vm2, $0x1, v1  }
0x420: {  	(xrf0) =	vadd.scan.msk.s32 $0xffff, v5;
	_ =	sdelay $0x3  }
0x421: {  	v45 =	vsub.s32 v16, v15;
	(xrf2) =	vadd.scan.msk.f32 $0xffff, v8  }
0x422: {  	vm4 =	vmneg vm3;
	s14 =	sadd.s32 s11, s13;
	vm5 =	vmneg vm0;
	vm6 =	vlt.s32 v15, $0x666  }
0x423: {  	v6 =	vld [tilespmem:s15+$0x400];
	vm1 =	vmmov vm1;
	vm7 =	vlt.s32 v45, v0;
	v46 =	vadd.s32 s14, v11;
	v47, _, _ =	vpop (xrf0)  }
0x424: {  	s8 =	sadd.s32 $0x20, s8;
	vm11 =	vmand vm3, vm6;
	v50 =	vsel vm1, $0xFFFFFFFF, v1;
	(v2sf) =	vpush v47, $0xF  }
0x425: {  	s24 =	sadd.s32 $0x10, s8;
	v53 =	vor.u32 s8, v2;
	vm1 =	vmmov vm1;
	v13 =	vsub.s32 v13, v46  }
0x426: {  	vm4 =	vmand vm4, vm7;
	vm12 =	vlt.s32 v46, $0x666;
	v55 =	vor.u32 s24, v2  }
0x427: {  	vm9 =	vmneg vm1;
	vm13 =	vlt.s32 v13, v0;
	vm3 =	vmor vm11, vm4;
	s22 =	spop (v2sf)  }
0x428: {  	vm14 =	vmand vm0, vm12;
	vm15 =	vmand vm5, vm13;
	v48 =	vsel vm3, v6, v12;
	s23 =	sadd.s32 s13, s22  }
0x429: {  	vm8 =	vmmov vm2;
	vm7 =	vmor vm14, vm15;
	v3 =	vadd.f32 v48, v3;
	s14 =	sadd.s32 s11, s23  }
0x42a: {  	v54 =	vld [tilespmem:s12+$0x800];
	v51 =	vsel vm8, $0xFFFFFFFF, v1;
	v49 =	vsel vm7, v10, v9;
	v52 =	vadd.s32 s14, v50;
	s25 =	spop (v2sf)  }
0x42b: {  	v56 =	vld [tilespmem:s12+$0x400];
	vm10 =	vmneg vm8;
	v3 =	vadd.f32 v49, v3;
	v59, _, _ =	vpop (xrf2);
	v5 =	vadd.s32 v7, v52;
	s26 =	sadd.s32 s23, s25  }
0x42c: {  	v57 =	vld [tilespmem:s12+$0x810];
	v60 =	vbroadcast v59, $0xF;
	v1 =	vadd.s32 v51, v47;
	v6 =	vsub.s32 v53, v5;
	s8 =	sadd.s32 s11, s26  }
0x42d: {  	v58 =	vld [tilespmem:s12+$0x410];
	vm11 =	vlt.s32 v5, $0x666;
	vm12 =	vlt.s32 v6, v0;
	v1 =	vadd.s32 s8, v1  }
0x42e: {  	vm1 =	vmand vm1, vm11;
	v2 =	vsub.s32 v55, v1;
	vm2 =	vmand vm9, vm12  }
0x42f: {  	vm13 =	vlt.s32 v1, $0x666;
	vm14 =	vlt.s32 v2, v0;
	vm1 =	vmor vm1, vm2  }
0x430: {  	vm0 =	vmand vm8, vm13;
	vm15 =	vmand vm10, vm14;
	v61 =	vsel vm1, v56, v54  }
0x431: {  	s28 =	sadd.s32 s7, s5;
	[tilespmem:$0x3980] =	vst v60;
	s8 =	simm.s32 $0x3980;
	vm0 =	vmor vm0, vm15;
	v1 =	vadd.f32 v61, v3  }
0x432: {  	[spmem:s28] =	stream.linear.scatter [tilespmem:s8], [sflag:$0x2], $0x10, $0x38;
	v62 =	vsel vm0, v58, v57;
	[tilespmem:$0x4050] =	vst v63  }
0x433: {  	s11 =	simm.s32 $0x2;
	v0 =	vadd.f32 v62, v1;
	s29 =	spop (v2sf)  }
0x434: {  	_ =	swait.ge [sflag:s11], $0x10  }
0x435: {  	(xrf2) =	vadd.scan.msk.f32 $0xffff, v0;
	_ =	sdelay $0x9  }
0x436: {  	v0, _, _ =	vpop (xrf2)  }
0x437: {  	[sflag:s11] =	ssyncset.done $0x0;
	v0 =	vbroadcast v0, $0xF  }
0x438: {  	[sflag:s11] =	ssyncadd.s32 $0xFFFFFFF0  }
0x439: {  	s30 =	sadd.s32 s7, s4;
	[tilespmem:$0x3980] =	vst v0  }
0x43a: {  	[spmem:s30] =	stream.linear.scatter [tilespmem:s8], [sflag:$0x2], $0x10, $0x38;
	[tilespmem:$0x4050] =	vst v63  }
0x43b: {  	_ =	swait.ge [sflag:s11], $0x10  }
0x43c: {  	(xrf0) =	vmax.scan.msk.f32 $0xffff, v4;
	_ =	sdelay $0x5  }
0x43d: {  	v63, _, _ =	vpop (xrf0)  }
0x43e: {  	[sflag:s11] =	ssyncset.done $0x0;
	v0 =	vbroadcast v63, $0xF  }
0x43f: {  	[sflag:s11] =	ssyncadd.s32 $0xFFFFFFF0  }
0x440: {  	s31 =	sadd.s32 s7, s2;
	[tilespmem:$0x3980] =	vst v0  }
0x441: {  	[spmem:s31] =	stream.linear.scatter [tilespmem:s8], [sflag:$0x2], $0x10, $0x38;
	[tilespmem:$0x4050] =	vst v63  }
0x442: {  	_ =	swait.ge [sflag:s11], $0x10  }
0x443: {  	[sflag:s11] =	ssyncset.done $0x0  }
0x444: {  	[sflag:s11] =	ssyncadd.s32 $0xFFFFFFF0  }
0x445: {  	p0 =	sne.s32 s6, $0x0;
	[bflag:$0x0] =	sbarrier.arrive $0xFFFF  }
0x446: {  	_ =	sfence.sel @p0 $0x180000  }
0x447: {  	[bflag:$0x0] =	sbarrier.arrive @p0 $0xFFFF  }
0x448: {  	_ =	strace @p0 $0x90000047  }
0x449: {  	[bflag:$0x2] =	sbarrier.arrive @p0 $0xFFFF  }
0x44a: {  	_ =	shalt @p0  }
.LBB2_35:
0x44b: {  	v0 =	vimm.f32 $1.638400000e+04  }
0x44c: {  	(erf) = vrcp.f32 v0;
	_ =	sdelay $0x7  }
0x44d: {  	s6 =	simm.s32 $0x3B00  }
0x44e: {  	[tilespmem:s6], [sflag:$0x2] =	stream.linear.gather [spmem:s5], $0x100, $0x38;
	v0 =	vpop (erf);
	[tilespmem:$0x4050] =	vst v63  }
0x44f: {  	_ =	swait.ge [sflag:s11], $0x100  }
0x450: {  	[sflag:s11] =	ssyncset.done $0x0  }
0x451: {  	[sflag:s11] =	ssyncadd.s32 $0xFFFFFF00  }
0x452: {  	v1 =	vld [tilespmem:$0x3B00]  }
0x453: {  	v2 =	vld [tilespmem:$0x3B10]  }
0x454: {  	v3 =	vld [tilespmem:$0x3B20]  }
0x455: {  	v4 =	vld [tilespmem:$0x3B30]  }
0x456: {  	v5 =	vld [tilespmem:$0x3B40]  }
0x457: {  	v6 =	vld [tilespmem:$0x3B50]  }
0x458: {  	v7 =	vld [tilespmem:$0x3B60]  }
0x459: {  	v8 =	vld [tilespmem:$0x3B70]  }
0x45a: {  	v9 =	vld [tilespmem:$0x3B80]  }
0x45b: {  	v10 =	vld [tilespmem:$0x3B90]  }
0x45c: {  	v11 =	vld [tilespmem:$0x3BA0]  }
0x45d: {  	v12 =	vld [tilespmem:$0x3BB0]  }
0x45e: {  	v13 =	vld [tilespmem:$0x3BC0]  }
0x45f: {  	v14 =	vld [tilespmem:$0x3BD0]  }
0x460: {  	v15 =	vld [tilespmem:$0x3BE0]  }
0x461: {  	v16 =	vld [tilespmem:$0x3BF0];
	[tilespmem:s6], [sflag:$0x2] =	stream.linear.gather [spmem:s4], $0x100, $0x38  }
0x462: {  	_ =	swait.ge [sflag:s11], $0x100  }
0x463: {  	[sflag:s11] =	ssyncset.done $0x0  }
0x464: {  	[sflag:s11] =	ssyncadd.s32 $0xFFFFFF00  }
0x465: {  	v17 =	vld [tilespmem:$0x3B00]  }
0x466: {  	v18 =	vld [tilespmem:$0x3B10]  }
0x467: {  	v19 =	vld [tilespmem:$0x3B20]  }
0x468: {  	v20 =	vld [tilespmem:$0x3B30]  }
0x469: {  	v21 =	vld [tilespmem:$0x3B40]  }
0x46a: {  	v22 =	vld [tilespmem:$0x3B50]  }
0x46b: {  	v23 =	vld [tilespmem:$0x3B60]  }
0x46c: {  	v24 =	vld [tilespmem:$0x3B70]  }
0x46d: {  	v25 =	vld [tilespmem:$0x3B80]  }
0x46e: {  	v26 =	vld [tilespmem:$0x3B90]  }
0x46f: {  	v27 =	vld [tilespmem:$0x3BA0]  }
0x470: {  	v28 =	vld [tilespmem:$0x3BB0]  }
0x471: {  	v29 =	vld [tilespmem:$0x3BC0]  }
0x472: {  	v30 =	vld [tilespmem:$0x3BD0]  }
0x473: {  	v31 =	vld [tilespmem:$0x3BE0]  }
0x474: {  	v32 =	vld [tilespmem:$0x3BF0];
	[tilespmem:s6], [sflag:$0x2] =	stream.linear.gather [spmem:s3], $0x100, $0x38  }
0x475: {  	_ =	swait.ge [sflag:s11], $0x100  }
0x476: {  	[sflag:s11] =	ssyncset.done $0x0  }
0x477: {  	[sflag:s11] =	ssyncadd.s32 $0xFFFFFF00  }
0x478: {  	v33 =	vld [tilespmem:$0x3B00]  }
0x479: {  	v34 =	vld [tilespmem:$0x3B10]  }
0x47a: {  	v35 =	vld [tilespmem:$0x3B20]  }
0x47b: {  	v36 =	vld [tilespmem:$0x3B30]  }
0x47c: {  	v37 =	vld [tilespmem:$0x3B40]  }
0x47d: {  	v38 =	vld [tilespmem:$0x3B50]  }
0x47e: {  	v39 =	vld [tilespmem:$0x3B60];
	v17 =	vadd.f32 $0.0e+00, v17;
	v33 =	vadd.f32 $0.0e+00, v33  }
0x47f: {  	v1 =	vadd.f32 $0.0e+00, v1;
	v40 =	vld [tilespmem:$0x3B70]  }
0x480: {  	v41 =	vld [tilespmem:$0x3B80];
	v17 =	vadd.f32 v18, v17;
	v60 =	vadd.f32 v34, v33  }
0x481: {  	v1 =	vadd.f32 v2, v1;
	v61 =	vld [tilespmem:$0x3B90]  }
0x482: {  	v62 =	vld [tilespmem:$0x3BA0];
	v17 =	vadd.f32 v19, v17;
	v18 =	vadd.f32 v35, v60  }
0x483: {  	v63 =	vld [tilespmem:$0x3BB0];
	v1 =	vadd.f32 v3, v1  }
0x484: {  	v34 =	vld [tilespmem:$0x3BC0];
	v17 =	vadd.f32 v20, v17;
	v18 =	vadd.f32 v36, v18  }
0x485: {  	v1 =	vadd.f32 v4, v1;
	v35 =	vld [tilespmem:$0x3BD0]  }
0x486: {  	v17 =	vadd.f32 v21, v17;
	v36 =	vld [tilespmem:$0x3BE0];
	v18 =	vadd.f32 v37, v18  }
0x487: {  	v1 =	vadd.f32 v5, v1;
	v37 =	vld [tilespmem:$0x3BF0];
	[tilespmem:s6], [sflag:$0x2] =	stream.linear.gather [spmem:s2], $0x100, $0x38  }
0x488: {  	v42 =	vadd.f32 v22, v17;
	_ =	swait.ge [sflag:s11], $0x100;
	v43 =	vadd.f32 v38, v18  }
0x489: {  	v1 =	vadd.f32 v6, v1;
	[sflag:s11] =	ssyncset.done $0x0  }
0x48a: {  	v5 =	vadd.f32 v23, v42;
	[sflag:s11] =	ssyncadd.s32 $0xFFFFFF00;
	v44 =	vadd.f32 v39, v43  }
0x48b: {  	v1 =	vadd.f32 v7, v1;
	v45 =	vld [tilespmem:$0x3B00]  }
0x48c: {  	v5 =	vadd.f32 v24, v5;
	v46 =	vld [tilespmem:$0x3B10];
	v6 =	vadd.f32 v40, v44  }
0x48d: {  	v1 =	vadd.f32 v8, v1;
	v47 =	vld [tilespmem:$0x3B20]  }
0x48e: {  	v5 =	vadd.f32 v25, v5;
	v48 =	vld [tilespmem:$0x3B30];
	v6 =	vadd.f32 v41, v6  }
0x48f: {  	v1 =	vadd.f32 v9, v1;
	v49 =	vld [tilespmem:$0x3B40]  }
0x490: {  	v50 =	vld [tilespmem:$0x3B50];
	v5 =	vadd.f32 v26, v5;
	v7 =	vmax.f32 v45, $-3.000000010e+38;
	v6 =	vadd.f32 v61, v6  }
0x491: {  	v1 =	vadd.f32 v10, v1;
	v51 =	vld [tilespmem:$0x3B60];
	v7 =	vmax.f32 v7, v46  }
0x492: {  	v53 =	vld [tilespmem:$0x3B70];
	v5 =	vadd.f32 v27, v5;
	v52 =	vmax.f32 v7, v47;
	v2 =	vadd.f32 v62, v6  }
0x493: {  	v1 =	vadd.f32 v11, v1;
	v54 =	vld [tilespmem:$0x3B80];
	v6 =	vmax.f32 v52, v48  }
0x494: {  	v55 =	vld [tilespmem:$0x3B90];
	v5 =	vadd.f32 v28, v5;
	v6 =	vmax.f32 v6, v49;
	v2 =	vadd.f32 v63, v2  }
0x495: {  	v56 =	vld [tilespmem:$0x3BA0];
	v1 =	vadd.f32 v12, v1;
	v6 =	vmax.f32 v6, v50  }
0x496: {  	v58 =	vld [tilespmem:$0x3BB0];
	v5 =	vadd.f32 v29, v5;
	v57 =	vmax.f32 v6, v51;
	v2 =	vadd.f32 v34, v2  }
0x497: {  	v59 =	vld [tilespmem:$0x3BC0];
	v1 =	vadd.f32 v13, v1;
	v3 =	vmax.f32 v57, v53  }
0x498: {  	v60 =	vld [tilespmem:$0x3BD0];
	v5 =	vadd.f32 v30, v5;
	v3 =	vmax.f32 v3, v54;
	v2 =	vadd.f32 v35, v2  }
0x499: {  	v1 =	vadd.f32 v14, v1;
	v61 =	vld [tilespmem:$0x3BE0];
	v3 =	vmax.f32 v3, v55  }
0x49a: {  	v62 =	vld [tilespmem:$0x3BF0];
	v5 =	vadd.f32 v31, v5;
	v3 =	vmax.f32 v3, v56;
	v2 =	vadd.f32 v36, v2  }
0x49b: {  	v1 =	vadd.f32 v15, v1;
	v3 =	vmax.f32 v3, v58  }
0x49c: {  	v5 =	vadd.f32 v32, v5;
	v3 =	vmax.f32 v3, v59;
	v2 =	vadd.f32 v37, v2  }
0x49d: {  	s30 =	ssub.s32 s10, s9;
	v3 =	vmax.f32 v3, v60  }
0x49e: {  	s2 =	scvt.s32.f32 s30;
	v1 =	vadd.f32 v16, v1;
	v3 =	vmax.f32 v3, v61;
	v2 =	vsub.f32 v5, v2  }
0x49f: {  	v3 =	vmax.f32 v3, v62  }
0x4a0: {  	v63 =	vmul.f32 s2, v3;
	v1 =	vadd.f32 v2, v1;
	_ =	sdelay $0x1  }
0x4a1: {  	v1 =	vadd.f32 v63, v1;
	_ =	sdelay $0x1  }
0x4a2: {  	v0 =	vmul.f32 v1, v0;
	_ =	sdelay $0x1  }
0x4a3: {  	s31 =	simm.s32 $0x0;
	[tilespmem:$0x3980] =	vst v0  }
0x4a4: {  	[hbm4b:s1+s31] =	stream.linear.scatter [tilespmem:s8], [sflag:$0x2], $0x80, $0x38;
	[tilespmem:$0x4050] =	vst v63  }
0x4a5: {  	_ =	swait.ge [sflag:s11], $0x80  }
0x4a6: {  	[sflag:s11] =	ssyncset.done $0x0  }
0x4a7: {  	[sflag:s11] =	ssyncadd.s32 $0xFFFFFF80  }
0x4a8: {  	_ =	sfence.sel $0x180000  }
0x4a9: {  	[bflag:$0x0] =	sbarrier.arrive $0xFFFF  }
0x4aa: {  	_ =	strace $0x90000047  }
0x4ab: {  	s0 =	sadd.s32 $0x100000, s0;
	[bflag:$0x2] =	sbarrier.arrive $0xFFFF  }
0x4ac: {  	[sflag:s0] =	ssyncadd.tile.s32 $0x1;
	_ =	shalt  }
.Lfunc_end2:
_tile_overlayer_lowered:
.L_overlay_start_2:
0x4ad: {  	(tag) =	ssettag $0x2  }
0x4ae: {  	s0 =	rddreg [dreg:$0x0];
	s2 =	stileid.u32  }
0x4af: {  	s1 =	rddreg [dreg:$0x1];
	p0 =	sne.s32 s2, $0x0  }
0x4b0: {  	s3 =	rddreg [dreg:$0x2];
	[bflag:$0x3] =	sbarrier.arrive $0xFFFF;
	s2 =	simm.s32 @!p0 $0x1C02  }
0x4b1: {  	[timem:s3], [sflag:s2] =	dma.local @!p0 [hbm:s0], s1  }
0x4b2: {  	s0 =	simm.s32 @!p0 $0x2  }
0x4b3: {  	_ =	swait.ge @!p0 [sflag:s0], s1  }
0x4b4: {  	s1 =	ssub.s32 @!p0 $0x0, s1;
	[sflag:s0] =	ssyncset.done @!p0 $0x0  }
0x4b5: {  	[sflag:s0] =	ssyncadd.s32 @!p0 s1  }
0x4b6: {  	[bflag:$0x3] =	sbarrier.arrive $0xFFFF  }
0x4b7: {  	_ =	shalt  }

</sc_bundles>
